<compile_context>
chip_gen: v7x
topology: tpu7x:2x2x1
jax: 0.10.2.dev20260603
libtpu: 0.0.44.dev20260713+nightly
codegen_flags: <defaults>
</compile_context>

<pallas_src>
import functools

import jax
import jax.numpy as jnp
from jax import lax
from jax.experimental import pallas as pl
from jax.experimental.pallas import tpu as pltpu
from jax.experimental.pallas import tpu_sc as plsc

N_NODES = 10000
N_EDGES = 320000
D1P = 128
D2P = 128
CHK = 128
NC = 2
NS = 16
NW = NC * NS
NCHUNK = N_EDGES // CHK
CPW = (NCHUNK + NW - 1) // NW
NP = 10240
HNP = NP // NC
ACC_R = 5184
ZR = 27
NITER = 160
BLK = 1000


def _seg_sum_sc(table, srcr, dstr):
    mesh = plsc.VectorSubcoreMesh(core_axis_name="c", subcore_axis_name="s")
    NBUF = 5

    @functools.partial(
        pl.kernel,
        out_type=jax.ShapeDtypeStruct((NP, 128), jnp.float32),
        mesh=mesh,
        scratch_types=(
            [pltpu.VMEM((CHK,), jnp.int32) for _ in range(NBUF)]
            + [pltpu.VMEM((CHK,), jnp.int32) for _ in range(NBUF)]
            + [pltpu.VMEM((CHK, 128), jnp.float32) for _ in range(NBUF)]
            + [pltpu.VMEM((ZR, 128), jnp.float32)]
            + [pltpu.VMEM_SHARED((ACC_R, 128), jnp.float32)]
            + [pltpu.SemaphoreType.DMA for _ in range(3 * NBUF)]
        ),
    )
    def k(table_hbm, src_hbm, dst_hbm, out_hbm, *refs):
        sidx = refs[0:NBUF]
        didx = refs[NBUF:2 * NBUF]
        rows = refs[2 * NBUF:3 * NBUF]
        zbuf = refs[3 * NBUF]
        acc = refs[3 * NBUF + 1]
        isem = refs[3 * NBUF + 2:3 * NBUF + 2 + NBUF]
        gsem = refs[3 * NBUF + 2 + NBUF:3 * NBUF + 2 + 2 * NBUF]
        ssem = refs[3 * NBUF + 2 + 2 * NBUF:3 * NBUF + 2 + 3 * NBUF]

        cid = lax.axis_index("c")
        sid = lax.axis_index("s")
        base = cid * HNP

        @pl.loop(0, ZR)
        def _zero(r):
            for j in range(128 // 16):
                zbuf[r, pl.ds(j * 16, 16)] = jnp.zeros((16,), jnp.float32)

        row0z = sid * (ACC_R // NS)
        for b in range(ACC_R // NS // ZR):
            pltpu.sync_copy(zbuf, acc.at[pl.ds(row0z + b * ZR, ZR), :])
        plsc.subcore_barrier()

        def c_of(i):
            return sid + i * NS

        def ok(i):
            return (i >= 0) & (c_of(i) < NCHUNK)

        def issue_idx(i, b):
            @pl.when(ok(i))
            def _():
                pltpu.async_copy(src_hbm.at[c_of(i)], sidx[b], isem[b])
                pltpu.async_copy(dst_hbm.at[c_of(i)], didx[b], isem[b])

        def wait_idx_and_localize(i, b):
            @pl.when(ok(i))
            def _():
                pltpu.make_async_copy(src_hbm.at[0], sidx[b], isem[b]).wait()
                pltpu.make_async_copy(dst_hbm.at[0], didx[b], isem[b]).wait()
                for j in range(CHK // 16):
                    v = didx[b][pl.ds(j * 16, 16)] - base
                    m = (v >= 0) & (v < HNP)
                    dump = (jnp.zeros((16,), jnp.int32)
                            + (HNP + sid * 4 + (j % 4)))
                    didx[b][pl.ds(j * 16, 16)] = jnp.where(m, v, dump)

        def issue_gather(i, b):
            @pl.when(ok(i))
            def _():
                pltpu.async_copy(table_hbm.at[sidx[b]], rows[b], gsem[b])

        def wait_gather(i, b):
            @pl.when(ok(i))
            def _():
                pltpu.make_async_copy(table_hbm.at[sidx[b]], rows[b],
                                      gsem[b]).wait()

        def issue_scatter(i, b):
            @pl.when(ok(i))
            def _():
                pltpu.async_copy(rows[b], acc.at[didx[b]], ssem[b], add=True)

        def wait_scatter(i, b):
            @pl.when(ok(i))
            def _():
                pltpu.make_async_copy(rows[b], acc.at[didx[b]], ssem[b]).wait()

        issue_idx(jnp.int32(0), 0)

        @pl.loop(0, NITER, step=NBUF)
        def _steady(k0):
            for b in range(NBUF):
                i = k0 + b
                wait_scatter(i - 4, (b + 1) % NBUF)
                issue_idx(i + 1, (b + 1) % NBUF)
                wait_idx_and_localize(i, b)
                issue_gather(i, b)
                wait_gather(i - 2, (b - 2) % NBUF)
                issue_scatter(i - 2, (b - 2) % NBUF)

        for j in (NITER - 2, NITER - 1):
            wait_gather(jnp.int32(j), j % NBUF)
            issue_scatter(jnp.int32(j), j % NBUF)
        for j in range(NITER - 4, NITER):
            wait_scatter(jnp.int32(j), j % NBUF)

        plsc.subcore_barrier()
        row0 = sid * (HNP // NS)
        pltpu.sync_copy(acc.at[pl.ds(row0, HNP // NS), :],
                        out_hbm.at[pl.ds(base + row0, HNP // NS), :])

    return k(table, srcr, dstr)


def _mm1_body(x_ref, w_ref, b_ref, o_ref):
    o_ref[...] = (
        jnp.dot(x_ref[...], w_ref[...], preferred_element_type=jnp.float32)
        + b_ref[...]
    )


def _layer2_body(sp_ref, t1_ref, b_ref, w_ref, t2_ref, deg_ref):
    s = sp_ref[...]
    deg = s[:, 100:101]
    s = s[:, :112]
    t1 = t1_ref[:, :112]
    mean = jnp.where(deg > 0, s / jnp.maximum(deg, 1.0), t1)
    h1 = jnp.maximum(mean + b_ref[...], 0.0)
    t2_ref[...] = jnp.dot(h1, w_ref[...], preferred_element_type=jnp.float32)
    deg_ref[...] = deg


def _head_body(sp_ref, t2_ref, deg_ref, b2_ref, self_ref, wf1_ref, bf1_ref,
               wf2_ref, bf2_ref, o_ref, acc_ref):
    i = pl.program_id(0)
    s = sp_ref[:, :32]
    deg = deg_ref[...]
    mean = jnp.where(deg > 0, s / jnp.maximum(deg, 1.0), t2_ref[:, :32])
    h2 = jnp.maximum(mean + b2_ref[...], 0.0)
    csum = jnp.sum(h2, axis=0, keepdims=True)

    @pl.when(i == 0)
    def _():
        acc_ref[0:1, 0:32] = csum

    @pl.when(i > 0)
    def _():
        acc_ref[0:1, 0:32] += csum

    @pl.when(i == pl.num_programs(0) - 1)
    def _():
        hg = acc_ref[0:1, 0:20] * (1.0 / N_NODES)
        fused = jnp.concatenate([hg, self_ref[...]], axis=1)
        o1 = jnp.maximum(
            jnp.dot(fused, wf1_ref[...], preferred_element_type=jnp.float32)
            + bf1_ref[...], 0.0)
        o_ref[...] = (
            jnp.dot(o1, wf2_ref[...], preferred_element_type=jnp.float32)
            + bf2_ref[...]
        )


def kernel(node_feat, edge_index, self_feat, W1, b1, W2, b2, Wf1, bf1, Wf2, bf2):
    src = edge_index[0].reshape(NCHUNK, CHK)
    dst = edge_index[1].reshape(NCHUNK, CHK)

    W1Tp = jnp.zeros((128, D1P), jnp.float32).at[:, :100].set(W1.T)
    e1 = jnp.zeros((1, D1P), jnp.float32).at[0, 100].set(1.0)
    b1p = jnp.zeros((1, 112), jnp.float32).at[0, :100].set(b1)
    W2Tp = jnp.zeros((112, D2P), jnp.float32).at[:100, :20].set(W2.T)
    b2p = jnp.zeros((1, 32), jnp.float32).at[0, :20].set(b2)
    Wf1T = Wf1.T
    bf1r = bf1.reshape(1, 10)
    Wf2T = Wf2.T
    bf2r = bf2.reshape(1, 8)

    ngrid = N_NODES // BLK

    t1 = pl.pallas_call(
        _mm1_body,
        grid=(ngrid,),
        in_specs=[
            pl.BlockSpec((BLK, 128), lambda i: (i, 0)),
            pl.BlockSpec((128, D1P), lambda i: (0, 0)),
            pl.BlockSpec((1, D1P), lambda i: (0, 0)),
        ],
        out_specs=pl.BlockSpec((BLK, D1P), lambda i: (i, 0)),
        out_shape=jax.ShapeDtypeStruct((N_NODES, D1P), jnp.float32),
    )(node_feat, W1Tp, e1)

    s1 = _seg_sum_sc(t1, src, dst)

    t2, deg = pl.pallas_call(
        _layer2_body,
        grid=(ngrid,),
        in_specs=[
            pl.BlockSpec((BLK, D1P), lambda i: (i, 0)),
            pl.BlockSpec((BLK, D1P), lambda i: (i, 0)),
            pl.BlockSpec((1, 112), lambda i: (0, 0)),
            pl.BlockSpec((112, D2P), lambda i: (0, 0)),
        ],
        out_specs=[
            pl.BlockSpec((BLK, D2P), lambda i: (i, 0)),
            pl.BlockSpec((BLK, 1), lambda i: (i, 0)),
        ],
        out_shape=[
            jax.ShapeDtypeStruct((N_NODES, D2P), jnp.float32),
            jax.ShapeDtypeStruct((N_NODES, 1), jnp.float32),
        ],
    )(s1, t1, b1p, W2Tp)

    s2 = _seg_sum_sc(t2, src, dst)

    out = pl.pallas_call(
        _head_body,
        grid=(ngrid,),
        in_specs=[
            pl.BlockSpec((BLK, D2P), lambda i: (i, 0)),
            pl.BlockSpec((BLK, D2P), lambda i: (i, 0)),
            pl.BlockSpec((BLK, 1), lambda i: (i, 0)),
            pl.BlockSpec((1, 32), lambda i: (0, 0)),
            pl.BlockSpec((1, 16), lambda i: (0, 0)),
            pl.BlockSpec((36, 10), lambda i: (0, 0)),
            pl.BlockSpec((1, 10), lambda i: (0, 0)),
            pl.BlockSpec((10, 8), lambda i: (0, 0)),
            pl.BlockSpec((1, 8), lambda i: (0, 0)),
        ],
        out_specs=pl.BlockSpec((1, 8), lambda i: (0, 0)),
        out_shape=jax.ShapeDtypeStruct((1, 8), jnp.float32),
        scratch_shapes=[pltpu.VMEM((8, 128), jnp.float32)],
    )(s2, t2, deg, b2p, self_feat, Wf1T, bf1r, Wf2T, bf2r)

    return out

# --- scband reference (transcript-rebuilt; emitter-appended) ---
"""Pipeline reference for scband-concat-net-88880053223545 (READ-ONLY COPY).

The authoritative reference and input builder live on the scoring server;
editing this copy changes nothing except your own understanding.
"""

import jax, jax.numpy as jnp
import numpy as np

N_NODES = 10000
N_EDGES = 320000
D_IN = 128
D_SELF = 16
D_OUT = 8


def _gcn_layer(feat, src, dst, W, b, n_nodes):
    # DGL copy_u -> mailbox mean -> linear apply.
    msg = feat[src]
    s = jax.ops.segment_sum(msg, dst, num_segments=n_nodes)
    deg = jax.ops.segment_sum(jnp.ones((src.shape[0],), dtype=feat.dtype), dst, num_segments=n_nodes)
    # Nodes with no incoming messages keep their previous 'h' (DGL update_all semantics).
    mean = jnp.where((deg > 0)[:, None], s / jnp.maximum(deg, 1.0)[:, None], feat)
    return mean @ W.T + b


def setup_inputs(seed: int = 0) -> dict:
    key = jax.random.key(seed)
    ks = jax.random.split(key, 8)
    node_feat = jax.random.normal(ks[0], (N_NODES, D_IN), dtype=jnp.float32)
    edge_index = jax.random.randint(ks[1], (2, N_EDGES), 0, N_NODES, dtype=jnp.int32)
    self_feat = jax.random.normal(ks[2], (1, D_SELF), dtype=jnp.float32)
    W1 = (jax.random.normal(ks[3], (100, D_IN)) / np.sqrt(D_IN)).astype(jnp.float32)
    b1 = jnp.zeros((100,), dtype=jnp.float32)
    W2 = (jax.random.normal(ks[4], (20, 100)) / np.sqrt(100.0)).astype(jnp.float32)
    b2 = jnp.zeros((20,), dtype=jnp.float32)
    Wf1 = (jax.random.normal(ks[5], (10, 20 + D_SELF)) / np.sqrt(20.0 + D_SELF)).astype(jnp.float32)
    bf1 = jnp.zeros((10,), dtype=jnp.float32)
    Wf2 = (jax.random.normal(ks[6], (D_OUT, 10)) / np.sqrt(10.0)).astype(jnp.float32)
    bf2 = jnp.zeros((D_OUT,), dtype=jnp.float32)
    return {"node_feat": node_feat, "edge_index": edge_index, "self_feat": self_feat,
            "W1": W1, "b1": b1, "W2": W2, "b2": b2,
            "Wf1": Wf1, "bf1": bf1, "Wf2": Wf2, "bf2": bf2}


def reference(node_feat, edge_index, self_feat, W1, b1, W2, b2, Wf1, bf1, Wf2, bf2):
    src = edge_index[0]
    dst = edge_index[1]
    h = jax.nn.relu(_gcn_layer(node_feat, src, dst, W1, b1, N_NODES))
    h = jax.nn.relu(_gcn_layer(h, src, dst, W2, b2, N_NODES))
    hg = jnp.mean(h, axis=0, keepdims=True)  # dgl.mean_nodes for a single graph
    fused = jnp.concatenate([hg, self_feat], axis=1)
    out = jax.nn.relu(fused @ Wf1.T + bf1)
    out = out @ Wf2.T + bf2
    return out

if __name__ == "__main__":
    import jax
    _d = setup_inputs()
    print(jax.jit(kernel)(*tuple(_d.values())))

</pallas_src>

<mosaic_0001>
#map = affine_map<(d0, d1) -> (0, 0)>
module attributes {stable_mosaic.version = 14 : i64} {
  func.func @k(%arg0: i32, %arg1: i32, %arg2: memref<10000x128xf32, #tpu.memory_space<hbm>>, %arg3: memref<2500x128xi32, #tpu.memory_space<hbm>>, %arg4: memref<2500x128xi32, #tpu.memory_space<hbm>>, %arg5: memref<10240x128xf32, #tpu.memory_space<hbm>>, %arg6: memref<128xi32, #tpu.memory_space<vmem>>, %arg7: memref<128xi32, #tpu.memory_space<vmem>>, %arg8: memref<128xi32, #tpu.memory_space<vmem>>, %arg9: memref<128xi32, #tpu.memory_space<vmem>>, %arg10: memref<128xi32, #tpu.memory_space<vmem>>, %arg11: memref<128xi32, #tpu.memory_space<vmem>>, %arg12: memref<128xi32, #tpu.memory_space<vmem>>, %arg13: memref<128xi32, #tpu.memory_space<vmem>>, %arg14: memref<128xi32, #tpu.memory_space<vmem>>, %arg15: memref<128xi32, #tpu.memory_space<vmem>>, %arg16: memref<128x128xf32, #tpu.memory_space<vmem>>, %arg17: memref<128x128xf32, #tpu.memory_space<vmem>>, %arg18: memref<128x128xf32, #tpu.memory_space<vmem>>, %arg19: memref<128x128xf32, #tpu.memory_space<vmem>>, %arg20: memref<128x128xf32, #tpu.memory_space<vmem>>, %arg21: memref<27x128xf32, #tpu.memory_space<vmem>>, %arg22: memref<5184x128xf32, #tpu.memory_space<vmem_shared>>, %arg23: memref<!tpu.dma_semaphore, #tpu.memory_space<semaphore_mem>>, %arg24: memref<!tpu.dma_semaphore, #tpu.memory_space<semaphore_mem>>, %arg25: memref<!tpu.dma_semaphore, #tpu.memory_space<semaphore_mem>>, %arg26: memref<!tpu.dma_semaphore, #tpu.memory_space<semaphore_mem>>, %arg27: memref<!tpu.dma_semaphore, #tpu.memory_space<semaphore_mem>>, %arg28: memref<!tpu.dma_semaphore, #tpu.memory_space<semaphore_mem>>, %arg29: memref<!tpu.dma_semaphore, #tpu.memory_space<semaphore_mem>>, %arg30: memref<!tpu.dma_semaphore, #tpu.memory_space<semaphore_mem>>, %arg31: memref<!tpu.dma_semaphore, #tpu.memory_space<semaphore_mem>>, %arg32: memref<!tpu.dma_semaphore, #tpu.memory_space<semaphore_mem>>, %arg33: memref<!tpu.dma_semaphore, #tpu.memory_space<semaphore_mem>>, %arg34: memref<!tpu.dma_semaphore, #tpu.memory_space<semaphore_mem>>, %arg35: memref<!tpu.dma_semaphore, #tpu.memory_space<semaphore_mem>>, %arg36: memref<!tpu.dma_semaphore, #tpu.memory_space<semaphore_mem>>, %arg37: memref<!tpu.dma_semaphore, #tpu.memory_space<semaphore_mem>>) attributes {dimension_semantics = [#tpu.dimension_semantics<core_parallel>, #tpu.dimension_semantics<subcore_parallel>], iteration_bounds = array<i64: 2, 16>, scalar_prefetch = 0 : i64, scratch_operands = 32 : i64, tpu.core_type = #tpu.core_type<sc_vector_subcore>, window_params = [{transform_indices = #map}, {transform_indices = #map}, {transform_indices = #map}, {transform_indices = #map}]} {
    %mul3A = arith.constant 5120 : i32
    %mul3A_0 = arith.muli %arg0, %mul3A : i32
    %scan3A = arith.constant 0 : i32
    %scan3A_1 = arith.constant 27 : i32
    %scan3A_2 = arith.addi %scan3A, %scan3A_1 : i32
    %scan3A_3 = arith.constant 1 : i32
    scf.for %scan3A_152 = %scan3A to %scan3A_2 step %scan3A_3  : i32 {
      %mul3A_153 = arith.constant 1 : i32
      %mul3A_154 = arith.muli %scan3A_152, %mul3A_153 : i32
      %add3A_155 = arith.constant 0 : i32
      %add3A_156 = arith.addi %add3A_155, %mul3A_154 : i32
      %broadcast_in_dim3A = arith.constant 0.000000e+00 : f32
      %broadcast_in_dim3A_157 = vector.broadcast %broadcast_in_dim3A : f32 to vector<16xf32>
      %swap3A = arith.index_cast %add3A_156 : i32 to index
      %swap3A_158 = arith.constant 0 : index
      %swap3A_159 = tpu.vector_load %arg21[%swap3A, %swap3A_158] {strides = array<i32>} : memref<27x128xf32, #tpu.memory_space<vmem>>, vector<1x16xf32>,
      %swap3A_160 = vector.shape_cast %swap3A_159 : vector<1x16xf32> to vector<16xf32>
      %swap3A_161 = vector.shape_cast %broadcast_in_dim3A_157 : vector<16xf32> to vector<1x16xf32>
      tpu.vector_store %arg21[%swap3A, %swap3A_158], %swap3A_161 {strides = array<i32>} : memref<27x128xf32, #tpu.memory_space<vmem>>, vector<1x16xf32>,
      %broadcast_in_dim3A_162 = arith.constant 0.000000e+00 : f32
      %broadcast_in_dim3A_163 = vector.broadcast %broadcast_in_dim3A_162 : f32 to vector<16xf32>
      %swap3A_164 = arith.index_cast %add3A_156 : i32 to index
      %swap3A_165 = arith.constant 16 : index
      %swap3A_166 = tpu.vector_load %arg21[%swap3A_164, %swap3A_165] {strides = array<i32>} : memref<27x128xf32, #tpu.memory_space<vmem>>, vector<1x16xf32>,
      %swap3A_167 = vector.shape_cast %swap3A_166 : vector<1x16xf32> to vector<16xf32>
      %swap3A_168 = vector.shape_cast %broadcast_in_dim3A_163 : vector<16xf32> to vector<1x16xf32>
      tpu.vector_store %arg21[%swap3A_164, %swap3A_165], %swap3A_168 {strides = array<i32>} : memref<27x128xf32, #tpu.memory_space<vmem>>, vector<1x16xf32>,
      %broadcast_in_dim3A_169 = arith.constant 0.000000e+00 : f32
      %broadcast_in_dim3A_170 = vector.broadcast %broadcast_in_dim3A_169 : f32 to vector<16xf32>
      %swap3A_171 = arith.index_cast %add3A_156 : i32 to index
      %swap3A_172 = arith.constant 32 : index
      %swap3A_173 = tpu.vector_load %arg21[%swap3A_171, %swap3A_172] {strides = array<i32>} : memref<27x128xf32, #tpu.memory_space<vmem>>, vector<1x16xf32>,
      %swap3A_174 = vector.shape_cast %swap3A_173 : vector<1x16xf32> to vector<16xf32>
      %swap3A_175 = vector.shape_cast %broadcast_in_dim3A_170 : vector<16xf32> to vector<1x16xf32>
      tpu.vector_store %arg21[%swap3A_171, %swap3A_172], %swap3A_175 {strides = array<i32>} : memref<27x128xf32, #tpu.memory_space<vmem>>, vector<1x16xf32>,
      %broadcast_in_dim3A_176 = arith.constant 0.000000e+00 : f32
      %broadcast_in_dim3A_177 = vector.broadcast %broadcast_in_dim3A_176 : f32 to vector<16xf32>
      %swap3A_178 = arith.index_cast %add3A_156 : i32 to index
      %swap3A_179 = arith.constant 48 : index
      %swap3A_180 = tpu.vector_load %arg21[%swap3A_178, %swap3A_179] {strides = array<i32>} : memref<27x128xf32, #tpu.memory_space<vmem>>, vector<1x16xf32>,
      %swap3A_181 = vector.shape_cast %swap3A_180 : vector<1x16xf32> to vector<16xf32>
      %swap3A_182 = vector.shape_cast %broadcast_in_dim3A_177 : vector<16xf32> to vector<1x16xf32>
      tpu.vector_store %arg21[%swap3A_178, %swap3A_179], %swap3A_182 {strides = array<i32>} : memref<27x128xf32, #tpu.memory_space<vmem>>, vector<1x16xf32>,
      %broadcast_in_dim3A_183 = arith.constant 0.000000e+00 : f32
      %broadcast_in_dim3A_184 = vector.broadcast %broadcast_in_dim3A_183 : f32 to vector<16xf32>
      %swap3A_185 = arith.index_cast %add3A_156 : i32 to index
      %swap3A_186 = arith.constant 64 : index
      %swap3A_187 = tpu.vector_load %arg21[%swap3A_185, %swap3A_186] {strides = array<i32>} : memref<27x128xf32, #tpu.memory_space<vmem>>, vector<1x16xf32>,
      %swap3A_188 = vector.shape_cast %swap3A_187 : vector<1x16xf32> to vector<16xf32>
      %swap3A_189 = vector.shape_cast %broadcast_in_dim3A_184 : vector<16xf32> to vector<1x16xf32>
      tpu.vector_store %arg21[%swap3A_185, %swap3A_186], %swap3A_189 {strides = array<i32>} : memref<27x128xf32, #tpu.memory_space<vmem>>, vector<1x16xf32>,
      %broadcast_in_dim3A_190 = arith.constant 0.000000e+00 : f32
      %broadcast_in_dim3A_191 = vector.broadcast %broadcast_in_dim3A_190 : f32 to vector<16xf32>
      %swap3A_192 = arith.index_cast %add3A_156 : i32 to index
      %swap3A_193 = arith.constant 80 : index
      %swap3A_194 = tpu.vector_load %arg21[%swap3A_192, %swap3A_193] {strides = array<i32>} : memref<27x128xf32, #tpu.memory_space<vmem>>, vector<1x16xf32>,
      %swap3A_195 = vector.shape_cast %swap3A_194 : vector<1x16xf32> to vector<16xf32>
      %swap3A_196 = vector.shape_cast %broadcast_in_dim3A_191 : vector<16xf32> to vector<1x16xf32>
      tpu.vector_store %arg21[%swap3A_192, %swap3A_193], %swap3A_196 {strides = array<i32>} : memref<27x128xf32, #tpu.memory_space<vmem>>, vector<1x16xf32>,
      %broadcast_in_dim3A_197 = arith.constant 0.000000e+00 : f32
      %broadcast_in_dim3A_198 = vector.broadcast %broadcast_in_dim3A_197 : f32 to vector<16xf32>
      %swap3A_199 = arith.index_cast %add3A_156 : i32 to index
      %swap3A_200 = arith.constant 96 : index
      %swap3A_201 = tpu.vector_load %arg21[%swap3A_199, %swap3A_200] {strides = array<i32>} : memref<27x128xf32, #tpu.memory_space<vmem>>, vector<1x16xf32>,
      %swap3A_202 = vector.shape_cast %swap3A_201 : vector<1x16xf32> to vector<16xf32>
      %swap3A_203 = vector.shape_cast %broadcast_in_dim3A_198 : vector<16xf32> to vector<1x16xf32>
      tpu.vector_store %arg21[%swap3A_199, %swap3A_200], %swap3A_203 {strides = array<i32>} : memref<27x128xf32, #tpu.memory_space<vmem>>, vector<1x16xf32>,
      %broadcast_in_dim3A_204 = arith.constant 0.000000e+00 : f32
      %broadcast_in_dim3A_205 = vector.broadcast %broadcast_in_dim3A_204 : f32 to vector<16xf32>
      %swap3A_206 = arith.index_cast %add3A_156 : i32 to index
      %swap3A_207 = arith.constant 112 : index
      %swap3A_208 = tpu.vector_load %arg21[%swap3A_206, %swap3A_207] {strides = array<i32>} : memref<27x128xf32, #tpu.memory_space<vmem>>, vector<1x16xf32>,
      %swap3A_209 = vector.shape_cast %swap3A_208 : vector<1x16xf32> to vector<16xf32>
      %swap3A_210 = vector.shape_cast %broadcast_in_dim3A_205 : vector<16xf32> to vector<1x16xf32>
      tpu.vector_store %arg21[%swap3A_206, %swap3A_207], %swap3A_210 {strides = array<i32>} : memref<27x128xf32, #tpu.memory_space<vmem>>, vector<1x16xf32>,
    }
    %scan3A_4 = arith.constant 27 : i32
    %mul3A_5 = arith.constant 324 : i32
    %mul3A_6 = arith.muli %arg1, %mul3A_5 : i32
    %add3A = arith.constant 0 : i32
    %add3A_7 = arith.addi %mul3A_6, %add3A : i32
    "tpu.region"() ({
      %run_scoped3A = tpu.sem_alloc : memref<!tpu.dma_semaphore, #tpu.memory_space<semaphore_mem>>
      %dma_start3A = arith.constant 0 : i32
      %dma_start3A_152 = tpu.memref_slice %arg22[%add3A_7, %dma_start3A] : memref<5184x128xf32, #tpu.memory_space<vmem_shared>> -> memref<27x128xf32, #tpu.memory_space<vmem_shared>>
      %dma_start3A_153 = arith.constant 0 : i32
      %dma_start3A_154 = tpu.memref_slice %arg22[%add3A_7, %dma_start3A_153] : memref<5184x128xf32, #tpu.memory_space<vmem_shared>> -> memref<27x128xf32, #tpu.memory_space<vmem_shared>>
      tpu.enqueue_dma source(%arg21 : memref<27x128xf32, #tpu.memory_space<vmem>>) target(%dma_start3A_154 : memref<27x128xf32, #tpu.memory_space<vmem_shared>>) target_semaphore(%run_scoped3A : memref<!tpu.dma_semaphore, #tpu.memory_space<semaphore_mem>>)
      %dma_wait3A = arith.constant 0 : i32
      %dma_wait3A_155 = tpu.memref_slice %arg22[%add3A_7, %dma_wait3A] : memref<5184x128xf32, #tpu.memory_space<vmem_shared>> -> memref<27x128xf32, #tpu.memory_space<vmem_shared>>
      %dma_wait3A_156 = arith.constant 0 : i32
      %dma_wait3A_157 = tpu.memref_slice %arg22[%add3A_7, %dma_wait3A_156] : memref<5184x128xf32, #tpu.memory_space<vmem_shared>> -> memref<27x128xf32, #tpu.memory_space<vmem_shared>>
      tpu.wait_dma2 semaphore(%run_scoped3A : memref<!tpu.dma_semaphore, #tpu.memory_space<semaphore_mem>>) src(%arg21 : memref<27x128xf32, #tpu.memory_space<vmem>>) dst(%dma_wait3A_157 : memref<27x128xf32, #tpu.memory_space<vmem_shared>>)
      tpu.yield
    }) : () -> ()
    %add3A_8 = arith.constant 27 : i32
    %add3A_9 = arith.addi %mul3A_6, %add3A_8 : i32
    "tpu.region"() ({
      %run_scoped3A = tpu.sem_alloc : memref<!tpu.dma_semaphore, #tpu.memory_space<semaphore_mem>>
      %dma_start3A = arith.constant 0 : i32
      %dma_start3A_152 = tpu.memref_slice %arg22[%add3A_9, %dma_start3A] : memref<5184x128xf32, #tpu.memory_space<vmem_shared>> -> memref<27x128xf32, #tpu.memory_space<vmem_shared>>
      %dma_start3A_153 = arith.constant 0 : i32
      %dma_start3A_154 = tpu.memref_slice %arg22[%add3A_9, %dma_start3A_153] : memref<5184x128xf32, #tpu.memory_space<vmem_shared>> -> memref<27x128xf32, #tpu.memory_space<vmem_shared>>
      tpu.enqueue_dma source(%arg21 : memref<27x128xf32, #tpu.memory_space<vmem>>) target(%dma_start3A_154 : memref<27x128xf32, #tpu.memory_space<vmem_shared>>) target_semaphore(%run_scoped3A : memref<!tpu.dma_semaphore, #tpu.memory_space<semaphore_mem>>)
      %dma_wait3A = arith.constant 0 : i32
      %dma_wait3A_155 = tpu.memref_slice %arg22[%add3A_9, %dma_wait3A] : memref<5184x128xf32, #tpu.memory_space<vmem_shared>> -> memref<27x128xf32, #tpu.memory_space<vmem_shared>>
      %dma_wait3A_156 = arith.constant 0 : i32
      %dma_wait3A_157 = tpu.memref_slice %arg22[%add3A_9, %dma_wait3A_156] : memref<5184x128xf32, #tpu.memory_space<vmem_shared>> -> memref<27x128xf32, #tpu.memory_space<vmem_shared>>
      tpu.wait_dma2 semaphore(%run_scoped3A : memref<!tpu.dma_semaphore, #tpu.memory_space<semaphore_mem>>) src(%arg21 : memref<27x128xf32, #tpu.memory_space<vmem>>) dst(%dma_wait3A_157 : memref<27x128xf32, #tpu.memory_space<vmem_shared>>)
      tpu.yield
    }) : () -> ()
    %add3A_10 = arith.constant 54 : i32
    %add3A_11 = arith.addi %mul3A_6, %add3A_10 : i32
    "tpu.region"() ({
      %run_scoped3A = tpu.sem_alloc : memref<!tpu.dma_semaphore, #tpu.memory_space<semaphore_mem>>
      %dma_start3A = arith.constant 0 : i32
      %dma_start3A_152 = tpu.memref_slice %arg22[%add3A_11, %dma_start3A] : memref<5184x128xf32, #tpu.memory_space<vmem_shared>> -> memref<27x128xf32, #tpu.memory_space<vmem_shared>>
      %dma_start3A_153 = arith.constant 0 : i32
      %dma_start3A_154 = tpu.memref_slice %arg22[%add3A_11, %dma_start3A_153] : memref<5184x128xf32, #tpu.memory_space<vmem_shared>> -> memref<27x128xf32, #tpu.memory_space<vmem_shared>>
      tpu.enqueue_dma source(%arg21 : memref<27x128xf32, #tpu.memory_space<vmem>>) target(%dma_start3A_154 : memref<27x128xf32, #tpu.memory_space<vmem_shared>>) target_semaphore(%run_scoped3A : memref<!tpu.dma_semaphore, #tpu.memory_space<semaphore_mem>>)
      %dma_wait3A = arith.constant 0 : i32
      %dma_wait3A_155 = tpu.memref_slice %arg22[%add3A_11, %dma_wait3A] : memref<5184x128xf32, #tpu.memory_space<vmem_shared>> -> memref<27x128xf32, #tpu.memory_space<vmem_shared>>
      %dma_wait3A_156 = arith.constant 0 : i32
      %dma_wait3A_157 = tpu.memref_slice %arg22[%add3A_11, %dma_wait3A_156] : memref<5184x128xf32, #tpu.memory_space<vmem_shared>> -> memref<27x128xf32, #tpu.memory_space<vmem_shared>>
      tpu.wait_dma2 semaphore(%run_scoped3A : memref<!tpu.dma_semaphore, #tpu.memory_space<semaphore_mem>>) src(%arg21 : memref<27x128xf32, #tpu.memory_space<vmem>>) dst(%dma_wait3A_157 : memref<27x128xf32, #tpu.memory_space<vmem_shared>>)
      tpu.yield
    }) : () -> ()
    %add3A_12 = arith.constant 81 : i32
    %add3A_13 = arith.addi %mul3A_6, %add3A_12 : i32
    "tpu.region"() ({
      %run_scoped3A = tpu.sem_alloc : memref<!tpu.dma_semaphore, #tpu.memory_space<semaphore_mem>>
      %dma_start3A = arith.constant 0 : i32
      %dma_start3A_152 = tpu.memref_slice %arg22[%add3A_13, %dma_start3A] : memref<5184x128xf32, #tpu.memory_space<vmem_shared>> -> memref<27x128xf32, #tpu.memory_space<vmem_shared>>
      %dma_start3A_153 = arith.constant 0 : i32
      %dma_start3A_154 = tpu.memref_slice %arg22[%add3A_13, %dma_start3A_153] : memref<5184x128xf32, #tpu.memory_space<vmem_shared>> -> memref<27x128xf32, #tpu.memory_space<vmem_shared>>
      tpu.enqueue_dma source(%arg21 : memref<27x128xf32, #tpu.memory_space<vmem>>) target(%dma_start3A_154 : memref<27x128xf32, #tpu.memory_space<vmem_shared>>) target_semaphore(%run_scoped3A : memref<!tpu.dma_semaphore, #tpu.memory_space<semaphore_mem>>)
      %dma_wait3A = arith.constant 0 : i32
      %dma_wait3A_155 = tpu.memref_slice %arg22[%add3A_13, %dma_wait3A] : memref<5184x128xf32, #tpu.memory_space<vmem_shared>> -> memref<27x128xf32, #tpu.memory_space<vmem_shared>>
      %dma_wait3A_156 = arith.constant 0 : i32
      %dma_wait3A_157 = tpu.memref_slice %arg22[%add3A_13, %dma_wait3A_156] : memref<5184x128xf32, #tpu.memory_space<vmem_shared>> -> memref<27x128xf32, #tpu.memory_space<vmem_shared>>
      tpu.wait_dma2 semaphore(%run_scoped3A : memref<!tpu.dma_semaphore, #tpu.memory_space<semaphore_mem>>) src(%arg21 : memref<27x128xf32, #tpu.memory_space<vmem>>) dst(%dma_wait3A_157 : memref<27x128xf32, #tpu.memory_space<vmem_shared>>)
      tpu.yield
    }) : () -> ()
    %add3A_14 = arith.constant 108 : i32
    %add3A_15 = arith.addi %mul3A_6, %add3A_14 : i32
    "tpu.region"() ({
      %run_scoped3A = tpu.sem_alloc : memref<!tpu.dma_semaphore, #tpu.memory_space<semaphore_mem>>
      %dma_start3A = arith.constant 0 : i32
      %dma_start3A_152 = tpu.memref_slice %arg22[%add3A_15, %dma_start3A] : memref<5184x128xf32, #tpu.memory_space<vmem_shared>> -> memref<27x128xf32, #tpu.memory_space<vmem_shared>>
      %dma_start3A_153 = arith.constant 0 : i32
      %dma_start3A_154 = tpu.memref_slice %arg22[%add3A_15, %dma_start3A_153] : memref<5184x128xf32, #tpu.memory_space<vmem_shared>> -> memref<27x128xf32, #tpu.memory_space<vmem_shared>>
      tpu.enqueue_dma source(%arg21 : memref<27x128xf32, #tpu.memory_space<vmem>>) target(%dma_start3A_154 : memref<27x128xf32, #tpu.memory_space<vmem_shared>>) target_semaphore(%run_scoped3A : memref<!tpu.dma_semaphore, #tpu.memory_space<semaphore_mem>>)
      %dma_wait3A = arith.constant 0 : i32
      %dma_wait3A_155 = tpu.memref_slice %arg22[%add3A_15, %dma_wait3A] : memref<5184x128xf32, #tpu.memory_space<vmem_shared>> -> memref<27x128xf32, #tpu.memory_space<vmem_shared>>
      %dma_wait3A_156 = arith.constant 0 : i32
      %dma_wait3A_157 = tpu.memref_slice %arg22[%add3A_15, %dma_wait3A_156] : memref<5184x128xf32, #tpu.memory_space<vmem_shared>> -> memref<27x128xf32, #tpu.memory_space<vmem_shared>>
      tpu.wait_dma2 semaphore(%run_scoped3A : memref<!tpu.dma_semaphore, #tpu.memory_space<semaphore_mem>>) src(%arg21 : memref<27x128xf32, #tpu.memory_space<vmem>>) dst(%dma_wait3A_157 : memref<27x128xf32, #tpu.memory_space<vmem_shared>>)
      tpu.yield
    }) : () -> ()
    %add3A_16 = arith.constant 135 : i32
    %add3A_17 = arith.addi %mul3A_6, %add3A_16 : i32
    "tpu.region"() ({
      %run_scoped3A = tpu.sem_alloc : memref<!tpu.dma_semaphore, #tpu.memory_space<semaphore_mem>>
      %dma_start3A = arith.constant 0 : i32
      %dma_start3A_152 = tpu.memref_slice %arg22[%add3A_17, %dma_start3A] : memref<5184x128xf32, #tpu.memory_space<vmem_shared>> -> memref<27x128xf32, #tpu.memory_space<vmem_shared>>
      %dma_start3A_153 = arith.constant 0 : i32
      %dma_start3A_154 = tpu.memref_slice %arg22[%add3A_17, %dma_start3A_153] : memref<5184x128xf32, #tpu.memory_space<vmem_shared>> -> memref<27x128xf32, #tpu.memory_space<vmem_shared>>
      tpu.enqueue_dma source(%arg21 : memref<27x128xf32, #tpu.memory_space<vmem>>) target(%dma_start3A_154 : memref<27x128xf32, #tpu.memory_space<vmem_shared>>) target_semaphore(%run_scoped3A : memref<!tpu.dma_semaphore, #tpu.memory_space<semaphore_mem>>)
      %dma_wait3A = arith.constant 0 : i32
      %dma_wait3A_155 = tpu.memref_slice %arg22[%add3A_17, %dma_wait3A] : memref<5184x128xf32, #tpu.memory_space<vmem_shared>> -> memref<27x128xf32, #tpu.memory_space<vmem_shared>>
      %dma_wait3A_156 = arith.constant 0 : i32
      %dma_wait3A_157 = tpu.memref_slice %arg22[%add3A_17, %dma_wait3A_156] : memref<5184x128xf32, #tpu.memory_space<vmem_shared>> -> memref<27x128xf32, #tpu.memory_space<vmem_shared>>
      tpu.wait_dma2 semaphore(%run_scoped3A : memref<!tpu.dma_semaphore, #tpu.memory_space<semaphore_mem>>) src(%arg21 : memref<27x128xf32, #tpu.memory_space<vmem>>) dst(%dma_wait3A_157 : memref<27x128xf32, #tpu.memory_space<vmem_shared>>)
      tpu.yield
    }) : () -> ()
    %add3A_18 = arith.constant 162 : i32
    %add3A_19 = arith.addi %mul3A_6, %add3A_18 : i32
    "tpu.region"() ({
      %run_scoped3A = tpu.sem_alloc : memref<!tpu.dma_semaphore, #tpu.memory_space<semaphore_mem>>
      %dma_start3A = arith.constant 0 : i32
      %dma_start3A_152 = tpu.memref_slice %arg22[%add3A_19, %dma_start3A] : memref<5184x128xf32, #tpu.memory_space<vmem_shared>> -> memref<27x128xf32, #tpu.memory_space<vmem_shared>>
      %dma_start3A_153 = arith.constant 0 : i32
      %dma_start3A_154 = tpu.memref_slice %arg22[%add3A_19, %dma_start3A_153] : memref<5184x128xf32, #tpu.memory_space<vmem_shared>> -> memref<27x128xf32, #tpu.memory_space<vmem_shared>>
      tpu.enqueue_dma source(%arg21 : memref<27x128xf32, #tpu.memory_space<vmem>>) target(%dma_start3A_154 : memref<27x128xf32, #tpu.memory_space<vmem_shared>>) target_semaphore(%run_scoped3A : memref<!tpu.dma_semaphore, #tpu.memory_space<semaphore_mem>>)
      %dma_wait3A = arith.constant 0 : i32
      %dma_wait3A_155 = tpu.memref_slice %arg22[%add3A_19, %dma_wait3A] : memref<5184x128xf32, #tpu.memory_space<vmem_shared>> -> memref<27x128xf32, #tpu.memory_space<vmem_shared>>
      %dma_wait3A_156 = arith.constant 0 : i32
      %dma_wait3A_157 = tpu.memref_slice %arg22[%add3A_19, %dma_wait3A_156] : memref<5184x128xf32, #tpu.memory_space<vmem_shared>> -> memref<27x128xf32, #tpu.memory_space<vmem_shared>>
      tpu.wait_dma2 semaphore(%run_scoped3A : memref<!tpu.dma_semaphore, #tpu.memory_space<semaphore_mem>>) src(%arg21 : memref<27x128xf32, #tpu.memory_space<vmem>>) dst(%dma_wait3A_157 : memref<27x128xf32, #tpu.memory_space<vmem_shared>>)
      tpu.yield
    }) : () -> ()
    %add3A_20 = arith.constant 189 : i32
    %add3A_21 = arith.addi %mul3A_6, %add3A_20 : i32
    "tpu.region"() ({
      %run_scoped3A = tpu.sem_alloc : memref<!tpu.dma_semaphore, #tpu.memory_space<semaphore_mem>>
      %dma_start3A = arith.constant 0 : i32
      %dma_start3A_152 = tpu.memref_slice %arg22[%add3A_21, %dma_start3A] : memref<5184x128xf32, #tpu.memory_space<vmem_shared>> -> memref<27x128xf32, #tpu.memory_space<vmem_shared>>
      %dma_start3A_153 = arith.constant 0 : i32
      %dma_start3A_154 = tpu.memref_slice %arg22[%add3A_21, %dma_start3A_153] : memref<5184x128xf32, #tpu.memory_space<vmem_shared>> -> memref<27x128xf32, #tpu.memory_space<vmem_shared>>
      tpu.enqueue_dma source(%arg21 : memref<27x128xf32, #tpu.memory_space<vmem>>) target(%dma_start3A_154 : memref<27x128xf32, #tpu.memory_space<vmem_shared>>) target_semaphore(%run_scoped3A : memref<!tpu.dma_semaphore, #tpu.memory_space<semaphore_mem>>)
      %dma_wait3A = arith.constant 0 : i32
      %dma_wait3A_155 = tpu.memref_slice %arg22[%add3A_21, %dma_wait3A] : memref<5184x128xf32, #tpu.memory_space<vmem_shared>> -> memref<27x128xf32, #tpu.memory_space<vmem_shared>>
      %dma_wait3A_156 = arith.constant 0 : i32
      %dma_wait3A_157 = tpu.memref_slice %arg22[%add3A_21, %dma_wait3A_156] : memref<5184x128xf32, #tpu.memory_space<vmem_shared>> -> memref<27x128xf32, #tpu.memory_space<vmem_shared>>
      tpu.wait_dma2 semaphore(%run_scoped3A : memref<!tpu.dma_semaphore, #tpu.memory_space<semaphore_mem>>) src(%arg21 : memref<27x128xf32, #tpu.memory_space<vmem>>) dst(%dma_wait3A_157 : memref<27x128xf32, #tpu.memory_space<vmem_shared>>)
      tpu.yield
    }) : () -> ()
    %add3A_22 = arith.constant 216 : i32
    %add3A_23 = arith.addi %mul3A_6, %add3A_22 : i32
    "tpu.region"() ({
      %run_scoped3A = tpu.sem_alloc : memref<!tpu.dma_semaphore, #tpu.memory_space<semaphore_mem>>
      %dma_start3A = arith.constant 0 : i32
      %dma_start3A_152 = tpu.memref_slice %arg22[%add3A_23, %dma_start3A] : memref<5184x128xf32, #tpu.memory_space<vmem_shared>> -> memref<27x128xf32, #tpu.memory_space<vmem_shared>>
      %dma_start3A_153 = arith.constant 0 : i32
      %dma_start3A_154 = tpu.memref_slice %arg22[%add3A_23, %dma_start3A_153] : memref<5184x128xf32, #tpu.memory_space<vmem_shared>> -> memref<27x128xf32, #tpu.memory_space<vmem_shared>>
      tpu.enqueue_dma source(%arg21 : memref<27x128xf32, #tpu.memory_space<vmem>>) target(%dma_start3A_154 : memref<27x128xf32, #tpu.memory_space<vmem_shared>>) target_semaphore(%run_scoped3A : memref<!tpu.dma_semaphore, #tpu.memory_space<semaphore_mem>>)
      %dma_wait3A = arith.constant 0 : i32
      %dma_wait3A_155 = tpu.memref_slice %arg22[%add3A_23, %dma_wait3A] : memref<5184x128xf32, #tpu.memory_space<vmem_shared>> -> memref<27x128xf32, #tpu.memory_space<vmem_shared>>
      %dma_wait3A_156 = arith.constant 0 : i32
      %dma_wait3A_157 = tpu.memref_slice %arg22[%add3A_23, %dma_wait3A_156] : memref<5184x128xf32, #tpu.memory_space<vmem_shared>> -> memref<27x128xf32, #tpu.memory_space<vmem_shared>>
      tpu.wait_dma2 semaphore(%run_scoped3A : memref<!tpu.dma_semaphore, #tpu.memory_space<semaphore_mem>>) src(%arg21 : memref<27x128xf32, #tpu.memory_space<vmem>>) dst(%dma_wait3A_157 : memref<27x128xf32, #tpu.memory_space<vmem_shared>>)
      tpu.yield
    }) : () -> ()
    %add3A_24 = arith.constant 243 : i32
    %add3A_25 = arith.addi %mul3A_6, %add3A_24 : i32
    "tpu.region"() ({
      %run_scoped3A = tpu.sem_alloc : memref<!tpu.dma_semaphore, #tpu.memory_space<semaphore_mem>>
      %dma_start3A = arith.constant 0 : i32
      %dma_start3A_152 = tpu.memref_slice %arg22[%add3A_25, %dma_start3A] : memref<5184x128xf32, #tpu.memory_space<vmem_shared>> -> memref<27x128xf32, #tpu.memory_space<vmem_shared>>
      %dma_start3A_153 = arith.constant 0 : i32
      %dma_start3A_154 = tpu.memref_slice %arg22[%add3A_25, %dma_start3A_153] : memref<5184x128xf32, #tpu.memory_space<vmem_shared>> -> memref<27x128xf32, #tpu.memory_space<vmem_shared>>
      tpu.enqueue_dma source(%arg21 : memref<27x128xf32, #tpu.memory_space<vmem>>) target(%dma_start3A_154 : memref<27x128xf32, #tpu.memory_space<vmem_shared>>) target_semaphore(%run_scoped3A : memref<!tpu.dma_semaphore, #tpu.memory_space<semaphore_mem>>)
      %dma_wait3A = arith.constant 0 : i32
      %dma_wait3A_155 = tpu.memref_slice %arg22[%add3A_25, %dma_wait3A] : memref<5184x128xf32, #tpu.memory_space<vmem_shared>> -> memref<27x128xf32, #tpu.memory_space<vmem_shared>>
      %dma_wait3A_156 = arith.constant 0 : i32
      %dma_wait3A_157 = tpu.memref_slice %arg22[%add3A_25, %dma_wait3A_156] : memref<5184x128xf32, #tpu.memory_space<vmem_shared>> -> memref<27x128xf32, #tpu.memory_space<vmem_shared>>
      tpu.wait_dma2 semaphore(%run_scoped3A : memref<!tpu.dma_semaphore, #tpu.memory_space<semaphore_mem>>) src(%arg21 : memref<27x128xf32, #tpu.memory_space<vmem>>) dst(%dma_wait3A_157 : memref<27x128xf32, #tpu.memory_space<vmem_shared>>)
      tpu.yield
    }) : () -> ()
    %add3A_26 = arith.constant 270 : i32
    %add3A_27 = arith.addi %mul3A_6, %add3A_26 : i32
    "tpu.region"() ({
      %run_scoped3A = tpu.sem_alloc : memref<!tpu.dma_semaphore, #tpu.memory_space<semaphore_mem>>
      %dma_start3A = arith.constant 0 : i32
      %dma_start3A_152 = tpu.memref_slice %arg22[%add3A_27, %dma_start3A] : memref<5184x128xf32, #tpu.memory_space<vmem_shared>> -> memref<27x128xf32, #tpu.memory_space<vmem_shared>>
      %dma_start3A_153 = arith.constant 0 : i32
      %dma_start3A_154 = tpu.memref_slice %arg22[%add3A_27, %dma_start3A_153] : memref<5184x128xf32, #tpu.memory_space<vmem_shared>> -> memref<27x128xf32, #tpu.memory_space<vmem_shared>>
      tpu.enqueue_dma source(%arg21 : memref<27x128xf32, #tpu.memory_space<vmem>>) target(%dma_start3A_154 : memref<27x128xf32, #tpu.memory_space<vmem_shared>>) target_semaphore(%run_scoped3A : memref<!tpu.dma_semaphore, #tpu.memory_space<semaphore_mem>>)
      %dma_wait3A = arith.constant 0 : i32
      %dma_wait3A_155 = tpu.memref_slice %arg22[%add3A_27, %dma_wait3A] : memref<5184x128xf32, #tpu.memory_space<vmem_shared>> -> memref<27x128xf32, #tpu.memory_space<vmem_shared>>
      %dma_wait3A_156 = arith.constant 0 : i32
      %dma_wait3A_157 = tpu.memref_slice %arg22[%add3A_27, %dma_wait3A_156] : memref<5184x128xf32, #tpu.memory_space<vmem_shared>> -> memref<27x128xf32, #tpu.memory_space<vmem_shared>>
      tpu.wait_dma2 semaphore(%run_scoped3A : memref<!tpu.dma_semaphore, #tpu.memory_space<semaphore_mem>>) src(%arg21 : memref<27x128xf32, #tpu.memory_space<vmem>>) dst(%dma_wait3A_157 : memref<27x128xf32, #tpu.memory_space<vmem_shared>>)
      tpu.yield
    }) : () -> ()
    %add3A_28 = arith.constant 297 : i32
    %add3A_29 = arith.addi %mul3A_6, %add3A_28 : i32
    "tpu.region"() ({
      %run_scoped3A = tpu.sem_alloc : memref<!tpu.dma_semaphore, #tpu.memory_space<semaphore_mem>>
      %dma_start3A = arith.constant 0 : i32
      %dma_start3A_152 = tpu.memref_slice %arg22[%add3A_29, %dma_start3A] : memref<5184x128xf32, #tpu.memory_space<vmem_shared>> -> memref<27x128xf32, #tpu.memory_space<vmem_shared>>
      %dma_start3A_153 = arith.constant 0 : i32
      %dma_start3A_154 = tpu.memref_slice %arg22[%add3A_29, %dma_start3A_153] : memref<5184x128xf32, #tpu.memory_space<vmem_shared>> -> memref<27x128xf32, #tpu.memory_space<vmem_shared>>
      tpu.enqueue_dma source(%arg21 : memref<27x128xf32, #tpu.memory_space<vmem>>) target(%dma_start3A_154 : memref<27x128xf32, #tpu.memory_space<vmem_shared>>) target_semaphore(%run_scoped3A : memref<!tpu.dma_semaphore, #tpu.memory_space<semaphore_mem>>)
      %dma_wait3A = arith.constant 0 : i32
      %dma_wait3A_155 = tpu.memref_slice %arg22[%add3A_29, %dma_wait3A] : memref<5184x128xf32, #tpu.memory_space<vmem_shared>> -> memref<27x128xf32, #tpu.memory_space<vmem_shared>>
      %dma_wait3A_156 = arith.constant 0 : i32
      %dma_wait3A_157 = tpu.memref_slice %arg22[%add3A_29, %dma_wait3A_156] : memref<5184x128xf32, #tpu.memory_space<vmem_shared>> -> memref<27x128xf32, #tpu.memory_space<vmem_shared>>
      tpu.wait_dma2 semaphore(%run_scoped3A : memref<!tpu.dma_semaphore, #tpu.memory_space<semaphore_mem>>) src(%arg21 : memref<27x128xf32, #tpu.memory_space<vmem>>) dst(%dma_wait3A_157 : memref<27x128xf32, #tpu.memory_space<vmem_shared>>)
      tpu.yield
    }) : () -> ()
    %barrier3A = arith.constant 0 : index
    tpu.barrier barrier_id(%barrier3A)
    %ge3A = arith.constant 0 : i32
    %ge3A_30 = arith.constant 0 : i32
    %ge3A_31 = arith.cmpi sge, %ge3A, %ge3A_30 : i32
    %mul3A_32 = arith.constant 0 : i32
    %mul3A_33 = arith.constant 16 : i32
    %mul3A_34 = arith.muli %mul3A_32, %mul3A_33 : i32
    %add3A_35 = arith.addi %arg1, %mul3A_34 : i32
    %lt3A = arith.constant 2500 : i32
    %lt3A_36 = arith.cmpi slt, %add3A_35, %lt3A : i32
    %and3A = arith.andi %ge3A_31, %lt3A_36 : i1
    %convert_element_type3A = arith.extui %and3A : i1 to i32
    %cond3A = arith.constant 0 : i32
    %cond3A_37 = arith.constant 0 : i32
    %cond3A_38 = arith.cmpi ne, %convert_element_type3A, %cond3A_37 : i32
    scf.if %cond3A_38 {
      %mul3A_152 = arith.constant 16 : i32
      %mul3A_153 = arith.muli %cond3A, %mul3A_152 : i32
      %add3A_154 = arith.addi %arg1, %mul3A_153 : i32
      %dma_start3A = arith.constant 0 : i32
      %dma_start3A_155 = tpu.memref_slice %arg3[%add3A_154, %dma_start3A] : memref<2500x128xi32, #tpu.memory_space<hbm>> -> memref<1x128xi32, #tpu.memory_space<hbm>>
      %dma_start3A_156 = tpu.memref_squeeze %dma_start3A_155 : memref<1x128xi32, #tpu.memory_space<hbm>> -> memref<128xi32, #tpu.memory_space<hbm>>
      %dma_start3A_157 = arith.constant 0 : i32
      %dma_start3A_158 = tpu.memref_slice %arg3[%add3A_154, %dma_start3A_157] : memref<2500x128xi32, #tpu.memory_space<hbm>> -> memref<1x128xi32, #tpu.memory_space<hbm>>
      %dma_start3A_159 = tpu.memref_squeeze %dma_start3A_158 : memref<1x128xi32, #tpu.memory_space<hbm>> -> memref<128xi32, #tpu.memory_space<hbm>>
      tpu.enqueue_dma source(%dma_start3A_159 : memref<128xi32, #tpu.memory_space<hbm>>) target(%arg6 : memref<128xi32, #tpu.memory_space<vmem>>) target_semaphore(%arg23 : memref<!tpu.dma_semaphore, #tpu.memory_space<semaphore_mem>>)
      %mul3A_160 = arith.constant 16 : i32
      %mul3A_161 = arith.muli %cond3A, %mul3A_160 : i32
      %add3A_162 = arith.addi %arg1, %mul3A_161 : i32
      %dma_start3A_163 = arith.constant 0 : i32
      %dma_start3A_164 = tpu.memref_slice %arg4[%add3A_162, %dma_start3A_163] : memref<2500x128xi32, #tpu.memory_space<hbm>> -> memref<1x128xi32, #tpu.memory_space<hbm>>
      %dma_start3A_165 = tpu.memref_squeeze %dma_start3A_164 : memref<1x128xi32, #tpu.memory_space<hbm>> -> memref<128xi32, #tpu.memory_space<hbm>>
      %dma_start3A_166 = arith.constant 0 : i32
      %dma_start3A_167 = tpu.memref_slice %arg4[%add3A_162, %dma_start3A_166] : memref<2500x128xi32, #tpu.memory_space<hbm>> -> memref<1x128xi32, #tpu.memory_space<hbm>>
      %dma_start3A_168 = tpu.memref_squeeze %dma_start3A_167 : memref<1x128xi32, #tpu.memory_space<hbm>> -> memref<128xi32, #tpu.memory_space<hbm>>
      tpu.enqueue_dma source(%dma_start3A_168 : memref<128xi32, #tpu.memory_space<hbm>>) target(%arg11 : memref<128xi32, #tpu.memory_space<vmem>>) target_semaphore(%arg23 : memref<!tpu.dma_semaphore, #tpu.memory_space<semaphore_mem>>)
    } else {
    }
    %scan3A_39 = arith.constant 0 : i32
    %scan3A_40 = arith.constant 32 : i32
    %scan3A_41 = arith.addi %scan3A_39, %scan3A_40 : i32
    %scan3A_42 = arith.constant 1 : i32
    scf.for %scan3A_152 = %scan3A_39 to %scan3A_41 step %scan3A_42  : i32 {
      %mul3A_153 = arith.constant 5 : i32
      %mul3A_154 = arith.muli %scan3A_152, %mul3A_153 : i32
      %add3A_155 = arith.constant 0 : i32
      %add3A_156 = arith.addi %add3A_155, %mul3A_154 : i32
      %add3A_157 = arith.constant 0 : i32
      %add3A_158 = arith.addi %add3A_156, %add3A_157 : i32
      %sub3A = arith.constant 4 : i32
      %sub3A_159 = arith.subi %add3A_158, %sub3A : i32
      %ge3A_160 = arith.constant 0 : i32
      %ge3A_161 = arith.cmpi sge, %sub3A_159, %ge3A_160 : i32
      %mul3A_162 = arith.constant 16 : i32
      %mul3A_163 = arith.muli %sub3A_159, %mul3A_162 : i32
      %add3A_164 = arith.addi %arg1, %mul3A_163 : i32
      %lt3A_165 = arith.constant 2500 : i32
      %lt3A_166 = arith.cmpi slt, %add3A_164, %lt3A_165 : i32
      %and3A_167 = arith.andi %ge3A_161, %lt3A_166 : i1
      %convert_element_type3A_168 = arith.extui %and3A_167 : i1 to i32
      %cond3A_169 = arith.constant 0 : i32
      %cond3A_170 = arith.cmpi ne, %convert_element_type3A_168, %cond3A_169 : i32
      scf.if %cond3A_170 {
        %dma_wait3A = arith.constant 0 : i32
        %dma_wait3A_536 = arith.constant 0 : i32
        %dma_wait3A_537 = tpu.memref_slice %arg22[%dma_wait3A, %dma_wait3A_536] : memref<5184x128xf32, #tpu.memory_space<vmem_shared>> -> memref<5184x128xf32, #tpu.memory_space<vmem_shared>>
        tpu.wait_indirect_dma semaphore(%arg34 : memref<!tpu.dma_semaphore, #tpu.memory_space<semaphore_mem>>) src(%arg17 : memref<128x128xf32, #tpu.memory_space<vmem>>) dst(%dma_wait3A_537 : memref<5184x128xf32, #tpu.memory_space<vmem_shared>>)
      } else {
      }
      %add3A_171 = arith.constant 1 : i32
      %add3A_172 = arith.addi %add3A_158, %add3A_171 : i32
      %ge3A_173 = arith.constant 0 : i32
      %ge3A_174 = arith.cmpi sge, %add3A_172, %ge3A_173 : i32
      %mul3A_175 = arith.constant 16 : i32
      %mul3A_176 = arith.muli %add3A_172, %mul3A_175 : i32
      %add3A_177 = arith.addi %arg1, %mul3A_176 : i32
      %lt3A_178 = arith.constant 2500 : i32
      %lt3A_179 = arith.cmpi slt, %add3A_177, %lt3A_178 : i32
      %and3A_180 = arith.andi %ge3A_174, %lt3A_179 : i1
      %convert_element_type3A_181 = arith.extui %and3A_180 : i1 to i32
      %cond3A_182 = arith.constant 0 : i32
      %cond3A_183 = arith.cmpi ne, %convert_element_type3A_181, %cond3A_182 : i32
      scf.if %cond3A_183 {
        %mul3A_536 = arith.constant 16 : i32
        %mul3A_537 = arith.muli %add3A_172, %mul3A_536 : i32
        %add3A_538 = arith.addi %arg1, %mul3A_537 : i32
        %dma_start3A = arith.constant 0 : i32
        %dma_start3A_539 = tpu.memref_slice %arg3[%add3A_538, %dma_start3A] : memref<2500x128xi32, #tpu.memory_space<hbm>> -> memref<1x128xi32, #tpu.memory_space<hbm>>
        %dma_start3A_540 = tpu.memref_squeeze %dma_start3A_539 : memref<1x128xi32, #tpu.memory_space<hbm>> -> memref<128xi32, #tpu.memory_space<hbm>>
        %dma_start3A_541 = arith.constant 0 : i32
        %dma_start3A_542 = tpu.memref_slice %arg3[%add3A_538, %dma_start3A_541] : memref<2500x128xi32, #tpu.memory_space<hbm>> -> memref<1x128xi32, #tpu.memory_space<hbm>>
        %dma_start3A_543 = tpu.memref_squeeze %dma_start3A_542 : memref<1x128xi32, #tpu.memory_space<hbm>> -> memref<128xi32, #tpu.memory_space<hbm>>
        tpu.enqueue_dma source(%dma_start3A_543 : memref<128xi32, #tpu.memory_space<hbm>>) target(%arg7 : memref<128xi32, #tpu.memory_space<vmem>>) target_semaphore(%arg24 : memref<!tpu.dma_semaphore, #tpu.memory_space<semaphore_mem>>)
        %mul3A_544 = arith.constant 16 : i32
        %mul3A_545 = arith.muli %add3A_172, %mul3A_544 : i32
        %add3A_546 = arith.addi %arg1, %mul3A_545 : i32
        %dma_start3A_547 = arith.constant 0 : i32
        %dma_start3A_548 = tpu.memref_slice %arg4[%add3A_546, %dma_start3A_547] : memref<2500x128xi32, #tpu.memory_space<hbm>> -> memref<1x128xi32, #tpu.memory_space<hbm>>
        %dma_start3A_549 = tpu.memref_squeeze %dma_start3A_548 : memref<1x128xi32, #tpu.memory_space<hbm>> -> memref<128xi32, #tpu.memory_space<hbm>>
        %dma_start3A_550 = arith.constant 0 : i32
        %dma_start3A_551 = tpu.memref_slice %arg4[%add3A_546, %dma_start3A_550] : memref<2500x128xi32, #tpu.memory_space<hbm>> -> memref<1x128xi32, #tpu.memory_space<hbm>>
        %dma_start3A_552 = tpu.memref_squeeze %dma_start3A_551 : memref<1x128xi32, #tpu.memory_space<hbm>> -> memref<128xi32, #tpu.memory_space<hbm>>
        tpu.enqueue_dma source(%dma_start3A_552 : memref<128xi32, #tpu.memory_space<hbm>>) target(%arg12 : memref<128xi32, #tpu.memory_space<vmem>>) target_semaphore(%arg24 : memref<!tpu.dma_semaphore, #tpu.memory_space<semaphore_mem>>)
      } else {
      }
      %ge3A_184 = arith.constant 0 : i32
      %ge3A_185 = arith.cmpi sge, %add3A_158, %ge3A_184 : i32
      %mul3A_186 = arith.constant 16 : i32
      %mul3A_187 = arith.muli %add3A_158, %mul3A_186 : i32
      %add3A_188 = arith.addi %arg1, %mul3A_187 : i32
      %lt3A_189 = arith.constant 2500 : i32
      %lt3A_190 = arith.cmpi slt, %add3A_188, %lt3A_189 : i32
      %and3A_191 = arith.andi %ge3A_185, %lt3A_190 : i1
      %convert_element_type3A_192 = arith.extui %and3A_191 : i1 to i32
      %cond3A_193 = arith.constant 0 : i32
      %cond3A_194 = arith.cmpi ne, %convert_element_type3A_192, %cond3A_193 : i32
      scf.if %cond3A_194 {
        %dma_wait3A = arith.constant 0 : i32
        %dma_wait3A_536 = arith.constant 0 : i32
        %dma_wait3A_537 = tpu.memref_slice %arg3[%dma_wait3A, %dma_wait3A_536] : memref<2500x128xi32, #tpu.memory_space<hbm>> -> memref<1x128xi32, #tpu.memory_space<hbm>>
        %dma_wait3A_538 = tpu.memref_squeeze %dma_wait3A_537 : memref<1x128xi32, #tpu.memory_space<hbm>> -> memref<128xi32, #tpu.memory_space<hbm>>
        %dma_wait3A_539 = arith.constant 0 : i32
        %dma_wait3A_540 = tpu.memref_slice %arg3[%dma_wait3A, %dma_wait3A_539] : memref<2500x128xi32, #tpu.memory_space<hbm>> -> memref<1x128xi32, #tpu.memory_space<hbm>>
        %dma_wait3A_541 = tpu.memref_squeeze %dma_wait3A_540 : memref<1x128xi32, #tpu.memory_space<hbm>> -> memref<128xi32, #tpu.memory_space<hbm>>
        tpu.wait_dma2 semaphore(%arg23 : memref<!tpu.dma_semaphore, #tpu.memory_space<semaphore_mem>>) src(%dma_wait3A_541 : memref<128xi32, #tpu.memory_space<hbm>>) dst(%arg6 : memref<128xi32, #tpu.memory_space<vmem>>)
        %dma_wait3A_542 = arith.constant 0 : i32
        %dma_wait3A_543 = arith.constant 0 : i32
        %dma_wait3A_544 = tpu.memref_slice %arg4[%dma_wait3A_542, %dma_wait3A_543] : memref<2500x128xi32, #tpu.memory_space<hbm>> -> memref<1x128xi32, #tpu.memory_space<hbm>>
        %dma_wait3A_545 = tpu.memref_squeeze %dma_wait3A_544 : memref<1x128xi32, #tpu.memory_space<hbm>> -> memref<128xi32, #tpu.memory_space<hbm>>
        %dma_wait3A_546 = arith.constant 0 : i32
        %dma_wait3A_547 = tpu.memref_slice %arg4[%dma_wait3A_542, %dma_wait3A_546] : memref<2500x128xi32, #tpu.memory_space<hbm>> -> memref<1x128xi32, #tpu.memory_space<hbm>>
        %dma_wait3A_548 = tpu.memref_squeeze %dma_wait3A_547 : memref<1x128xi32, #tpu.memory_space<hbm>> -> memref<128xi32, #tpu.memory_space<hbm>>
        tpu.wait_dma2 semaphore(%arg23 : memref<!tpu.dma_semaphore, #tpu.memory_space<semaphore_mem>>) src(%dma_wait3A_548 : memref<128xi32, #tpu.memory_space<hbm>>) dst(%arg11 : memref<128xi32, #tpu.memory_space<vmem>>)
        %get3A = arith.constant 0 : index
        %get3A_549 = tpu.vector_load %arg11[%get3A] {strides = array<i32>} : memref<128xi32, #tpu.memory_space<vmem>>, vector<16xi32>,
        %get3A_550 = vector.shape_cast %get3A_549 : vector<16xi32> to vector<16xi32>
        %sub3A_551 = vector.broadcast %mul3A_0 : i32 to vector<16xi32>
        %sub3A_552 = arith.subi %get3A_550, %sub3A_551 : vector<16xi32>
        %ge3A_553 = arith.constant 0 : i32
        %ge3A_554 = vector.broadcast %ge3A_553 : i32 to vector<16xi32>
        %ge3A_555 = arith.cmpi sge, %sub3A_552, %ge3A_554 : vector<16xi32>
        %lt3A_556 = arith.constant 5120 : i32
        %lt3A_557 = vector.broadcast %lt3A_556 : i32 to vector<16xi32>
        %lt3A_558 = arith.cmpi slt, %sub3A_552, %lt3A_557 : vector<16xi32>
        %and3A_559 = arith.andi %ge3A_555, %lt3A_558 : vector<16xi1>
        %broadcast_in_dim3A = arith.constant 0 : i32
        %broadcast_in_dim3A_560 = vector.broadcast %broadcast_in_dim3A : i32 to vector<16xi32>
        %mul3A_561 = arith.constant 4 : i32
        %mul3A_562 = arith.muli %arg1, %mul3A_561 : i32
        %add3A_563 = arith.constant 5120 : i32
        %add3A_564 = arith.addi %add3A_563, %mul3A_562 : i32
        %add3A_565 = arith.constant 0 : i32
        %add3A_566 = arith.addi %add3A_564, %add3A_565 : i32
        %add3A_567 = vector.broadcast %add3A_566 : i32 to vector<16xi32>
        %add3A_568 = arith.addi %broadcast_in_dim3A_560, %add3A_567 : vector<16xi32>
        %select_n3A = arith.select %and3A_559, %sub3A_552, %add3A_568 : vector<16xi1>, vector<16xi32>
        %swap3A = arith.constant 0 : index
        %swap3A_569 = tpu.vector_load %arg11[%swap3A] {strides = array<i32>} : memref<128xi32, #tpu.memory_space<vmem>>, vector<16xi32>,
        %swap3A_570 = vector.shape_cast %swap3A_569 : vector<16xi32> to vector<16xi32>
        %swap3A_571 = vector.shape_cast %select_n3A : vector<16xi32> to vector<16xi32>
        tpu.vector_store %arg11[%swap3A], %swap3A_571 {strides = array<i32>} : memref<128xi32, #tpu.memory_space<vmem>>, vector<16xi32>,
        %get3A_572 = arith.constant 16 : index
        %get3A_573 = tpu.vector_load %arg11[%get3A_572] {strides = array<i32>} : memref<128xi32, #tpu.memory_space<vmem>>, vector<16xi32>,
        %get3A_574 = vector.shape_cast %get3A_573 : vector<16xi32> to vector<16xi32>
        %sub3A_575 = vector.broadcast %mul3A_0 : i32 to vector<16xi32>
        %sub3A_576 = arith.subi %get3A_574, %sub3A_575 : vector<16xi32>
        %ge3A_577 = arith.constant 0 : i32
        %ge3A_578 = vector.broadcast %ge3A_577 : i32 to vector<16xi32>
        %ge3A_579 = arith.cmpi sge, %sub3A_576, %ge3A_578 : vector<16xi32>
        %lt3A_580 = arith.constant 5120 : i32
        %lt3A_581 = vector.broadcast %lt3A_580 : i32 to vector<16xi32>
        %lt3A_582 = arith.cmpi slt, %sub3A_576, %lt3A_581 : vector<16xi32>
        %and3A_583 = arith.andi %ge3A_579, %lt3A_582 : vector<16xi1>
        %broadcast_in_dim3A_584 = arith.constant 0 : i32
        %broadcast_in_dim3A_585 = vector.broadcast %broadcast_in_dim3A_584 : i32 to vector<16xi32>
        %mul3A_586 = arith.constant 4 : i32
        %mul3A_587 = arith.muli %arg1, %mul3A_586 : i32
        %add3A_588 = arith.constant 5120 : i32
        %add3A_589 = arith.addi %add3A_588, %mul3A_587 : i32
        %add3A_590 = arith.constant 1 : i32
        %add3A_591 = arith.addi %add3A_589, %add3A_590 : i32
        %add3A_592 = vector.broadcast %add3A_591 : i32 to vector<16xi32>
        %add3A_593 = arith.addi %broadcast_in_dim3A_585, %add3A_592 : vector<16xi32>
        %select_n3A_594 = arith.select %and3A_583, %sub3A_576, %add3A_593 : vector<16xi1>, vector<16xi32>
        %swap3A_595 = arith.constant 16 : index
        %swap3A_596 = tpu.vector_load %arg11[%swap3A_595] {strides = array<i32>} : memref<128xi32, #tpu.memory_space<vmem>>, vector<16xi32>,
        %swap3A_597 = vector.shape_cast %swap3A_596 : vector<16xi32> to vector<16xi32>
        %swap3A_598 = vector.shape_cast %select_n3A_594 : vector<16xi32> to vector<16xi32>
        tpu.vector_store %arg11[%swap3A_595], %swap3A_598 {strides = array<i32>} : memref<128xi32, #tpu.memory_space<vmem>>, vector<16xi32>,
        %get3A_599 = arith.constant 32 : index
        %get3A_600 = tpu.vector_load %arg11[%get3A_599] {strides = array<i32>} : memref<128xi32, #tpu.memory_space<vmem>>, vector<16xi32>,
        %get3A_601 = vector.shape_cast %get3A_600 : vector<16xi32> to vector<16xi32>
        %sub3A_602 = vector.broadcast %mul3A_0 : i32 to vector<16xi32>
        %sub3A_603 = arith.subi %get3A_601, %sub3A_602 : vector<16xi32>
        %ge3A_604 = arith.constant 0 : i32
        %ge3A_605 = vector.broadcast %ge3A_604 : i32 to vector<16xi32>
        %ge3A_606 = arith.cmpi sge, %sub3A_603, %ge3A_605 : vector<16xi32>
        %lt3A_607 = arith.constant 5120 : i32
        %lt3A_608 = vector.broadcast %lt3A_607 : i32 to vector<16xi32>
        %lt3A_609 = arith.cmpi slt, %sub3A_603, %lt3A_608 : vector<16xi32>
        %and3A_610 = arith.andi %ge3A_606, %lt3A_609 : vector<16xi1>
        %broadcast_in_dim3A_611 = arith.constant 0 : i32
        %broadcast_in_dim3A_612 = vector.broadcast %broadcast_in_dim3A_611 : i32 to vector<16xi32>
        %mul3A_613 = arith.constant 4 : i32
        %mul3A_614 = arith.muli %arg1, %mul3A_613 : i32
        %add3A_615 = arith.constant 5120 : i32
        %add3A_616 = arith.addi %add3A_615, %mul3A_614 : i32
        %add3A_617 = arith.constant 2 : i32
        %add3A_618 = arith.addi %add3A_616, %add3A_617 : i32
        %add3A_619 = vector.broadcast %add3A_618 : i32 to vector<16xi32>
        %add3A_620 = arith.addi %broadcast_in_dim3A_612, %add3A_619 : vector<16xi32>
        %select_n3A_621 = arith.select %and3A_610, %sub3A_603, %add3A_620 : vector<16xi1>, vector<16xi32>
        %swap3A_622 = arith.constant 32 : index
        %swap3A_623 = tpu.vector_load %arg11[%swap3A_622] {strides = array<i32>} : memref<128xi32, #tpu.memory_space<vmem>>, vector<16xi32>,
        %swap3A_624 = vector.shape_cast %swap3A_623 : vector<16xi32> to vector<16xi32>
        %swap3A_625 = vector.shape_cast %select_n3A_621 : vector<16xi32> to vector<16xi32>
        tpu.vector_store %arg11[%swap3A_622], %swap3A_625 {strides = array<i32>} : memref<128xi32, #tpu.memory_space<vmem>>, vector<16xi32>,
        %get3A_626 = arith.constant 48 : index
        %get3A_627 = tpu.vector_load %arg11[%get3A_626] {strides = array<i32>} : memref<128xi32, #tpu.memory_space<vmem>>, vector<16xi32>,
        %get3A_628 = vector.shape_cast %get3A_627 : vector<16xi32> to vector<16xi32>
        %sub3A_629 = vector.broadcast %mul3A_0 : i32 to vector<16xi32>
        %sub3A_630 = arith.subi %get3A_628, %sub3A_629 : vector<16xi32>
        %ge3A_631 = arith.constant 0 : i32
        %ge3A_632 = vector.broadcast %ge3A_631 : i32 to vector<16xi32>
        %ge3A_633 = arith.cmpi sge, %sub3A_630, %ge3A_632 : vector<16xi32>
        %lt3A_634 = arith.constant 5120 : i32
        %lt3A_635 = vector.broadcast %lt3A_634 : i32 to vector<16xi32>
        %lt3A_636 = arith.cmpi slt, %sub3A_630, %lt3A_635 : vector<16xi32>
        %and3A_637 = arith.andi %ge3A_633, %lt3A_636 : vector<16xi1>
        %broadcast_in_dim3A_638 = arith.constant 0 : i32
        %broadcast_in_dim3A_639 = vector.broadcast %broadcast_in_dim3A_638 : i32 to vector<16xi32>
        %mul3A_640 = arith.constant 4 : i32
        %mul3A_641 = arith.muli %arg1, %mul3A_640 : i32
        %add3A_642 = arith.constant 5120 : i32
        %add3A_643 = arith.addi %add3A_642, %mul3A_641 : i32
        %add3A_644 = arith.constant 3 : i32
        %add3A_645 = arith.addi %add3A_643, %add3A_644 : i32
        %add3A_646 = vector.broadcast %add3A_645 : i32 to vector<16xi32>
        %add3A_647 = arith.addi %broadcast_in_dim3A_639, %add3A_646 : vector<16xi32>
        %select_n3A_648 = arith.select %and3A_637, %sub3A_630, %add3A_647 : vector<16xi1>, vector<16xi32>
        %swap3A_649 = arith.constant 48 : index
        %swap3A_650 = tpu.vector_load %arg11[%swap3A_649] {strides = array<i32>} : memref<128xi32, #tpu.memory_space<vmem>>, vector<16xi32>,
        %swap3A_651 = vector.shape_cast %swap3A_650 : vector<16xi32> to vector<16xi32>
        %swap3A_652 = vector.shape_cast %select_n3A_648 : vector<16xi32> to vector<16xi32>
        tpu.vector_store %arg11[%swap3A_649], %swap3A_652 {strides = array<i32>} : memref<128xi32, #tpu.memory_space<vmem>>, vector<16xi32>,
        %get3A_653 = arith.constant 64 : index
        %get3A_654 = tpu.vector_load %arg11[%get3A_653] {strides = array<i32>} : memref<128xi32, #tpu.memory_space<vmem>>, vector<16xi32>,
        %get3A_655 = vector.shape_cast %get3A_654 : vector<16xi32> to vector<16xi32>
        %sub3A_656 = vector.broadcast %mul3A_0 : i32 to vector<16xi32>
        %sub3A_657 = arith.subi %get3A_655, %sub3A_656 : vector<16xi32>
        %ge3A_658 = arith.constant 0 : i32
        %ge3A_659 = vector.broadcast %ge3A_658 : i32 to vector<16xi32>
        %ge3A_660 = arith.cmpi sge, %sub3A_657, %ge3A_659 : vector<16xi32>
        %lt3A_661 = arith.constant 5120 : i32
        %lt3A_662 = vector.broadcast %lt3A_661 : i32 to vector<16xi32>
        %lt3A_663 = arith.cmpi slt, %sub3A_657, %lt3A_662 : vector<16xi32>
        %and3A_664 = arith.andi %ge3A_660, %lt3A_663 : vector<16xi1>
        %broadcast_in_dim3A_665 = arith.constant 0 : i32
        %broadcast_in_dim3A_666 = vector.broadcast %broadcast_in_dim3A_665 : i32 to vector<16xi32>
        %mul3A_667 = arith.constant 4 : i32
        %mul3A_668 = arith.muli %arg1, %mul3A_667 : i32
        %add3A_669 = arith.constant 5120 : i32
        %add3A_670 = arith.addi %add3A_669, %mul3A_668 : i32
        %add3A_671 = arith.constant 0 : i32
        %add3A_672 = arith.addi %add3A_670, %add3A_671 : i32
        %add3A_673 = vector.broadcast %add3A_672 : i32 to vector<16xi32>
        %add3A_674 = arith.addi %broadcast_in_dim3A_666, %add3A_673 : vector<16xi32>
        %select_n3A_675 = arith.select %and3A_664, %sub3A_657, %add3A_674 : vector<16xi1>, vector<16xi32>
        %swap3A_676 = arith.constant 64 : index
        %swap3A_677 = tpu.vector_load %arg11[%swap3A_676] {strides = array<i32>} : memref<128xi32, #tpu.memory_space<vmem>>, vector<16xi32>,
        %swap3A_678 = vector.shape_cast %swap3A_677 : vector<16xi32> to vector<16xi32>
        %swap3A_679 = vector.shape_cast %select_n3A_675 : vector<16xi32> to vector<16xi32>
        tpu.vector_store %arg11[%swap3A_676], %swap3A_679 {strides = array<i32>} : memref<128xi32, #tpu.memory_space<vmem>>, vector<16xi32>,
        %get3A_680 = arith.constant 80 : index
        %get3A_681 = tpu.vector_load %arg11[%get3A_680] {strides = array<i32>} : memref<128xi32, #tpu.memory_space<vmem>>, vector<16xi32>,
        %get3A_682 = vector.shape_cast %get3A_681 : vector<16xi32> to vector<16xi32>
        %sub3A_683 = vector.broadcast %mul3A_0 : i32 to vector<16xi32>
        %sub3A_684 = arith.subi %get3A_682, %sub3A_683 : vector<16xi32>
        %ge3A_685 = arith.constant 0 : i32
        %ge3A_686 = vector.broadcast %ge3A_685 : i32 to vector<16xi32>
        %ge3A_687 = arith.cmpi sge, %sub3A_684, %ge3A_686 : vector<16xi32>
        %lt3A_688 = arith.constant 5120 : i32
        %lt3A_689 = vector.broadcast %lt3A_688 : i32 to vector<16xi32>
        %lt3A_690 = arith.cmpi slt, %sub3A_684, %lt3A_689 : vector<16xi32>
        %and3A_691 = arith.andi %ge3A_687, %lt3A_690 : vector<16xi1>
        %broadcast_in_dim3A_692 = arith.constant 0 : i32
        %broadcast_in_dim3A_693 = vector.broadcast %broadcast_in_dim3A_692 : i32 to vector<16xi32>
        %mul3A_694 = arith.constant 4 : i32
        %mul3A_695 = arith.muli %arg1, %mul3A_694 : i32
        %add3A_696 = arith.constant 5120 : i32
        %add3A_697 = arith.addi %add3A_696, %mul3A_695 : i32
        %add3A_698 = arith.constant 1 : i32
        %add3A_699 = arith.addi %add3A_697, %add3A_698 : i32
        %add3A_700 = vector.broadcast %add3A_699 : i32 to vector<16xi32>
        %add3A_701 = arith.addi %broadcast_in_dim3A_693, %add3A_700 : vector<16xi32>
        %select_n3A_702 = arith.select %and3A_691, %sub3A_684, %add3A_701 : vector<16xi1>, vector<16xi32>
        %swap3A_703 = arith.constant 80 : index
        %swap3A_704 = tpu.vector_load %arg11[%swap3A_703] {strides = array<i32>} : memref<128xi32, #tpu.memory_space<vmem>>, vector<16xi32>,
        %swap3A_705 = vector.shape_cast %swap3A_704 : vector<16xi32> to vector<16xi32>
        %swap3A_706 = vector.shape_cast %select_n3A_702 : vector<16xi32> to vector<16xi32>
        tpu.vector_store %arg11[%swap3A_703], %swap3A_706 {strides = array<i32>} : memref<128xi32, #tpu.memory_space<vmem>>, vector<16xi32>,
        %get3A_707 = arith.constant 96 : index
        %get3A_708 = tpu.vector_load %arg11[%get3A_707] {strides = array<i32>} : memref<128xi32, #tpu.memory_space<vmem>>, vector<16xi32>,
        %get3A_709 = vector.shape_cast %get3A_708 : vector<16xi32> to vector<16xi32>
        %sub3A_710 = vector.broadcast %mul3A_0 : i32 to vector<16xi32>
        %sub3A_711 = arith.subi %get3A_709, %sub3A_710 : vector<16xi32>
        %ge3A_712 = arith.constant 0 : i32
        %ge3A_713 = vector.broadcast %ge3A_712 : i32 to vector<16xi32>
        %ge3A_714 = arith.cmpi sge, %sub3A_711, %ge3A_713 : vector<16xi32>
        %lt3A_715 = arith.constant 5120 : i32
        %lt3A_716 = vector.broadcast %lt3A_715 : i32 to vector<16xi32>
        %lt3A_717 = arith.cmpi slt, %sub3A_711, %lt3A_716 : vector<16xi32>
        %and3A_718 = arith.andi %ge3A_714, %lt3A_717 : vector<16xi1>
        %broadcast_in_dim3A_719 = arith.constant 0 : i32
        %broadcast_in_dim3A_720 = vector.broadcast %broadcast_in_dim3A_719 : i32 to vector<16xi32>
        %mul3A_721 = arith.constant 4 : i32
        %mul3A_722 = arith.muli %arg1, %mul3A_721 : i32
        %add3A_723 = arith.constant 5120 : i32
        %add3A_724 = arith.addi %add3A_723, %mul3A_722 : i32
        %add3A_725 = arith.constant 2 : i32
        %add3A_726 = arith.addi %add3A_724, %add3A_725 : i32
        %add3A_727 = vector.broadcast %add3A_726 : i32 to vector<16xi32>
        %add3A_728 = arith.addi %broadcast_in_dim3A_720, %add3A_727 : vector<16xi32>
        %select_n3A_729 = arith.select %and3A_718, %sub3A_711, %add3A_728 : vector<16xi1>, vector<16xi32>
        %swap3A_730 = arith.constant 96 : index
        %swap3A_731 = tpu.vector_load %arg11[%swap3A_730] {strides = array<i32>} : memref<128xi32, #tpu.memory_space<vmem>>, vector<16xi32>,
        %swap3A_732 = vector.shape_cast %swap3A_731 : vector<16xi32> to vector<16xi32>
        %swap3A_733 = vector.shape_cast %select_n3A_729 : vector<16xi32> to vector<16xi32>
        tpu.vector_store %arg11[%swap3A_730], %swap3A_733 {strides = array<i32>} : memref<128xi32, #tpu.memory_space<vmem>>, vector<16xi32>,
        %get3A_734 = arith.constant 112 : index
        %get3A_735 = tpu.vector_load %arg11[%get3A_734] {strides = array<i32>} : memref<128xi32, #tpu.memory_space<vmem>>, vector<16xi32>,
        %get3A_736 = vector.shape_cast %get3A_735 : vector<16xi32> to vector<16xi32>
        %sub3A_737 = vector.broadcast %mul3A_0 : i32 to vector<16xi32>
        %sub3A_738 = arith.subi %get3A_736, %sub3A_737 : vector<16xi32>
        %ge3A_739 = arith.constant 0 : i32
        %ge3A_740 = vector.broadcast %ge3A_739 : i32 to vector<16xi32>
        %ge3A_741 = arith.cmpi sge, %sub3A_738, %ge3A_740 : vector<16xi32>
        %lt3A_742 = arith.constant 5120 : i32
        %lt3A_743 = vector.broadcast %lt3A_742 : i32 to vector<16xi32>
        %lt3A_744 = arith.cmpi slt, %sub3A_738, %lt3A_743 : vector<16xi32>
        %and3A_745 = arith.andi %ge3A_741, %lt3A_744 : vector<16xi1>
        %broadcast_in_dim3A_746 = arith.constant 0 : i32
        %broadcast_in_dim3A_747 = vector.broadcast %broadcast_in_dim3A_746 : i32 to vector<16xi32>
        %mul3A_748 = arith.constant 4 : i32
        %mul3A_749 = arith.muli %arg1, %mul3A_748 : i32
        %add3A_750 = arith.constant 5120 : i32
        %add3A_751 = arith.addi %add3A_750, %mul3A_749 : i32
        %add3A_752 = arith.constant 3 : i32
        %add3A_753 = arith.addi %add3A_751, %add3A_752 : i32
        %add3A_754 = vector.broadcast %add3A_753 : i32 to vector<16xi32>
        %add3A_755 = arith.addi %broadcast_in_dim3A_747, %add3A_754 : vector<16xi32>
        %select_n3A_756 = arith.select %and3A_745, %sub3A_738, %add3A_755 : vector<16xi1>, vector<16xi32>
        %swap3A_757 = arith.constant 112 : index
        %swap3A_758 = tpu.vector_load %arg11[%swap3A_757] {strides = array<i32>} : memref<128xi32, #tpu.memory_space<vmem>>, vector<16xi32>,
        %swap3A_759 = vector.shape_cast %swap3A_758 : vector<16xi32> to vector<16xi32>
        %swap3A_760 = vector.shape_cast %select_n3A_756 : vector<16xi32> to vector<16xi32>
        tpu.vector_store %arg11[%swap3A_757], %swap3A_760 {strides = array<i32>} : memref<128xi32, #tpu.memory_space<vmem>>, vector<16xi32>,
      } else {
      }
      %ge3A_195 = arith.constant 0 : i32
      %ge3A_196 = arith.cmpi sge, %add3A_158, %ge3A_195 : i32
      %mul3A_197 = arith.constant 16 : i32
      %mul3A_198 = arith.muli %add3A_158, %mul3A_197 : i32
      %add3A_199 = arith.addi %arg1, %mul3A_198 : i32
      %lt3A_200 = arith.constant 2500 : i32
      %lt3A_201 = arith.cmpi slt, %add3A_199, %lt3A_200 : i32
      %and3A_202 = arith.andi %ge3A_196, %lt3A_201 : i1
      %convert_element_type3A_203 = arith.extui %and3A_202 : i1 to i32
      %cond3A_204 = arith.constant 0 : i32
      %cond3A_205 = arith.cmpi ne, %convert_element_type3A_203, %cond3A_204 : i32
      scf.if %cond3A_205 {
        %dma_start3A = arith.constant 0 : i32
        %dma_start3A_536 = arith.constant 0 : i32
        %dma_start3A_537 = tpu.memref_slice %arg2[%dma_start3A, %dma_start3A_536] : memref<10000x128xf32, #tpu.memory_space<hbm>> -> memref<10000x128xf32, #tpu.memory_space<hbm>>
        tpu.enqueue_indirect_dma source(%dma_start3A_537 : memref<10000x128xf32, #tpu.memory_space<hbm>>) target(%arg16 : memref<128x128xf32, #tpu.memory_space<vmem>>) offsets(%arg6 : memref<128xi32, #tpu.memory_space<vmem>>) semaphore(%arg28 : memref<!tpu.dma_semaphore, #tpu.memory_space<semaphore_mem>>)
      } else {
      }
      %sub3A_206 = arith.constant 2 : i32
      %sub3A_207 = arith.subi %add3A_158, %sub3A_206 : i32
      %ge3A_208 = arith.constant 0 : i32
      %ge3A_209 = arith.cmpi sge, %sub3A_207, %ge3A_208 : i32
      %mul3A_210 = arith.constant 16 : i32
      %mul3A_211 = arith.muli %sub3A_207, %mul3A_210 : i32
      %add3A_212 = arith.addi %arg1, %mul3A_211 : i32
      %lt3A_213 = arith.constant 2500 : i32
      %lt3A_214 = arith.cmpi slt, %add3A_212, %lt3A_213 : i32
      %and3A_215 = arith.andi %ge3A_209, %lt3A_214 : i1
      %convert_element_type3A_216 = arith.extui %and3A_215 : i1 to i32
      %cond3A_217 = arith.constant 0 : i32
      %cond3A_218 = arith.cmpi ne, %convert_element_type3A_216, %cond3A_217 : i32
      scf.if %cond3A_218 {
        %dma_wait3A = arith.constant 0 : i32
        %dma_wait3A_536 = arith.constant 0 : i32
        %dma_wait3A_537 = tpu.memref_slice %arg2[%dma_wait3A, %dma_wait3A_536] : memref<10000x128xf32, #tpu.memory_space<hbm>> -> memref<10000x128xf32, #tpu.memory_space<hbm>>
        tpu.wait_indirect_dma semaphore(%arg31 : memref<!tpu.dma_semaphore, #tpu.memory_space<semaphore_mem>>) src(%dma_wait3A_537 : memref<10000x128xf32, #tpu.memory_space<hbm>>) dst(%arg19 : memref<128x128xf32, #tpu.memory_space<vmem>>)
      } else {
      }
      %sub3A_219 = arith.constant 2 : i32
      %sub3A_220 = arith.subi %add3A_158, %sub3A_219 : i32
      %ge3A_221 = arith.constant 0 : i32
      %ge3A_222 = arith.cmpi sge, %sub3A_220, %ge3A_221 : i32
      %mul3A_223 = arith.constant 16 : i32
      %mul3A_224 = arith.muli %sub3A_220, %mul3A_223 : i32
      %add3A_225 = arith.addi %arg1, %mul3A_224 : i32
      %lt3A_226 = arith.constant 2500 : i32
      %lt3A_227 = arith.cmpi slt, %add3A_225, %lt3A_226 : i32
      %and3A_228 = arith.andi %ge3A_222, %lt3A_227 : i1
      %convert_element_type3A_229 = arith.extui %and3A_228 : i1 to i32
      %cond3A_230 = arith.constant 0 : i32
      %cond3A_231 = arith.cmpi ne, %convert_element_type3A_229, %cond3A_230 : i32
      scf.if %cond3A_231 {
        %dma_start3A = arith.constant 0 : i32
        %dma_start3A_536 = arith.constant 0 : i32
        %dma_start3A_537 = tpu.memref_slice %arg22[%dma_start3A, %dma_start3A_536] : memref<5184x128xf32, #tpu.memory_space<vmem_shared>> -> memref<5184x128xf32, #tpu.memory_space<vmem_shared>>
        tpu.enqueue_indirect_dma source(%arg19 : memref<128x128xf32, #tpu.memory_space<vmem>>) target(%dma_start3A_537 : memref<5184x128xf32, #tpu.memory_space<vmem_shared>>) offsets(%arg14 : memref<128xi32, #tpu.memory_space<vmem>>) semaphore(%arg36 : memref<!tpu.dma_semaphore, #tpu.memory_space<semaphore_mem>>) {add = true}
      } else {
      }
      %add3A_232 = arith.constant 1 : i32
      %add3A_233 = arith.addi %add3A_156, %add3A_232 : i32
      %sub3A_234 = arith.constant 4 : i32
      %sub3A_235 = arith.subi %add3A_233, %sub3A_234 : i32
      %ge3A_236 = arith.constant 0 : i32
      %ge3A_237 = arith.cmpi sge, %sub3A_235, %ge3A_236 : i32
      %mul3A_238 = arith.constant 16 : i32
      %mul3A_239 = arith.muli %sub3A_235, %mul3A_238 : i32
      %add3A_240 = arith.addi %arg1, %mul3A_239 : i32
      %lt3A_241 = arith.constant 2500 : i32
      %lt3A_242 = arith.cmpi slt, %add3A_240, %lt3A_241 : i32
      %and3A_243 = arith.andi %ge3A_237, %lt3A_242 : i1
      %convert_element_type3A_244 = arith.extui %and3A_243 : i1 to i32
      %cond3A_245 = arith.constant 0 : i32
      %cond3A_246 = arith.cmpi ne, %convert_element_type3A_244, %cond3A_245 : i32
      scf.if %cond3A_246 {
        %dma_wait3A = arith.constant 0 : i32
        %dma_wait3A_536 = arith.constant 0 : i32
        %dma_wait3A_537 = tpu.memref_slice %arg22[%dma_wait3A, %dma_wait3A_536] : memref<5184x128xf32, #tpu.memory_space<vmem_shared>> -> memref<5184x128xf32, #tpu.memory_space<vmem_shared>>
        tpu.wait_indirect_dma semaphore(%arg35 : memref<!tpu.dma_semaphore, #tpu.memory_space<semaphore_mem>>) src(%arg18 : memref<128x128xf32, #tpu.memory_space<vmem>>) dst(%dma_wait3A_537 : memref<5184x128xf32, #tpu.memory_space<vmem_shared>>)
      } else {
      }
      %add3A_247 = arith.constant 1 : i32
      %add3A_248 = arith.addi %add3A_233, %add3A_247 : i32
      %ge3A_249 = arith.constant 0 : i32
      %ge3A_250 = arith.cmpi sge, %add3A_248, %ge3A_249 : i32
      %mul3A_251 = arith.constant 16 : i32
      %mul3A_252 = arith.muli %add3A_248, %mul3A_251 : i32
      %add3A_253 = arith.addi %arg1, %mul3A_252 : i32
      %lt3A_254 = arith.constant 2500 : i32
      %lt3A_255 = arith.cmpi slt, %add3A_253, %lt3A_254 : i32
      %and3A_256 = arith.andi %ge3A_250, %lt3A_255 : i1
      %convert_element_type3A_257 = arith.extui %and3A_256 : i1 to i32
      %cond3A_258 = arith.constant 0 : i32
      %cond3A_259 = arith.cmpi ne, %convert_element_type3A_257, %cond3A_258 : i32
      scf.if %cond3A_259 {
        %mul3A_536 = arith.constant 16 : i32
        %mul3A_537 = arith.muli %add3A_248, %mul3A_536 : i32
        %add3A_538 = arith.addi %arg1, %mul3A_537 : i32
        %dma_start3A = arith.constant 0 : i32
        %dma_start3A_539 = tpu.memref_slice %arg3[%add3A_538, %dma_start3A] : memref<2500x128xi32, #tpu.memory_space<hbm>> -> memref<1x128xi32, #tpu.memory_space<hbm>>
        %dma_start3A_540 = tpu.memref_squeeze %dma_start3A_539 : memref<1x128xi32, #tpu.memory_space<hbm>> -> memref<128xi32, #tpu.memory_space<hbm>>
        %dma_start3A_541 = arith.constant 0 : i32
        %dma_start3A_542 = tpu.memref_slice %arg3[%add3A_538, %dma_start3A_541] : memref<2500x128xi32, #tpu.memory_space<hbm>> -> memref<1x128xi32, #tpu.memory_space<hbm>>
        %dma_start3A_543 = tpu.memref_squeeze %dma_start3A_542 : memref<1x128xi32, #tpu.memory_space<hbm>> -> memref<128xi32, #tpu.memory_space<hbm>>
        tpu.enqueue_dma source(%dma_start3A_543 : memref<128xi32, #tpu.memory_space<hbm>>) target(%arg8 : memref<128xi32, #tpu.memory_space<vmem>>) target_semaphore(%arg25 : memref<!tpu.dma_semaphore, #tpu.memory_space<semaphore_mem>>)
        %mul3A_544 = arith.constant 16 : i32
        %mul3A_545 = arith.muli %add3A_248, %mul3A_544 : i32
        %add3A_546 = arith.addi %arg1, %mul3A_545 : i32
        %dma_start3A_547 = arith.constant 0 : i32
        %dma_start3A_548 = tpu.memref_slice %arg4[%add3A_546, %dma_start3A_547] : memref<2500x128xi32, #tpu.memory_space<hbm>> -> memref<1x128xi32, #tpu.memory_space<hbm>>
        %dma_start3A_549 = tpu.memref_squeeze %dma_start3A_548 : memref<1x128xi32, #tpu.memory_space<hbm>> -> memref<128xi32, #tpu.memory_space<hbm>>
        %dma_start3A_550 = arith.constant 0 : i32
        %dma_start3A_551 = tpu.memref_slice %arg4[%add3A_546, %dma_start3A_550] : memref<2500x128xi32, #tpu.memory_space<hbm>> -> memref<1x128xi32, #tpu.memory_space<hbm>>
        %dma_start3A_552 = tpu.memref_squeeze %dma_start3A_551 : memref<1x128xi32, #tpu.memory_space<hbm>> -> memref<128xi32, #tpu.memory_space<hbm>>
        tpu.enqueue_dma source(%dma_start3A_552 : memref<128xi32, #tpu.memory_space<hbm>>) target(%arg13 : memref<128xi32, #tpu.memory_space<vmem>>) target_semaphore(%arg25 : memref<!tpu.dma_semaphore, #tpu.memory_space<semaphore_mem>>)
      } else {
      }
      %ge3A_260 = arith.constant 0 : i32
      %ge3A_261 = arith.cmpi sge, %add3A_233, %ge3A_260 : i32
      %mul3A_262 = arith.constant 16 : i32
      %mul3A_263 = arith.muli %add3A_233, %mul3A_262 : i32
      %add3A_264 = arith.addi %arg1, %mul3A_263 : i32
      %lt3A_265 = arith.constant 2500 : i32
      %lt3A_266 = arith.cmpi slt, %add3A_264, %lt3A_265 : i32
      %and3A_267 = arith.andi %ge3A_261, %lt3A_266 : i1
      %convert_element_type3A_268 = arith.extui %and3A_267 : i1 to i32
      %cond3A_269 = arith.constant 0 : i32
      %cond3A_270 = arith.cmpi ne, %convert_element_type3A_268, %cond3A_269 : i32
      scf.if %cond3A_270 {
        %dma_wait3A = arith.constant 0 : i32
        %dma_wait3A_536 = arith.constant 0 : i32
        %dma_wait3A_537 = tpu.memref_slice %arg3[%dma_wait3A, %dma_wait3A_536] : memref<2500x128xi32, #tpu.memory_space<hbm>> -> memref<1x128xi32, #tpu.memory_space<hbm>>
        %dma_wait3A_538 = tpu.memref_squeeze %dma_wait3A_537 : memref<1x128xi32, #tpu.memory_space<hbm>> -> memref<128xi32, #tpu.memory_space<hbm>>
        %dma_wait3A_539 = arith.constant 0 : i32
        %dma_wait3A_540 = tpu.memref_slice %arg3[%dma_wait3A, %dma_wait3A_539] : memref<2500x128xi32, #tpu.memory_space<hbm>> -> memref<1x128xi32, #tpu.memory_space<hbm>>
        %dma_wait3A_541 = tpu.memref_squeeze %dma_wait3A_540 : memref<1x128xi32, #tpu.memory_space<hbm>> -> memref<128xi32, #tpu.memory_space<hbm>>
        tpu.wait_dma2 semaphore(%arg24 : memref<!tpu.dma_semaphore, #tpu.memory_space<semaphore_mem>>) src(%dma_wait3A_541 : memref<128xi32, #tpu.memory_space<hbm>>) dst(%arg7 : memref<128xi32, #tpu.memory_space<vmem>>)
        %dma_wait3A_542 = arith.constant 0 : i32
        %dma_wait3A_543 = arith.constant 0 : i32
        %dma_wait3A_544 = tpu.memref_slice %arg4[%dma_wait3A_542, %dma_wait3A_543] : memref<2500x128xi32, #tpu.memory_space<hbm>> -> memref<1x128xi32, #tpu.memory_space<hbm>>
        %dma_wait3A_545 = tpu.memref_squeeze %dma_wait3A_544 : memref<1x128xi32, #tpu.memory_space<hbm>> -> memref<128xi32, #tpu.memory_space<hbm>>
        %dma_wait3A_546 = arith.constant 0 : i32
        %dma_wait3A_547 = tpu.memref_slice %arg4[%dma_wait3A_542, %dma_wait3A_546] : memref<2500x128xi32, #tpu.memory_space<hbm>> -> memref<1x128xi32, #tpu.memory_space<hbm>>
        %dma_wait3A_548 = tpu.memref_squeeze %dma_wait3A_547 : memref<1x128xi32, #tpu.memory_space<hbm>> -> memref<128xi32, #tpu.memory_space<hbm>>
        tpu.wait_dma2 semaphore(%arg24 : memref<!tpu.dma_semaphore, #tpu.memory_space<semaphore_mem>>) src(%dma_wait3A_548 : memref<128xi32, #tpu.memory_space<hbm>>) dst(%arg12 : memref<128xi32, #tpu.memory_space<vmem>>)
        %get3A = arith.constant 0 : index
        %get3A_549 = tpu.vector_load %arg12[%get3A] {strides = array<i32>} : memref<128xi32, #tpu.memory_space<vmem>>, vector<16xi32>,
        %get3A_550 = vector.shape_cast %get3A_549 : vector<16xi32> to vector<16xi32>
        %sub3A_551 = vector.broadcast %mul3A_0 : i32 to vector<16xi32>
        %sub3A_552 = arith.subi %get3A_550, %sub3A_551 : vector<16xi32>
        %ge3A_553 = arith.constant 0 : i32
        %ge3A_554 = vector.broadcast %ge3A_553 : i32 to vector<16xi32>
        %ge3A_555 = arith.cmpi sge, %sub3A_552, %ge3A_554 : vector<16xi32>
        %lt3A_556 = arith.constant 5120 : i32
        %lt3A_557 = vector.broadcast %lt3A_556 : i32 to vector<16xi32>
        %lt3A_558 = arith.cmpi slt, %sub3A_552, %lt3A_557 : vector<16xi32>
        %and3A_559 = arith.andi %ge3A_555, %lt3A_558 : vector<16xi1>
        %broadcast_in_dim3A = arith.constant 0 : i32
        %broadcast_in_dim3A_560 = vector.broadcast %broadcast_in_dim3A : i32 to vector<16xi32>
        %mul3A_561 = arith.constant 4 : i32
        %mul3A_562 = arith.muli %arg1, %mul3A_561 : i32
        %add3A_563 = arith.constant 5120 : i32
        %add3A_564 = arith.addi %add3A_563, %mul3A_562 : i32
        %add3A_565 = arith.constant 0 : i32
        %add3A_566 = arith.addi %add3A_564, %add3A_565 : i32
        %add3A_567 = vector.broadcast %add3A_566 : i32 to vector<16xi32>
        %add3A_568 = arith.addi %broadcast_in_dim3A_560, %add3A_567 : vector<16xi32>
        %select_n3A = arith.select %and3A_559, %sub3A_552, %add3A_568 : vector<16xi1>, vector<16xi32>
        %swap3A = arith.constant 0 : index
        %swap3A_569 = tpu.vector_load %arg12[%swap3A] {strides = array<i32>} : memref<128xi32, #tpu.memory_space<vmem>>, vector<16xi32>,
        %swap3A_570 = vector.shape_cast %swap3A_569 : vector<16xi32> to vector<16xi32>
        %swap3A_571 = vector.shape_cast %select_n3A : vector<16xi32> to vector<16xi32>
        tpu.vector_store %arg12[%swap3A], %swap3A_571 {strides = array<i32>} : memref<128xi32, #tpu.memory_space<vmem>>, vector<16xi32>,
        %get3A_572 = arith.constant 16 : index
        %get3A_573 = tpu.vector_load %arg12[%get3A_572] {strides = array<i32>} : memref<128xi32, #tpu.memory_space<vmem>>, vector<16xi32>,
        %get3A_574 = vector.shape_cast %get3A_573 : vector<16xi32> to vector<16xi32>
        %sub3A_575 = vector.broadcast %mul3A_0 : i32 to vector<16xi32>
        %sub3A_576 = arith.subi %get3A_574, %sub3A_575 : vector<16xi32>
        %ge3A_577 = arith.constant 0 : i32
        %ge3A_578 = vector.broadcast %ge3A_577 : i32 to vector<16xi32>
        %ge3A_579 = arith.cmpi sge, %sub3A_576, %ge3A_578 : vector<16xi32>
        %lt3A_580 = arith.constant 5120 : i32
        %lt3A_581 = vector.broadcast %lt3A_580 : i32 to vector<16xi32>
        %lt3A_582 = arith.cmpi slt, %sub3A_576, %lt3A_581 : vector<16xi32>
        %and3A_583 = arith.andi %ge3A_579, %lt3A_582 : vector<16xi1>
        %broadcast_in_dim3A_584 = arith.constant 0 : i32
        %broadcast_in_dim3A_585 = vector.broadcast %broadcast_in_dim3A_584 : i32 to vector<16xi32>
        %mul3A_586 = arith.constant 4 : i32
        %mul3A_587 = arith.muli %arg1, %mul3A_586 : i32
        %add3A_588 = arith.constant 5120 : i32
        %add3A_589 = arith.addi %add3A_588, %mul3A_587 : i32
        %add3A_590 = arith.constant 1 : i32
        %add3A_591 = arith.addi %add3A_589, %add3A_590 : i32
        %add3A_592 = vector.broadcast %add3A_591 : i32 to vector<16xi32>
        %add3A_593 = arith.addi %broadcast_in_dim3A_585, %add3A_592 : vector<16xi32>
        %select_n3A_594 = arith.select %and3A_583, %sub3A_576, %add3A_593 : vector<16xi1>, vector<16xi32>
        %swap3A_595 = arith.constant 16 : index
        %swap3A_596 = tpu.vector_load %arg12[%swap3A_595] {strides = array<i32>} : memref<128xi32, #tpu.memory_space<vmem>>, vector<16xi32>,
        %swap3A_597 = vector.shape_cast %swap3A_596 : vector<16xi32> to vector<16xi32>
        %swap3A_598 = vector.shape_cast %select_n3A_594 : vector<16xi32> to vector<16xi32>
        tpu.vector_store %arg12[%swap3A_595], %swap3A_598 {strides = array<i32>} : memref<128xi32, #tpu.memory_space<vmem>>, vector<16xi32>,
        %get3A_599 = arith.constant 32 : index
        %get3A_600 = tpu.vector_load %arg12[%get3A_599] {strides = array<i32>} : memref<128xi32, #tpu.memory_space<vmem>>, vector<16xi32>,
        %get3A_601 = vector.shape_cast %get3A_600 : vector<16xi32> to vector<16xi32>
        %sub3A_602 = vector.broadcast %mul3A_0 : i32 to vector<16xi32>
        %sub3A_603 = arith.subi %get3A_601, %sub3A_602 : vector<16xi32>
        %ge3A_604 = arith.constant 0 : i32
        %ge3A_605 = vector.broadcast %ge3A_604 : i32 to vector<16xi32>
        %ge3A_606 = arith.cmpi sge, %sub3A_603, %ge3A_605 : vector<16xi32>
        %lt3A_607 = arith.constant 5120 : i32
        %lt3A_608 = vector.broadcast %lt3A_607 : i32 to vector<16xi32>
        %lt3A_609 = arith.cmpi slt, %sub3A_603, %lt3A_608 : vector<16xi32>
        %and3A_610 = arith.andi %ge3A_606, %lt3A_609 : vector<16xi1>
        %broadcast_in_dim3A_611 = arith.constant 0 : i32
        %broadcast_in_dim3A_612 = vector.broadcast %broadcast_in_dim3A_611 : i32 to vector<16xi32>
        %mul3A_613 = arith.constant 4 : i32
        %mul3A_614 = arith.muli %arg1, %mul3A_613 : i32
        %add3A_615 = arith.constant 5120 : i32
        %add3A_616 = arith.addi %add3A_615, %mul3A_614 : i32
        %add3A_617 = arith.constant 2 : i32
        %add3A_618 = arith.addi %add3A_616, %add3A_617 : i32
        %add3A_619 = vector.broadcast %add3A_618 : i32 to vector<16xi32>
        %add3A_620 = arith.addi %broadcast_in_dim3A_612, %add3A_619 : vector<16xi32>
        %select_n3A_621 = arith.select %and3A_610, %sub3A_603, %add3A_620 : vector<16xi1>, vector<16xi32>
        %swap3A_622 = arith.constant 32 : index
        %swap3A_623 = tpu.vector_load %arg12[%swap3A_622] {strides = array<i32>} : memref<128xi32, #tpu.memory_space<vmem>>, vector<16xi32>,
        %swap3A_624 = vector.shape_cast %swap3A_623 : vector<16xi32> to vector<16xi32>
        %swap3A_625 = vector.shape_cast %select_n3A_621 : vector<16xi32> to vector<16xi32>
        tpu.vector_store %arg12[%swap3A_622], %swap3A_625 {strides = array<i32>} : memref<128xi32, #tpu.memory_space<vmem>>, vector<16xi32>,
        %get3A_626 = arith.constant 48 : index
        %get3A_627 = tpu.vector_load %arg12[%get3A_626] {strides = array<i32>} : memref<128xi32, #tpu.memory_space<vmem>>, vector<16xi32>,
        %get3A_628 = vector.shape_cast %get3A_627 : vector<16xi32> to vector<16xi32>
        %sub3A_629 = vector.broadcast %mul3A_0 : i32 to vector<16xi32>
        %sub3A_630 = arith.subi %get3A_628, %sub3A_629 : vector<16xi32>
        %ge3A_631 = arith.constant 0 : i32
        %ge3A_632 = vector.broadcast %ge3A_631 : i32 to vector<16xi32>
        %ge3A_633 = arith.cmpi sge, %sub3A_630, %ge3A_632 : vector<16xi32>
        %lt3A_634 = arith.constant 5120 : i32
        %lt3A_635 = vector.broadcast %lt3A_634 : i32 to vector<16xi32>
        %lt3A_636 = arith.cmpi slt, %sub3A_630, %lt3A_635 : vector<16xi32>
        %and3A_637 = arith.andi %ge3A_633, %lt3A_636 : vector<16xi1>
        %broadcast_in_dim3A_638 = arith.constant 0 : i32
        %broadcast_in_dim3A_639 = vector.broadcast %broadcast_in_dim3A_638 : i32 to vector<16xi32>
        %mul3A_640 = arith.constant 4 : i32
        %mul3A_641 = arith.muli %arg1, %mul3A_640 : i32
        %add3A_642 = arith.constant 5120 : i32
        %add3A_643 = arith.addi %add3A_642, %mul3A_641 : i32
        %add3A_644 = arith.constant 3 : i32
        %add3A_645 = arith.addi %add3A_643, %add3A_644 : i32
        %add3A_646 = vector.broadcast %add3A_645 : i32 to vector<16xi32>
        %add3A_647 = arith.addi %broadcast_in_dim3A_639, %add3A_646 : vector<16xi32>
        %select_n3A_648 = arith.select %and3A_637, %sub3A_630, %add3A_647 : vector<16xi1>, vector<16xi32>
        %swap3A_649 = arith.constant 48 : index
        %swap3A_650 = tpu.vector_load %arg12[%swap3A_649] {strides = array<i32>} : memref<128xi32, #tpu.memory_space<vmem>>, vector<16xi32>,
        %swap3A_651 = vector.shape_cast %swap3A_650 : vector<16xi32> to vector<16xi32>
        %swap3A_652 = vector.shape_cast %select_n3A_648 : vector<16xi32> to vector<16xi32>
        tpu.vector_store %arg12[%swap3A_649], %swap3A_652 {strides = array<i32>} : memref<128xi32, #tpu.memory_space<vmem>>, vector<16xi32>,
        %get3A_653 = arith.constant 64 : index
        %get3A_654 = tpu.vector_load %arg12[%get3A_653] {strides = array<i32>} : memref<128xi32, #tpu.memory_space<vmem>>, vector<16xi32>,
        %get3A_655 = vector.shape_cast %get3A_654 : vector<16xi32> to vector<16xi32>
        %sub3A_656 = vector.broadcast %mul3A_0 : i32 to vector<16xi32>
        %sub3A_657 = arith.subi %get3A_655, %sub3A_656 : vector<16xi32>
        %ge3A_658 = arith.constant 0 : i32
        %ge3A_659 = vector.broadcast %ge3A_658 : i32 to vector<16xi32>
        %ge3A_660 = arith.cmpi sge, %sub3A_657, %ge3A_659 : vector<16xi32>
        %lt3A_661 = arith.constant 5120 : i32
        %lt3A_662 = vector.broadcast %lt3A_661 : i32 to vector<16xi32>
        %lt3A_663 = arith.cmpi slt, %sub3A_657, %lt3A_662 : vector<16xi32>
        %and3A_664 = arith.andi %ge3A_660, %lt3A_663 : vector<16xi1>
        %broadcast_in_dim3A_665 = arith.constant 0 : i32
        %broadcast_in_dim3A_666 = vector.broadcast %broadcast_in_dim3A_665 : i32 to vector<16xi32>
        %mul3A_667 = arith.constant 4 : i32
        %mul3A_668 = arith.muli %arg1, %mul3A_667 : i32
        %add3A_669 = arith.constant 5120 : i32
        %add3A_670 = arith.addi %add3A_669, %mul3A_668 : i32
        %add3A_671 = arith.constant 0 : i32
        %add3A_672 = arith.addi %add3A_670, %add3A_671 : i32
        %add3A_673 = vector.broadcast %add3A_672 : i32 to vector<16xi32>
        %add3A_674 = arith.addi %broadcast_in_dim3A_666, %add3A_673 : vector<16xi32>
        %select_n3A_675 = arith.select %and3A_664, %sub3A_657, %add3A_674 : vector<16xi1>, vector<16xi32>
        %swap3A_676 = arith.constant 64 : index
        %swap3A_677 = tpu.vector_load %arg12[%swap3A_676] {strides = array<i32>} : memref<128xi32, #tpu.memory_space<vmem>>, vector<16xi32>,
        %swap3A_678 = vector.shape_cast %swap3A_677 : vector<16xi32> to vector<16xi32>
        %swap3A_679 = vector.shape_cast %select_n3A_675 : vector<16xi32> to vector<16xi32>
        tpu.vector_store %arg12[%swap3A_676], %swap3A_679 {strides = array<i32>} : memref<128xi32, #tpu.memory_space<vmem>>, vector<16xi32>,
        %get3A_680 = arith.constant 80 : index
        %get3A_681 = tpu.vector_load %arg12[%get3A_680] {strides = array<i32>} : memref<128xi32, #tpu.memory_space<vmem>>, vector<16xi32>,
        %get3A_682 = vector.shape_cast %get3A_681 : vector<16xi32> to vector<16xi32>
        %sub3A_683 = vector.broadcast %mul3A_0 : i32 to vector<16xi32>
        %sub3A_684 = arith.subi %get3A_682, %sub3A_683 : vector<16xi32>
        %ge3A_685 = arith.constant 0 : i32
        %ge3A_686 = vector.broadcast %ge3A_685 : i32 to vector<16xi32>
        %ge3A_687 = arith.cmpi sge, %sub3A_684, %ge3A_686 : vector<16xi32>
        %lt3A_688 = arith.constant 5120 : i32
        %lt3A_689 = vector.broadcast %lt3A_688 : i32 to vector<16xi32>
        %lt3A_690 = arith.cmpi slt, %sub3A_684, %lt3A_689 : vector<16xi32>
        %and3A_691 = arith.andi %ge3A_687, %lt3A_690 : vector<16xi1>
        %broadcast_in_dim3A_692 = arith.constant 0 : i32
        %broadcast_in_dim3A_693 = vector.broadcast %broadcast_in_dim3A_692 : i32 to vector<16xi32>
        %mul3A_694 = arith.constant 4 : i32
        %mul3A_695 = arith.muli %arg1, %mul3A_694 : i32
        %add3A_696 = arith.constant 5120 : i32
        %add3A_697 = arith.addi %add3A_696, %mul3A_695 : i32
        %add3A_698 = arith.constant 1 : i32
        %add3A_699 = arith.addi %add3A_697, %add3A_698 : i32
        %add3A_700 = vector.broadcast %add3A_699 : i32 to vector<16xi32>
        %add3A_701 = arith.addi %broadcast_in_dim3A_693, %add3A_700 : vector<16xi32>
        %select_n3A_702 = arith.select %and3A_691, %sub3A_684, %add3A_701 : vector<16xi1>, vector<16xi32>
        %swap3A_703 = arith.constant 80 : index
        %swap3A_704 = tpu.vector_load %arg12[%swap3A_703] {strides = array<i32>} : memref<128xi32, #tpu.memory_space<vmem>>, vector<16xi32>,
        %swap3A_705 = vector.shape_cast %swap3A_704 : vector<16xi32> to vector<16xi32>
        %swap3A_706 = vector.shape_cast %select_n3A_702 : vector<16xi32> to vector<16xi32>
        tpu.vector_store %arg12[%swap3A_703], %swap3A_706 {strides = array<i32>} : memref<128xi32, #tpu.memory_space<vmem>>, vector<16xi32>,
        %get3A_707 = arith.constant 96 : index
        %get3A_708 = tpu.vector_load %arg12[%get3A_707] {strides = array<i32>} : memref<128xi32, #tpu.memory_space<vmem>>, vector<16xi32>,
        %get3A_709 = vector.shape_cast %get3A_708 : vector<16xi32> to vector<16xi32>
        %sub3A_710 = vector.broadcast %mul3A_0 : i32 to vector<16xi32>
        %sub3A_711 = arith.subi %get3A_709, %sub3A_710 : vector<16xi32>
        %ge3A_712 = arith.constant 0 : i32
        %ge3A_713 = vector.broadcast %ge3A_712 : i32 to vector<16xi32>
        %ge3A_714 = arith.cmpi sge, %sub3A_711, %ge3A_713 : vector<16xi32>
        %lt3A_715 = arith.constant 5120 : i32
        %lt3A_716 = vector.broadcast %lt3A_715 : i32 to vector<16xi32>
        %lt3A_717 = arith.cmpi slt, %sub3A_711, %lt3A_716 : vector<16xi32>
        %and3A_718 = arith.andi %ge3A_714, %lt3A_717 : vector<16xi1>
        %broadcast_in_dim3A_719 = arith.constant 0 : i32
        %broadcast_in_dim3A_720 = vector.broadcast %broadcast_in_dim3A_719 : i32 to vector<16xi32>
        %mul3A_721 = arith.constant 4 : i32
        %mul3A_722 = arith.muli %arg1, %mul3A_721 : i32
        %add3A_723 = arith.constant 5120 : i32
        %add3A_724 = arith.addi %add3A_723, %mul3A_722 : i32
        %add3A_725 = arith.constant 2 : i32
        %add3A_726 = arith.addi %add3A_724, %add3A_725 : i32
        %add3A_727 = vector.broadcast %add3A_726 : i32 to vector<16xi32>
        %add3A_728 = arith.addi %broadcast_in_dim3A_720, %add3A_727 : vector<16xi32>
        %select_n3A_729 = arith.select %and3A_718, %sub3A_711, %add3A_728 : vector<16xi1>, vector<16xi32>
        %swap3A_730 = arith.constant 96 : index
        %swap3A_731 = tpu.vector_load %arg12[%swap3A_730] {strides = array<i32>} : memref<128xi32, #tpu.memory_space<vmem>>, vector<16xi32>,
        %swap3A_732 = vector.shape_cast %swap3A_731 : vector<16xi32> to vector<16xi32>
        %swap3A_733 = vector.shape_cast %select_n3A_729 : vector<16xi32> to vector<16xi32>
        tpu.vector_store %arg12[%swap3A_730], %swap3A_733 {strides = array<i32>} : memref<128xi32, #tpu.memory_space<vmem>>, vector<16xi32>,
        %get3A_734 = arith.constant 112 : index
        %get3A_735 = tpu.vector_load %arg12[%get3A_734] {strides = array<i32>} : memref<128xi32, #tpu.memory_space<vmem>>, vector<16xi32>,
        %get3A_736 = vector.shape_cast %get3A_735 : vector<16xi32> to vector<16xi32>
        %sub3A_737 = vector.broadcast %mul3A_0 : i32 to vector<16xi32>
        %sub3A_738 = arith.subi %get3A_736, %sub3A_737 : vector<16xi32>
        %ge3A_739 = arith.constant 0 : i32
        %ge3A_740 = vector.broadcast %ge3A_739 : i32 to vector<16xi32>
        %ge3A_741 = arith.cmpi sge, %sub3A_738, %ge3A_740 : vector<16xi32>
        %lt3A_742 = arith.constant 5120 : i32
        %lt3A_743 = vector.broadcast %lt3A_742 : i32 to vector<16xi32>
        %lt3A_744 = arith.cmpi slt, %sub3A_738, %lt3A_743 : vector<16xi32>
        %and3A_745 = arith.andi %ge3A_741, %lt3A_744 : vector<16xi1>
        %broadcast_in_dim3A_746 = arith.constant 0 : i32
        %broadcast_in_dim3A_747 = vector.broadcast %broadcast_in_dim3A_746 : i32 to vector<16xi32>
        %mul3A_748 = arith.constant 4 : i32
        %mul3A_749 = arith.muli %arg1, %mul3A_748 : i32
        %add3A_750 = arith.constant 5120 : i32
        %add3A_751 = arith.addi %add3A_750, %mul3A_749 : i32
        %add3A_752 = arith.constant 3 : i32
        %add3A_753 = arith.addi %add3A_751, %add3A_752 : i32
        %add3A_754 = vector.broadcast %add3A_753 : i32 to vector<16xi32>
        %add3A_755 = arith.addi %broadcast_in_dim3A_747, %add3A_754 : vector<16xi32>
        %select_n3A_756 = arith.select %and3A_745, %sub3A_738, %add3A_755 : vector<16xi1>, vector<16xi32>
        %swap3A_757 = arith.constant 112 : index
        %swap3A_758 = tpu.vector_load %arg12[%swap3A_757] {strides = array<i32>} : memref<128xi32, #tpu.memory_space<vmem>>, vector<16xi32>,
        %swap3A_759 = vector.shape_cast %swap3A_758 : vector<16xi32> to vector<16xi32>
        %swap3A_760 = vector.shape_cast %select_n3A_756 : vector<16xi32> to vector<16xi32>
        tpu.vector_store %arg12[%swap3A_757], %swap3A_760 {strides = array<i32>} : memref<128xi32, #tpu.memory_space<vmem>>, vector<16xi32>,
      } else {
      }
      %ge3A_271 = arith.constant 0 : i32
      %ge3A_272 = arith.cmpi sge, %add3A_233, %ge3A_271 : i32
      %mul3A_273 = arith.constant 16 : i32
      %mul3A_274 = arith.muli %add3A_233, %mul3A_273 : i32
      %add3A_275 = arith.addi %arg1, %mul3A_274 : i32
      %lt3A_276 = arith.constant 2500 : i32
      %lt3A_277 = arith.cmpi slt, %add3A_275, %lt3A_276 : i32
      %and3A_278 = arith.andi %ge3A_272, %lt3A_277 : i1
      %convert_element_type3A_279 = arith.extui %and3A_278 : i1 to i32
      %cond3A_280 = arith.constant 0 : i32
      %cond3A_281 = arith.cmpi ne, %convert_element_type3A_279, %cond3A_280 : i32
      scf.if %cond3A_281 {
        %dma_start3A = arith.constant 0 : i32
        %dma_start3A_536 = arith.constant 0 : i32
        %dma_start3A_537 = tpu.memref_slice %arg2[%dma_start3A, %dma_start3A_536] : memref<10000x128xf32, #tpu.memory_space<hbm>> -> memref<10000x128xf32, #tpu.memory_space<hbm>>
        tpu.enqueue_indirect_dma source(%dma_start3A_537 : memref<10000x128xf32, #tpu.memory_space<hbm>>) target(%arg17 : memref<128x128xf32, #tpu.memory_space<vmem>>) offsets(%arg7 : memref<128xi32, #tpu.memory_space<vmem>>) semaphore(%arg29 : memref<!tpu.dma_semaphore, #tpu.memory_space<semaphore_mem>>)
      } else {
      }
      %sub3A_282 = arith.constant 2 : i32
      %sub3A_283 = arith.subi %add3A_233, %sub3A_282 : i32
      %ge3A_284 = arith.constant 0 : i32
      %ge3A_285 = arith.cmpi sge, %sub3A_283, %ge3A_284 : i32
      %mul3A_286 = arith.constant 16 : i32
      %mul3A_287 = arith.muli %sub3A_283, %mul3A_286 : i32
      %add3A_288 = arith.addi %arg1, %mul3A_287 : i32
      %lt3A_289 = arith.constant 2500 : i32
      %lt3A_290 = arith.cmpi slt, %add3A_288, %lt3A_289 : i32
      %and3A_291 = arith.andi %ge3A_285, %lt3A_290 : i1
      %convert_element_type3A_292 = arith.extui %and3A_291 : i1 to i32
      %cond3A_293 = arith.constant 0 : i32
      %cond3A_294 = arith.cmpi ne, %convert_element_type3A_292, %cond3A_293 : i32
      scf.if %cond3A_294 {
        %dma_wait3A = arith.constant 0 : i32
        %dma_wait3A_536 = arith.constant 0 : i32
        %dma_wait3A_537 = tpu.memref_slice %arg2[%dma_wait3A, %dma_wait3A_536] : memref<10000x128xf32, #tpu.memory_space<hbm>> -> memref<10000x128xf32, #tpu.memory_space<hbm>>
        tpu.wait_indirect_dma semaphore(%arg32 : memref<!tpu.dma_semaphore, #tpu.memory_space<semaphore_mem>>) src(%dma_wait3A_537 : memref<10000x128xf32, #tpu.memory_space<hbm>>) dst(%arg20 : memref<128x128xf32, #tpu.memory_space<vmem>>)
      } else {
      }
      %sub3A_295 = arith.constant 2 : i32
      %sub3A_296 = arith.subi %add3A_233, %sub3A_295 : i32
      %ge3A_297 = arith.constant 0 : i32
      %ge3A_298 = arith.cmpi sge, %sub3A_296, %ge3A_297 : i32
      %mul3A_299 = arith.constant 16 : i32
      %mul3A_300 = arith.muli %sub3A_296, %mul3A_299 : i32
      %add3A_301 = arith.addi %arg1, %mul3A_300 : i32
      %lt3A_302 = arith.constant 2500 : i32
      %lt3A_303 = arith.cmpi slt, %add3A_301, %lt3A_302 : i32
      %and3A_304 = arith.andi %ge3A_298, %lt3A_303 : i1
      %convert_element_type3A_305 = arith.extui %and3A_304 : i1 to i32
      %cond3A_306 = arith.constant 0 : i32
      %cond3A_307 = arith.cmpi ne, %convert_element_type3A_305, %cond3A_306 : i32
      scf.if %cond3A_307 {
        %dma_start3A = arith.constant 0 : i32
        %dma_start3A_536 = arith.constant 0 : i32
        %dma_start3A_537 = tpu.memref_slice %arg22[%dma_start3A, %dma_start3A_536] : memref<5184x128xf32, #tpu.memory_space<vmem_shared>> -> memref<5184x128xf32, #tpu.memory_space<vmem_shared>>
        tpu.enqueue_indirect_dma source(%arg20 : memref<128x128xf32, #tpu.memory_space<vmem>>) target(%dma_start3A_537 : memref<5184x128xf32, #tpu.memory_space<vmem_shared>>) offsets(%arg15 : memref<128xi32, #tpu.memory_space<vmem>>) semaphore(%arg37 : memref<!tpu.dma_semaphore, #tpu.memory_space<semaphore_mem>>) {add = true}
      } else {
      }
      %add3A_308 = arith.constant 2 : i32
      %add3A_309 = arith.addi %add3A_156, %add3A_308 : i32
      %sub3A_310 = arith.constant 4 : i32
      %sub3A_311 = arith.subi %add3A_309, %sub3A_310 : i32
      %ge3A_312 = arith.constant 0 : i32
      %ge3A_313 = arith.cmpi sge, %sub3A_311, %ge3A_312 : i32
      %mul3A_314 = arith.constant 16 : i32
      %mul3A_315 = arith.muli %sub3A_311, %mul3A_314 : i32
      %add3A_316 = arith.addi %arg1, %mul3A_315 : i32
      %lt3A_317 = arith.constant 2500 : i32
      %lt3A_318 = arith.cmpi slt, %add3A_316, %lt3A_317 : i32
      %and3A_319 = arith.andi %ge3A_313, %lt3A_318 : i1
      %convert_element_type3A_320 = arith.extui %and3A_319 : i1 to i32
      %cond3A_321 = arith.constant 0 : i32
      %cond3A_322 = arith.cmpi ne, %convert_element_type3A_320, %cond3A_321 : i32
      scf.if %cond3A_322 {
        %dma_wait3A = arith.constant 0 : i32
        %dma_wait3A_536 = arith.constant 0 : i32
        %dma_wait3A_537 = tpu.memref_slice %arg22[%dma_wait3A, %dma_wait3A_536] : memref<5184x128xf32, #tpu.memory_space<vmem_shared>> -> memref<5184x128xf32, #tpu.memory_space<vmem_shared>>
        tpu.wait_indirect_dma semaphore(%arg36 : memref<!tpu.dma_semaphore, #tpu.memory_space<semaphore_mem>>) src(%arg19 : memref<128x128xf32, #tpu.memory_space<vmem>>) dst(%dma_wait3A_537 : memref<5184x128xf32, #tpu.memory_space<vmem_shared>>)
      } else {
      }
      %add3A_323 = arith.constant 1 : i32
      %add3A_324 = arith.addi %add3A_309, %add3A_323 : i32
      %ge3A_325 = arith.constant 0 : i32
      %ge3A_326 = arith.cmpi sge, %add3A_324, %ge3A_325 : i32
      %mul3A_327 = arith.constant 16 : i32
      %mul3A_328 = arith.muli %add3A_324, %mul3A_327 : i32
      %add3A_329 = arith.addi %arg1, %mul3A_328 : i32
      %lt3A_330 = arith.constant 2500 : i32
      %lt3A_331 = arith.cmpi slt, %add3A_329, %lt3A_330 : i32
      %and3A_332 = arith.andi %ge3A_326, %lt3A_331 : i1
      %convert_element_type3A_333 = arith.extui %and3A_332 : i1 to i32
      %cond3A_334 = arith.constant 0 : i32
      %cond3A_335 = arith.cmpi ne, %convert_element_type3A_333, %cond3A_334 : i32
      scf.if %cond3A_335 {
        %mul3A_536 = arith.constant 16 : i32
        %mul3A_537 = arith.muli %add3A_324, %mul3A_536 : i32
        %add3A_538 = arith.addi %arg1, %mul3A_537 : i32
        %dma_start3A = arith.constant 0 : i32
        %dma_start3A_539 = tpu.memref_slice %arg3[%add3A_538, %dma_start3A] : memref<2500x128xi32, #tpu.memory_space<hbm>> -> memref<1x128xi32, #tpu.memory_space<hbm>>
        %dma_start3A_540 = tpu.memref_squeeze %dma_start3A_539 : memref<1x128xi32, #tpu.memory_space<hbm>> -> memref<128xi32, #tpu.memory_space<hbm>>
        %dma_start3A_541 = arith.constant 0 : i32
        %dma_start3A_542 = tpu.memref_slice %arg3[%add3A_538, %dma_start3A_541] : memref<2500x128xi32, #tpu.memory_space<hbm>> -> memref<1x128xi32, #tpu.memory_space<hbm>>
        %dma_start3A_543 = tpu.memref_squeeze %dma_start3A_542 : memref<1x128xi32, #tpu.memory_space<hbm>> -> memref<128xi32, #tpu.memory_space<hbm>>
        tpu.enqueue_dma source(%dma_start3A_543 : memref<128xi32, #tpu.memory_space<hbm>>) target(%arg9 : memref<128xi32, #tpu.memory_space<vmem>>) target_semaphore(%arg26 : memref<!tpu.dma_semaphore, #tpu.memory_space<semaphore_mem>>)
        %mul3A_544 = arith.constant 16 : i32
        %mul3A_545 = arith.muli %add3A_324, %mul3A_544 : i32
        %add3A_546 = arith.addi %arg1, %mul3A_545 : i32
        %dma_start3A_547 = arith.constant 0 : i32
        %dma_start3A_548 = tpu.memref_slice %arg4[%add3A_546, %dma_start3A_547] : memref<2500x128xi32, #tpu.memory_space<hbm>> -> memref<1x128xi32, #tpu.memory_space<hbm>>
        %dma_start3A_549 = tpu.memref_squeeze %dma_start3A_548 : memref<1x128xi32, #tpu.memory_space<hbm>> -> memref<128xi32, #tpu.memory_space<hbm>>
        %dma_start3A_550 = arith.constant 0 : i32
        %dma_start3A_551 = tpu.memref_slice %arg4[%add3A_546, %dma_start3A_550] : memref<2500x128xi32, #tpu.memory_space<hbm>> -> memref<1x128xi32, #tpu.memory_space<hbm>>
        %dma_start3A_552 = tpu.memref_squeeze %dma_start3A_551 : memref<1x128xi32, #tpu.memory_space<hbm>> -> memref<128xi32, #tpu.memory_space<hbm>>
        tpu.enqueue_dma source(%dma_start3A_552 : memref<128xi32, #tpu.memory_space<hbm>>) target(%arg14 : memref<128xi32, #tpu.memory_space<vmem>>) target_semaphore(%arg26 : memref<!tpu.dma_semaphore, #tpu.memory_space<semaphore_mem>>)
      } else {
      }
      %ge3A_336 = arith.constant 0 : i32
      %ge3A_337 = arith.cmpi sge, %add3A_309, %ge3A_336 : i32
      %mul3A_338 = arith.constant 16 : i32
      %mul3A_339 = arith.muli %add3A_309, %mul3A_338 : i32
      %add3A_340 = arith.addi %arg1, %mul3A_339 : i32
      %lt3A_341 = arith.constant 2500 : i32
      %lt3A_342 = arith.cmpi slt, %add3A_340, %lt3A_341 : i32
      %and3A_343 = arith.andi %ge3A_337, %lt3A_342 : i1
      %convert_element_type3A_344 = arith.extui %and3A_343 : i1 to i32
      %cond3A_345 = arith.constant 0 : i32
      %cond3A_346 = arith.cmpi ne, %convert_element_type3A_344, %cond3A_345 : i32
      scf.if %cond3A_346 {
        %dma_wait3A = arith.constant 0 : i32
        %dma_wait3A_536 = arith.constant 0 : i32
        %dma_wait3A_537 = tpu.memref_slice %arg3[%dma_wait3A, %dma_wait3A_536] : memref<2500x128xi32, #tpu.memory_space<hbm>> -> memref<1x128xi32, #tpu.memory_space<hbm>>
        %dma_wait3A_538 = tpu.memref_squeeze %dma_wait3A_537 : memref<1x128xi32, #tpu.memory_space<hbm>> -> memref<128xi32, #tpu.memory_space<hbm>>
        %dma_wait3A_539 = arith.constant 0 : i32
        %dma_wait3A_540 = tpu.memref_slice %arg3[%dma_wait3A, %dma_wait3A_539] : memref<2500x128xi32, #tpu.memory_space<hbm>> -> memref<1x128xi32, #tpu.memory_space<hbm>>
        %dma_wait3A_541 = tpu.memref_squeeze %dma_wait3A_540 : memref<1x128xi32, #tpu.memory_space<hbm>> -> memref<128xi32, #tpu.memory_space<hbm>>
        tpu.wait_dma2 semaphore(%arg25 : memref<!tpu.dma_semaphore, #tpu.memory_space<semaphore_mem>>) src(%dma_wait3A_541 : memref<128xi32, #tpu.memory_space<hbm>>) dst(%arg8 : memref<128xi32, #tpu.memory_space<vmem>>)
        %dma_wait3A_542 = arith.constant 0 : i32
        %dma_wait3A_543 = arith.constant 0 : i32
        %dma_wait3A_544 = tpu.memref_slice %arg4[%dma_wait3A_542, %dma_wait3A_543] : memref<2500x128xi32, #tpu.memory_space<hbm>> -> memref<1x128xi32, #tpu.memory_space<hbm>>
        %dma_wait3A_545 = tpu.memref_squeeze %dma_wait3A_544 : memref<1x128xi32, #tpu.memory_space<hbm>> -> memref<128xi32, #tpu.memory_space<hbm>>
        %dma_wait3A_546 = arith.constant 0 : i32
        %dma_wait3A_547 = tpu.memref_slice %arg4[%dma_wait3A_542, %dma_wait3A_546] : memref<2500x128xi32, #tpu.memory_space<hbm>> -> memref<1x128xi32, #tpu.memory_space<hbm>>
        %dma_wait3A_548 = tpu.memref_squeeze %dma_wait3A_547 : memref<1x128xi32, #tpu.memory_space<hbm>> -> memref<128xi32, #tpu.memory_space<hbm>>
        tpu.wait_dma2 semaphore(%arg25 : memref<!tpu.dma_semaphore, #tpu.memory_space<semaphore_mem>>) src(%dma_wait3A_548 : memref<128xi32, #tpu.memory_space<hbm>>) dst(%arg13 : memref<128xi32, #tpu.memory_space<vmem>>)
        %get3A = arith.constant 0 : index
        %get3A_549 = tpu.vector_load %arg13[%get3A] {strides = array<i32>} : memref<128xi32, #tpu.memory_space<vmem>>, vector<16xi32>,
        %get3A_550 = vector.shape_cast %get3A_549 : vector<16xi32> to vector<16xi32>
        %sub3A_551 = vector.broadcast %mul3A_0 : i32 to vector<16xi32>
        %sub3A_552 = arith.subi %get3A_550, %sub3A_551 : vector<16xi32>
        %ge3A_553 = arith.constant 0 : i32
        %ge3A_554 = vector.broadcast %ge3A_553 : i32 to vector<16xi32>
        %ge3A_555 = arith.cmpi sge, %sub3A_552, %ge3A_554 : vector<16xi32>
        %lt3A_556 = arith.constant 5120 : i32
        %lt3A_557 = vector.broadcast %lt3A_556 : i32 to vector<16xi32>
        %lt3A_558 = arith.cmpi slt, %sub3A_552, %lt3A_557 : vector<16xi32>
        %and3A_559 = arith.andi %ge3A_555, %lt3A_558 : vector<16xi1>
        %broadcast_in_dim3A = arith.constant 0 : i32
        %broadcast_in_dim3A_560 = vector.broadcast %broadcast_in_dim3A : i32 to vector<16xi32>
        %mul3A_561 = arith.constant 4 : i32
        %mul3A_562 = arith.muli %arg1, %mul3A_561 : i32
        %add3A_563 = arith.constant 5120 : i32
        %add3A_564 = arith.addi %add3A_563, %mul3A_562 : i32
        %add3A_565 = arith.constant 0 : i32
        %add3A_566 = arith.addi %add3A_564, %add3A_565 : i32
        %add3A_567 = vector.broadcast %add3A_566 : i32 to vector<16xi32>
        %add3A_568 = arith.addi %broadcast_in_dim3A_560, %add3A_567 : vector<16xi32>
        %select_n3A = arith.select %and3A_559, %sub3A_552, %add3A_568 : vector<16xi1>, vector<16xi32>
        %swap3A = arith.constant 0 : index
        %swap3A_569 = tpu.vector_load %arg13[%swap3A] {strides = array<i32>} : memref<128xi32, #tpu.memory_space<vmem>>, vector<16xi32>,
        %swap3A_570 = vector.shape_cast %swap3A_569 : vector<16xi32> to vector<16xi32>
        %swap3A_571 = vector.shape_cast %select_n3A : vector<16xi32> to vector<16xi32>
        tpu.vector_store %arg13[%swap3A], %swap3A_571 {strides = array<i32>} : memref<128xi32, #tpu.memory_space<vmem>>, vector<16xi32>,
        %get3A_572 = arith.constant 16 : index
        %get3A_573 = tpu.vector_load %arg13[%get3A_572] {strides = array<i32>} : memref<128xi32, #tpu.memory_space<vmem>>, vector<16xi32>,
        %get3A_574 = vector.shape_cast %get3A_573 : vector<16xi32> to vector<16xi32>
        %sub3A_575 = vector.broadcast %mul3A_0 : i32 to vector<16xi32>
        %sub3A_576 = arith.subi %get3A_574, %sub3A_575 : vector<16xi32>
        %ge3A_577 = arith.constant 0 : i32
        %ge3A_578 = vector.broadcast %ge3A_577 : i32 to vector<16xi32>
        %ge3A_579 = arith.cmpi sge, %sub3A_576, %ge3A_578 : vector<16xi32>
        %lt3A_580 = arith.constant 5120 : i32
        %lt3A_581 = vector.broadcast %lt3A_580 : i32 to vector<16xi32>
        %lt3A_582 = arith.cmpi slt, %sub3A_576, %lt3A_581 : vector<16xi32>
        %and3A_583 = arith.andi %ge3A_579, %lt3A_582 : vector<16xi1>
        %broadcast_in_dim3A_584 = arith.constant 0 : i32
        %broadcast_in_dim3A_585 = vector.broadcast %broadcast_in_dim3A_584 : i32 to vector<16xi32>
        %mul3A_586 = arith.constant 4 : i32
        %mul3A_587 = arith.muli %arg1, %mul3A_586 : i32
        %add3A_588 = arith.constant 5120 : i32
        %add3A_589 = arith.addi %add3A_588, %mul3A_587 : i32
        %add3A_590 = arith.constant 1 : i32
        %add3A_591 = arith.addi %add3A_589, %add3A_590 : i32
        %add3A_592 = vector.broadcast %add3A_591 : i32 to vector<16xi32>
        %add3A_593 = arith.addi %broadcast_in_dim3A_585, %add3A_592 : vector<16xi32>
        %select_n3A_594 = arith.select %and3A_583, %sub3A_576, %add3A_593 : vector<16xi1>, vector<16xi32>
        %swap3A_595 = arith.constant 16 : index
        %swap3A_596 = tpu.vector_load %arg13[%swap3A_595] {strides = array<i32>} : memref<128xi32, #tpu.memory_space<vmem>>, vector<16xi32>,
        %swap3A_597 = vector.shape_cast %swap3A_596 : vector<16xi32> to vector<16xi32>
        %swap3A_598 = vector.shape_cast %select_n3A_594 : vector<16xi32> to vector<16xi32>
        tpu.vector_store %arg13[%swap3A_595], %swap3A_598 {strides = array<i32>} : memref<128xi32, #tpu.memory_space<vmem>>, vector<16xi32>,
        %get3A_599 = arith.constant 32 : index
        %get3A_600 = tpu.vector_load %arg13[%get3A_599] {strides = array<i32>} : memref<128xi32, #tpu.memory_space<vmem>>, vector<16xi32>,
        %get3A_601 = vector.shape_cast %get3A_600 : vector<16xi32> to vector<16xi32>
        %sub3A_602 = vector.broadcast %mul3A_0 : i32 to vector<16xi32>
        %sub3A_603 = arith.subi %get3A_601, %sub3A_602 : vector<16xi32>
        %ge3A_604 = arith.constant 0 : i32
        %ge3A_605 = vector.broadcast %ge3A_604 : i32 to vector<16xi32>
        %ge3A_606 = arith.cmpi sge, %sub3A_603, %ge3A_605 : vector<16xi32>
        %lt3A_607 = arith.constant 5120 : i32
        %lt3A_608 = vector.broadcast %lt3A_607 : i32 to vector<16xi32>
        %lt3A_609 = arith.cmpi slt, %sub3A_603, %lt3A_608 : vector<16xi32>
        %and3A_610 = arith.andi %ge3A_606, %lt3A_609 : vector<16xi1>
        %broadcast_in_dim3A_611 = arith.constant 0 : i32
        %broadcast_in_dim3A_612 = vector.broadcast %broadcast_in_dim3A_611 : i32 to vector<16xi32>
        %mul3A_613 = arith.constant 4 : i32
        %mul3A_614 = arith.muli %arg1, %mul3A_613 : i32
        %add3A_615 = arith.constant 5120 : i32
        %add3A_616 = arith.addi %add3A_615, %mul3A_614 : i32
        %add3A_617 = arith.constant 2 : i32
        %add3A_618 = arith.addi %add3A_616, %add3A_617 : i32
        %add3A_619 = vector.broadcast %add3A_618 : i32 to vector<16xi32>
        %add3A_620 = arith.addi %broadcast_in_dim3A_612, %add3A_619 : vector<16xi32>
        %select_n3A_621 = arith.select %and3A_610, %sub3A_603, %add3A_620 : vector<16xi1>, vector<16xi32>
        %swap3A_622 = arith.constant 32 : index
        %swap3A_623 = tpu.vector_load %arg13[%swap3A_622] {strides = array<i32>} : memref<128xi32, #tpu.memory_space<vmem>>, vector<16xi32>,
        %swap3A_624 = vector.shape_cast %swap3A_623 : vector<16xi32> to vector<16xi32>
        %swap3A_625 = vector.shape_cast %select_n3A_621 : vector<16xi32> to vector<16xi32>
        tpu.vector_store %arg13[%swap3A_622], %swap3A_625 {strides = array<i32>} : memref<128xi32, #tpu.memory_space<vmem>>, vector<16xi32>,
        %get3A_626 = arith.constant 48 : index
        %get3A_627 = tpu.vector_load %arg13[%get3A_626] {strides = array<i32>} : memref<128xi32, #tpu.memory_space<vmem>>, vector<16xi32>,
        %get3A_628 = vector.shape_cast %get3A_627 : vector<16xi32> to vector<16xi32>
        %sub3A_629 = vector.broadcast %mul3A_0 : i32 to vector<16xi32>
        %sub3A_630 = arith.subi %get3A_628, %sub3A_629 : vector<16xi32>
        %ge3A_631 = arith.constant 0 : i32
        %ge3A_632 = vector.broadcast %ge3A_631 : i32 to vector<16xi32>
        %ge3A_633 = arith.cmpi sge, %sub3A_630, %ge3A_632 : vector<16xi32>
        %lt3A_634 = arith.constant 5120 : i32
        %lt3A_635 = vector.broadcast %lt3A_634 : i32 to vector<16xi32>
        %lt3A_636 = arith.cmpi slt, %sub3A_630, %lt3A_635 : vector<16xi32>
        %and3A_637 = arith.andi %ge3A_633, %lt3A_636 : vector<16xi1>
        %broadcast_in_dim3A_638 = arith.constant 0 : i32
        %broadcast_in_dim3A_639 = vector.broadcast %broadcast_in_dim3A_638 : i32 to vector<16xi32>
        %mul3A_640 = arith.constant 4 : i32
        %mul3A_641 = arith.muli %arg1, %mul3A_640 : i32
        %add3A_642 = arith.constant 5120 : i32
        %add3A_643 = arith.addi %add3A_642, %mul3A_641 : i32
        %add3A_644 = arith.constant 3 : i32
        %add3A_645 = arith.addi %add3A_643, %add3A_644 : i32
        %add3A_646 = vector.broadcast %add3A_645 : i32 to vector<16xi32>
        %add3A_647 = arith.addi %broadcast_in_dim3A_639, %add3A_646 : vector<16xi32>
        %select_n3A_648 = arith.select %and3A_637, %sub3A_630, %add3A_647 : vector<16xi1>, vector<16xi32>
        %swap3A_649 = arith.constant 48 : index
        %swap3A_650 = tpu.vector_load %arg13[%swap3A_649] {strides = array<i32>} : memref<128xi32, #tpu.memory_space<vmem>>, vector<16xi32>,
        %swap3A_651 = vector.shape_cast %swap3A_650 : vector<16xi32> to vector<16xi32>
        %swap3A_652 = vector.shape_cast %select_n3A_648 : vector<16xi32> to vector<16xi32>
        tpu.vector_store %arg13[%swap3A_649], %swap3A_652 {strides = array<i32>} : memref<128xi32, #tpu.memory_space<vmem>>, vector<16xi32>,
        %get3A_653 = arith.constant 64 : index
        %get3A_654 = tpu.vector_load %arg13[%get3A_653] {strides = array<i32>} : memref<128xi32, #tpu.memory_space<vmem>>, vector<16xi32>,
        %get3A_655 = vector.shape_cast %get3A_654 : vector<16xi32> to vector<16xi32>
        %sub3A_656 = vector.broadcast %mul3A_0 : i32 to vector<16xi32>
        %sub3A_657 = arith.subi %get3A_655, %sub3A_656 : vector<16xi32>
        %ge3A_658 = arith.constant 0 : i32
        %ge3A_659 = vector.broadcast %ge3A_658 : i32 to vector<16xi32>
        %ge3A_660 = arith.cmpi sge, %sub3A_657, %ge3A_659 : vector<16xi32>
        %lt3A_661 = arith.constant 5120 : i32
        %lt3A_662 = vector.broadcast %lt3A_661 : i32 to vector<16xi32>
        %lt3A_663 = arith.cmpi slt, %sub3A_657, %lt3A_662 : vector<16xi32>
        %and3A_664 = arith.andi %ge3A_660, %lt3A_663 : vector<16xi1>
        %broadcast_in_dim3A_665 = arith.constant 0 : i32
        %broadcast_in_dim3A_666 = vector.broadcast %broadcast_in_dim3A_665 : i32 to vector<16xi32>
        %mul3A_667 = arith.constant 4 : i32
        %mul3A_668 = arith.muli %arg1, %mul3A_667 : i32
        %add3A_669 = arith.constant 5120 : i32
        %add3A_670 = arith.addi %add3A_669, %mul3A_668 : i32
        %add3A_671 = arith.constant 0 : i32
        %add3A_672 = arith.addi %add3A_670, %add3A_671 : i32
        %add3A_673 = vector.broadcast %add3A_672 : i32 to vector<16xi32>
        %add3A_674 = arith.addi %broadcast_in_dim3A_666, %add3A_673 : vector<16xi32>
        %select_n3A_675 = arith.select %and3A_664, %sub3A_657, %add3A_674 : vector<16xi1>, vector<16xi32>
        %swap3A_676 = arith.constant 64 : index
        %swap3A_677 = tpu.vector_load %arg13[%swap3A_676] {strides = array<i32>} : memref<128xi32, #tpu.memory_space<vmem>>, vector<16xi32>,
        %swap3A_678 = vector.shape_cast %swap3A_677 : vector<16xi32> to vector<16xi32>
        %swap3A_679 = vector.shape_cast %select_n3A_675 : vector<16xi32> to vector<16xi32>
        tpu.vector_store %arg13[%swap3A_676], %swap3A_679 {strides = array<i32>} : memref<128xi32, #tpu.memory_space<vmem>>, vector<16xi32>,
        %get3A_680 = arith.constant 80 : index
        %get3A_681 = tpu.vector_load %arg13[%get3A_680] {strides = array<i32>} : memref<128xi32, #tpu.memory_space<vmem>>, vector<16xi32>,
        %get3A_682 = vector.shape_cast %get3A_681 : vector<16xi32> to vector<16xi32>
        %sub3A_683 = vector.broadcast %mul3A_0 : i32 to vector<16xi32>
        %sub3A_684 = arith.subi %get3A_682, %sub3A_683 : vector<16xi32>
        %ge3A_685 = arith.constant 0 : i32
        %ge3A_686 = vector.broadcast %ge3A_685 : i32 to vector<16xi32>
        %ge3A_687 = arith.cmpi sge, %sub3A_684, %ge3A_686 : vector<16xi32>
        %lt3A_688 = arith.constant 5120 : i32
        %lt3A_689 = vector.broadcast %lt3A_688 : i32 to vector<16xi32>
        %lt3A_690 = arith.cmpi slt, %sub3A_684, %lt3A_689 : vector<16xi32>
        %and3A_691 = arith.andi %ge3A_687, %lt3A_690 : vector<16xi1>
        %broadcast_in_dim3A_692 = arith.constant 0 : i32
        %broadcast_in_dim3A_693 = vector.broadcast %broadcast_in_dim3A_692 : i32 to vector<16xi32>
        %mul3A_694 = arith.constant 4 : i32
        %mul3A_695 = arith.muli %arg1, %mul3A_694 : i32
        %add3A_696 = arith.constant 5120 : i32
        %add3A_697 = arith.addi %add3A_696, %mul3A_695 : i32
        %add3A_698 = arith.constant 1 : i32
        %add3A_699 = arith.addi %add3A_697, %add3A_698 : i32
        %add3A_700 = vector.broadcast %add3A_699 : i32 to vector<16xi32>
        %add3A_701 = arith.addi %broadcast_in_dim3A_693, %add3A_700 : vector<16xi32>
        %select_n3A_702 = arith.select %and3A_691, %sub3A_684, %add3A_701 : vector<16xi1>, vector<16xi32>
        %swap3A_703 = arith.constant 80 : index
        %swap3A_704 = tpu.vector_load %arg13[%swap3A_703] {strides = array<i32>} : memref<128xi32, #tpu.memory_space<vmem>>, vector<16xi32>,
        %swap3A_705 = vector.shape_cast %swap3A_704 : vector<16xi32> to vector<16xi32>
        %swap3A_706 = vector.shape_cast %select_n3A_702 : vector<16xi32> to vector<16xi32>
        tpu.vector_store %arg13[%swap3A_703], %swap3A_706 {strides = array<i32>} : memref<128xi32, #tpu.memory_space<vmem>>, vector<16xi32>,
        %get3A_707 = arith.constant 96 : index
        %get3A_708 = tpu.vector_load %arg13[%get3A_707] {strides = array<i32>} : memref<128xi32, #tpu.memory_space<vmem>>, vector<16xi32>,
        %get3A_709 = vector.shape_cast %get3A_708 : vector<16xi32> to vector<16xi32>
        %sub3A_710 = vector.broadcast %mul3A_0 : i32 to vector<16xi32>
        %sub3A_711 = arith.subi %get3A_709, %sub3A_710 : vector<16xi32>
        %ge3A_712 = arith.constant 0 : i32
        %ge3A_713 = vector.broadcast %ge3A_712 : i32 to vector<16xi32>
        %ge3A_714 = arith.cmpi sge, %sub3A_711, %ge3A_713 : vector<16xi32>
        %lt3A_715 = arith.constant 5120 : i32
        %lt3A_716 = vector.broadcast %lt3A_715 : i32 to vector<16xi32>
        %lt3A_717 = arith.cmpi slt, %sub3A_711, %lt3A_716 : vector<16xi32>
        %and3A_718 = arith.andi %ge3A_714, %lt3A_717 : vector<16xi1>
        %broadcast_in_dim3A_719 = arith.constant 0 : i32
        %broadcast_in_dim3A_720 = vector.broadcast %broadcast_in_dim3A_719 : i32 to vector<16xi32>
        %mul3A_721 = arith.constant 4 : i32
        %mul3A_722 = arith.muli %arg1, %mul3A_721 : i32
        %add3A_723 = arith.constant 5120 : i32
        %add3A_724 = arith.addi %add3A_723, %mul3A_722 : i32
        %add3A_725 = arith.constant 2 : i32
        %add3A_726 = arith.addi %add3A_724, %add3A_725 : i32
        %add3A_727 = vector.broadcast %add3A_726 : i32 to vector<16xi32>
        %add3A_728 = arith.addi %broadcast_in_dim3A_720, %add3A_727 : vector<16xi32>
        %select_n3A_729 = arith.select %and3A_718, %sub3A_711, %add3A_728 : vector<16xi1>, vector<16xi32>
        %swap3A_730 = arith.constant 96 : index
        %swap3A_731 = tpu.vector_load %arg13[%swap3A_730] {strides = array<i32>} : memref<128xi32, #tpu.memory_space<vmem>>, vector<16xi32>,
        %swap3A_732 = vector.shape_cast %swap3A_731 : vector<16xi32> to vector<16xi32>
        %swap3A_733 = vector.shape_cast %select_n3A_729 : vector<16xi32> to vector<16xi32>
        tpu.vector_store %arg13[%swap3A_730], %swap3A_733 {strides = array<i32>} : memref<128xi32, #tpu.memory_space<vmem>>, vector<16xi32>,
        %get3A_734 = arith.constant 112 : index
        %get3A_735 = tpu.vector_load %arg13[%get3A_734] {strides = array<i32>} : memref<128xi32, #tpu.memory_space<vmem>>, vector<16xi32>,
        %get3A_736 = vector.shape_cast %get3A_735 : vector<16xi32> to vector<16xi32>
        %sub3A_737 = vector.broadcast %mul3A_0 : i32 to vector<16xi32>
        %sub3A_738 = arith.subi %get3A_736, %sub3A_737 : vector<16xi32>
        %ge3A_739 = arith.constant 0 : i32
        %ge3A_740 = vector.broadcast %ge3A_739 : i32 to vector<16xi32>
        %ge3A_741 = arith.cmpi sge, %sub3A_738, %ge3A_740 : vector<16xi32>
        %lt3A_742 = arith.constant 5120 : i32
        %lt3A_743 = vector.broadcast %lt3A_742 : i32 to vector<16xi32>
        %lt3A_744 = arith.cmpi slt, %sub3A_738, %lt3A_743 : vector<16xi32>
        %and3A_745 = arith.andi %ge3A_741, %lt3A_744 : vector<16xi1>
        %broadcast_in_dim3A_746 = arith.constant 0 : i32
        %broadcast_in_dim3A_747 = vector.broadcast %broadcast_in_dim3A_746 : i32 to vector<16xi32>
        %mul3A_748 = arith.constant 4 : i32
        %mul3A_749 = arith.muli %arg1, %mul3A_748 : i32
        %add3A_750 = arith.constant 5120 : i32
        %add3A_751 = arith.addi %add3A_750, %mul3A_749 : i32
        %add3A_752 = arith.constant 3 : i32
        %add3A_753 = arith.addi %add3A_751, %add3A_752 : i32
        %add3A_754 = vector.broadcast %add3A_753 : i32 to vector<16xi32>
        %add3A_755 = arith.addi %broadcast_in_dim3A_747, %add3A_754 : vector<16xi32>
        %select_n3A_756 = arith.select %and3A_745, %sub3A_738, %add3A_755 : vector<16xi1>, vector<16xi32>
        %swap3A_757 = arith.constant 112 : index
        %swap3A_758 = tpu.vector_load %arg13[%swap3A_757] {strides = array<i32>} : memref<128xi32, #tpu.memory_space<vmem>>, vector<16xi32>,
        %swap3A_759 = vector.shape_cast %swap3A_758 : vector<16xi32> to vector<16xi32>
        %swap3A_760 = vector.shape_cast %select_n3A_756 : vector<16xi32> to vector<16xi32>
        tpu.vector_store %arg13[%swap3A_757], %swap3A_760 {strides = array<i32>} : memref<128xi32, #tpu.memory_space<vmem>>, vector<16xi32>,
      } else {
      }
      %ge3A_347 = arith.constant 0 : i32
      %ge3A_348 = arith.cmpi sge, %add3A_309, %ge3A_347 : i32
      %mul3A_349 = arith.constant 16 : i32
      %mul3A_350 = arith.muli %add3A_309, %mul3A_349 : i32
      %add3A_351 = arith.addi %arg1, %mul3A_350 : i32
      %lt3A_352 = arith.constant 2500 : i32
      %lt3A_353 = arith.cmpi slt, %add3A_351, %lt3A_352 : i32
      %and3A_354 = arith.andi %ge3A_348, %lt3A_353 : i1
      %convert_element_type3A_355 = arith.extui %and3A_354 : i1 to i32
      %cond3A_356 = arith.constant 0 : i32
      %cond3A_357 = arith.cmpi ne, %convert_element_type3A_355, %cond3A_356 : i32
      scf.if %cond3A_357 {
        %dma_start3A = arith.constant 0 : i32
        %dma_start3A_536 = arith.constant 0 : i32
        %dma_start3A_537 = tpu.memref_slice %arg2[%dma_start3A, %dma_start3A_536] : memref<10000x128xf32, #tpu.memory_space<hbm>> -> memref<10000x128xf32, #tpu.memory_space<hbm>>
        tpu.enqueue_indirect_dma source(%dma_start3A_537 : memref<10000x128xf32, #tpu.memory_space<hbm>>) target(%arg18 : memref<128x128xf32, #tpu.memory_space<vmem>>) offsets(%arg8 : memref<128xi32, #tpu.memory_space<vmem>>) semaphore(%arg30 : memref<!tpu.dma_semaphore, #tpu.memory_space<semaphore_mem>>)
      } else {
      }
      %sub3A_358 = arith.constant 2 : i32
      %sub3A_359 = arith.subi %add3A_309, %sub3A_358 : i32
      %ge3A_360 = arith.constant 0 : i32
      %ge3A_361 = arith.cmpi sge, %sub3A_359, %ge3A_360 : i32
      %mul3A_362 = arith.constant 16 : i32
      %mul3A_363 = arith.muli %sub3A_359, %mul3A_362 : i32
      %add3A_364 = arith.addi %arg1, %mul3A_363 : i32
      %lt3A_365 = arith.constant 2500 : i32
      %lt3A_366 = arith.cmpi slt, %add3A_364, %lt3A_365 : i32
      %and3A_367 = arith.andi %ge3A_361, %lt3A_366 : i1
      %convert_element_type3A_368 = arith.extui %and3A_367 : i1 to i32
      %cond3A_369 = arith.constant 0 : i32
      %cond3A_370 = arith.cmpi ne, %convert_element_type3A_368, %cond3A_369 : i32
      scf.if %cond3A_370 {
        %dma_wait3A = arith.constant 0 : i32
        %dma_wait3A_536 = arith.constant 0 : i32
        %dma_wait3A_537 = tpu.memref_slice %arg2[%dma_wait3A, %dma_wait3A_536] : memref<10000x128xf32, #tpu.memory_space<hbm>> -> memref<10000x128xf32, #tpu.memory_space<hbm>>
        tpu.wait_indirect_dma semaphore(%arg28 : memref<!tpu.dma_semaphore, #tpu.memory_space<semaphore_mem>>) src(%dma_wait3A_537 : memref<10000x128xf32, #tpu.memory_space<hbm>>) dst(%arg16 : memref<128x128xf32, #tpu.memory_space<vmem>>)
      } else {
      }
      %sub3A_371 = arith.constant 2 : i32
      %sub3A_372 = arith.subi %add3A_309, %sub3A_371 : i32
      %ge3A_373 = arith.constant 0 : i32
      %ge3A_374 = arith.cmpi sge, %sub3A_372, %ge3A_373 : i32
      %mul3A_375 = arith.constant 16 : i32
      %mul3A_376 = arith.muli %sub3A_372, %mul3A_375 : i32
      %add3A_377 = arith.addi %arg1, %mul3A_376 : i32
      %lt3A_378 = arith.constant 2500 : i32
      %lt3A_379 = arith.cmpi slt, %add3A_377, %lt3A_378 : i32
      %and3A_380 = arith.andi %ge3A_374, %lt3A_379 : i1
      %convert_element_type3A_381 = arith.extui %and3A_380 : i1 to i32
      %cond3A_382 = arith.constant 0 : i32
      %cond3A_383 = arith.cmpi ne, %convert_element_type3A_381, %cond3A_382 : i32
      scf.if %cond3A_383 {
        %dma_start3A = arith.constant 0 : i32
        %dma_start3A_536 = arith.constant 0 : i32
        %dma_start3A_537 = tpu.memref_slice %arg22[%dma_start3A, %dma_start3A_536] : memref<5184x128xf32, #tpu.memory_space<vmem_shared>> -> memref<5184x128xf32, #tpu.memory_space<vmem_shared>>
        tpu.enqueue_indirect_dma source(%arg16 : memref<128x128xf32, #tpu.memory_space<vmem>>) target(%dma_start3A_537 : memref<5184x128xf32, #tpu.memory_space<vmem_shared>>) offsets(%arg11 : memref<128xi32, #tpu.memory_space<vmem>>) semaphore(%arg33 : memref<!tpu.dma_semaphore, #tpu.memory_space<semaphore_mem>>) {add = true}
      } else {
      }
      %add3A_384 = arith.constant 3 : i32
      %add3A_385 = arith.addi %add3A_156, %add3A_384 : i32
      %sub3A_386 = arith.constant 4 : i32
      %sub3A_387 = arith.subi %add3A_385, %sub3A_386 : i32
      %ge3A_388 = arith.constant 0 : i32
      %ge3A_389 = arith.cmpi sge, %sub3A_387, %ge3A_388 : i32
      %mul3A_390 = arith.constant 16 : i32
      %mul3A_391 = arith.muli %sub3A_387, %mul3A_390 : i32
      %add3A_392 = arith.addi %arg1, %mul3A_391 : i32
      %lt3A_393 = arith.constant 2500 : i32
      %lt3A_394 = arith.cmpi slt, %add3A_392, %lt3A_393 : i32
      %and3A_395 = arith.andi %ge3A_389, %lt3A_394 : i1
      %convert_element_type3A_396 = arith.extui %and3A_395 : i1 to i32
      %cond3A_397 = arith.constant 0 : i32
      %cond3A_398 = arith.cmpi ne, %convert_element_type3A_396, %cond3A_397 : i32
      scf.if %cond3A_398 {
        %dma_wait3A = arith.constant 0 : i32
        %dma_wait3A_536 = arith.constant 0 : i32
        %dma_wait3A_537 = tpu.memref_slice %arg22[%dma_wait3A, %dma_wait3A_536] : memref<5184x128xf32, #tpu.memory_space<vmem_shared>> -> memref<5184x128xf32, #tpu.memory_space<vmem_shared>>
        tpu.wait_indirect_dma semaphore(%arg37 : memref<!tpu.dma_semaphore, #tpu.memory_space<semaphore_mem>>) src(%arg20 : memref<128x128xf32, #tpu.memory_space<vmem>>) dst(%dma_wait3A_537 : memref<5184x128xf32, #tpu.memory_space<vmem_shared>>)
      } else {
      }
      %add3A_399 = arith.constant 1 : i32
      %add3A_400 = arith.addi %add3A_385, %add3A_399 : i32
      %ge3A_401 = arith.constant 0 : i32
      %ge3A_402 = arith.cmpi sge, %add3A_400, %ge3A_401 : i32
      %mul3A_403 = arith.constant 16 : i32
      %mul3A_404 = arith.muli %add3A_400, %mul3A_403 : i32
      %add3A_405 = arith.addi %arg1, %mul3A_404 : i32
      %lt3A_406 = arith.constant 2500 : i32
      %lt3A_407 = arith.cmpi slt, %add3A_405, %lt3A_406 : i32
      %and3A_408 = arith.andi %ge3A_402, %lt3A_407 : i1
      %convert_element_type3A_409 = arith.extui %and3A_408 : i1 to i32
      %cond3A_410 = arith.constant 0 : i32
      %cond3A_411 = arith.cmpi ne, %convert_element_type3A_409, %cond3A_410 : i32
      scf.if %cond3A_411 {
        %mul3A_536 = arith.constant 16 : i32
        %mul3A_537 = arith.muli %add3A_400, %mul3A_536 : i32
        %add3A_538 = arith.addi %arg1, %mul3A_537 : i32
        %dma_start3A = arith.constant 0 : i32
        %dma_start3A_539 = tpu.memref_slice %arg3[%add3A_538, %dma_start3A] : memref<2500x128xi32, #tpu.memory_space<hbm>> -> memref<1x128xi32, #tpu.memory_space<hbm>>
        %dma_start3A_540 = tpu.memref_squeeze %dma_start3A_539 : memref<1x128xi32, #tpu.memory_space<hbm>> -> memref<128xi32, #tpu.memory_space<hbm>>
        %dma_start3A_541 = arith.constant 0 : i32
        %dma_start3A_542 = tpu.memref_slice %arg3[%add3A_538, %dma_start3A_541] : memref<2500x128xi32, #tpu.memory_space<hbm>> -> memref<1x128xi32, #tpu.memory_space<hbm>>
        %dma_start3A_543 = tpu.memref_squeeze %dma_start3A_542 : memref<1x128xi32, #tpu.memory_space<hbm>> -> memref<128xi32, #tpu.memory_space<hbm>>
        tpu.enqueue_dma source(%dma_start3A_543 : memref<128xi32, #tpu.memory_space<hbm>>) target(%arg10 : memref<128xi32, #tpu.memory_space<vmem>>) target_semaphore(%arg27 : memref<!tpu.dma_semaphore, #tpu.memory_space<semaphore_mem>>)
        %mul3A_544 = arith.constant 16 : i32
        %mul3A_545 = arith.muli %add3A_400, %mul3A_544 : i32
        %add3A_546 = arith.addi %arg1, %mul3A_545 : i32
        %dma_start3A_547 = arith.constant 0 : i32
        %dma_start3A_548 = tpu.memref_slice %arg4[%add3A_546, %dma_start3A_547] : memref<2500x128xi32, #tpu.memory_space<hbm>> -> memref<1x128xi32, #tpu.memory_space<hbm>>
        %dma_start3A_549 = tpu.memref_squeeze %dma_start3A_548 : memref<1x128xi32, #tpu.memory_space<hbm>> -> memref<128xi32, #tpu.memory_space<hbm>>
        %dma_start3A_550 = arith.constant 0 : i32
        %dma_start3A_551 = tpu.memref_slice %arg4[%add3A_546, %dma_start3A_550] : memref<2500x128xi32, #tpu.memory_space<hbm>> -> memref<1x128xi32, #tpu.memory_space<hbm>>
        %dma_start3A_552 = tpu.memref_squeeze %dma_start3A_551 : memref<1x128xi32, #tpu.memory_space<hbm>> -> memref<128xi32, #tpu.memory_space<hbm>>
        tpu.enqueue_dma source(%dma_start3A_552 : memref<128xi32, #tpu.memory_space<hbm>>) target(%arg15 : memref<128xi32, #tpu.memory_space<vmem>>) target_semaphore(%arg27 : memref<!tpu.dma_semaphore, #tpu.memory_space<semaphore_mem>>)
      } else {
      }
      %ge3A_412 = arith.constant 0 : i32
      %ge3A_413 = arith.cmpi sge, %add3A_385, %ge3A_412 : i32
      %mul3A_414 = arith.constant 16 : i32
      %mul3A_415 = arith.muli %add3A_385, %mul3A_414 : i32
      %add3A_416 = arith.addi %arg1, %mul3A_415 : i32
      %lt3A_417 = arith.constant 2500 : i32
      %lt3A_418 = arith.cmpi slt, %add3A_416, %lt3A_417 : i32
      %and3A_419 = arith.andi %ge3A_413, %lt3A_418 : i1
      %convert_element_type3A_420 = arith.extui %and3A_419 : i1 to i32
      %cond3A_421 = arith.constant 0 : i32
      %cond3A_422 = arith.cmpi ne, %convert_element_type3A_420, %cond3A_421 : i32
      scf.if %cond3A_422 {
        %dma_wait3A = arith.constant 0 : i32
        %dma_wait3A_536 = arith.constant 0 : i32
        %dma_wait3A_537 = tpu.memref_slice %arg3[%dma_wait3A, %dma_wait3A_536] : memref<2500x128xi32, #tpu.memory_space<hbm>> -> memref<1x128xi32, #tpu.memory_space<hbm>>
        %dma_wait3A_538 = tpu.memref_squeeze %dma_wait3A_537 : memref<1x128xi32, #tpu.memory_space<hbm>> -> memref<128xi32, #tpu.memory_space<hbm>>
        %dma_wait3A_539 = arith.constant 0 : i32
        %dma_wait3A_540 = tpu.memref_slice %arg3[%dma_wait3A, %dma_wait3A_539] : memref<2500x128xi32, #tpu.memory_space<hbm>> -> memref<1x128xi32, #tpu.memory_space<hbm>>
        %dma_wait3A_541 = tpu.memref_squeeze %dma_wait3A_540 : memref<1x128xi32, #tpu.memory_space<hbm>> -> memref<128xi32, #tpu.memory_space<hbm>>
        tpu.wait_dma2 semaphore(%arg26 : memref<!tpu.dma_semaphore, #tpu.memory_space<semaphore_mem>>) src(%dma_wait3A_541 : memref<128xi32, #tpu.memory_space<hbm>>) dst(%arg9 : memref<128xi32, #tpu.memory_space<vmem>>)
        %dma_wait3A_542 = arith.constant 0 : i32
        %dma_wait3A_543 = arith.constant 0 : i32
        %dma_wait3A_544 = tpu.memref_slice %arg4[%dma_wait3A_542, %dma_wait3A_543] : memref<2500x128xi32, #tpu.memory_space<hbm>> -> memref<1x128xi32, #tpu.memory_space<hbm>>
        %dma_wait3A_545 = tpu.memref_squeeze %dma_wait3A_544 : memref<1x128xi32, #tpu.memory_space<hbm>> -> memref<128xi32, #tpu.memory_space<hbm>>
        %dma_wait3A_546 = arith.constant 0 : i32
        %dma_wait3A_547 = tpu.memref_slice %arg4[%dma_wait3A_542, %dma_wait3A_546] : memref<2500x128xi32, #tpu.memory_space<hbm>> -> memref<1x128xi32, #tpu.memory_space<hbm>>
        %dma_wait3A_548 = tpu.memref_squeeze %dma_wait3A_547 : memref<1x128xi32, #tpu.memory_space<hbm>> -> memref<128xi32, #tpu.memory_space<hbm>>
        tpu.wait_dma2 semaphore(%arg26 : memref<!tpu.dma_semaphore, #tpu.memory_space<semaphore_mem>>) src(%dma_wait3A_548 : memref<128xi32, #tpu.memory_space<hbm>>) dst(%arg14 : memref<128xi32, #tpu.memory_space<vmem>>)
        %get3A = arith.constant 0 : index
        %get3A_549 = tpu.vector_load %arg14[%get3A] {strides = array<i32>} : memref<128xi32, #tpu.memory_space<vmem>>, vector<16xi32>,
        %get3A_550 = vector.shape_cast %get3A_549 : vector<16xi32> to vector<16xi32>
        %sub3A_551 = vector.broadcast %mul3A_0 : i32 to vector<16xi32>
        %sub3A_552 = arith.subi %get3A_550, %sub3A_551 : vector<16xi32>
        %ge3A_553 = arith.constant 0 : i32
        %ge3A_554 = vector.broadcast %ge3A_553 : i32 to vector<16xi32>
        %ge3A_555 = arith.cmpi sge, %sub3A_552, %ge3A_554 : vector<16xi32>
        %lt3A_556 = arith.constant 5120 : i32
        %lt3A_557 = vector.broadcast %lt3A_556 : i32 to vector<16xi32>
        %lt3A_558 = arith.cmpi slt, %sub3A_552, %lt3A_557 : vector<16xi32>
        %and3A_559 = arith.andi %ge3A_555, %lt3A_558 : vector<16xi1>
        %broadcast_in_dim3A = arith.constant 0 : i32
        %broadcast_in_dim3A_560 = vector.broadcast %broadcast_in_dim3A : i32 to vector<16xi32>
        %mul3A_561 = arith.constant 4 : i32
        %mul3A_562 = arith.muli %arg1, %mul3A_561 : i32
        %add3A_563 = arith.constant 5120 : i32
        %add3A_564 = arith.addi %add3A_563, %mul3A_562 : i32
        %add3A_565 = arith.constant 0 : i32
        %add3A_566 = arith.addi %add3A_564, %add3A_565 : i32
        %add3A_567 = vector.broadcast %add3A_566 : i32 to vector<16xi32>
        %add3A_568 = arith.addi %broadcast_in_dim3A_560, %add3A_567 : vector<16xi32>
        %select_n3A = arith.select %and3A_559, %sub3A_552, %add3A_568 : vector<16xi1>, vector<16xi32>
        %swap3A = arith.constant 0 : index
        %swap3A_569 = tpu.vector_load %arg14[%swap3A] {strides = array<i32>} : memref<128xi32, #tpu.memory_space<vmem>>, vector<16xi32>,
        %swap3A_570 = vector.shape_cast %swap3A_569 : vector<16xi32> to vector<16xi32>
        %swap3A_571 = vector.shape_cast %select_n3A : vector<16xi32> to vector<16xi32>
        tpu.vector_store %arg14[%swap3A], %swap3A_571 {strides = array<i32>} : memref<128xi32, #tpu.memory_space<vmem>>, vector<16xi32>,
        %get3A_572 = arith.constant 16 : index
        %get3A_573 = tpu.vector_load %arg14[%get3A_572] {strides = array<i32>} : memref<128xi32, #tpu.memory_space<vmem>>, vector<16xi32>,
        %get3A_574 = vector.shape_cast %get3A_573 : vector<16xi32> to vector<16xi32>
        %sub3A_575 = vector.broadcast %mul3A_0 : i32 to vector<16xi32>
        %sub3A_576 = arith.subi %get3A_574, %sub3A_575 : vector<16xi32>
        %ge3A_577 = arith.constant 0 : i32
        %ge3A_578 = vector.broadcast %ge3A_577 : i32 to vector<16xi32>
        %ge3A_579 = arith.cmpi sge, %sub3A_576, %ge3A_578 : vector<16xi32>
        %lt3A_580 = arith.constant 5120 : i32
        %lt3A_581 = vector.broadcast %lt3A_580 : i32 to vector<16xi32>
        %lt3A_582 = arith.cmpi slt, %sub3A_576, %lt3A_581 : vector<16xi32>
        %and3A_583 = arith.andi %ge3A_579, %lt3A_582 : vector<16xi1>
        %broadcast_in_dim3A_584 = arith.constant 0 : i32
        %broadcast_in_dim3A_585 = vector.broadcast %broadcast_in_dim3A_584 : i32 to vector<16xi32>
        %mul3A_586 = arith.constant 4 : i32
        %mul3A_587 = arith.muli %arg1, %mul3A_586 : i32
        %add3A_588 = arith.constant 5120 : i32
        %add3A_589 = arith.addi %add3A_588, %mul3A_587 : i32
        %add3A_590 = arith.constant 1 : i32
        %add3A_591 = arith.addi %add3A_589, %add3A_590 : i32
        %add3A_592 = vector.broadcast %add3A_591 : i32 to vector<16xi32>
        %add3A_593 = arith.addi %broadcast_in_dim3A_585, %add3A_592 : vector<16xi32>
        %select_n3A_594 = arith.select %and3A_583, %sub3A_576, %add3A_593 : vector<16xi1>, vector<16xi32>
        %swap3A_595 = arith.constant 16 : index
        %swap3A_596 = tpu.vector_load %arg14[%swap3A_595] {strides = array<i32>} : memref<128xi32, #tpu.memory_space<vmem>>, vector<16xi32>,
        %swap3A_597 = vector.shape_cast %swap3A_596 : vector<16xi32> to vector<16xi32>
        %swap3A_598 = vector.shape_cast %select_n3A_594 : vector<16xi32> to vector<16xi32>
        tpu.vector_store %arg14[%swap3A_595], %swap3A_598 {strides = array<i32>} : memref<128xi32, #tpu.memory_space<vmem>>, vector<16xi32>,
        %get3A_599 = arith.constant 32 : index
        %get3A_600 = tpu.vector_load %arg14[%get3A_599] {strides = array<i32>} : memref<128xi32, #tpu.memory_space<vmem>>, vector<16xi32>,
        %get3A_601 = vector.shape_cast %get3A_600 : vector<16xi32> to vector<16xi32>
        %sub3A_602 = vector.broadcast %mul3A_0 : i32 to vector<16xi32>
        %sub3A_603 = arith.subi %get3A_601, %sub3A_602 : vector<16xi32>
        %ge3A_604 = arith.constant 0 : i32
        %ge3A_605 = vector.broadcast %ge3A_604 : i32 to vector<16xi32>
        %ge3A_606 = arith.cmpi sge, %sub3A_603, %ge3A_605 : vector<16xi32>
        %lt3A_607 = arith.constant 5120 : i32
        %lt3A_608 = vector.broadcast %lt3A_607 : i32 to vector<16xi32>
        %lt3A_609 = arith.cmpi slt, %sub3A_603, %lt3A_608 : vector<16xi32>
        %and3A_610 = arith.andi %ge3A_606, %lt3A_609 : vector<16xi1>
        %broadcast_in_dim3A_611 = arith.constant 0 : i32
        %broadcast_in_dim3A_612 = vector.broadcast %broadcast_in_dim3A_611 : i32 to vector<16xi32>
        %mul3A_613 = arith.constant 4 : i32
        %mul3A_614 = arith.muli %arg1, %mul3A_613 : i32
        %add3A_615 = arith.constant 5120 : i32
        %add3A_616 = arith.addi %add3A_615, %mul3A_614 : i32
        %add3A_617 = arith.constant 2 : i32
        %add3A_618 = arith.addi %add3A_616, %add3A_617 : i32
        %add3A_619 = vector.broadcast %add3A_618 : i32 to vector<16xi32>
        %add3A_620 = arith.addi %broadcast_in_dim3A_612, %add3A_619 : vector<16xi32>
        %select_n3A_621 = arith.select %and3A_610, %sub3A_603, %add3A_620 : vector<16xi1>, vector<16xi32>
        %swap3A_622 = arith.constant 32 : index
        %swap3A_623 = tpu.vector_load %arg14[%swap3A_622] {strides = array<i32>} : memref<128xi32, #tpu.memory_space<vmem>>, vector<16xi32>,
        %swap3A_624 = vector.shape_cast %swap3A_623 : vector<16xi32> to vector<16xi32>
        %swap3A_625 = vector.shape_cast %select_n3A_621 : vector<16xi32> to vector<16xi32>
        tpu.vector_store %arg14[%swap3A_622], %swap3A_625 {strides = array<i32>} : memref<128xi32, #tpu.memory_space<vmem>>, vector<16xi32>,
        %get3A_626 = arith.constant 48 : index
        %get3A_627 = tpu.vector_load %arg14[%get3A_626] {strides = array<i32>} : memref<128xi32, #tpu.memory_space<vmem>>, vector<16xi32>,
        %get3A_628 = vector.shape_cast %get3A_627 : vector<16xi32> to vector<16xi32>
        %sub3A_629 = vector.broadcast %mul3A_0 : i32 to vector<16xi32>
        %sub3A_630 = arith.subi %get3A_628, %sub3A_629 : vector<16xi32>
        %ge3A_631 = arith.constant 0 : i32
        %ge3A_632 = vector.broadcast %ge3A_631 : i32 to vector<16xi32>
        %ge3A_633 = arith.cmpi sge, %sub3A_630, %ge3A_632 : vector<16xi32>
        %lt3A_634 = arith.constant 5120 : i32
        %lt3A_635 = vector.broadcast %lt3A_634 : i32 to vector<16xi32>
        %lt3A_636 = arith.cmpi slt, %sub3A_630, %lt3A_635 : vector<16xi32>
        %and3A_637 = arith.andi %ge3A_633, %lt3A_636 : vector<16xi1>
        %broadcast_in_dim3A_638 = arith.constant 0 : i32
        %broadcast_in_dim3A_639 = vector.broadcast %broadcast_in_dim3A_638 : i32 to vector<16xi32>
        %mul3A_640 = arith.constant 4 : i32
        %mul3A_641 = arith.muli %arg1, %mul3A_640 : i32
        %add3A_642 = arith.constant 5120 : i32
        %add3A_643 = arith.addi %add3A_642, %mul3A_641 : i32
        %add3A_644 = arith.constant 3 : i32
        %add3A_645 = arith.addi %add3A_643, %add3A_644 : i32
        %add3A_646 = vector.broadcast %add3A_645 : i32 to vector<16xi32>
        %add3A_647 = arith.addi %broadcast_in_dim3A_639, %add3A_646 : vector<16xi32>
        %select_n3A_648 = arith.select %and3A_637, %sub3A_630, %add3A_647 : vector<16xi1>, vector<16xi32>
        %swap3A_649 = arith.constant 48 : index
        %swap3A_650 = tpu.vector_load %arg14[%swap3A_649] {strides = array<i32>} : memref<128xi32, #tpu.memory_space<vmem>>, vector<16xi32>,
        %swap3A_651 = vector.shape_cast %swap3A_650 : vector<16xi32> to vector<16xi32>
        %swap3A_652 = vector.shape_cast %select_n3A_648 : vector<16xi32> to vector<16xi32>
        tpu.vector_store %arg14[%swap3A_649], %swap3A_652 {strides = array<i32>} : memref<128xi32, #tpu.memory_space<vmem>>, vector<16xi32>,
        %get3A_653 = arith.constant 64 : index
        %get3A_654 = tpu.vector_load %arg14[%get3A_653] {strides = array<i32>} : memref<128xi32, #tpu.memory_space<vmem>>, vector<16xi32>,
        %get3A_655 = vector.shape_cast %get3A_654 : vector<16xi32> to vector<16xi32>
        %sub3A_656 = vector.broadcast %mul3A_0 : i32 to vector<16xi32>
        %sub3A_657 = arith.subi %get3A_655, %sub3A_656 : vector<16xi32>
        %ge3A_658 = arith.constant 0 : i32
        %ge3A_659 = vector.broadcast %ge3A_658 : i32 to vector<16xi32>
        %ge3A_660 = arith.cmpi sge, %sub3A_657, %ge3A_659 : vector<16xi32>
        %lt3A_661 = arith.constant 5120 : i32
        %lt3A_662 = vector.broadcast %lt3A_661 : i32 to vector<16xi32>
        %lt3A_663 = arith.cmpi slt, %sub3A_657, %lt3A_662 : vector<16xi32>
        %and3A_664 = arith.andi %ge3A_660, %lt3A_663 : vector<16xi1>
        %broadcast_in_dim3A_665 = arith.constant 0 : i32
        %broadcast_in_dim3A_666 = vector.broadcast %broadcast_in_dim3A_665 : i32 to vector<16xi32>
        %mul3A_667 = arith.constant 4 : i32
        %mul3A_668 = arith.muli %arg1, %mul3A_667 : i32
        %add3A_669 = arith.constant 5120 : i32
        %add3A_670 = arith.addi %add3A_669, %mul3A_668 : i32
        %add3A_671 = arith.constant 0 : i32
        %add3A_672 = arith.addi %add3A_670, %add3A_671 : i32
        %add3A_673 = vector.broadcast %add3A_672 : i32 to vector<16xi32>
        %add3A_674 = arith.addi %broadcast_in_dim3A_666, %add3A_673 : vector<16xi32>
        %select_n3A_675 = arith.select %and3A_664, %sub3A_657, %add3A_674 : vector<16xi1>, vector<16xi32>
        %swap3A_676 = arith.constant 64 : index
        %swap3A_677 = tpu.vector_load %arg14[%swap3A_676] {strides = array<i32>} : memref<128xi32, #tpu.memory_space<vmem>>, vector<16xi32>,
        %swap3A_678 = vector.shape_cast %swap3A_677 : vector<16xi32> to vector<16xi32>
        %swap3A_679 = vector.shape_cast %select_n3A_675 : vector<16xi32> to vector<16xi32>
        tpu.vector_store %arg14[%swap3A_676], %swap3A_679 {strides = array<i32>} : memref<128xi32, #tpu.memory_space<vmem>>, vector<16xi32>,
        %get3A_680 = arith.constant 80 : index
        %get3A_681 = tpu.vector_load %arg14[%get3A_680] {strides = array<i32>} : memref<128xi32, #tpu.memory_space<vmem>>, vector<16xi32>,
        %get3A_682 = vector.shape_cast %get3A_681 : vector<16xi32> to vector<16xi32>
        %sub3A_683 = vector.broadcast %mul3A_0 : i32 to vector<16xi32>
        %sub3A_684 = arith.subi %get3A_682, %sub3A_683 : vector<16xi32>
        %ge3A_685 = arith.constant 0 : i32
        %ge3A_686 = vector.broadcast %ge3A_685 : i32 to vector<16xi32>
        %ge3A_687 = arith.cmpi sge, %sub3A_684, %ge3A_686 : vector<16xi32>
        %lt3A_688 = arith.constant 5120 : i32
        %lt3A_689 = vector.broadcast %lt3A_688 : i32 to vector<16xi32>
        %lt3A_690 = arith.cmpi slt, %sub3A_684, %lt3A_689 : vector<16xi32>
        %and3A_691 = arith.andi %ge3A_687, %lt3A_690 : vector<16xi1>
        %broadcast_in_dim3A_692 = arith.constant 0 : i32
        %broadcast_in_dim3A_693 = vector.broadcast %broadcast_in_dim3A_692 : i32 to vector<16xi32>
        %mul3A_694 = arith.constant 4 : i32
        %mul3A_695 = arith.muli %arg1, %mul3A_694 : i32
        %add3A_696 = arith.constant 5120 : i32
        %add3A_697 = arith.addi %add3A_696, %mul3A_695 : i32
        %add3A_698 = arith.constant 1 : i32
        %add3A_699 = arith.addi %add3A_697, %add3A_698 : i32
        %add3A_700 = vector.broadcast %add3A_699 : i32 to vector<16xi32>
        %add3A_701 = arith.addi %broadcast_in_dim3A_693, %add3A_700 : vector<16xi32>
        %select_n3A_702 = arith.select %and3A_691, %sub3A_684, %add3A_701 : vector<16xi1>, vector<16xi32>
        %swap3A_703 = arith.constant 80 : index
        %swap3A_704 = tpu.vector_load %arg14[%swap3A_703] {strides = array<i32>} : memref<128xi32, #tpu.memory_space<vmem>>, vector<16xi32>,
        %swap3A_705 = vector.shape_cast %swap3A_704 : vector<16xi32> to vector<16xi32>
        %swap3A_706 = vector.shape_cast %select_n3A_702 : vector<16xi32> to vector<16xi32>
        tpu.vector_store %arg14[%swap3A_703], %swap3A_706 {strides = array<i32>} : memref<128xi32, #tpu.memory_space<vmem>>, vector<16xi32>,
        %get3A_707 = arith.constant 96 : index
        %get3A_708 = tpu.vector_load %arg14[%get3A_707] {strides = array<i32>} : memref<128xi32, #tpu.memory_space<vmem>>, vector<16xi32>,
        %get3A_709 = vector.shape_cast %get3A_708 : vector<16xi32> to vector<16xi32>
        %sub3A_710 = vector.broadcast %mul3A_0 : i32 to vector<16xi32>
        %sub3A_711 = arith.subi %get3A_709, %sub3A_710 : vector<16xi32>
        %ge3A_712 = arith.constant 0 : i32
        %ge3A_713 = vector.broadcast %ge3A_712 : i32 to vector<16xi32>
        %ge3A_714 = arith.cmpi sge, %sub3A_711, %ge3A_713 : vector<16xi32>
        %lt3A_715 = arith.constant 5120 : i32
        %lt3A_716 = vector.broadcast %lt3A_715 : i32 to vector<16xi32>
        %lt3A_717 = arith.cmpi slt, %sub3A_711, %lt3A_716 : vector<16xi32>
        %and3A_718 = arith.andi %ge3A_714, %lt3A_717 : vector<16xi1>
        %broadcast_in_dim3A_719 = arith.constant 0 : i32
        %broadcast_in_dim3A_720 = vector.broadcast %broadcast_in_dim3A_719 : i32 to vector<16xi32>
        %mul3A_721 = arith.constant 4 : i32
        %mul3A_722 = arith.muli %arg1, %mul3A_721 : i32
        %add3A_723 = arith.constant 5120 : i32
        %add3A_724 = arith.addi %add3A_723, %mul3A_722 : i32
        %add3A_725 = arith.constant 2 : i32
        %add3A_726 = arith.addi %add3A_724, %add3A_725 : i32
        %add3A_727 = vector.broadcast %add3A_726 : i32 to vector<16xi32>
        %add3A_728 = arith.addi %broadcast_in_dim3A_720, %add3A_727 : vector<16xi32>
        %select_n3A_729 = arith.select %and3A_718, %sub3A_711, %add3A_728 : vector<16xi1>, vector<16xi32>
        %swap3A_730 = arith.constant 96 : index
        %swap3A_731 = tpu.vector_load %arg14[%swap3A_730] {strides = array<i32>} : memref<128xi32, #tpu.memory_space<vmem>>, vector<16xi32>,
        %swap3A_732 = vector.shape_cast %swap3A_731 : vector<16xi32> to vector<16xi32>
        %swap3A_733 = vector.shape_cast %select_n3A_729 : vector<16xi32> to vector<16xi32>
        tpu.vector_store %arg14[%swap3A_730], %swap3A_733 {strides = array<i32>} : memref<128xi32, #tpu.memory_space<vmem>>, vector<16xi32>,
        %get3A_734 = arith.constant 112 : index
        %get3A_735 = tpu.vector_load %arg14[%get3A_734] {strides = array<i32>} : memref<128xi32, #tpu.memory_space<vmem>>, vector<16xi32>,
        %get3A_736 = vector.shape_cast %get3A_735 : vector<16xi32> to vector<16xi32>
        %sub3A_737 = vector.broadcast %mul3A_0 : i32 to vector<16xi32>
        %sub3A_738 = arith.subi %get3A_736, %sub3A_737 : vector<16xi32>
        %ge3A_739 = arith.constant 0 : i32
        %ge3A_740 = vector.broadcast %ge3A_739 : i32 to vector<16xi32>
        %ge3A_741 = arith.cmpi sge, %sub3A_738, %ge3A_740 : vector<16xi32>
        %lt3A_742 = arith.constant 5120 : i32
        %lt3A_743 = vector.broadcast %lt3A_742 : i32 to vector<16xi32>
        %lt3A_744 = arith.cmpi slt, %sub3A_738, %lt3A_743 : vector<16xi32>
        %and3A_745 = arith.andi %ge3A_741, %lt3A_744 : vector<16xi1>
        %broadcast_in_dim3A_746 = arith.constant 0 : i32
        %broadcast_in_dim3A_747 = vector.broadcast %broadcast_in_dim3A_746 : i32 to vector<16xi32>
        %mul3A_748 = arith.constant 4 : i32
        %mul3A_749 = arith.muli %arg1, %mul3A_748 : i32
        %add3A_750 = arith.constant 5120 : i32
        %add3A_751 = arith.addi %add3A_750, %mul3A_749 : i32
        %add3A_752 = arith.constant 3 : i32
        %add3A_753 = arith.addi %add3A_751, %add3A_752 : i32
        %add3A_754 = vector.broadcast %add3A_753 : i32 to vector<16xi32>
        %add3A_755 = arith.addi %broadcast_in_dim3A_747, %add3A_754 : vector<16xi32>
        %select_n3A_756 = arith.select %and3A_745, %sub3A_738, %add3A_755 : vector<16xi1>, vector<16xi32>
        %swap3A_757 = arith.constant 112 : index
        %swap3A_758 = tpu.vector_load %arg14[%swap3A_757] {strides = array<i32>} : memref<128xi32, #tpu.memory_space<vmem>>, vector<16xi32>,
        %swap3A_759 = vector.shape_cast %swap3A_758 : vector<16xi32> to vector<16xi32>
        %swap3A_760 = vector.shape_cast %select_n3A_756 : vector<16xi32> to vector<16xi32>
        tpu.vector_store %arg14[%swap3A_757], %swap3A_760 {strides = array<i32>} : memref<128xi32, #tpu.memory_space<vmem>>, vector<16xi32>,
      } else {
      }
      %ge3A_423 = arith.constant 0 : i32
      %ge3A_424 = arith.cmpi sge, %add3A_385, %ge3A_423 : i32
      %mul3A_425 = arith.constant 16 : i32
      %mul3A_426 = arith.muli %add3A_385, %mul3A_425 : i32
      %add3A_427 = arith.addi %arg1, %mul3A_426 : i32
      %lt3A_428 = arith.constant 2500 : i32
      %lt3A_429 = arith.cmpi slt, %add3A_427, %lt3A_428 : i32
      %and3A_430 = arith.andi %ge3A_424, %lt3A_429 : i1
      %convert_element_type3A_431 = arith.extui %and3A_430 : i1 to i32
      %cond3A_432 = arith.constant 0 : i32
      %cond3A_433 = arith.cmpi ne, %convert_element_type3A_431, %cond3A_432 : i32
      scf.if %cond3A_433 {
        %dma_start3A = arith.constant 0 : i32
        %dma_start3A_536 = arith.constant 0 : i32
        %dma_start3A_537 = tpu.memref_slice %arg2[%dma_start3A, %dma_start3A_536] : memref<10000x128xf32, #tpu.memory_space<hbm>> -> memref<10000x128xf32, #tpu.memory_space<hbm>>
        tpu.enqueue_indirect_dma source(%dma_start3A_537 : memref<10000x128xf32, #tpu.memory_space<hbm>>) target(%arg19 : memref<128x128xf32, #tpu.memory_space<vmem>>) offsets(%arg9 : memref<128xi32, #tpu.memory_space<vmem>>) semaphore(%arg31 : memref<!tpu.dma_semaphore, #tpu.memory_space<semaphore_mem>>)
      } else {
      }
      %sub3A_434 = arith.constant 2 : i32
      %sub3A_435 = arith.subi %add3A_385, %sub3A_434 : i32
      %ge3A_436 = arith.constant 0 : i32
      %ge3A_437 = arith.cmpi sge, %sub3A_435, %ge3A_436 : i32
      %mul3A_438 = arith.constant 16 : i32
      %mul3A_439 = arith.muli %sub3A_435, %mul3A_438 : i32
      %add3A_440 = arith.addi %arg1, %mul3A_439 : i32
      %lt3A_441 = arith.constant 2500 : i32
      %lt3A_442 = arith.cmpi slt, %add3A_440, %lt3A_441 : i32
      %and3A_443 = arith.andi %ge3A_437, %lt3A_442 : i1
      %convert_element_type3A_444 = arith.extui %and3A_443 : i1 to i32
      %cond3A_445 = arith.constant 0 : i32
      %cond3A_446 = arith.cmpi ne, %convert_element_type3A_444, %cond3A_445 : i32
      scf.if %cond3A_446 {
        %dma_wait3A = arith.constant 0 : i32
        %dma_wait3A_536 = arith.constant 0 : i32
        %dma_wait3A_537 = tpu.memref_slice %arg2[%dma_wait3A, %dma_wait3A_536] : memref<10000x128xf32, #tpu.memory_space<hbm>> -> memref<10000x128xf32, #tpu.memory_space<hbm>>
        tpu.wait_indirect_dma semaphore(%arg29 : memref<!tpu.dma_semaphore, #tpu.memory_space<semaphore_mem>>) src(%dma_wait3A_537 : memref<10000x128xf32, #tpu.memory_space<hbm>>) dst(%arg17 : memref<128x128xf32, #tpu.memory_space<vmem>>)
      } else {
      }
      %sub3A_447 = arith.constant 2 : i32
      %sub3A_448 = arith.subi %add3A_385, %sub3A_447 : i32
      %ge3A_449 = arith.constant 0 : i32
      %ge3A_450 = arith.cmpi sge, %sub3A_448, %ge3A_449 : i32
      %mul3A_451 = arith.constant 16 : i32
      %mul3A_452 = arith.muli %sub3A_448, %mul3A_451 : i32
      %add3A_453 = arith.addi %arg1, %mul3A_452 : i32
      %lt3A_454 = arith.constant 2500 : i32
      %lt3A_455 = arith.cmpi slt, %add3A_453, %lt3A_454 : i32
      %and3A_456 = arith.andi %ge3A_450, %lt3A_455 : i1
      %convert_element_type3A_457 = arith.extui %and3A_456 : i1 to i32
      %cond3A_458 = arith.constant 0 : i32
      %cond3A_459 = arith.cmpi ne, %convert_element_type3A_457, %cond3A_458 : i32
      scf.if %cond3A_459 {
        %dma_start3A = arith.constant 0 : i32
        %dma_start3A_536 = arith.constant 0 : i32
        %dma_start3A_537 = tpu.memref_slice %arg22[%dma_start3A, %dma_start3A_536] : memref<5184x128xf32, #tpu.memory_space<vmem_shared>> -> memref<5184x128xf32, #tpu.memory_space<vmem_shared>>
        tpu.enqueue_indirect_dma source(%arg17 : memref<128x128xf32, #tpu.memory_space<vmem>>) target(%dma_start3A_537 : memref<5184x128xf32, #tpu.memory_space<vmem_shared>>) offsets(%arg12 : memref<128xi32, #tpu.memory_space<vmem>>) semaphore(%arg34 : memref<!tpu.dma_semaphore, #tpu.memory_space<semaphore_mem>>) {add = true}
      } else {
      }
      %add3A_460 = arith.constant 4 : i32
      %add3A_461 = arith.addi %add3A_156, %add3A_460 : i32
      %sub3A_462 = arith.constant 4 : i32
      %sub3A_463 = arith.subi %add3A_461, %sub3A_462 : i32
      %ge3A_464 = arith.constant 0 : i32
      %ge3A_465 = arith.cmpi sge, %sub3A_463, %ge3A_464 : i32
      %mul3A_466 = arith.constant 16 : i32
      %mul3A_467 = arith.muli %sub3A_463, %mul3A_466 : i32
      %add3A_468 = arith.addi %arg1, %mul3A_467 : i32
      %lt3A_469 = arith.constant 2500 : i32
      %lt3A_470 = arith.cmpi slt, %add3A_468, %lt3A_469 : i32
      %and3A_471 = arith.andi %ge3A_465, %lt3A_470 : i1
      %convert_element_type3A_472 = arith.extui %and3A_471 : i1 to i32
      %cond3A_473 = arith.constant 0 : i32
      %cond3A_474 = arith.cmpi ne, %convert_element_type3A_472, %cond3A_473 : i32
      scf.if %cond3A_474 {
        %dma_wait3A = arith.constant 0 : i32
        %dma_wait3A_536 = arith.constant 0 : i32
        %dma_wait3A_537 = tpu.memref_slice %arg22[%dma_wait3A, %dma_wait3A_536] : memref<5184x128xf32, #tpu.memory_space<vmem_shared>> -> memref<5184x128xf32, #tpu.memory_space<vmem_shared>>
        tpu.wait_indirect_dma semaphore(%arg33 : memref<!tpu.dma_semaphore, #tpu.memory_space<semaphore_mem>>) src(%arg16 : memref<128x128xf32, #tpu.memory_space<vmem>>) dst(%dma_wait3A_537 : memref<5184x128xf32, #tpu.memory_space<vmem_shared>>)
      } else {
      }
      %add3A_475 = arith.constant 1 : i32
      %add3A_476 = arith.addi %add3A_461, %add3A_475 : i32
      %ge3A_477 = arith.constant 0 : i32
      %ge3A_478 = arith.cmpi sge, %add3A_476, %ge3A_477 : i32
      %mul3A_479 = arith.constant 16 : i32
      %mul3A_480 = arith.muli %add3A_476, %mul3A_479 : i32
      %add3A_481 = arith.addi %arg1, %mul3A_480 : i32
      %lt3A_482 = arith.constant 2500 : i32
      %lt3A_483 = arith.cmpi slt, %add3A_481, %lt3A_482 : i32
      %and3A_484 = arith.andi %ge3A_478, %lt3A_483 : i1
      %convert_element_type3A_485 = arith.extui %and3A_484 : i1 to i32
      %cond3A_486 = arith.constant 0 : i32
      %cond3A_487 = arith.cmpi ne, %convert_element_type3A_485, %cond3A_486 : i32
      scf.if %cond3A_487 {
        %mul3A_536 = arith.constant 16 : i32
        %mul3A_537 = arith.muli %add3A_476, %mul3A_536 : i32
        %add3A_538 = arith.addi %arg1, %mul3A_537 : i32
        %dma_start3A = arith.constant 0 : i32
        %dma_start3A_539 = tpu.memref_slice %arg3[%add3A_538, %dma_start3A] : memref<2500x128xi32, #tpu.memory_space<hbm>> -> memref<1x128xi32, #tpu.memory_space<hbm>>
        %dma_start3A_540 = tpu.memref_squeeze %dma_start3A_539 : memref<1x128xi32, #tpu.memory_space<hbm>> -> memref<128xi32, #tpu.memory_space<hbm>>
        %dma_start3A_541 = arith.constant 0 : i32
        %dma_start3A_542 = tpu.memref_slice %arg3[%add3A_538, %dma_start3A_541] : memref<2500x128xi32, #tpu.memory_space<hbm>> -> memref<1x128xi32, #tpu.memory_space<hbm>>
        %dma_start3A_543 = tpu.memref_squeeze %dma_start3A_542 : memref<1x128xi32, #tpu.memory_space<hbm>> -> memref<128xi32, #tpu.memory_space<hbm>>
        tpu.enqueue_dma source(%dma_start3A_543 : memref<128xi32, #tpu.memory_space<hbm>>) target(%arg6 : memref<128xi32, #tpu.memory_space<vmem>>) target_semaphore(%arg23 : memref<!tpu.dma_semaphore, #tpu.memory_space<semaphore_mem>>)
        %mul3A_544 = arith.constant 16 : i32
        %mul3A_545 = arith.muli %add3A_476, %mul3A_544 : i32
        %add3A_546 = arith.addi %arg1, %mul3A_545 : i32
        %dma_start3A_547 = arith.constant 0 : i32
        %dma_start3A_548 = tpu.memref_slice %arg4[%add3A_546, %dma_start3A_547] : memref<2500x128xi32, #tpu.memory_space<hbm>> -> memref<1x128xi32, #tpu.memory_space<hbm>>
        %dma_start3A_549 = tpu.memref_squeeze %dma_start3A_548 : memref<1x128xi32, #tpu.memory_space<hbm>> -> memref<128xi32, #tpu.memory_space<hbm>>
        %dma_start3A_550 = arith.constant 0 : i32
        %dma_start3A_551 = tpu.memref_slice %arg4[%add3A_546, %dma_start3A_550] : memref<2500x128xi32, #tpu.memory_space<hbm>> -> memref<1x128xi32, #tpu.memory_space<hbm>>
        %dma_start3A_552 = tpu.memref_squeeze %dma_start3A_551 : memref<1x128xi32, #tpu.memory_space<hbm>> -> memref<128xi32, #tpu.memory_space<hbm>>
        tpu.enqueue_dma source(%dma_start3A_552 : memref<128xi32, #tpu.memory_space<hbm>>) target(%arg11 : memref<128xi32, #tpu.memory_space<vmem>>) target_semaphore(%arg23 : memref<!tpu.dma_semaphore, #tpu.memory_space<semaphore_mem>>)
      } else {
      }
      %ge3A_488 = arith.constant 0 : i32
      %ge3A_489 = arith.cmpi sge, %add3A_461, %ge3A_488 : i32
      %mul3A_490 = arith.constant 16 : i32
      %mul3A_491 = arith.muli %add3A_461, %mul3A_490 : i32
      %add3A_492 = arith.addi %arg1, %mul3A_491 : i32
      %lt3A_493 = arith.constant 2500 : i32
      %lt3A_494 = arith.cmpi slt, %add3A_492, %lt3A_493 : i32
      %and3A_495 = arith.andi %ge3A_489, %lt3A_494 : i1
      %convert_element_type3A_496 = arith.extui %and3A_495 : i1 to i32
      %cond3A_497 = arith.constant 0 : i32
      %cond3A_498 = arith.cmpi ne, %convert_element_type3A_496, %cond3A_497 : i32
      scf.if %cond3A_498 {
        %dma_wait3A = arith.constant 0 : i32
        %dma_wait3A_536 = arith.constant 0 : i32
        %dma_wait3A_537 = tpu.memref_slice %arg3[%dma_wait3A, %dma_wait3A_536] : memref<2500x128xi32, #tpu.memory_space<hbm>> -> memref<1x128xi32, #tpu.memory_space<hbm>>
        %dma_wait3A_538 = tpu.memref_squeeze %dma_wait3A_537 : memref<1x128xi32, #tpu.memory_space<hbm>> -> memref<128xi32, #tpu.memory_space<hbm>>
        %dma_wait3A_539 = arith.constant 0 : i32
        %dma_wait3A_540 = tpu.memref_slice %arg3[%dma_wait3A, %dma_wait3A_539] : memref<2500x128xi32, #tpu.memory_space<hbm>> -> memref<1x128xi32, #tpu.memory_space<hbm>>
        %dma_wait3A_541 = tpu.memref_squeeze %dma_wait3A_540 : memref<1x128xi32, #tpu.memory_space<hbm>> -> memref<128xi32, #tpu.memory_space<hbm>>
        tpu.wait_dma2 semaphore(%arg27 : memref<!tpu.dma_semaphore, #tpu.memory_space<semaphore_mem>>) src(%dma_wait3A_541 : memref<128xi32, #tpu.memory_space<hbm>>) dst(%arg10 : memref<128xi32, #tpu.memory_space<vmem>>)
        %dma_wait3A_542 = arith.constant 0 : i32
        %dma_wait3A_543 = arith.constant 0 : i32
        %dma_wait3A_544 = tpu.memref_slice %arg4[%dma_wait3A_542, %dma_wait3A_543] : memref<2500x128xi32, #tpu.memory_space<hbm>> -> memref<1x128xi32, #tpu.memory_space<hbm>>
        %dma_wait3A_545 = tpu.memref_squeeze %dma_wait3A_544 : memref<1x128xi32, #tpu.memory_space<hbm>> -> memref<128xi32, #tpu.memory_space<hbm>>
        %dma_wait3A_546 = arith.constant 0 : i32
        %dma_wait3A_547 = tpu.memref_slice %arg4[%dma_wait3A_542, %dma_wait3A_546] : memref<2500x128xi32, #tpu.memory_space<hbm>> -> memref<1x128xi32, #tpu.memory_space<hbm>>
        %dma_wait3A_548 = tpu.memref_squeeze %dma_wait3A_547 : memref<1x128xi32, #tpu.memory_space<hbm>> -> memref<128xi32, #tpu.memory_space<hbm>>
        tpu.wait_dma2 semaphore(%arg27 : memref<!tpu.dma_semaphore, #tpu.memory_space<semaphore_mem>>) src(%dma_wait3A_548 : memref<128xi32, #tpu.memory_space<hbm>>) dst(%arg15 : memref<128xi32, #tpu.memory_space<vmem>>)
        %get3A = arith.constant 0 : index
        %get3A_549 = tpu.vector_load %arg15[%get3A] {strides = array<i32>} : memref<128xi32, #tpu.memory_space<vmem>>, vector<16xi32>,
        %get3A_550 = vector.shape_cast %get3A_549 : vector<16xi32> to vector<16xi32>
        %sub3A_551 = vector.broadcast %mul3A_0 : i32 to vector<16xi32>
        %sub3A_552 = arith.subi %get3A_550, %sub3A_551 : vector<16xi32>
        %ge3A_553 = arith.constant 0 : i32
        %ge3A_554 = vector.broadcast %ge3A_553 : i32 to vector<16xi32>
        %ge3A_555 = arith.cmpi sge, %sub3A_552, %ge3A_554 : vector<16xi32>
        %lt3A_556 = arith.constant 5120 : i32
        %lt3A_557 = vector.broadcast %lt3A_556 : i32 to vector<16xi32>
        %lt3A_558 = arith.cmpi slt, %sub3A_552, %lt3A_557 : vector<16xi32>
        %and3A_559 = arith.andi %ge3A_555, %lt3A_558 : vector<16xi1>
        %broadcast_in_dim3A = arith.constant 0 : i32
        %broadcast_in_dim3A_560 = vector.broadcast %broadcast_in_dim3A : i32 to vector<16xi32>
        %mul3A_561 = arith.constant 4 : i32
        %mul3A_562 = arith.muli %arg1, %mul3A_561 : i32
        %add3A_563 = arith.constant 5120 : i32
        %add3A_564 = arith.addi %add3A_563, %mul3A_562 : i32
        %add3A_565 = arith.constant 0 : i32
        %add3A_566 = arith.addi %add3A_564, %add3A_565 : i32
        %add3A_567 = vector.broadcast %add3A_566 : i32 to vector<16xi32>
        %add3A_568 = arith.addi %broadcast_in_dim3A_560, %add3A_567 : vector<16xi32>
        %select_n3A = arith.select %and3A_559, %sub3A_552, %add3A_568 : vector<16xi1>, vector<16xi32>
        %swap3A = arith.constant 0 : index
        %swap3A_569 = tpu.vector_load %arg15[%swap3A] {strides = array<i32>} : memref<128xi32, #tpu.memory_space<vmem>>, vector<16xi32>,
        %swap3A_570 = vector.shape_cast %swap3A_569 : vector<16xi32> to vector<16xi32>
        %swap3A_571 = vector.shape_cast %select_n3A : vector<16xi32> to vector<16xi32>
        tpu.vector_store %arg15[%swap3A], %swap3A_571 {strides = array<i32>} : memref<128xi32, #tpu.memory_space<vmem>>, vector<16xi32>,
        %get3A_572 = arith.constant 16 : index
        %get3A_573 = tpu.vector_load %arg15[%get3A_572] {strides = array<i32>} : memref<128xi32, #tpu.memory_space<vmem>>, vector<16xi32>,
        %get3A_574 = vector.shape_cast %get3A_573 : vector<16xi32> to vector<16xi32>
        %sub3A_575 = vector.broadcast %mul3A_0 : i32 to vector<16xi32>
        %sub3A_576 = arith.subi %get3A_574, %sub3A_575 : vector<16xi32>
        %ge3A_577 = arith.constant 0 : i32
        %ge3A_578 = vector.broadcast %ge3A_577 : i32 to vector<16xi32>
        %ge3A_579 = arith.cmpi sge, %sub3A_576, %ge3A_578 : vector<16xi32>
        %lt3A_580 = arith.constant 5120 : i32
        %lt3A_581 = vector.broadcast %lt3A_580 : i32 to vector<16xi32>
        %lt3A_582 = arith.cmpi slt, %sub3A_576, %lt3A_581 : vector<16xi32>
        %and3A_583 = arith.andi %ge3A_579, %lt3A_582 : vector<16xi1>
        %broadcast_in_dim3A_584 = arith.constant 0 : i32
        %broadcast_in_dim3A_585 = vector.broadcast %broadcast_in_dim3A_584 : i32 to vector<16xi32>
        %mul3A_586 = arith.constant 4 : i32
        %mul3A_587 = arith.muli %arg1, %mul3A_586 : i32
        %add3A_588 = arith.constant 5120 : i32
        %add3A_589 = arith.addi %add3A_588, %mul3A_587 : i32
        %add3A_590 = arith.constant 1 : i32
        %add3A_591 = arith.addi %add3A_589, %add3A_590 : i32
        %add3A_592 = vector.broadcast %add3A_591 : i32 to vector<16xi32>
        %add3A_593 = arith.addi %broadcast_in_dim3A_585, %add3A_592 : vector<16xi32>
        %select_n3A_594 = arith.select %and3A_583, %sub3A_576, %add3A_593 : vector<16xi1>, vector<16xi32>
        %swap3A_595 = arith.constant 16 : index
        %swap3A_596 = tpu.vector_load %arg15[%swap3A_595] {strides = array<i32>} : memref<128xi32, #tpu.memory_space<vmem>>, vector<16xi32>,
        %swap3A_597 = vector.shape_cast %swap3A_596 : vector<16xi32> to vector<16xi32>
        %swap3A_598 = vector.shape_cast %select_n3A_594 : vector<16xi32> to vector<16xi32>
        tpu.vector_store %arg15[%swap3A_595], %swap3A_598 {strides = array<i32>} : memref<128xi32, #tpu.memory_space<vmem>>, vector<16xi32>,
        %get3A_599 = arith.constant 32 : index
        %get3A_600 = tpu.vector_load %arg15[%get3A_599] {strides = array<i32>} : memref<128xi32, #tpu.memory_space<vmem>>, vector<16xi32>,
        %get3A_601 = vector.shape_cast %get3A_600 : vector<16xi32> to vector<16xi32>
        %sub3A_602 = vector.broadcast %mul3A_0 : i32 to vector<16xi32>
        %sub3A_603 = arith.subi %get3A_601, %sub3A_602 : vector<16xi32>
        %ge3A_604 = arith.constant 0 : i32
        %ge3A_605 = vector.broadcast %ge3A_604 : i32 to vector<16xi32>
        %ge3A_606 = arith.cmpi sge, %sub3A_603, %ge3A_605 : vector<16xi32>
        %lt3A_607 = arith.constant 5120 : i32
        %lt3A_608 = vector.broadcast %lt3A_607 : i32 to vector<16xi32>
        %lt3A_609 = arith.cmpi slt, %sub3A_603, %lt3A_608 : vector<16xi32>
        %and3A_610 = arith.andi %ge3A_606, %lt3A_609 : vector<16xi1>
        %broadcast_in_dim3A_611 = arith.constant 0 : i32
        %broadcast_in_dim3A_612 = vector.broadcast %broadcast_in_dim3A_611 : i32 to vector<16xi32>
        %mul3A_613 = arith.constant 4 : i32
        %mul3A_614 = arith.muli %arg1, %mul3A_613 : i32
        %add3A_615 = arith.constant 5120 : i32
        %add3A_616 = arith.addi %add3A_615, %mul3A_614 : i32
        %add3A_617 = arith.constant 2 : i32
        %add3A_618 = arith.addi %add3A_616, %add3A_617 : i32
        %add3A_619 = vector.broadcast %add3A_618 : i32 to vector<16xi32>
        %add3A_620 = arith.addi %broadcast_in_dim3A_612, %add3A_619 : vector<16xi32>
        %select_n3A_621 = arith.select %and3A_610, %sub3A_603, %add3A_620 : vector<16xi1>, vector<16xi32>
        %swap3A_622 = arith.constant 32 : index
        %swap3A_623 = tpu.vector_load %arg15[%swap3A_622] {strides = array<i32>} : memref<128xi32, #tpu.memory_space<vmem>>, vector<16xi32>,
        %swap3A_624 = vector.shape_cast %swap3A_623 : vector<16xi32> to vector<16xi32>
        %swap3A_625 = vector.shape_cast %select_n3A_621 : vector<16xi32> to vector<16xi32>
        tpu.vector_store %arg15[%swap3A_622], %swap3A_625 {strides = array<i32>} : memref<128xi32, #tpu.memory_space<vmem>>, vector<16xi32>,
        %get3A_626 = arith.constant 48 : index
        %get3A_627 = tpu.vector_load %arg15[%get3A_626] {strides = array<i32>} : memref<128xi32, #tpu.memory_space<vmem>>, vector<16xi32>,
        %get3A_628 = vector.shape_cast %get3A_627 : vector<16xi32> to vector<16xi32>
        %sub3A_629 = vector.broadcast %mul3A_0 : i32 to vector<16xi32>
        %sub3A_630 = arith.subi %get3A_628, %sub3A_629 : vector<16xi32>
        %ge3A_631 = arith.constant 0 : i32
        %ge3A_632 = vector.broadcast %ge3A_631 : i32 to vector<16xi32>
        %ge3A_633 = arith.cmpi sge, %sub3A_630, %ge3A_632 : vector<16xi32>
        %lt3A_634 = arith.constant 5120 : i32
        %lt3A_635 = vector.broadcast %lt3A_634 : i32 to vector<16xi32>
        %lt3A_636 = arith.cmpi slt, %sub3A_630, %lt3A_635 : vector<16xi32>
        %and3A_637 = arith.andi %ge3A_633, %lt3A_636 : vector<16xi1>
        %broadcast_in_dim3A_638 = arith.constant 0 : i32
        %broadcast_in_dim3A_639 = vector.broadcast %broadcast_in_dim3A_638 : i32 to vector<16xi32>
        %mul3A_640 = arith.constant 4 : i32
        %mul3A_641 = arith.muli %arg1, %mul3A_640 : i32
        %add3A_642 = arith.constant 5120 : i32
        %add3A_643 = arith.addi %add3A_642, %mul3A_641 : i32
        %add3A_644 = arith.constant 3 : i32
        %add3A_645 = arith.addi %add3A_643, %add3A_644 : i32
        %add3A_646 = vector.broadcast %add3A_645 : i32 to vector<16xi32>
        %add3A_647 = arith.addi %broadcast_in_dim3A_639, %add3A_646 : vector<16xi32>
        %select_n3A_648 = arith.select %and3A_637, %sub3A_630, %add3A_647 : vector<16xi1>, vector<16xi32>
        %swap3A_649 = arith.constant 48 : index
        %swap3A_650 = tpu.vector_load %arg15[%swap3A_649] {strides = array<i32>} : memref<128xi32, #tpu.memory_space<vmem>>, vector<16xi32>,
        %swap3A_651 = vector.shape_cast %swap3A_650 : vector<16xi32> to vector<16xi32>
        %swap3A_652 = vector.shape_cast %select_n3A_648 : vector<16xi32> to vector<16xi32>
        tpu.vector_store %arg15[%swap3A_649], %swap3A_652 {strides = array<i32>} : memref<128xi32, #tpu.memory_space<vmem>>, vector<16xi32>,
        %get3A_653 = arith.constant 64 : index
        %get3A_654 = tpu.vector_load %arg15[%get3A_653] {strides = array<i32>} : memref<128xi32, #tpu.memory_space<vmem>>, vector<16xi32>,
        %get3A_655 = vector.shape_cast %get3A_654 : vector<16xi32> to vector<16xi32>
        %sub3A_656 = vector.broadcast %mul3A_0 : i32 to vector<16xi32>
        %sub3A_657 = arith.subi %get3A_655, %sub3A_656 : vector<16xi32>
        %ge3A_658 = arith.constant 0 : i32
        %ge3A_659 = vector.broadcast %ge3A_658 : i32 to vector<16xi32>
        %ge3A_660 = arith.cmpi sge, %sub3A_657, %ge3A_659 : vector<16xi32>
        %lt3A_661 = arith.constant 5120 : i32
        %lt3A_662 = vector.broadcast %lt3A_661 : i32 to vector<16xi32>
        %lt3A_663 = arith.cmpi slt, %sub3A_657, %lt3A_662 : vector<16xi32>
        %and3A_664 = arith.andi %ge3A_660, %lt3A_663 : vector<16xi1>
        %broadcast_in_dim3A_665 = arith.constant 0 : i32
        %broadcast_in_dim3A_666 = vector.broadcast %broadcast_in_dim3A_665 : i32 to vector<16xi32>
        %mul3A_667 = arith.constant 4 : i32
        %mul3A_668 = arith.muli %arg1, %mul3A_667 : i32
        %add3A_669 = arith.constant 5120 : i32
        %add3A_670 = arith.addi %add3A_669, %mul3A_668 : i32
        %add3A_671 = arith.constant 0 : i32
        %add3A_672 = arith.addi %add3A_670, %add3A_671 : i32
        %add3A_673 = vector.broadcast %add3A_672 : i32 to vector<16xi32>
        %add3A_674 = arith.addi %broadcast_in_dim3A_666, %add3A_673 : vector<16xi32>
        %select_n3A_675 = arith.select %and3A_664, %sub3A_657, %add3A_674 : vector<16xi1>, vector<16xi32>
        %swap3A_676 = arith.constant 64 : index
        %swap3A_677 = tpu.vector_load %arg15[%swap3A_676] {strides = array<i32>} : memref<128xi32, #tpu.memory_space<vmem>>, vector<16xi32>,
        %swap3A_678 = vector.shape_cast %swap3A_677 : vector<16xi32> to vector<16xi32>
        %swap3A_679 = vector.shape_cast %select_n3A_675 : vector<16xi32> to vector<16xi32>
        tpu.vector_store %arg15[%swap3A_676], %swap3A_679 {strides = array<i32>} : memref<128xi32, #tpu.memory_space<vmem>>, vector<16xi32>,
        %get3A_680 = arith.constant 80 : index
        %get3A_681 = tpu.vector_load %arg15[%get3A_680] {strides = array<i32>} : memref<128xi32, #tpu.memory_space<vmem>>, vector<16xi32>,
        %get3A_682 = vector.shape_cast %get3A_681 : vector<16xi32> to vector<16xi32>
        %sub3A_683 = vector.broadcast %mul3A_0 : i32 to vector<16xi32>
        %sub3A_684 = arith.subi %get3A_682, %sub3A_683 : vector<16xi32>
        %ge3A_685 = arith.constant 0 : i32
        %ge3A_686 = vector.broadcast %ge3A_685 : i32 to vector<16xi32>
        %ge3A_687 = arith.cmpi sge, %sub3A_684, %ge3A_686 : vector<16xi32>
        %lt3A_688 = arith.constant 5120 : i32
        %lt3A_689 = vector.broadcast %lt3A_688 : i32 to vector<16xi32>
        %lt3A_690 = arith.cmpi slt, %sub3A_684, %lt3A_689 : vector<16xi32>
        %and3A_691 = arith.andi %ge3A_687, %lt3A_690 : vector<16xi1>
        %broadcast_in_dim3A_692 = arith.constant 0 : i32
        %broadcast_in_dim3A_693 = vector.broadcast %broadcast_in_dim3A_692 : i32 to vector<16xi32>
        %mul3A_694 = arith.constant 4 : i32
        %mul3A_695 = arith.muli %arg1, %mul3A_694 : i32
        %add3A_696 = arith.constant 5120 : i32
        %add3A_697 = arith.addi %add3A_696, %mul3A_695 : i32
        %add3A_698 = arith.constant 1 : i32
        %add3A_699 = arith.addi %add3A_697, %add3A_698 : i32
        %add3A_700 = vector.broadcast %add3A_699 : i32 to vector<16xi32>
        %add3A_701 = arith.addi %broadcast_in_dim3A_693, %add3A_700 : vector<16xi32>
        %select_n3A_702 = arith.select %and3A_691, %sub3A_684, %add3A_701 : vector<16xi1>, vector<16xi32>
        %swap3A_703 = arith.constant 80 : index
        %swap3A_704 = tpu.vector_load %arg15[%swap3A_703] {strides = array<i32>} : memref<128xi32, #tpu.memory_space<vmem>>, vector<16xi32>,
        %swap3A_705 = vector.shape_cast %swap3A_704 : vector<16xi32> to vector<16xi32>
        %swap3A_706 = vector.shape_cast %select_n3A_702 : vector<16xi32> to vector<16xi32>
        tpu.vector_store %arg15[%swap3A_703], %swap3A_706 {strides = array<i32>} : memref<128xi32, #tpu.memory_space<vmem>>, vector<16xi32>,
        %get3A_707 = arith.constant 96 : index
        %get3A_708 = tpu.vector_load %arg15[%get3A_707] {strides = array<i32>} : memref<128xi32, #tpu.memory_space<vmem>>, vector<16xi32>,
        %get3A_709 = vector.shape_cast %get3A_708 : vector<16xi32> to vector<16xi32>
        %sub3A_710 = vector.broadcast %mul3A_0 : i32 to vector<16xi32>
        %sub3A_711 = arith.subi %get3A_709, %sub3A_710 : vector<16xi32>
        %ge3A_712 = arith.constant 0 : i32
        %ge3A_713 = vector.broadcast %ge3A_712 : i32 to vector<16xi32>
        %ge3A_714 = arith.cmpi sge, %sub3A_711, %ge3A_713 : vector<16xi32>
        %lt3A_715 = arith.constant 5120 : i32
        %lt3A_716 = vector.broadcast %lt3A_715 : i32 to vector<16xi32>
        %lt3A_717 = arith.cmpi slt, %sub3A_711, %lt3A_716 : vector<16xi32>
        %and3A_718 = arith.andi %ge3A_714, %lt3A_717 : vector<16xi1>
        %broadcast_in_dim3A_719 = arith.constant 0 : i32
        %broadcast_in_dim3A_720 = vector.broadcast %broadcast_in_dim3A_719 : i32 to vector<16xi32>
        %mul3A_721 = arith.constant 4 : i32
        %mul3A_722 = arith.muli %arg1, %mul3A_721 : i32
        %add3A_723 = arith.constant 5120 : i32
        %add3A_724 = arith.addi %add3A_723, %mul3A_722 : i32
        %add3A_725 = arith.constant 2 : i32
        %add3A_726 = arith.addi %add3A_724, %add3A_725 : i32
        %add3A_727 = vector.broadcast %add3A_726 : i32 to vector<16xi32>
        %add3A_728 = arith.addi %broadcast_in_dim3A_720, %add3A_727 : vector<16xi32>
        %select_n3A_729 = arith.select %and3A_718, %sub3A_711, %add3A_728 : vector<16xi1>, vector<16xi32>
        %swap3A_730 = arith.constant 96 : index
        %swap3A_731 = tpu.vector_load %arg15[%swap3A_730] {strides = array<i32>} : memref<128xi32, #tpu.memory_space<vmem>>, vector<16xi32>,
        %swap3A_732 = vector.shape_cast %swap3A_731 : vector<16xi32> to vector<16xi32>
        %swap3A_733 = vector.shape_cast %select_n3A_729 : vector<16xi32> to vector<16xi32>
        tpu.vector_store %arg15[%swap3A_730], %swap3A_733 {strides = array<i32>} : memref<128xi32, #tpu.memory_space<vmem>>, vector<16xi32>,
        %get3A_734 = arith.constant 112 : index
        %get3A_735 = tpu.vector_load %arg15[%get3A_734] {strides = array<i32>} : memref<128xi32, #tpu.memory_space<vmem>>, vector<16xi32>,
        %get3A_736 = vector.shape_cast %get3A_735 : vector<16xi32> to vector<16xi32>
        %sub3A_737 = vector.broadcast %mul3A_0 : i32 to vector<16xi32>
        %sub3A_738 = arith.subi %get3A_736, %sub3A_737 : vector<16xi32>
        %ge3A_739 = arith.constant 0 : i32
        %ge3A_740 = vector.broadcast %ge3A_739 : i32 to vector<16xi32>
        %ge3A_741 = arith.cmpi sge, %sub3A_738, %ge3A_740 : vector<16xi32>
        %lt3A_742 = arith.constant 5120 : i32
        %lt3A_743 = vector.broadcast %lt3A_742 : i32 to vector<16xi32>
        %lt3A_744 = arith.cmpi slt, %sub3A_738, %lt3A_743 : vector<16xi32>
        %and3A_745 = arith.andi %ge3A_741, %lt3A_744 : vector<16xi1>
        %broadcast_in_dim3A_746 = arith.constant 0 : i32
        %broadcast_in_dim3A_747 = vector.broadcast %broadcast_in_dim3A_746 : i32 to vector<16xi32>
        %mul3A_748 = arith.constant 4 : i32
        %mul3A_749 = arith.muli %arg1, %mul3A_748 : i32
        %add3A_750 = arith.constant 5120 : i32
        %add3A_751 = arith.addi %add3A_750, %mul3A_749 : i32
        %add3A_752 = arith.constant 3 : i32
        %add3A_753 = arith.addi %add3A_751, %add3A_752 : i32
        %add3A_754 = vector.broadcast %add3A_753 : i32 to vector<16xi32>
        %add3A_755 = arith.addi %broadcast_in_dim3A_747, %add3A_754 : vector<16xi32>
        %select_n3A_756 = arith.select %and3A_745, %sub3A_738, %add3A_755 : vector<16xi1>, vector<16xi32>
        %swap3A_757 = arith.constant 112 : index
        %swap3A_758 = tpu.vector_load %arg15[%swap3A_757] {strides = array<i32>} : memref<128xi32, #tpu.memory_space<vmem>>, vector<16xi32>,
        %swap3A_759 = vector.shape_cast %swap3A_758 : vector<16xi32> to vector<16xi32>
        %swap3A_760 = vector.shape_cast %select_n3A_756 : vector<16xi32> to vector<16xi32>
        tpu.vector_store %arg15[%swap3A_757], %swap3A_760 {strides = array<i32>} : memref<128xi32, #tpu.memory_space<vmem>>, vector<16xi32>,
      } else {
      }
      %ge3A_499 = arith.constant 0 : i32
      %ge3A_500 = arith.cmpi sge, %add3A_461, %ge3A_499 : i32
      %mul3A_501 = arith.constant 16 : i32
      %mul3A_502 = arith.muli %add3A_461, %mul3A_501 : i32
      %add3A_503 = arith.addi %arg1, %mul3A_502 : i32
      %lt3A_504 = arith.constant 2500 : i32
      %lt3A_505 = arith.cmpi slt, %add3A_503, %lt3A_504 : i32
      %and3A_506 = arith.andi %ge3A_500, %lt3A_505 : i1
      %convert_element_type3A_507 = arith.extui %and3A_506 : i1 to i32
      %cond3A_508 = arith.constant 0 : i32
      %cond3A_509 = arith.cmpi ne, %convert_element_type3A_507, %cond3A_508 : i32
      scf.if %cond3A_509 {
        %dma_start3A = arith.constant 0 : i32
        %dma_start3A_536 = arith.constant 0 : i32
        %dma_start3A_537 = tpu.memref_slice %arg2[%dma_start3A, %dma_start3A_536] : memref<10000x128xf32, #tpu.memory_space<hbm>> -> memref<10000x128xf32, #tpu.memory_space<hbm>>
        tpu.enqueue_indirect_dma source(%dma_start3A_537 : memref<10000x128xf32, #tpu.memory_space<hbm>>) target(%arg20 : memref<128x128xf32, #tpu.memory_space<vmem>>) offsets(%arg10 : memref<128xi32, #tpu.memory_space<vmem>>) semaphore(%arg32 : memref<!tpu.dma_semaphore, #tpu.memory_space<semaphore_mem>>)
      } else {
      }
      %sub3A_510 = arith.constant 2 : i32
      %sub3A_511 = arith.subi %add3A_461, %sub3A_510 : i32
      %ge3A_512 = arith.constant 0 : i32
      %ge3A_513 = arith.cmpi sge, %sub3A_511, %ge3A_512 : i32
      %mul3A_514 = arith.constant 16 : i32
      %mul3A_515 = arith.muli %sub3A_511, %mul3A_514 : i32
      %add3A_516 = arith.addi %arg1, %mul3A_515 : i32
      %lt3A_517 = arith.constant 2500 : i32
      %lt3A_518 = arith.cmpi slt, %add3A_516, %lt3A_517 : i32
      %and3A_519 = arith.andi %ge3A_513, %lt3A_518 : i1
      %convert_element_type3A_520 = arith.extui %and3A_519 : i1 to i32
      %cond3A_521 = arith.constant 0 : i32
      %cond3A_522 = arith.cmpi ne, %convert_element_type3A_520, %cond3A_521 : i32
      scf.if %cond3A_522 {
        %dma_wait3A = arith.constant 0 : i32
        %dma_wait3A_536 = arith.constant 0 : i32
        %dma_wait3A_537 = tpu.memref_slice %arg2[%dma_wait3A, %dma_wait3A_536] : memref<10000x128xf32, #tpu.memory_space<hbm>> -> memref<10000x128xf32, #tpu.memory_space<hbm>>
        tpu.wait_indirect_dma semaphore(%arg30 : memref<!tpu.dma_semaphore, #tpu.memory_space<semaphore_mem>>) src(%dma_wait3A_537 : memref<10000x128xf32, #tpu.memory_space<hbm>>) dst(%arg18 : memref<128x128xf32, #tpu.memory_space<vmem>>)
      } else {
      }
      %sub3A_523 = arith.constant 2 : i32
      %sub3A_524 = arith.subi %add3A_461, %sub3A_523 : i32
      %ge3A_525 = arith.constant 0 : i32
      %ge3A_526 = arith.cmpi sge, %sub3A_524, %ge3A_525 : i32
      %mul3A_527 = arith.constant 16 : i32
      %mul3A_528 = arith.muli %sub3A_524, %mul3A_527 : i32
      %add3A_529 = arith.addi %arg1, %mul3A_528 : i32
      %lt3A_530 = arith.constant 2500 : i32
      %lt3A_531 = arith.cmpi slt, %add3A_529, %lt3A_530 : i32
      %and3A_532 = arith.andi %ge3A_526, %lt3A_531 : i1
      %convert_element_type3A_533 = arith.extui %and3A_532 : i1 to i32
      %cond3A_534 = arith.constant 0 : i32
      %cond3A_535 = arith.cmpi ne, %convert_element_type3A_533, %cond3A_534 : i32
      scf.if %cond3A_535 {
        %dma_start3A = arith.constant 0 : i32
        %dma_start3A_536 = arith.constant 0 : i32
        %dma_start3A_537 = tpu.memref_slice %arg22[%dma_start3A, %dma_start3A_536] : memref<5184x128xf32, #tpu.memory_space<vmem_shared>> -> memref<5184x128xf32, #tpu.memory_space<vmem_shared>>
        tpu.enqueue_indirect_dma source(%arg18 : memref<128x128xf32, #tpu.memory_space<vmem>>) target(%dma_start3A_537 : memref<5184x128xf32, #tpu.memory_space<vmem_shared>>) offsets(%arg13 : memref<128xi32, #tpu.memory_space<vmem>>) semaphore(%arg35 : memref<!tpu.dma_semaphore, #tpu.memory_space<semaphore_mem>>) {add = true}
      } else {
      }
    }
    %scan3A_43 = arith.constant 32 : i32
    %ge3A_44 = arith.constant 158 : i32
    %ge3A_45 = arith.constant 0 : i32
    %ge3A_46 = arith.cmpi sge, %ge3A_44, %ge3A_45 : i32
    %mul3A_47 = arith.constant 158 : i32
    %mul3A_48 = arith.constant 16 : i32
    %mul3A_49 = arith.muli %mul3A_47, %mul3A_48 : i32
    %add3A_50 = arith.addi %arg1, %mul3A_49 : i32
    %lt3A_51 = arith.constant 2500 : i32
    %lt3A_52 = arith.cmpi slt, %add3A_50, %lt3A_51 : i32
    %and3A_53 = arith.andi %ge3A_46, %lt3A_52 : i1
    %convert_element_type3A_54 = arith.extui %and3A_53 : i1 to i32
    %cond3A_55 = arith.constant 0 : i32
    %cond3A_56 = arith.cmpi ne, %convert_element_type3A_54, %cond3A_55 : i32
    scf.if %cond3A_56 {
      %dma_wait3A = arith.constant 0 : i32
      %dma_wait3A_152 = arith.constant 0 : i32
      %dma_wait3A_153 = tpu.memref_slice %arg2[%dma_wait3A, %dma_wait3A_152] : memref<10000x128xf32, #tpu.memory_space<hbm>> -> memref<10000x128xf32, #tpu.memory_space<hbm>>
      tpu.wait_indirect_dma semaphore(%arg31 : memref<!tpu.dma_semaphore, #tpu.memory_space<semaphore_mem>>) src(%dma_wait3A_153 : memref<10000x128xf32, #tpu.memory_space<hbm>>) dst(%arg19 : memref<128x128xf32, #tpu.memory_space<vmem>>)
    } else {
    }
    %ge3A_57 = arith.constant 158 : i32
    %ge3A_58 = arith.constant 0 : i32
    %ge3A_59 = arith.cmpi sge, %ge3A_57, %ge3A_58 : i32
    %mul3A_60 = arith.constant 158 : i32
    %mul3A_61 = arith.constant 16 : i32
    %mul3A_62 = arith.muli %mul3A_60, %mul3A_61 : i32
    %add3A_63 = arith.addi %arg1, %mul3A_62 : i32
    %lt3A_64 = arith.constant 2500 : i32
    %lt3A_65 = arith.cmpi slt, %add3A_63, %lt3A_64 : i32
    %and3A_66 = arith.andi %ge3A_59, %lt3A_65 : i1
    %convert_element_type3A_67 = arith.extui %and3A_66 : i1 to i32
    %cond3A_68 = arith.constant 0 : i32
    %cond3A_69 = arith.cmpi ne, %convert_element_type3A_67, %cond3A_68 : i32
    scf.if %cond3A_69 {
      %dma_start3A = arith.constant 0 : i32
      %dma_start3A_152 = arith.constant 0 : i32
      %dma_start3A_153 = tpu.memref_slice %arg22[%dma_start3A, %dma_start3A_152] : memref<5184x128xf32, #tpu.memory_space<vmem_shared>> -> memref<5184x128xf32, #tpu.memory_space<vmem_shared>>
      tpu.enqueue_indirect_dma source(%arg19 : memref<128x128xf32, #tpu.memory_space<vmem>>) target(%dma_start3A_153 : memref<5184x128xf32, #tpu.memory_space<vmem_shared>>) offsets(%arg14 : memref<128xi32, #tpu.memory_space<vmem>>) semaphore(%arg36 : memref<!tpu.dma_semaphore, #tpu.memory_space<semaphore_mem>>) {add = true}
    } else {
    }
    %ge3A_70 = arith.constant 159 : i32
    %ge3A_71 = arith.constant 0 : i32
    %ge3A_72 = arith.cmpi sge, %ge3A_70, %ge3A_71 : i32
    %mul3A_73 = arith.constant 159 : i32
    %mul3A_74 = arith.constant 16 : i32
    %mul3A_75 = arith.muli %mul3A_73, %mul3A_74 : i32
    %add3A_76 = arith.addi %arg1, %mul3A_75 : i32
    %lt3A_77 = arith.constant 2500 : i32
    %lt3A_78 = arith.cmpi slt, %add3A_76, %lt3A_77 : i32
    %and3A_79 = arith.andi %ge3A_72, %lt3A_78 : i1
    %convert_element_type3A_80 = arith.extui %and3A_79 : i1 to i32
    %cond3A_81 = arith.constant 0 : i32
    %cond3A_82 = arith.cmpi ne, %convert_element_type3A_80, %cond3A_81 : i32
    scf.if %cond3A_82 {
      %dma_wait3A = arith.constant 0 : i32
      %dma_wait3A_152 = arith.constant 0 : i32
      %dma_wait3A_153 = tpu.memref_slice %arg2[%dma_wait3A, %dma_wait3A_152] : memref<10000x128xf32, #tpu.memory_space<hbm>> -> memref<10000x128xf32, #tpu.memory_space<hbm>>
      tpu.wait_indirect_dma semaphore(%arg32 : memref<!tpu.dma_semaphore, #tpu.memory_space<semaphore_mem>>) src(%dma_wait3A_153 : memref<10000x128xf32, #tpu.memory_space<hbm>>) dst(%arg20 : memref<128x128xf32, #tpu.memory_space<vmem>>)
    } else {
    }
    %ge3A_83 = arith.constant 159 : i32
    %ge3A_84 = arith.constant 0 : i32
    %ge3A_85 = arith.cmpi sge, %ge3A_83, %ge3A_84 : i32
    %mul3A_86 = arith.constant 159 : i32
    %mul3A_87 = arith.constant 16 : i32
    %mul3A_88 = arith.muli %mul3A_86, %mul3A_87 : i32
    %add3A_89 = arith.addi %arg1, %mul3A_88 : i32
    %lt3A_90 = arith.constant 2500 : i32
    %lt3A_91 = arith.cmpi slt, %add3A_89, %lt3A_90 : i32
    %and3A_92 = arith.andi %ge3A_85, %lt3A_91 : i1
    %convert_element_type3A_93 = arith.extui %and3A_92 : i1 to i32
    %cond3A_94 = arith.constant 0 : i32
    %cond3A_95 = arith.cmpi ne, %convert_element_type3A_93, %cond3A_94 : i32
    scf.if %cond3A_95 {
      %dma_start3A = arith.constant 0 : i32
      %dma_start3A_152 = arith.constant 0 : i32
      %dma_start3A_153 = tpu.memref_slice %arg22[%dma_start3A, %dma_start3A_152] : memref<5184x128xf32, #tpu.memory_space<vmem_shared>> -> memref<5184x128xf32, #tpu.memory_space<vmem_shared>>
      tpu.enqueue_indirect_dma source(%arg20 : memref<128x128xf32, #tpu.memory_space<vmem>>) target(%dma_start3A_153 : memref<5184x128xf32, #tpu.memory_space<vmem_shared>>) offsets(%arg15 : memref<128xi32, #tpu.memory_space<vmem>>) semaphore(%arg37 : memref<!tpu.dma_semaphore, #tpu.memory_space<semaphore_mem>>) {add = true}
    } else {
    }
    %ge3A_96 = arith.constant 156 : i32
    %ge3A_97 = arith.constant 0 : i32
    %ge3A_98 = arith.cmpi sge, %ge3A_96, %ge3A_97 : i32
    %mul3A_99 = arith.constant 156 : i32
    %mul3A_100 = arith.constant 16 : i32
    %mul3A_101 = arith.muli %mul3A_99, %mul3A_100 : i32
    %add3A_102 = arith.addi %arg1, %mul3A_101 : i32
    %lt3A_103 = arith.constant 2500 : i32
    %lt3A_104 = arith.cmpi slt, %add3A_102, %lt3A_103 : i32
    %and3A_105 = arith.andi %ge3A_98, %lt3A_104 : i1
    %convert_element_type3A_106 = arith.extui %and3A_105 : i1 to i32
    %cond3A_107 = arith.constant 0 : i32
    %cond3A_108 = arith.cmpi ne, %convert_element_type3A_106, %cond3A_107 : i32
    scf.if %cond3A_108 {
      %dma_wait3A = arith.constant 0 : i32
      %dma_wait3A_152 = arith.constant 0 : i32
      %dma_wait3A_153 = tpu.memref_slice %arg22[%dma_wait3A, %dma_wait3A_152] : memref<5184x128xf32, #tpu.memory_space<vmem_shared>> -> memref<5184x128xf32, #tpu.memory_space<vmem_shared>>
      tpu.wait_indirect_dma semaphore(%arg34 : memref<!tpu.dma_semaphore, #tpu.memory_space<semaphore_mem>>) src(%arg17 : memref<128x128xf32, #tpu.memory_space<vmem>>) dst(%dma_wait3A_153 : memref<5184x128xf32, #tpu.memory_space<vmem_shared>>)
    } else {
    }
    %ge3A_109 = arith.constant 157 : i32
    %ge3A_110 = arith.constant 0 : i32
    %ge3A_111 = arith.cmpi sge, %ge3A_109, %ge3A_110 : i32
    %mul3A_112 = arith.constant 157 : i32
    %mul3A_113 = arith.constant 16 : i32
    %mul3A_114 = arith.muli %mul3A_112, %mul3A_113 : i32
    %add3A_115 = arith.addi %arg1, %mul3A_114 : i32
    %lt3A_116 = arith.constant 2500 : i32
    %lt3A_117 = arith.cmpi slt, %add3A_115, %lt3A_116 : i32
    %and3A_118 = arith.andi %ge3A_111, %lt3A_117 : i1
    %convert_element_type3A_119 = arith.extui %and3A_118 : i1 to i32
    %cond3A_120 = arith.constant 0 : i32
    %cond3A_121 = arith.cmpi ne, %convert_element_type3A_119, %cond3A_120 : i32
    scf.if %cond3A_121 {
      %dma_wait3A = arith.constant 0 : i32
      %dma_wait3A_152 = arith.constant 0 : i32
      %dma_wait3A_153 = tpu.memref_slice %arg22[%dma_wait3A, %dma_wait3A_152] : memref<5184x128xf32, #tpu.memory_space<vmem_shared>> -> memref<5184x128xf32, #tpu.memory_space<vmem_shared>>
      tpu.wait_indirect_dma semaphore(%arg35 : memref<!tpu.dma_semaphore, #tpu.memory_space<semaphore_mem>>) src(%arg18 : memref<128x128xf32, #tpu.memory_space<vmem>>) dst(%dma_wait3A_153 : memref<5184x128xf32, #tpu.memory_space<vmem_shared>>)
    } else {
    }
    %ge3A_122 = arith.constant 158 : i32
    %ge3A_123 = arith.constant 0 : i32
    %ge3A_124 = arith.cmpi sge, %ge3A_122, %ge3A_123 : i32
    %mul3A_125 = arith.constant 158 : i32
    %mul3A_126 = arith.constant 16 : i32
    %mul3A_127 = arith.muli %mul3A_125, %mul3A_126 : i32
    %add3A_128 = arith.addi %arg1, %mul3A_127 : i32
    %lt3A_129 = arith.constant 2500 : i32
    %lt3A_130 = arith.cmpi slt, %add3A_128, %lt3A_129 : i32
    %and3A_131 = arith.andi %ge3A_124, %lt3A_130 : i1
    %convert_element_type3A_132 = arith.extui %and3A_131 : i1 to i32
    %cond3A_133 = arith.constant 0 : i32
    %cond3A_134 = arith.cmpi ne, %convert_element_type3A_132, %cond3A_133 : i32
    scf.if %cond3A_134 {
      %dma_wait3A = arith.constant 0 : i32
      %dma_wait3A_152 = arith.constant 0 : i32
      %dma_wait3A_153 = tpu.memref_slice %arg22[%dma_wait3A, %dma_wait3A_152] : memref<5184x128xf32, #tpu.memory_space<vmem_shared>> -> memref<5184x128xf32, #tpu.memory_space<vmem_shared>>
      tpu.wait_indirect_dma semaphore(%arg36 : memref<!tpu.dma_semaphore, #tpu.memory_space<semaphore_mem>>) src(%arg19 : memref<128x128xf32, #tpu.memory_space<vmem>>) dst(%dma_wait3A_153 : memref<5184x128xf32, #tpu.memory_space<vmem_shared>>)
    } else {
    }
    %ge3A_135 = arith.constant 159 : i32
    %ge3A_136 = arith.constant 0 : i32
    %ge3A_137 = arith.cmpi sge, %ge3A_135, %ge3A_136 : i32
    %mul3A_138 = arith.constant 159 : i32
    %mul3A_139 = arith.constant 16 : i32
    %mul3A_140 = arith.muli %mul3A_138, %mul3A_139 : i32
    %add3A_141 = arith.addi %arg1, %mul3A_140 : i32
    %lt3A_142 = arith.constant 2500 : i32
    %lt3A_143 = arith.cmpi slt, %add3A_141, %lt3A_142 : i32
    %and3A_144 = arith.andi %ge3A_137, %lt3A_143 : i1
    %convert_element_type3A_145 = arith.extui %and3A_144 : i1 to i32
    %cond3A_146 = arith.constant 0 : i32
    %cond3A_147 = arith.cmpi ne, %convert_element_type3A_145, %cond3A_146 : i32
    scf.if %cond3A_147 {
      %dma_wait3A = arith.constant 0 : i32
      %dma_wait3A_152 = arith.constant 0 : i32
      %dma_wait3A_153 = tpu.memref_slice %arg22[%dma_wait3A, %dma_wait3A_152] : memref<5184x128xf32, #tpu.memory_space<vmem_shared>> -> memref<5184x128xf32, #tpu.memory_space<vmem_shared>>
      tpu.wait_indirect_dma semaphore(%arg37 : memref<!tpu.dma_semaphore, #tpu.memory_space<semaphore_mem>>) src(%arg20 : memref<128x128xf32, #tpu.memory_space<vmem>>) dst(%dma_wait3A_153 : memref<5184x128xf32, #tpu.memory_space<vmem_shared>>)
    } else {
    }
    %barrier3A_148 = arith.constant 0 : index
    tpu.barrier barrier_id(%barrier3A_148)
    %mul3A_149 = arith.constant 320 : i32
    %mul3A_150 = arith.muli %arg1, %mul3A_149 : i32
    %add3A_151 = arith.addi %mul3A_0, %mul3A_150 : i32
    "tpu.region"() ({
      %run_scoped3A = tpu.sem_alloc : memref<!tpu.dma_semaphore, #tpu.memory_space<semaphore_mem>>
      %dma_start3A = arith.constant 0 : i32
      %dma_start3A_152 = tpu.memref_slice %arg5[%add3A_151, %dma_start3A] : memref<10240x128xf32, #tpu.memory_space<hbm>> -> memref<320x128xf32, #tpu.memory_space<hbm>>
      %dma_start3A_153 = arith.constant 0 : i32
      %dma_start3A_154 = tpu.memref_slice %arg22[%mul3A_150, %dma_start3A_153] : memref<5184x128xf32, #tpu.memory_space<vmem_shared>> -> memref<320x128xf32, #tpu.memory_space<vmem_shared>>
      tpu.enqueue_dma source(%dma_start3A_154 : memref<320x128xf32, #tpu.memory_space<vmem_shared>>) target(%dma_start3A_152 : memref<320x128xf32, #tpu.memory_space<hbm>>) target_semaphore(%run_scoped3A : memref<!tpu.dma_semaphore, #tpu.memory_space<semaphore_mem>>)
      %dma_wait3A = arith.constant 0 : i32
      %dma_wait3A_155 = tpu.memref_slice %arg5[%add3A_151, %dma_wait3A] : memref<10240x128xf32, #tpu.memory_space<hbm>> -> memref<320x128xf32, #tpu.memory_space<hbm>>
      %dma_wait3A_156 = arith.constant 0 : i32
      %dma_wait3A_157 = tpu.memref_slice %arg22[%mul3A_150, %dma_wait3A_156] : memref<5184x128xf32, #tpu.memory_space<vmem_shared>> -> memref<320x128xf32, #tpu.memory_space<vmem_shared>>
      tpu.wait_dma2 semaphore(%run_scoped3A : memref<!tpu.dma_semaphore, #tpu.memory_space<semaphore_mem>>) src(%dma_wait3A_157 : memref<320x128xf32, #tpu.memory_space<vmem_shared>>) dst(%dma_wait3A_155 : memref<320x128xf32, #tpu.memory_space<hbm>>)
      tpu.yield
    }) : () -> ()
    return
  }
}

#map = affine_map<(d0, d1) -> (0, 0)>
module attributes {stable_mosaic.version = 14 : i64} {
  func.func @k(%arg0: i32, %arg1: i32, %arg2: memref<10000x128xf32, #tpu.memory_space<hbm>>, %arg3: memref<2500x128xi32, #tpu.memory_space<hbm>>, %arg4: memref<2500x128xi32, #tpu.memory_space<hbm>>, %arg5: memref<10240x128xf32, #tpu.memory_space<hbm>>, %arg6: memref<128xi32, #tpu.memory_space<vmem>>, %arg7: memref<128xi32, #tpu.memory_space<vmem>>, %arg8: memref<128xi32, #tpu.memory_space<vmem>>, %arg9: memref<128xi32, #tpu.memory_space<vmem>>, %arg10: memref<128xi32, #tpu.memory_space<vmem>>, %arg11: memref<128xi32, #tpu.memory_space<vmem>>, %arg12: memref<128xi32, #tpu.memory_space<vmem>>, %arg13: memref<128xi32, #tpu.memory_space<vmem>>, %arg14: memref<128xi32, #tpu.memory_space<vmem>>, %arg15: memref<128xi32, #tpu.memory_space<vmem>>, %arg16: memref<128x128xf32, #tpu.memory_space<vmem>>, %arg17: memref<128x128xf32, #tpu.memory_space<vmem>>, %arg18: memref<128x128xf32, #tpu.memory_space<vmem>>, %arg19: memref<128x128xf32, #tpu.memory_space<vmem>>, %arg20: memref<128x128xf32, #tpu.memory_space<vmem>>, %arg21: memref<27x128xf32, #tpu.memory_space<vmem>>, %arg22: memref<5184x128xf32, #tpu.memory_space<vmem_shared>>, %arg23: memref<!tpu.dma_semaphore, #tpu.memory_space<semaphore_mem>>, %arg24: memref<!tpu.dma_semaphore, #tpu.memory_space<semaphore_mem>>, %arg25: memref<!tpu.dma_semaphore, #tpu.memory_space<semaphore_mem>>, %arg26: memref<!tpu.dma_semaphore, #tpu.memory_space<semaphore_mem>>, %arg27: memref<!tpu.dma_semaphore, #tpu.memory_space<semaphore_mem>>, %arg28: memref<!tpu.dma_semaphore, #tpu.memory_space<semaphore_mem>>, %arg29: memref<!tpu.dma_semaphore, #tpu.memory_space<semaphore_mem>>, %arg30: memref<!tpu.dma_semaphore, #tpu.memory_space<semaphore_mem>>, %arg31: memref<!tpu.dma_semaphore, #tpu.memory_space<semaphore_mem>>, %arg32: memref<!tpu.dma_semaphore, #tpu.memory_space<semaphore_mem>>, %arg33: memref<!tpu.dma_semaphore, #tpu.memory_space<semaphore_mem>>, %arg34: memref<!tpu.dma_semaphore, #tpu.memory_space<semaphore_mem>>, %arg35: memref<!tpu.dma_semaphore, #tpu.memory_space<semaphore_mem>>, %arg36: memref<!tpu.dma_semaphore, #tpu.memory_space<semaphore_mem>>, %arg37: memref<!tpu.dma_semaphore, #tpu.memory_space<semaphore_mem>>) attributes {dimension_semantics = [#tpu.dimension_semantics<core_parallel>, #tpu.dimension_semantics<subcore_parallel>], iteration_bounds = array<i64: 2, 16>, scalar_prefetch = 0 : i64, scratch_operands = 32 : i64, tpu.core_type = #tpu.core_type<sc_vector_subcore>, window_params = [{transform_indices = #map}, {transform_indices = #map}, {transform_indices = #map}, {transform_indices = #map}]} {
    %mul3A = arith.constant 5120 : i32
    %mul3A_0 = arith.muli %arg0, %mul3A : i32
    %scan3A = arith.constant 0 : i32
    %scan3A_1 = arith.constant 27 : i32
    %scan3A_2 = arith.addi %scan3A, %scan3A_1 : i32
    %scan3A_3 = arith.constant 1 : i32
    scf.for %scan3A_152 = %scan3A to %scan3A_2 step %scan3A_3  : i32 {
      %mul3A_153 = arith.constant 1 : i32
      %mul3A_154 = arith.muli %scan3A_152, %mul3A_153 : i32
      %add3A_155 = arith.constant 0 : i32
      %add3A_156 = arith.addi %add3A_155, %mul3A_154 : i32
      %broadcast_in_dim3A = arith.constant 0.000000e+00 : f32
      %broadcast_in_dim3A_157 = vector.broadcast %broadcast_in_dim3A : f32 to vector<16xf32>
      %swap3A = arith.index_cast %add3A_156 : i32 to index
      %swap3A_158 = arith.constant 0 : index
      %swap3A_159 = tpu.vector_load %arg21[%swap3A, %swap3A_158] {strides = array<i32>} : memref<27x128xf32, #tpu.memory_space<vmem>>, vector<1x16xf32>,
      %swap3A_160 = vector.shape_cast %swap3A_159 : vector<1x16xf32> to vector<16xf32>
      %swap3A_161 = vector.shape_cast %broadcast_in_dim3A_157 : vector<16xf32> to vector<1x16xf32>
      tpu.vector_store %arg21[%swap3A, %swap3A_158], %swap3A_161 {strides = array<i32>} : memref<27x128xf32, #tpu.memory_space<vmem>>, vector<1x16xf32>,
      %broadcast_in_dim3A_162 = arith.constant 0.000000e+00 : f32
      %broadcast_in_dim3A_163 = vector.broadcast %broadcast_in_dim3A_162 : f32 to vector<16xf32>
      %swap3A_164 = arith.index_cast %add3A_156 : i32 to index
      %swap3A_165 = arith.constant 16 : index
      %swap3A_166 = tpu.vector_load %arg21[%swap3A_164, %swap3A_165] {strides = array<i32>} : memref<27x128xf32, #tpu.memory_space<vmem>>, vector<1x16xf32>,
      %swap3A_167 = vector.shape_cast %swap3A_166 : vector<1x16xf32> to vector<16xf32>
      %swap3A_168 = vector.shape_cast %broadcast_in_dim3A_163 : vector<16xf32> to vector<1x16xf32>
      tpu.vector_store %arg21[%swap3A_164, %swap3A_165], %swap3A_168 {strides = array<i32>} : memref<27x128xf32, #tpu.memory_space<vmem>>, vector<1x16xf32>,
      %broadcast_in_dim3A_169 = arith.constant 0.000000e+00 : f32
      %broadcast_in_dim3A_170 = vector.broadcast %broadcast_in_dim3A_169 : f32 to vector<16xf32>
      %swap3A_171 = arith.index_cast %add3A_156 : i32 to index
      %swap3A_172 = arith.constant 32 : index
      %swap3A_173 = tpu.vector_load %arg21[%swap3A_171, %swap3A_172] {strides = array<i32>} : memref<27x128xf32, #tpu.memory_space<vmem>>, vector<1x16xf32>,
      %swap3A_174 = vector.shape_cast %swap3A_173 : vector<1x16xf32> to vector<16xf32>
      %swap3A_175 = vector.shape_cast %broadcast_in_dim3A_170 : vector<16xf32> to vector<1x16xf32>
      tpu.vector_store %arg21[%swap3A_171, %swap3A_172], %swap3A_175 {strides = array<i32>} : memref<27x128xf32, #tpu.memory_space<vmem>>, vector<1x16xf32>,
      %broadcast_in_dim3A_176 = arith.constant 0.000000e+00 : f32
      %broadcast_in_dim3A_177 = vector.broadcast %broadcast_in_dim3A_176 : f32 to vector<16xf32>
      %swap3A_178 = arith.index_cast %add3A_156 : i32 to index
      %swap3A_179 = arith.constant 48 : index
      %swap3A_180 = tpu.vector_load %arg21[%swap3A_178, %swap3A_179] {strides = array<i32>} : memref<27x128xf32, #tpu.memory_space<vmem>>, vector<1x16xf32>,
      %swap3A_181 = vector.shape_cast %swap3A_180 : vector<1x16xf32> to vector<16xf32>
      %swap3A_182 = vector.shape_cast %broadcast_in_dim3A_177 : vector<16xf32> to vector<1x16xf32>
      tpu.vector_store %arg21[%swap3A_178, %swap3A_179], %swap3A_182 {strides = array<i32>} : memref<27x128xf32, #tpu.memory_space<vmem>>, vector<1x16xf32>,
      %broadcast_in_dim3A_183 = arith.constant 0.000000e+00 : f32
      %broadcast_in_dim3A_184 = vector.broadcast %broadcast_in_dim3A_183 : f32 to vector<16xf32>
      %swap3A_185 = arith.index_cast %add3A_156 : i32 to index
      %swap3A_186 = arith.constant 64 : index
      %swap3A_187 = tpu.vector_load %arg21[%swap3A_185, %swap3A_186] {strides = array<i32>} : memref<27x128xf32, #tpu.memory_space<vmem>>, vector<1x16xf32>,
      %swap3A_188 = vector.shape_cast %swap3A_187 : vector<1x16xf32> to vector<16xf32>
      %swap3A_189 = vector.shape_cast %broadcast_in_dim3A_184 : vector<16xf32> to vector<1x16xf32>
      tpu.vector_store %arg21[%swap3A_185, %swap3A_186], %swap3A_189 {strides = array<i32>} : memref<27x128xf32, #tpu.memory_space<vmem>>, vector<1x16xf32>,
      %broadcast_in_dim3A_190 = arith.constant 0.000000e+00 : f32
      %broadcast_in_dim3A_191 = vector.broadcast %broadcast_in_dim3A_190 : f32 to vector<16xf32>
      %swap3A_192 = arith.index_cast %add3A_156 : i32 to index
      %swap3A_193 = arith.constant 80 : index
      %swap3A_194 = tpu.vector_load %arg21[%swap3A_192, %swap3A_193] {strides = array<i32>} : memref<27x128xf32, #tpu.memory_space<vmem>>, vector<1x16xf32>,
      %swap3A_195 = vector.shape_cast %swap3A_194 : vector<1x16xf32> to vector<16xf32>
      %swap3A_196 = vector.shape_cast %broadcast_in_dim3A_191 : vector<16xf32> to vector<1x16xf32>
      tpu.vector_store %arg21[%swap3A_192, %swap3A_193], %swap3A_196 {strides = array<i32>} : memref<27x128xf32, #tpu.memory_space<vmem>>, vector<1x16xf32>,
      %broadcast_in_dim3A_197 = arith.constant 0.000000e+00 : f32
      %broadcast_in_dim3A_198 = vector.broadcast %broadcast_in_dim3A_197 : f32 to vector<16xf32>
      %swap3A_199 = arith.index_cast %add3A_156 : i32 to index
      %swap3A_200 = arith.constant 96 : index
      %swap3A_201 = tpu.vector_load %arg21[%swap3A_199, %swap3A_200] {strides = array<i32>} : memref<27x128xf32, #tpu.memory_space<vmem>>, vector<1x16xf32>,
      %swap3A_202 = vector.shape_cast %swap3A_201 : vector<1x16xf32> to vector<16xf32>
      %swap3A_203 = vector.shape_cast %broadcast_in_dim3A_198 : vector<16xf32> to vector<1x16xf32>
      tpu.vector_store %arg21[%swap3A_199, %swap3A_200], %swap3A_203 {strides = array<i32>} : memref<27x128xf32, #tpu.memory_space<vmem>>, vector<1x16xf32>,
      %broadcast_in_dim3A_204 = arith.constant 0.000000e+00 : f32
      %broadcast_in_dim3A_205 = vector.broadcast %broadcast_in_dim3A_204 : f32 to vector<16xf32>
      %swap3A_206 = arith.index_cast %add3A_156 : i32 to index
      %swap3A_207 = arith.constant 112 : index
      %swap3A_208 = tpu.vector_load %arg21[%swap3A_206, %swap3A_207] {strides = array<i32>} : memref<27x128xf32, #tpu.memory_space<vmem>>, vector<1x16xf32>,
      %swap3A_209 = vector.shape_cast %swap3A_208 : vector<1x16xf32> to vector<16xf32>
      %swap3A_210 = vector.shape_cast %broadcast_in_dim3A_205 : vector<16xf32> to vector<1x16xf32>
      tpu.vector_store %arg21[%swap3A_206, %swap3A_207], %swap3A_210 {strides = array<i32>} : memref<27x128xf32, #tpu.memory_space<vmem>>, vector<1x16xf32>,
    }
    %scan3A_4 = arith.constant 27 : i32
    %mul3A_5 = arith.constant 324 : i32
    %mul3A_6 = arith.muli %arg1, %mul3A_5 : i32
    %add3A = arith.constant 0 : i32
    %add3A_7 = arith.addi %mul3A_6, %add3A : i32
    "tpu.region"() ({
      %run_scoped3A = tpu.sem_alloc : memref<!tpu.dma_semaphore, #tpu.memory_space<semaphore_mem>>
      %dma_start3A = arith.constant 0 : i32
      %dma_start3A_152 = tpu.memref_slice %arg22[%add3A_7, %dma_start3A] : memref<5184x128xf32, #tpu.memory_space<vmem_shared>> -> memref<27x128xf32, #tpu.memory_space<vmem_shared>>
      %dma_start3A_153 = arith.constant 0 : i32
      %dma_start3A_154 = tpu.memref_slice %arg22[%add3A_7, %dma_start3A_153] : memref<5184x128xf32, #tpu.memory_space<vmem_shared>> -> memref<27x128xf32, #tpu.memory_space<vmem_shared>>
      tpu.enqueue_dma source(%arg21 : memref<27x128xf32, #tpu.memory_space<vmem>>) target(%dma_start3A_154 : memref<27x128xf32, #tpu.memory_space<vmem_shared>>) target_semaphore(%run_scoped3A : memref<!tpu.dma_semaphore, #tpu.memory_space<semaphore_mem>>)
      %dma_wait3A = arith.constant 0 : i32
      %dma_wait3A_155 = tpu.memref_slice %arg22[%add3A_7, %dma_wait3A] : memref<5184x128xf32, #tpu.memory_space<vmem_shared>> -> memref<27x128xf32, #tpu.memory_space<vmem_shared>>
      %dma_wait3A_156 = arith.constant 0 : i32
      %dma_wait3A_157 = tpu.memref_slice %arg22[%add3A_7, %dma_wait3A_156] : memref<5184x128xf32, #tpu.memory_space<vmem_shared>> -> memref<27x128xf32, #tpu.memory_space<vmem_shared>>
      tpu.wait_dma2 semaphore(%run_scoped3A : memref<!tpu.dma_semaphore, #tpu.memory_space<semaphore_mem>>) src(%arg21 : memref<27x128xf32, #tpu.memory_space<vmem>>) dst(%dma_wait3A_157 : memref<27x128xf32, #tpu.memory_space<vmem_shared>>)
      tpu.yield
    }) : () -> ()
    %add3A_8 = arith.constant 27 : i32
    %add3A_9 = arith.addi %mul3A_6, %add3A_8 : i32
    "tpu.region"() ({
      %run_scoped3A = tpu.sem_alloc : memref<!tpu.dma_semaphore, #tpu.memory_space<semaphore_mem>>
      %dma_start3A = arith.constant 0 : i32
      %dma_start3A_152 = tpu.memref_slice %arg22[%add3A_9, %dma_start3A] : memref<5184x128xf32, #tpu.memory_space<vmem_shared>> -> memref<27x128xf32, #tpu.memory_space<vmem_shared>>
      %dma_start3A_153 = arith.constant 0 : i32
      %dma_start3A_154 = tpu.memref_slice %arg22[%add3A_9, %dma_start3A_153] : memref<5184x128xf32, #tpu.memory_space<vmem_shared>> -> memref<27x128xf32, #tpu.memory_space<vmem_shared>>
      tpu.enqueue_dma source(%arg21 : memref<27x128xf32, #tpu.memory_space<vmem>>) target(%dma_start3A_154 : memref<27x128xf32, #tpu.memory_space<vmem_shared>>) target_semaphore(%run_scoped3A : memref<!tpu.dma_semaphore, #tpu.memory_space<semaphore_mem>>)
      %dma_wait3A = arith.constant 0 : i32
      %dma_wait3A_155 = tpu.memref_slice %arg22[%add3A_9, %dma_wait3A] : memref<5184x128xf32, #tpu.memory_space<vmem_shared>> -> memref<27x128xf32, #tpu.memory_space<vmem_shared>>
      %dma_wait3A_156 = arith.constant 0 : i32
      %dma_wait3A_157 = tpu.memref_slice %arg22[%add3A_9, %dma_wait3A_156] : memref<5184x128xf32, #tpu.memory_space<vmem_shared>> -> memref<27x128xf32, #tpu.memory_space<vmem_shared>>
      tpu.wait_dma2 semaphore(%run_scoped3A : memref<!tpu.dma_semaphore, #tpu.memory_space<semaphore_mem>>) src(%arg21 : memref<27x128xf32, #tpu.memory_space<vmem>>) dst(%dma_wait3A_157 : memref<27x128xf32, #tpu.memory_space<vmem_shared>>)
      tpu.yield
    }) : () -> ()
    %add3A_10 = arith.constant 54 : i32
    %add3A_11 = arith.addi %mul3A_6, %add3A_10 : i32
    "tpu.region"() ({
      %run_scoped3A = tpu.sem_alloc : memref<!tpu.dma_semaphore, #tpu.memory_space<semaphore_mem>>
      %dma_start3A = arith.constant 0 : i32
      %dma_start3A_152 = tpu.memref_slice %arg22[%add3A_11, %dma_start3A] : memref<5184x128xf32, #tpu.memory_space<vmem_shared>> -> memref<27x128xf32, #tpu.memory_space<vmem_shared>>
      %dma_start3A_153 = arith.constant 0 : i32
      %dma_start3A_154 = tpu.memref_slice %arg22[%add3A_11, %dma_start3A_153] : memref<5184x128xf32, #tpu.memory_space<vmem_shared>> -> memref<27x128xf32, #tpu.memory_space<vmem_shared>>
      tpu.enqueue_dma source(%arg21 : memref<27x128xf32, #tpu.memory_space<vmem>>) target(%dma_start3A_154 : memref<27x128xf32, #tpu.memory_space<vmem_shared>>) target_semaphore(%run_scoped3A : memref<!tpu.dma_semaphore, #tpu.memory_space<semaphore_mem>>)
      %dma_wait3A = arith.constant 0 : i32
      %dma_wait3A_155 = tpu.memref_slice %arg22[%add3A_11, %dma_wait3A] : memref<5184x128xf32, #tpu.memory_space<vmem_shared>> -> memref<27x128xf32, #tpu.memory_space<vmem_shared>>
      %dma_wait3A_156 = arith.constant 0 : i32
      %dma_wait3A_157 = tpu.memref_slice %arg22[%add3A_11, %dma_wait3A_156] : memref<5184x128xf32, #tpu.memory_space<vmem_shared>> -> memref<27x128xf32, #tpu.memory_space<vmem_shared>>
      tpu.wait_dma2 semaphore(%run_scoped3A : memref<!tpu.dma_semaphore, #tpu.memory_space<semaphore_mem>>) src(%arg21 : memref<27x128xf32, #tpu.memory_space<vmem>>) dst(%dma_wait3A_157 : memref<27x128xf32, #tpu.memory_space<vmem_shared>>)
      tpu.yield
    }) : () -> ()
    %add3A_12 = arith.constant 81 : i32
    %add3A_13 = arith.addi %mul3A_6, %add3A_12 : i32
    "tpu.region"() ({
      %run_scoped3A = tpu.sem_alloc : memref<!tpu.dma_semaphore, #tpu.memory_space<semaphore_mem>>
      %dma_start3A = arith.constant 0 : i32
      %dma_start3A_152 = tpu.memref_slice %arg22[%add3A_13, %dma_start3A] : memref<5184x128xf32, #tpu.memory_space<vmem_shared>> -> memref<27x128xf32, #tpu.memory_space<vmem_shared>>
      %dma_start3A_153 = arith.constant 0 : i32
      %dma_start3A_154 = tpu.memref_slice %arg22[%add3A_13, %dma_start3A_153] : memref<5184x128xf32, #tpu.memory_space<vmem_shared>> -> memref<27x128xf32, #tpu.memory_space<vmem_shared>>
      tpu.enqueue_dma source(%arg21 : memref<27x128xf32, #tpu.memory_space<vmem>>) target(%dma_start3A_154 : memref<27x128xf32, #tpu.memory_space<vmem_shared>>) target_semaphore(%run_scoped3A : memref<!tpu.dma_semaphore, #tpu.memory_space<semaphore_mem>>)
      %dma_wait3A = arith.constant 0 : i32
      %dma_wait3A_155 = tpu.memref_slice %arg22[%add3A_13, %dma_wait3A] : memref<5184x128xf32, #tpu.memory_space<vmem_shared>> -> memref<27x128xf32, #tpu.memory_space<vmem_shared>>
      %dma_wait3A_156 = arith.constant 0 : i32
      %dma_wait3A_157 = tpu.memref_slice %arg22[%add3A_13, %dma_wait3A_156] : memref<5184x128xf32, #tpu.memory_space<vmem_shared>> -> memref<27x128xf32, #tpu.memory_space<vmem_shared>>
      tpu.wait_dma2 semaphore(%run_scoped3A : memref<!tpu.dma_semaphore, #tpu.memory_space<semaphore_mem>>) src(%arg21 : memref<27x128xf32, #tpu.memory_space<vmem>>) dst(%dma_wait3A_157 : memref<27x128xf32, #tpu.memory_space<vmem_shared>>)
      tpu.yield
    }) : () -> ()
    %add3A_14 = arith.constant 108 : i32
    %add3A_15 = arith.addi %mul3A_6, %add3A_14 : i32
    "tpu.region"() ({
      %run_scoped3A = tpu.sem_alloc : memref<!tpu.dma_semaphore, #tpu.memory_space<semaphore_mem>>
      %dma_start3A = arith.constant 0 : i32
      %dma_start3A_152 = tpu.memref_slice %arg22[%add3A_15, %dma_start3A] : memref<5184x128xf32, #tpu.memory_space<vmem_shared>> -> memref<27x128xf32, #tpu.memory_space<vmem_shared>>
      %dma_start3A_153 = arith.constant 0 : i32
      %dma_start3A_154 = tpu.memref_slice %arg22[%add3A_15, %dma_start3A_153] : memref<5184x128xf32, #tpu.memory_space<vmem_shared>> -> memref<27x128xf32, #tpu.memory_space<vmem_shared>>
      tpu.enqueue_dma source(%arg21 : memref<27x128xf32, #tpu.memory_space<vmem>>) target(%dma_start3A_154 : memref<27x128xf32, #tpu.memory_space<vmem_shared>>) target_semaphore(%run_scoped3A : memref<!tpu.dma_semaphore, #tpu.memory_space<semaphore_mem>>)
      %dma_wait3A = arith.constant 0 : i32
      %dma_wait3A_155 = tpu.memref_slice %arg22[%add3A_15, %dma_wait3A] : memref<5184x128xf32, #tpu.memory_space<vmem_shared>> -> memref<27x128xf32, #tpu.memory_space<vmem_shared>>
      %dma_wait3A_156 = arith.constant 0 : i32
      %dma_wait3A_157 = tpu.memref_slice %arg22[%add3A_15, %dma_wait3A_156] : memref<5184x128xf32, #tpu.memory_space<vmem_shared>> -> memref<27x128xf32, #tpu.memory_space<vmem_shared>>
      tpu.wait_dma2 semaphore(%run_scoped3A : memref<!tpu.dma_semaphore, #tpu.memory_space<semaphore_mem>>) src(%arg21 : memref<27x128xf32, #tpu.memory_space<vmem>>) dst(%dma_wait3A_157 : memref<27x128xf32, #tpu.memory_space<vmem_shared>>)
      tpu.yield
    }) : () -> ()
    %add3A_16 = arith.constant 135 : i32
    %add3A_17 = arith.addi %mul3A_6, %add3A_16 : i32
    "tpu.region"() ({
      %run_scoped3A = tpu.sem_alloc : memref<!tpu.dma_semaphore, #tpu.memory_space<semaphore_mem>>
      %dma_start3A = arith.constant 0 : i32
      %dma_start3A_152 = tpu.memref_slice %arg22[%add3A_17, %dma_start3A] : memref<5184x128xf32, #tpu.memory_space<vmem_shared>> -> memref<27x128xf32, #tpu.memory_space<vmem_shared>>
      %dma_start3A_153 = arith.constant 0 : i32
      %dma_start3A_154 = tpu.memref_slice %arg22[%add3A_17, %dma_start3A_153] : memref<5184x128xf32, #tpu.memory_space<vmem_shared>> -> memref<27x128xf32, #tpu.memory_space<vmem_shared>>
      tpu.enqueue_dma source(%arg21 : memref<27x128xf32, #tpu.memory_space<vmem>>) target(%dma_start3A_154 : memref<27x128xf32, #tpu.memory_space<vmem_shared>>) target_semaphore(%run_scoped3A : memref<!tpu.dma_semaphore, #tpu.memory_space<semaphore_mem>>)
      %dma_wait3A = arith.constant 0 : i32
      %dma_wait3A_155 = tpu.memref_slice %arg22[%add3A_17, %dma_wait3A] : memref<5184x128xf32, #tpu.memory_space<vmem_shared>> -> memref<27x128xf32, #tpu.memory_space<vmem_shared>>
      %dma_wait3A_156 = arith.constant 0 : i32
      %dma_wait3A_157 = tpu.memref_slice %arg22[%add3A_17, %dma_wait3A_156] : memref<5184x128xf32, #tpu.memory_space<vmem_shared>> -> memref<27x128xf32, #tpu.memory_space<vmem_shared>>
      tpu.wait_dma2 semaphore(%run_scoped3A : memref<!tpu.dma_semaphore, #tpu.memory_space<semaphore_mem>>) src(%arg21 : memref<27x128xf32, #tpu.memory_space<vmem>>) dst(%dma_wait3A_157 : memref<27x128xf32, #tpu.memory_space<vmem_shared>>)
      tpu.yield
    }) : () -> ()
    %add3A_18 = arith.constant 162 : i32
    %add3A_19 = arith.addi %mul3A_6, %add3A_18 : i32
    "tpu.region"() ({
      %run_scoped3A = tpu.sem_alloc : memref<!tpu.dma_semaphore, #tpu.memory_space<semaphore_mem>>
      %dma_start3A = arith.constant 0 : i32
      %dma_start3A_152 = tpu.memref_slice %arg22[%add3A_19, %dma_start3A] : memref<5184x128xf32, #tpu.memory_space<vmem_shared>> -> memref<27x128xf32, #tpu.memory_space<vmem_shared>>
      %dma_start3A_153 = arith.constant 0 : i32
      %dma_start3A_154 = tpu.memref_slice %arg22[%add3A_19, %dma_start3A_153] : memref<5184x128xf32, #tpu.memory_space<vmem_shared>> -> memref<27x128xf32, #tpu.memory_space<vmem_shared>>
      tpu.enqueue_dma source(%arg21 : memref<27x128xf32, #tpu.memory_space<vmem>>) target(%dma_start3A_154 : memref<27x128xf32, #tpu.memory_space<vmem_shared>>) target_semaphore(%run_scoped3A : memref<!tpu.dma_semaphore, #tpu.memory_space<semaphore_mem>>)
      %dma_wait3A = arith.constant 0 : i32
      %dma_wait3A_155 = tpu.memref_slice %arg22[%add3A_19, %dma_wait3A] : memref<5184x128xf32, #tpu.memory_space<vmem_shared>> -> memref<27x128xf32, #tpu.memory_space<vmem_shared>>
      %dma_wait3A_156 = arith.constant 0 : i32
      %dma_wait3A_157 = tpu.memref_slice %arg22[%add3A_19, %dma_wait3A_156] : memref<5184x128xf32, #tpu.memory_space<vmem_shared>> -> memref<27x128xf32, #tpu.memory_space<vmem_shared>>
      tpu.wait_dma2 semaphore(%run_scoped3A : memref<!tpu.dma_semaphore, #tpu.memory_space<semaphore_mem>>) src(%arg21 : memref<27x128xf32, #tpu.memory_space<vmem>>) dst(%dma_wait3A_157 : memref<27x128xf32, #tpu.memory_space<vmem_shared>>)
      tpu.yield
    }) : () -> ()
    %add3A_20 = arith.constant 189 : i32
    %add3A_21 = arith.addi %mul3A_6, %add3A_20 : i32
    "tpu.region"() ({
      %run_scoped3A = tpu.sem_alloc : memref<!tpu.dma_semaphore, #tpu.memory_space<semaphore_mem>>
      %dma_start3A = arith.constant 0 : i32
      %dma_start3A_152 = tpu.memref_slice %arg22[%add3A_21, %dma_start3A] : memref<5184x128xf32, #tpu.memory_space<vmem_shared>> -> memref<27x128xf32, #tpu.memory_space<vmem_shared>>
      %dma_start3A_153 = arith.constant 0 : i32
      %dma_start3A_154 = tpu.memref_slice %arg22[%add3A_21, %dma_start3A_153] : memref<5184x128xf32, #tpu.memory_space<vmem_shared>> -> memref<27x128xf32, #tpu.memory_space<vmem_shared>>
      tpu.enqueue_dma source(%arg21 : memref<27x128xf32, #tpu.memory_space<vmem>>) target(%dma_start3A_154 : memref<27x128xf32, #tpu.memory_space<vmem_shared>>) target_semaphore(%run_scoped3A : memref<!tpu.dma_semaphore, #tpu.memory_space<semaphore_mem>>)
      %dma_wait3A = arith.constant 0 : i32
      %dma_wait3A_155 = tpu.memref_slice %arg22[%add3A_21, %dma_wait3A] : memref<5184x128xf32, #tpu.memory_space<vmem_shared>> -> memref<27x128xf32, #tpu.memory_space<vmem_shared>>
      %dma_wait3A_156 = arith.constant 0 : i32
      %dma_wait3A_157 = tpu.memref_slice %arg22[%add3A_21, %dma_wait3A_156] : memref<5184x128xf32, #tpu.memory_space<vmem_shared>> -> memref<27x128xf32, #tpu.memory_space<vmem_shared>>
      tpu.wait_dma2 semaphore(%run_scoped3A : memref<!tpu.dma_semaphore, #tpu.memory_space<semaphore_mem>>) src(%arg21 : memref<27x128xf32, #tpu.memory_space<vmem>>) dst(%dma_wait3A_157 : memref<27x128xf32, #tpu.memory_space<vmem_shared>>)
      tpu.yield
    }) : () -> ()
    %add3A_22 = arith.constant 216 : i32
    %add3A_23 = arith.addi %mul3A_6, %add3A_22 : i32
    "tpu.region"() ({
      %run_scoped3A = tpu.sem_alloc : memref<!tpu.dma_semaphore, #tpu.memory_space<semaphore_mem>>
      %dma_start3A = arith.constant 0 : i32
      %dma_start3A_152 = tpu.memref_slice %arg22[%add3A_23, %dma_start3A] : memref<5184x128xf32, #tpu.memory_space<vmem_shared>> -> memref<27x128xf32, #tpu.memory_space<vmem_shared>>
      %dma_start3A_153 = arith.constant 0 : i32
      %dma_start3A_154 = tpu.memref_slice %arg22[%add3A_23, %dma_start3A_153] : memref<5184x128xf32, #tpu.memory_space<vmem_shared>> -> memref<27x128xf32, #tpu.memory_space<vmem_shared>>
      tpu.enqueue_dma source(%arg21 : memref<27x128xf32, #tpu.memory_space<vmem>>) target(%dma_start3A_154 : memref<27x128xf32, #tpu.memory_space<vmem_shared>>) target_semaphore(%run_scoped3A : memref<!tpu.dma_semaphore, #tpu.memory_space<semaphore_mem>>)
      %dma_wait3A = arith.constant 0 : i32
      %dma_wait3A_155 = tpu.memref_slice %arg22[%add3A_23, %dma_wait3A] : memref<5184x128xf32, #tpu.memory_space<vmem_shared>> -> memref<27x128xf32, #tpu.memory_space<vmem_shared>>
      %dma_wait3A_156 = arith.constant 0 : i32
      %dma_wait3A_157 = tpu.memref_slice %arg22[%add3A_23, %dma_wait3A_156] : memref<5184x128xf32, #tpu.memory_space<vmem_shared>> -> memref<27x128xf32, #tpu.memory_space<vmem_shared>>
      tpu.wait_dma2 semaphore(%run_scoped3A : memref<!tpu.dma_semaphore, #tpu.memory_space<semaphore_mem>>) src(%arg21 : memref<27x128xf32, #tpu.memory_space<vmem>>) dst(%dma_wait3A_157 : memref<27x128xf32, #tpu.memory_space<vmem_shared>>)
      tpu.yield
    }) : () -> ()
    %add3A_24 = arith.constant 243 : i32
    %add3A_25 = arith.addi %mul3A_6, %add3A_24 : i32
    "tpu.region"() ({
      %run_scoped3A = tpu.sem_alloc : memref<!tpu.dma_semaphore, #tpu.memory_space<semaphore_mem>>
      %dma_start3A = arith.constant 0 : i32
      %dma_start3A_152 = tpu.memref_slice %arg22[%add3A_25, %dma_start3A] : memref<5184x128xf32, #tpu.memory_space<vmem_shared>> -> memref<27x128xf32, #tpu.memory_space<vmem_shared>>
      %dma_start3A_153 = arith.constant 0 : i32
      %dma_start3A_154 = tpu.memref_slice %arg22[%add3A_25, %dma_start3A_153] : memref<5184x128xf32, #tpu.memory_space<vmem_shared>> -> memref<27x128xf32, #tpu.memory_space<vmem_shared>>
      tpu.enqueue_dma source(%arg21 : memref<27x128xf32, #tpu.memory_space<vmem>>) target(%dma_start3A_154 : memref<27x128xf32, #tpu.memory_space<vmem_shared>>) target_semaphore(%run_scoped3A : memref<!tpu.dma_semaphore, #tpu.memory_space<semaphore_mem>>)
      %dma_wait3A = arith.constant 0 : i32
      %dma_wait3A_155 = tpu.memref_slice %arg22[%add3A_25, %dma_wait3A] : memref<5184x128xf32, #tpu.memory_space<vmem_shared>> -> memref<27x128xf32, #tpu.memory_space<vmem_shared>>
      %dma_wait3A_156 = arith.constant 0 : i32
      %dma_wait3A_157 = tpu.memref_slice %arg22[%add3A_25, %dma_wait3A_156] : memref<5184x128xf32, #tpu.memory_space<vmem_shared>> -> memref<27x128xf32, #tpu.memory_space<vmem_shared>>
      tpu.wait_dma2 semaphore(%run_scoped3A : memref<!tpu.dma_semaphore, #tpu.memory_space<semaphore_mem>>) src(%arg21 : memref<27x128xf32, #tpu.memory_space<vmem>>) dst(%dma_wait3A_157 : memref<27x128xf32, #tpu.memory_space<vmem_shared>>)
      tpu.yield
    }) : () -> ()
    %add3A_26 = arith.constant 270 : i32
    %add3A_27 = arith.addi %mul3A_6, %add3A_26 : i32
    "tpu.region"() ({
      %run_scoped3A = tpu.sem_alloc : memref<!tpu.dma_semaphore, #tpu.memory_space<semaphore_mem>>
      %dma_start3A = arith.constant 0 : i32
      %dma_start3A_152 = tpu.memref_slice %arg22[%add3A_27, %dma_start3A] : memref<5184x128xf32, #tpu.memory_space<vmem_shared>> -> memref<27x128xf32, #tpu.memory_space<vmem_shared>>
      %dma_start3A_153 = arith.constant 0 : i32
      %dma_start3A_154 = tpu.memref_slice %arg22[%add3A_27, %dma_start3A_153] : memref<5184x128xf32, #tpu.memory_space<vmem_shared>> -> memref<27x128xf32, #tpu.memory_space<vmem_shared>>
      tpu.enqueue_dma source(%arg21 : memref<27x128xf32, #tpu.memory_space<vmem>>) target(%dma_start3A_154 : memref<27x128xf32, #tpu.memory_space<vmem_shared>>) target_semaphore(%run_scoped3A : memref<!tpu.dma_semaphore, #tpu.memory_space<semaphore_mem>>)
      %dma_wait3A = arith.constant 0 : i32
      %dma_wait3A_155 = tpu.memref_slice %arg22[%add3A_27, %dma_wait3A] : memref<5184x128xf32, #tpu.memory_space<vmem_shared>> -> memref<27x128xf32, #tpu.memory_space<vmem_shared>>
      %dma_wait3A_156 = arith.constant 0 : i32
      %dma_wait3A_157 = tpu.memref_slice %arg22[%add3A_27, %dma_wait3A_156] : memref<5184x128xf32, #tpu.memory_space<vmem_shared>> -> memref<27x128xf32, #tpu.memory_space<vmem_shared>>
      tpu.wait_dma2 semaphore(%run_scoped3A : memref<!tpu.dma_semaphore, #tpu.memory_space<semaphore_mem>>) src(%arg21 : memref<27x128xf32, #tpu.memory_space<vmem>>) dst(%dma_wait3A_157 : memref<27x128xf32, #tpu.memory_space<vmem_shared>>)
      tpu.yield
    }) : () -> ()
    %add3A_28 = arith.constant 297 : i32
    %add3A_29 = arith.addi %mul3A_6, %add3A_28 : i32
    "tpu.region"() ({
      %run_scoped3A = tpu.sem_alloc : memref<!tpu.dma_semaphore, #tpu.memory_space<semaphore_mem>>
      %dma_start3A = arith.constant 0 : i32
      %dma_start3A_152 = tpu.memref_slice %arg22[%add3A_29, %dma_start3A] : memref<5184x128xf32, #tpu.memory_space<vmem_shared>> -> memref<27x128xf32, #tpu.memory_space<vmem_shared>>
      %dma_start3A_153 = arith.constant 0 : i32
      %dma_start3A_154 = tpu.memref_slice %arg22[%add3A_29, %dma_start3A_153] : memref<5184x128xf32, #tpu.memory_space<vmem_shared>> -> memref<27x128xf32, #tpu.memory_space<vmem_shared>>
      tpu.enqueue_dma source(%arg21 : memref<27x128xf32, #tpu.memory_space<vmem>>) target(%dma_start3A_154 : memref<27x128xf32, #tpu.memory_space<vmem_shared>>) target_semaphore(%run_scoped3A : memref<!tpu.dma_semaphore, #tpu.memory_space<semaphore_mem>>)
      %dma_wait3A = arith.constant 0 : i32
      %dma_wait3A_155 = tpu.memref_slice %arg22[%add3A_29, %dma_wait3A] : memref<5184x128xf32, #tpu.memory_space<vmem_shared>> -> memref<27x128xf32, #tpu.memory_space<vmem_shared>>
      %dma_wait3A_156 = arith.constant 0 : i32
      %dma_wait3A_157 = tpu.memref_slice %arg22[%add3A_29, %dma_wait3A_156] : memref<5184x128xf32, #tpu.memory_space<vmem_shared>> -> memref<27x128xf32, #tpu.memory_space<vmem_shared>>
      tpu.wait_dma2 semaphore(%run_scoped3A : memref<!tpu.dma_semaphore, #tpu.memory_space<semaphore_mem>>) src(%arg21 : memref<27x128xf32, #tpu.memory_space<vmem>>) dst(%dma_wait3A_157 : memref<27x128xf32, #tpu.memory_space<vmem_shared>>)
      tpu.yield
    }) : () -> ()
    %barrier3A = arith.constant 0 : index
    tpu.barrier barrier_id(%barrier3A)
    %ge3A = arith.constant 0 : i32
    %ge3A_30 = arith.constant 0 : i32
    %ge3A_31 = arith.cmpi sge, %ge3A, %ge3A_30 : i32
    %mul3A_32 = arith.constant 0 : i32
    %mul3A_33 = arith.constant 16 : i32
    %mul3A_34 = arith.muli %mul3A_32, %mul3A_33 : i32
    %add3A_35 = arith.addi %arg1, %mul3A_34 : i32
    %lt3A = arith.constant 2500 : i32
    %lt3A_36 = arith.cmpi slt, %add3A_35, %lt3A : i32
    %and3A = arith.andi %ge3A_31, %lt3A_36 : i1
    %convert_element_type3A = arith.extui %and3A : i1 to i32
    %cond3A = arith.constant 0 : i32
    %cond3A_37 = arith.constant 0 : i32
    %cond3A_38 = arith.cmpi ne, %convert_element_type3A, %cond3A_37 : i32
    scf.if %cond3A_38 {
      %mul3A_152 = arith.constant 16 : i32
      %mul3A_153 = arith.muli %cond3A, %mul3A_152 : i32
      %add3A_154 = arith.addi %arg1, %mul3A_153 : i32
      %dma_start3A = arith.constant 0 : i32
      %dma_start3A_155 = tpu.memref_slice %arg3[%add3A_154, %dma_start3A] : memref<2500x128xi32, #tpu.memory_space<hbm>> -> memref<1x128xi32, #tpu.memory_space<hbm>>
      %dma_start3A_156 = tpu.memref_squeeze %dma_start3A_155 : memref<1x128xi32, #tpu.memory_space<hbm>> -> memref<128xi32, #tpu.memory_space<hbm>>
      %dma_start3A_157 = arith.constant 0 : i32
      %dma_start3A_158 = tpu.memref_slice %arg3[%add3A_154, %dma_start3A_157] : memref<2500x128xi32, #tpu.memory_space<hbm>> -> memref<1x128xi32, #tpu.memory_space<hbm>>
      %dma_start3A_159 = tpu.memref_squeeze %dma_start3A_158 : memref<1x128xi32, #tpu.memory_space<hbm>> -> memref<128xi32, #tpu.memory_space<hbm>>
      tpu.enqueue_dma source(%dma_start3A_159 : memref<128xi32, #tpu.memory_space<hbm>>) target(%arg6 : memref<128xi32, #tpu.memory_space<vmem>>) target_semaphore(%arg23 : memref<!tpu.dma_semaphore, #tpu.memory_space<semaphore_mem>>)
      %mul3A_160 = arith.constant 16 : i32
      %mul3A_161 = arith.muli %cond3A, %mul3A_160 : i32
      %add3A_162 = arith.addi %arg1, %mul3A_161 : i32
      %dma_start3A_163 = arith.constant 0 : i32
      %dma_start3A_164 = tpu.memref_slice %arg4[%add3A_162, %dma_start3A_163] : memref<2500x128xi32, #tpu.memory_space<hbm>> -> memref<1x128xi32, #tpu.memory_space<hbm>>
      %dma_start3A_165 = tpu.memref_squeeze %dma_start3A_164 : memref<1x128xi32, #tpu.memory_space<hbm>> -> memref<128xi32, #tpu.memory_space<hbm>>
      %dma_start3A_166 = arith.constant 0 : i32
      %dma_start3A_167 = tpu.memref_slice %arg4[%add3A_162, %dma_start3A_166] : memref<2500x128xi32, #tpu.memory_space<hbm>> -> memref<1x128xi32, #tpu.memory_space<hbm>>
      %dma_start3A_168 = tpu.memref_squeeze %dma_start3A_167 : memref<1x128xi32, #tpu.memory_space<hbm>> -> memref<128xi32, #tpu.memory_space<hbm>>
      tpu.enqueue_dma source(%dma_start3A_168 : memref<128xi32, #tpu.memory_space<hbm>>) target(%arg11 : memref<128xi32, #tpu.memory_space<vmem>>) target_semaphore(%arg23 : memref<!tpu.dma_semaphore, #tpu.memory_space<semaphore_mem>>)
    } else {
    }
    %scan3A_39 = arith.constant 0 : i32
    %scan3A_40 = arith.constant 32 : i32
    %scan3A_41 = arith.addi %scan3A_39, %scan3A_40 : i32
    %scan3A_42 = arith.constant 1 : i32
    scf.for %scan3A_152 = %scan3A_39 to %scan3A_41 step %scan3A_42  : i32 {
      %mul3A_153 = arith.constant 5 : i32
      %mul3A_154 = arith.muli %scan3A_152, %mul3A_153 : i32
      %add3A_155 = arith.constant 0 : i32
      %add3A_156 = arith.addi %add3A_155, %mul3A_154 : i32
      %add3A_157 = arith.constant 0 : i32
      %add3A_158 = arith.addi %add3A_156, %add3A_157 : i32
      %sub3A = arith.constant 4 : i32
      %sub3A_159 = arith.subi %add3A_158, %sub3A : i32
      %ge3A_160 = arith.constant 0 : i32
      %ge3A_161 = arith.cmpi sge, %sub3A_159, %ge3A_160 : i32
      %mul3A_162 = arith.constant 16 : i32
      %mul3A_163 = arith.muli %sub3A_159, %mul3A_162 : i32
      %add3A_164 = arith.addi %arg1, %mul3A_163 : i32
      %lt3A_165 = arith.constant 2500 : i32
      %lt3A_166 = arith.cmpi slt, %add3A_164, %lt3A_165 : i32
      %and3A_167 = arith.andi %ge3A_161, %lt3A_166 : i1
      %convert_element_type3A_168 = arith.extui %and3A_167 : i1 to i32
      %cond3A_169 = arith.constant 0 : i32
      %cond3A_170 = arith.cmpi ne, %convert_element_type3A_168, %cond3A_169 : i32
      scf.if %cond3A_170 {
        %dma_wait3A = arith.constant 0 : i32
        %dma_wait3A_536 = arith.constant 0 : i32
        %dma_wait3A_537 = tpu.memref_slice %arg22[%dma_wait3A, %dma_wait3A_536] : memref<5184x128xf32, #tpu.memory_space<vmem_shared>> -> memref<5184x128xf32, #tpu.memory_space<vmem_shared>>
        tpu.wait_indirect_dma semaphore(%arg34 : memref<!tpu.dma_semaphore, #tpu.memory_space<semaphore_mem>>) src(%arg17 : memref<128x128xf32, #tpu.memory_space<vmem>>) dst(%dma_wait3A_537 : memref<5184x128xf32, #tpu.memory_space<vmem_shared>>)
      } else {
      }
      %add3A_171 = arith.constant 1 : i32
      %add3A_172 = arith.addi %add3A_158, %add3A_171 : i32
      %ge3A_173 = arith.constant 0 : i32
      %ge3A_174 = arith.cmpi sge, %add3A_172, %ge3A_173 : i32
      %mul3A_175 = arith.constant 16 : i32
      %mul3A_176 = arith.muli %add3A_172, %mul3A_175 : i32
      %add3A_177 = arith.addi %arg1, %mul3A_176 : i32
      %lt3A_178 = arith.constant 2500 : i32
      %lt3A_179 = arith.cmpi slt, %add3A_177, %lt3A_178 : i32
      %and3A_180 = arith.andi %ge3A_174, %lt3A_179 : i1
      %convert_element_type3A_181 = arith.extui %and3A_180 : i1 to i32
      %cond3A_182 = arith.constant 0 : i32
      %cond3A_183 = arith.cmpi ne, %convert_element_type3A_181, %cond3A_182 : i32
      scf.if %cond3A_183 {
        %mul3A_536 = arith.constant 16 : i32
        %mul3A_537 = arith.muli %add3A_172, %mul3A_536 : i32
        %add3A_538 = arith.addi %arg1, %mul3A_537 : i32
        %dma_start3A = arith.constant 0 : i32
        %dma_start3A_539 = tpu.memref_slice %arg3[%add3A_538, %dma_start3A] : memref<2500x128xi32, #tpu.memory_space<hbm>> -> memref<1x128xi32, #tpu.memory_space<hbm>>
        %dma_start3A_540 = tpu.memref_squeeze %dma_start3A_539 : memref<1x128xi32, #tpu.memory_space<hbm>> -> memref<128xi32, #tpu.memory_space<hbm>>
        %dma_start3A_541 = arith.constant 0 : i32
        %dma_start3A_542 = tpu.memref_slice %arg3[%add3A_538, %dma_start3A_541] : memref<2500x128xi32, #tpu.memory_space<hbm>> -> memref<1x128xi32, #tpu.memory_space<hbm>>
        %dma_start3A_543 = tpu.memref_squeeze %dma_start3A_542 : memref<1x128xi32, #tpu.memory_space<hbm>> -> memref<128xi32, #tpu.memory_space<hbm>>
        tpu.enqueue_dma source(%dma_start3A_543 : memref<128xi32, #tpu.memory_space<hbm>>) target(%arg7 : memref<128xi32, #tpu.memory_space<vmem>>) target_semaphore(%arg24 : memref<!tpu.dma_semaphore, #tpu.memory_space<semaphore_mem>>)
        %mul3A_544 = arith.constant 16 : i32
        %mul3A_545 = arith.muli %add3A_172, %mul3A_544 : i32
        %add3A_546 = arith.addi %arg1, %mul3A_545 : i32
        %dma_start3A_547 = arith.constant 0 : i32
        %dma_start3A_548 = tpu.memref_slice %arg4[%add3A_546, %dma_start3A_547] : memref<2500x128xi32, #tpu.memory_space<hbm>> -> memref<1x128xi32, #tpu.memory_space<hbm>>
        %dma_start3A_549 = tpu.memref_squeeze %dma_start3A_548 : memref<1x128xi32, #tpu.memory_space<hbm>> -> memref<128xi32, #tpu.memory_space<hbm>>
        %dma_start3A_550 = arith.constant 0 : i32
        %dma_start3A_551 = tpu.memref_slice %arg4[%add3A_546, %dma_start3A_550] : memref<2500x128xi32, #tpu.memory_space<hbm>> -> memref<1x128xi32, #tpu.memory_space<hbm>>
        %dma_start3A_552 = tpu.memref_squeeze %dma_start3A_551 : memref<1x128xi32, #tpu.memory_space<hbm>> -> memref<128xi32, #tpu.memory_space<hbm>>
        tpu.enqueue_dma source(%dma_start3A_552 : memref<128xi32, #tpu.memory_space<hbm>>) target(%arg12 : memref<128xi32, #tpu.memory_space<vmem>>) target_semaphore(%arg24 : memref<!tpu.dma_semaphore, #tpu.memory_space<semaphore_mem>>)
      } else {
      }
      %ge3A_184 = arith.constant 0 : i32
      %ge3A_185 = arith.cmpi sge, %add3A_158, %ge3A_184 : i32
      %mul3A_186 = arith.constant 16 : i32
      %mul3A_187 = arith.muli %add3A_158, %mul3A_186 : i32
      %add3A_188 = arith.addi %arg1, %mul3A_187 : i32
      %lt3A_189 = arith.constant 2500 : i32
      %lt3A_190 = arith.cmpi slt, %add3A_188, %lt3A_189 : i32
      %and3A_191 = arith.andi %ge3A_185, %lt3A_190 : i1
      %convert_element_type3A_192 = arith.extui %and3A_191 : i1 to i32
      %cond3A_193 = arith.constant 0 : i32
      %cond3A_194 = arith.cmpi ne, %convert_element_type3A_192, %cond3A_193 : i32
      scf.if %cond3A_194 {
        %dma_wait3A = arith.constant 0 : i32
        %dma_wait3A_536 = arith.constant 0 : i32
        %dma_wait3A_537 = tpu.memref_slice %arg3[%dma_wait3A, %dma_wait3A_536] : memref<2500x128xi32, #tpu.memory_space<hbm>> -> memref<1x128xi32, #tpu.memory_space<hbm>>
        %dma_wait3A_538 = tpu.memref_squeeze %dma_wait3A_537 : memref<1x128xi32, #tpu.memory_space<hbm>> -> memref<128xi32, #tpu.memory_space<hbm>>
        %dma_wait3A_539 = arith.constant 0 : i32
        %dma_wait3A_540 = tpu.memref_slice %arg3[%dma_wait3A, %dma_wait3A_539] : memref<2500x128xi32, #tpu.memory_space<hbm>> -> memref<1x128xi32, #tpu.memory_space<hbm>>
        %dma_wait3A_541 = tpu.memref_squeeze %dma_wait3A_540 : memref<1x128xi32, #tpu.memory_space<hbm>> -> memref<128xi32, #tpu.memory_space<hbm>>
        tpu.wait_dma2 semaphore(%arg23 : memref<!tpu.dma_semaphore, #tpu.memory_space<semaphore_mem>>) src(%dma_wait3A_541 : memref<128xi32, #tpu.memory_space<hbm>>) dst(%arg6 : memref<128xi32, #tpu.memory_space<vmem>>)
        %dma_wait3A_542 = arith.constant 0 : i32
        %dma_wait3A_543 = arith.constant 0 : i32
        %dma_wait3A_544 = tpu.memref_slice %arg4[%dma_wait3A_542, %dma_wait3A_543] : memref<2500x128xi32, #tpu.memory_space<hbm>> -> memref<1x128xi32, #tpu.memory_space<hbm>>
        %dma_wait3A_545 = tpu.memref_squeeze %dma_wait3A_544 : memref<1x128xi32, #tpu.memory_space<hbm>> -> memref<128xi32, #tpu.memory_space<hbm>>
        %dma_wait3A_546 = arith.constant 0 : i32
        %dma_wait3A_547 = tpu.memref_slice %arg4[%dma_wait3A_542, %dma_wait3A_546] : memref<2500x128xi32, #tpu.memory_space<hbm>> -> memref<1x128xi32, #tpu.memory_space<hbm>>
        %dma_wait3A_548 = tpu.memref_squeeze %dma_wait3A_547 : memref<1x128xi32, #tpu.memory_space<hbm>> -> memref<128xi32, #tpu.memory_space<hbm>>
        tpu.wait_dma2 semaphore(%arg23 : memref<!tpu.dma_semaphore, #tpu.memory_space<semaphore_mem>>) src(%dma_wait3A_548 : memref<128xi32, #tpu.memory_space<hbm>>) dst(%arg11 : memref<128xi32, #tpu.memory_space<vmem>>)
        %get3A = arith.constant 0 : index
        %get3A_549 = tpu.vector_load %arg11[%get3A] {strides = array<i32>} : memref<128xi32, #tpu.memory_space<vmem>>, vector<16xi32>,
        %get3A_550 = vector.shape_cast %get3A_549 : vector<16xi32> to vector<16xi32>
        %sub3A_551 = vector.broadcast %mul3A_0 : i32 to vector<16xi32>
        %sub3A_552 = arith.subi %get3A_550, %sub3A_551 : vector<16xi32>
        %ge3A_553 = arith.constant 0 : i32
        %ge3A_554 = vector.broadcast %ge3A_553 : i32 to vector<16xi32>
        %ge3A_555 = arith.cmpi sge, %sub3A_552, %ge3A_554 : vector<16xi32>
        %lt3A_556 = arith.constant 5120 : i32
        %lt3A_557 = vector.broadcast %lt3A_556 : i32 to vector<16xi32>
        %lt3A_558 = arith.cmpi slt, %sub3A_552, %lt3A_557 : vector<16xi32>
        %and3A_559 = arith.andi %ge3A_555, %lt3A_558 : vector<16xi1>
        %broadcast_in_dim3A = arith.constant 0 : i32
        %broadcast_in_dim3A_560 = vector.broadcast %broadcast_in_dim3A : i32 to vector<16xi32>
        %mul3A_561 = arith.constant 4 : i32
        %mul3A_562 = arith.muli %arg1, %mul3A_561 : i32
        %add3A_563 = arith.constant 5120 : i32
        %add3A_564 = arith.addi %add3A_563, %mul3A_562 : i32
        %add3A_565 = arith.constant 0 : i32
        %add3A_566 = arith.addi %add3A_564, %add3A_565 : i32
        %add3A_567 = vector.broadcast %add3A_566 : i32 to vector<16xi32>
        %add3A_568 = arith.addi %broadcast_in_dim3A_560, %add3A_567 : vector<16xi32>
        %select_n3A = arith.select %and3A_559, %sub3A_552, %add3A_568 : vector<16xi1>, vector<16xi32>
        %swap3A = arith.constant 0 : index
        %swap3A_569 = tpu.vector_load %arg11[%swap3A] {strides = array<i32>} : memref<128xi32, #tpu.memory_space<vmem>>, vector<16xi32>,
        %swap3A_570 = vector.shape_cast %swap3A_569 : vector<16xi32> to vector<16xi32>
        %swap3A_571 = vector.shape_cast %select_n3A : vector<16xi32> to vector<16xi32>
        tpu.vector_store %arg11[%swap3A], %swap3A_571 {strides = array<i32>} : memref<128xi32, #tpu.memory_space<vmem>>, vector<16xi32>,
        %get3A_572 = arith.constant 16 : index
        %get3A_573 = tpu.vector_load %arg11[%get3A_572] {strides = array<i32>} : memref<128xi32, #tpu.memory_space<vmem>>, vector<16xi32>,
        %get3A_574 = vector.shape_cast %get3A_573 : vector<16xi32> to vector<16xi32>
        %sub3A_575 = vector.broadcast %mul3A_0 : i32 to vector<16xi32>
        %sub3A_576 = arith.subi %get3A_574, %sub3A_575 : vector<16xi32>
        %ge3A_577 = arith.constant 0 : i32
        %ge3A_578 = vector.broadcast %ge3A_577 : i32 to vector<16xi32>
        %ge3A_579 = arith.cmpi sge, %sub3A_576, %ge3A_578 : vector<16xi32>
        %lt3A_580 = arith.constant 5120 : i32
        %lt3A_581 = vector.broadcast %lt3A_580 : i32 to vector<16xi32>
        %lt3A_582 = arith.cmpi slt, %sub3A_576, %lt3A_581 : vector<16xi32>
        %and3A_583 = arith.andi %ge3A_579, %lt3A_582 : vector<16xi1>
        %broadcast_in_dim3A_584 = arith.constant 0 : i32
        %broadcast_in_dim3A_585 = vector.broadcast %broadcast_in_dim3A_584 : i32 to vector<16xi32>
        %mul3A_586 = arith.constant 4 : i32
        %mul3A_587 = arith.muli %arg1, %mul3A_586 : i32
        %add3A_588 = arith.constant 5120 : i32
        %add3A_589 = arith.addi %add3A_588, %mul3A_587 : i32
        %add3A_590 = arith.constant 1 : i32
        %add3A_591 = arith.addi %add3A_589, %add3A_590 : i32
        %add3A_592 = vector.broadcast %add3A_591 : i32 to vector<16xi32>
        %add3A_593 = arith.addi %broadcast_in_dim3A_585, %add3A_592 : vector<16xi32>
        %select_n3A_594 = arith.select %and3A_583, %sub3A_576, %add3A_593 : vector<16xi1>, vector<16xi32>
        %swap3A_595 = arith.constant 16 : index
        %swap3A_596 = tpu.vector_load %arg11[%swap3A_595] {strides = array<i32>} : memref<128xi32, #tpu.memory_space<vmem>>, vector<16xi32>,
        %swap3A_597 = vector.shape_cast %swap3A_596 : vector<16xi32> to vector<16xi32>
        %swap3A_598 = vector.shape_cast %select_n3A_594 : vector<16xi32> to vector<16xi32>
        tpu.vector_store %arg11[%swap3A_595], %swap3A_598 {strides = array<i32>} : memref<128xi32, #tpu.memory_space<vmem>>, vector<16xi32>,
        %get3A_599 = arith.constant 32 : index
        %get3A_600 = tpu.vector_load %arg11[%get3A_599] {strides = array<i32>} : memref<128xi32, #tpu.memory_space<vmem>>, vector<16xi32>,
        %get3A_601 = vector.shape_cast %get3A_600 : vector<16xi32> to vector<16xi32>
        %sub3A_602 = vector.broadcast %mul3A_0 : i32 to vector<16xi32>
        %sub3A_603 = arith.subi %get3A_601, %sub3A_602 : vector<16xi32>
        %ge3A_604 = arith.constant 0 : i32
        %ge3A_605 = vector.broadcast %ge3A_604 : i32 to vector<16xi32>
        %ge3A_606 = arith.cmpi sge, %sub3A_603, %ge3A_605 : vector<16xi32>
        %lt3A_607 = arith.constant 5120 : i32
        %lt3A_608 = vector.broadcast %lt3A_607 : i32 to vector<16xi32>
        %lt3A_609 = arith.cmpi slt, %sub3A_603, %lt3A_608 : vector<16xi32>
        %and3A_610 = arith.andi %ge3A_606, %lt3A_609 : vector<16xi1>
        %broadcast_in_dim3A_611 = arith.constant 0 : i32
        %broadcast_in_dim3A_612 = vector.broadcast %broadcast_in_dim3A_611 : i32 to vector<16xi32>
        %mul3A_613 = arith.constant 4 : i32
        %mul3A_614 = arith.muli %arg1, %mul3A_613 : i32
        %add3A_615 = arith.constant 5120 : i32
        %add3A_616 = arith.addi %add3A_615, %mul3A_614 : i32
        %add3A_617 = arith.constant 2 : i32
        %add3A_618 = arith.addi %add3A_616, %add3A_617 : i32
        %add3A_619 = vector.broadcast %add3A_618 : i32 to vector<16xi32>
        %add3A_620 = arith.addi %broadcast_in_dim3A_612, %add3A_619 : vector<16xi32>
        %select_n3A_621 = arith.select %and3A_610, %sub3A_603, %add3A_620 : vector<16xi1>, vector<16xi32>
        %swap3A_622 = arith.constant 32 : index
        %swap3A_623 = tpu.vector_load %arg11[%swap3A_622] {strides = array<i32>} : memref<128xi32, #tpu.memory_space<vmem>>, vector<16xi32>,
        %swap3A_624 = vector.shape_cast %swap3A_623 : vector<16xi32> to vector<16xi32>
        %swap3A_625 = vector.shape_cast %select_n3A_621 : vector<16xi32> to vector<16xi32>
        tpu.vector_store %arg11[%swap3A_622], %swap3A_625 {strides = array<i32>} : memref<128xi32, #tpu.memory_space<vmem>>, vector<16xi32>,
        %get3A_626 = arith.constant 48 : index
        %get3A_627 = tpu.vector_load %arg11[%get3A_626] {strides = array<i32>} : memref<128xi32, #tpu.memory_space<vmem>>, vector<16xi32>,
        %get3A_628 = vector.shape_cast %get3A_627 : vector<16xi32> to vector<16xi32>
        %sub3A_629 = vector.broadcast %mul3A_0 : i32 to vector<16xi32>
        %sub3A_630 = arith.subi %get3A_628, %sub3A_629 : vector<16xi32>
        %ge3A_631 = arith.constant 0 : i32
        %ge3A_632 = vector.broadcast %ge3A_631 : i32 to vector<16xi32>
        %ge3A_633 = arith.cmpi sge, %sub3A_630, %ge3A_632 : vector<16xi32>
        %lt3A_634 = arith.constant 5120 : i32
        %lt3A_635 = vector.broadcast %lt3A_634 : i32 to vector<16xi32>
        %lt3A_636 = arith.cmpi slt, %sub3A_630, %lt3A_635 : vector<16xi32>
        %and3A_637 = arith.andi %ge3A_633, %lt3A_636 : vector<16xi1>
        %broadcast_in_dim3A_638 = arith.constant 0 : i32
        %broadcast_in_dim3A_639 = vector.broadcast %broadcast_in_dim3A_638 : i32 to vector<16xi32>
        %mul3A_640 = arith.constant 4 : i32
        %mul3A_641 = arith.muli %arg1, %mul3A_640 : i32
        %add3A_642 = arith.constant 5120 : i32
        %add3A_643 = arith.addi %add3A_642, %mul3A_641 : i32
        %add3A_644 = arith.constant 3 : i32
        %add3A_645 = arith.addi %add3A_643, %add3A_644 : i32
        %add3A_646 = vector.broadcast %add3A_645 : i32 to vector<16xi32>
        %add3A_647 = arith.addi %broadcast_in_dim3A_639, %add3A_646 : vector<16xi32>
        %select_n3A_648 = arith.select %and3A_637, %sub3A_630, %add3A_647 : vector<16xi1>, vector<16xi32>
        %swap3A_649 = arith.constant 48 : index
        %swap3A_650 = tpu.vector_load %arg11[%swap3A_649] {strides = array<i32>} : memref<128xi32, #tpu.memory_space<vmem>>, vector<16xi32>,
        %swap3A_651 = vector.shape_cast %swap3A_650 : vector<16xi32> to vector<16xi32>
        %swap3A_652 = vector.shape_cast %select_n3A_648 : vector<16xi32> to vector<16xi32>
        tpu.vector_store %arg11[%swap3A_649], %swap3A_652 {strides = array<i32>} : memref<128xi32, #tpu.memory_space<vmem>>, vector<16xi32>,
        %get3A_653 = arith.constant 64 : index
        %get3A_654 = tpu.vector_load %arg11[%get3A_653] {strides = array<i32>} : memref<128xi32, #tpu.memory_space<vmem>>, vector<16xi32>,
        %get3A_655 = vector.shape_cast %get3A_654 : vector<16xi32> to vector<16xi32>
        %sub3A_656 = vector.broadcast %mul3A_0 : i32 to vector<16xi32>
        %sub3A_657 = arith.subi %get3A_655, %sub3A_656 : vector<16xi32>
        %ge3A_658 = arith.constant 0 : i32
        %ge3A_659 = vector.broadcast %ge3A_658 : i32 to vector<16xi32>
        %ge3A_660 = arith.cmpi sge, %sub3A_657, %ge3A_659 : vector<16xi32>
        %lt3A_661 = arith.constant 5120 : i32
        %lt3A_662 = vector.broadcast %lt3A_661 : i32 to vector<16xi32>
        %lt3A_663 = arith.cmpi slt, %sub3A_657, %lt3A_662 : vector<16xi32>
        %and3A_664 = arith.andi %ge3A_660, %lt3A_663 : vector<16xi1>
        %broadcast_in_dim3A_665 = arith.constant 0 : i32
        %broadcast_in_dim3A_666 = vector.broadcast %broadcast_in_dim3A_665 : i32 to vector<16xi32>
        %mul3A_667 = arith.constant 4 : i32
        %mul3A_668 = arith.muli %arg1, %mul3A_667 : i32
        %add3A_669 = arith.constant 5120 : i32
        %add3A_670 = arith.addi %add3A_669, %mul3A_668 : i32
        %add3A_671 = arith.constant 0 : i32
        %add3A_672 = arith.addi %add3A_670, %add3A_671 : i32
        %add3A_673 = vector.broadcast %add3A_672 : i32 to vector<16xi32>
        %add3A_674 = arith.addi %broadcast_in_dim3A_666, %add3A_673 : vector<16xi32>
        %select_n3A_675 = arith.select %and3A_664, %sub3A_657, %add3A_674 : vector<16xi1>, vector<16xi32>
        %swap3A_676 = arith.constant 64 : index
        %swap3A_677 = tpu.vector_load %arg11[%swap3A_676] {strides = array<i32>} : memref<128xi32, #tpu.memory_space<vmem>>, vector<16xi32>,
        %swap3A_678 = vector.shape_cast %swap3A_677 : vector<16xi32> to vector<16xi32>
        %swap3A_679 = vector.shape_cast %select_n3A_675 : vector<16xi32> to vector<16xi32>
        tpu.vector_store %arg11[%swap3A_676], %swap3A_679 {strides = array<i32>} : memref<128xi32, #tpu.memory_space<vmem>>, vector<16xi32>,
        %get3A_680 = arith.constant 80 : index
        %get3A_681 = tpu.vector_load %arg11[%get3A_680] {strides = array<i32>} : memref<128xi32, #tpu.memory_space<vmem>>, vector<16xi32>,
        %get3A_682 = vector.shape_cast %get3A_681 : vector<16xi32> to vector<16xi32>
        %sub3A_683 = vector.broadcast %mul3A_0 : i32 to vector<16xi32>
        %sub3A_684 = arith.subi %get3A_682, %sub3A_683 : vector<16xi32>
        %ge3A_685 = arith.constant 0 : i32
        %ge3A_686 = vector.broadcast %ge3A_685 : i32 to vector<16xi32>
        %ge3A_687 = arith.cmpi sge, %sub3A_684, %ge3A_686 : vector<16xi32>
        %lt3A_688 = arith.constant 5120 : i32
        %lt3A_689 = vector.broadcast %lt3A_688 : i32 to vector<16xi32>
        %lt3A_690 = arith.cmpi slt, %sub3A_684, %lt3A_689 : vector<16xi32>
        %and3A_691 = arith.andi %ge3A_687, %lt3A_690 : vector<16xi1>
        %broadcast_in_dim3A_692 = arith.constant 0 : i32
        %broadcast_in_dim3A_693 = vector.broadcast %broadcast_in_dim3A_692 : i32 to vector<16xi32>
        %mul3A_694 = arith.constant 4 : i32
        %mul3A_695 = arith.muli %arg1, %mul3A_694 : i32
        %add3A_696 = arith.constant 5120 : i32
        %add3A_697 = arith.addi %add3A_696, %mul3A_695 : i32
        %add3A_698 = arith.constant 1 : i32
        %add3A_699 = arith.addi %add3A_697, %add3A_698 : i32
        %add3A_700 = vector.broadcast %add3A_699 : i32 to vector<16xi32>
        %add3A_701 = arith.addi %broadcast_in_dim3A_693, %add3A_700 : vector<16xi32>
        %select_n3A_702 = arith.select %and3A_691, %sub3A_684, %add3A_701 : vector<16xi1>, vector<16xi32>
        %swap3A_703 = arith.constant 80 : index
        %swap3A_704 = tpu.vector_load %arg11[%swap3A_703] {strides = array<i32>} : memref<128xi32, #tpu.memory_space<vmem>>, vector<16xi32>,
        %swap3A_705 = vector.shape_cast %swap3A_704 : vector<16xi32> to vector<16xi32>
        %swap3A_706 = vector.shape_cast %select_n3A_702 : vector<16xi32> to vector<16xi32>
        tpu.vector_store %arg11[%swap3A_703], %swap3A_706 {strides = array<i32>} : memref<128xi32, #tpu.memory_space<vmem>>, vector<16xi32>,
        %get3A_707 = arith.constant 96 : index
        %get3A_708 = tpu.vector_load %arg11[%get3A_707] {strides = array<i32>} : memref<128xi32, #tpu.memory_space<vmem>>, vector<16xi32>,
        %get3A_709 = vector.shape_cast %get3A_708 : vector<16xi32> to vector<16xi32>
        %sub3A_710 = vector.broadcast %mul3A_0 : i32 to vector<16xi32>
        %sub3A_711 = arith.subi %get3A_709, %sub3A_710 : vector<16xi32>
        %ge3A_712 = arith.constant 0 : i32
        %ge3A_713 = vector.broadcast %ge3A_712 : i32 to vector<16xi32>
        %ge3A_714 = arith.cmpi sge, %sub3A_711, %ge3A_713 : vector<16xi32>
        %lt3A_715 = arith.constant 5120 : i32
        %lt3A_716 = vector.broadcast %lt3A_715 : i32 to vector<16xi32>
        %lt3A_717 = arith.cmpi slt, %sub3A_711, %lt3A_716 : vector<16xi32>
        %and3A_718 = arith.andi %ge3A_714, %lt3A_717 : vector<16xi1>
        %broadcast_in_dim3A_719 = arith.constant 0 : i32
        %broadcast_in_dim3A_720 = vector.broadcast %broadcast_in_dim3A_719 : i32 to vector<16xi32>
        %mul3A_721 = arith.constant 4 : i32
        %mul3A_722 = arith.muli %arg1, %mul3A_721 : i32
        %add3A_723 = arith.constant 5120 : i32
        %add3A_724 = arith.addi %add3A_723, %mul3A_722 : i32
        %add3A_725 = arith.constant 2 : i32
        %add3A_726 = arith.addi %add3A_724, %add3A_725 : i32
        %add3A_727 = vector.broadcast %add3A_726 : i32 to vector<16xi32>
        %add3A_728 = arith.addi %broadcast_in_dim3A_720, %add3A_727 : vector<16xi32>
        %select_n3A_729 = arith.select %and3A_718, %sub3A_711, %add3A_728 : vector<16xi1>, vector<16xi32>
        %swap3A_730 = arith.constant 96 : index
        %swap3A_731 = tpu.vector_load %arg11[%swap3A_730] {strides = array<i32>} : memref<128xi32, #tpu.memory_space<vmem>>, vector<16xi32>,
        %swap3A_732 = vector.shape_cast %swap3A_731 : vector<16xi32> to vector<16xi32>
        %swap3A_733 = vector.shape_cast %select_n3A_729 : vector<16xi32> to vector<16xi32>
        tpu.vector_store %arg11[%swap3A_730], %swap3A_733 {strides = array<i32>} : memref<128xi32, #tpu.memory_space<vmem>>, vector<16xi32>,
        %get3A_734 = arith.constant 112 : index
        %get3A_735 = tpu.vector_load %arg11[%get3A_734] {strides = array<i32>} : memref<128xi32, #tpu.memory_space<vmem>>, vector<16xi32>,
        %get3A_736 = vector.shape_cast %get3A_735 : vector<16xi32> to vector<16xi32>
        %sub3A_737 = vector.broadcast %mul3A_0 : i32 to vector<16xi32>
        %sub3A_738 = arith.subi %get3A_736, %sub3A_737 : vector<16xi32>
        %ge3A_739 = arith.constant 0 : i32
        %ge3A_740 = vector.broadcast %ge3A_739 : i32 to vector<16xi32>
        %ge3A_741 = arith.cmpi sge, %sub3A_738, %ge3A_740 : vector<16xi32>
        %lt3A_742 = arith.constant 5120 : i32
        %lt3A_743 = vector.broadcast %lt3A_742 : i32 to vector<16xi32>
        %lt3A_744 = arith.cmpi slt, %sub3A_738, %lt3A_743 : vector<16xi32>
        %and3A_745 = arith.andi %ge3A_741, %lt3A_744 : vector<16xi1>
        %broadcast_in_dim3A_746 = arith.constant 0 : i32
        %broadcast_in_dim3A_747 = vector.broadcast %broadcast_in_dim3A_746 : i32 to vector<16xi32>
        %mul3A_748 = arith.constant 4 : i32
        %mul3A_749 = arith.muli %arg1, %mul3A_748 : i32
        %add3A_750 = arith.constant 5120 : i32
        %add3A_751 = arith.addi %add3A_750, %mul3A_749 : i32
        %add3A_752 = arith.constant 3 : i32
        %add3A_753 = arith.addi %add3A_751, %add3A_752 : i32
        %add3A_754 = vector.broadcast %add3A_753 : i32 to vector<16xi32>
        %add3A_755 = arith.addi %broadcast_in_dim3A_747, %add3A_754 : vector<16xi32>
        %select_n3A_756 = arith.select %and3A_745, %sub3A_738, %add3A_755 : vector<16xi1>, vector<16xi32>
        %swap3A_757 = arith.constant 112 : index
        %swap3A_758 = tpu.vector_load %arg11[%swap3A_757] {strides = array<i32>} : memref<128xi32, #tpu.memory_space<vmem>>, vector<16xi32>,
        %swap3A_759 = vector.shape_cast %swap3A_758 : vector<16xi32> to vector<16xi32>
        %swap3A_760 = vector.shape_cast %select_n3A_756 : vector<16xi32> to vector<16xi32>
        tpu.vector_store %arg11[%swap3A_757], %swap3A_760 {strides = array<i32>} : memref<128xi32, #tpu.memory_space<vmem>>, vector<16xi32>,
      } else {
      }
      %ge3A_195 = arith.constant 0 : i32
      %ge3A_196 = arith.cmpi sge, %add3A_158, %ge3A_195 : i32
      %mul3A_197 = arith.constant 16 : i32
      %mul3A_198 = arith.muli %add3A_158, %mul3A_197 : i32
      %add3A_199 = arith.addi %arg1, %mul3A_198 : i32
      %lt3A_200 = arith.constant 2500 : i32
      %lt3A_201 = arith.cmpi slt, %add3A_199, %lt3A_200 : i32
      %and3A_202 = arith.andi %ge3A_196, %lt3A_201 : i1
      %convert_element_type3A_203 = arith.extui %and3A_202 : i1 to i32
      %cond3A_204 = arith.constant 0 : i32
      %cond3A_205 = arith.cmpi ne, %convert_element_type3A_203, %cond3A_204 : i32
      scf.if %cond3A_205 {
        %dma_start3A = arith.constant 0 : i32
        %dma_start3A_536 = arith.constant 0 : i32
        %dma_start3A_537 = tpu.memref_slice %arg2[%dma_start3A, %dma_start3A_536] : memref<10000x128xf32, #tpu.memory_space<hbm>> -> memref<10000x128xf32, #tpu.memory_space<hbm>>
        tpu.enqueue_indirect_dma source(%dma_start3A_537 : memref<10000x128xf32, #tpu.memory_space<hbm>>) target(%arg16 : memref<128x128xf32, #tpu.memory_space<vmem>>) offsets(%arg6 : memref<128xi32, #tpu.memory_space<vmem>>) semaphore(%arg28 : memref<!tpu.dma_semaphore, #tpu.memory_space<semaphore_mem>>)
      } else {
      }
      %sub3A_206 = arith.constant 2 : i32
      %sub3A_207 = arith.subi %add3A_158, %sub3A_206 : i32
      %ge3A_208 = arith.constant 0 : i32
      %ge3A_209 = arith.cmpi sge, %sub3A_207, %ge3A_208 : i32
      %mul3A_210 = arith.constant 16 : i32
      %mul3A_211 = arith.muli %sub3A_207, %mul3A_210 : i32
      %add3A_212 = arith.addi %arg1, %mul3A_211 : i32
      %lt3A_213 = arith.constant 2500 : i32
      %lt3A_214 = arith.cmpi slt, %add3A_212, %lt3A_213 : i32
      %and3A_215 = arith.andi %ge3A_209, %lt3A_214 : i1
      %convert_element_type3A_216 = arith.extui %and3A_215 : i1 to i32
      %cond3A_217 = arith.constant 0 : i32
      %cond3A_218 = arith.cmpi ne, %convert_element_type3A_216, %cond3A_217 : i32
      scf.if %cond3A_218 {
        %dma_wait3A = arith.constant 0 : i32
        %dma_wait3A_536 = arith.constant 0 : i32
        %dma_wait3A_537 = tpu.memref_slice %arg2[%dma_wait3A, %dma_wait3A_536] : memref<10000x128xf32, #tpu.memory_space<hbm>> -> memref<10000x128xf32, #tpu.memory_space<hbm>>
        tpu.wait_indirect_dma semaphore(%arg31 : memref<!tpu.dma_semaphore, #tpu.memory_space<semaphore_mem>>) src(%dma_wait3A_537 : memref<10000x128xf32, #tpu.memory_space<hbm>>) dst(%arg19 : memref<128x128xf32, #tpu.memory_space<vmem>>)
      } else {
      }
      %sub3A_219 = arith.constant 2 : i32
      %sub3A_220 = arith.subi %add3A_158, %sub3A_219 : i32
      %ge3A_221 = arith.constant 0 : i32
      %ge3A_222 = arith.cmpi sge, %sub3A_220, %ge3A_221 : i32
      %mul3A_223 = arith.constant 16 : i32
      %mul3A_224 = arith.muli %sub3A_220, %mul3A_223 : i32
      %add3A_225 = arith.addi %arg1, %mul3A_224 : i32
      %lt3A_226 = arith.constant 2500 : i32
      %lt3A_227 = arith.cmpi slt, %add3A_225, %lt3A_226 : i32
      %and3A_228 = arith.andi %ge3A_222, %lt3A_227 : i1
      %convert_element_type3A_229 = arith.extui %and3A_228 : i1 to i32
      %cond3A_230 = arith.constant 0 : i32
      %cond3A_231 = arith.cmpi ne, %convert_element_type3A_229, %cond3A_230 : i32
      scf.if %cond3A_231 {
        %dma_start3A = arith.constant 0 : i32
        %dma_start3A_536 = arith.constant 0 : i32
        %dma_start3A_537 = tpu.memref_slice %arg22[%dma_start3A, %dma_start3A_536] : memref<5184x128xf32, #tpu.memory_space<vmem_shared>> -> memref<5184x128xf32, #tpu.memory_space<vmem_shared>>
        tpu.enqueue_indirect_dma source(%arg19 : memref<128x128xf32, #tpu.memory_space<vmem>>) target(%dma_start3A_537 : memref<5184x128xf32, #tpu.memory_space<vmem_shared>>) offsets(%arg14 : memref<128xi32, #tpu.memory_space<vmem>>) semaphore(%arg36 : memref<!tpu.dma_semaphore, #tpu.memory_space<semaphore_mem>>) {add = true}
      } else {
      }
      %add3A_232 = arith.constant 1 : i32
      %add3A_233 = arith.addi %add3A_156, %add3A_232 : i32
      %sub3A_234 = arith.constant 4 : i32
      %sub3A_235 = arith.subi %add3A_233, %sub3A_234 : i32
      %ge3A_236 = arith.constant 0 : i32
      %ge3A_237 = arith.cmpi sge, %sub3A_235, %ge3A_236 : i32
      %mul3A_238 = arith.constant 16 : i32
      %mul3A_239 = arith.muli %sub3A_235, %mul3A_238 : i32
      %add3A_240 = arith.addi %arg1, %mul3A_239 : i32
      %lt3A_241 = arith.constant 2500 : i32
      %lt3A_242 = arith.cmpi slt, %add3A_240, %lt3A_241 : i32
      %and3A_243 = arith.andi %ge3A_237, %lt3A_242 : i1
      %convert_element_type3A_244 = arith.extui %and3A_243 : i1 to i32
      %cond3A_245 = arith.constant 0 : i32
      %cond3A_246 = arith.cmpi ne, %convert_element_type3A_244, %cond3A_245 : i32
      scf.if %cond3A_246 {
        %dma_wait3A = arith.constant 0 : i32
        %dma_wait3A_536 = arith.constant 0 : i32
        %dma_wait3A_537 = tpu.memref_slice %arg22[%dma_wait3A, %dma_wait3A_536] : memref<5184x128xf32, #tpu.memory_space<vmem_shared>> -> memref<5184x128xf32, #tpu.memory_space<vmem_shared>>
        tpu.wait_indirect_dma semaphore(%arg35 : memref<!tpu.dma_semaphore, #tpu.memory_space<semaphore_mem>>) src(%arg18 : memref<128x128xf32, #tpu.memory_space<vmem>>) dst(%dma_wait3A_537 : memref<5184x128xf32, #tpu.memory_space<vmem_shared>>)
      } else {
      }
      %add3A_247 = arith.constant 1 : i32
      %add3A_248 = arith.addi %add3A_233, %add3A_247 : i32
      %ge3A_249 = arith.constant 0 : i32
      %ge3A_250 = arith.cmpi sge, %add3A_248, %ge3A_249 : i32
      %mul3A_251 = arith.constant 16 : i32
      %mul3A_252 = arith.muli %add3A_248, %mul3A_251 : i32
      %add3A_253 = arith.addi %arg1, %mul3A_252 : i32
      %lt3A_254 = arith.constant 2500 : i32
      %lt3A_255 = arith.cmpi slt, %add3A_253, %lt3A_254 : i32
      %and3A_256 = arith.andi %ge3A_250, %lt3A_255 : i1
      %convert_element_type3A_257 = arith.extui %and3A_256 : i1 to i32
      %cond3A_258 = arith.constant 0 : i32
      %cond3A_259 = arith.cmpi ne, %convert_element_type3A_257, %cond3A_258 : i32
      scf.if %cond3A_259 {
        %mul3A_536 = arith.constant 16 : i32
        %mul3A_537 = arith.muli %add3A_248, %mul3A_536 : i32
        %add3A_538 = arith.addi %arg1, %mul3A_537 : i32
        %dma_start3A = arith.constant 0 : i32
        %dma_start3A_539 = tpu.memref_slice %arg3[%add3A_538, %dma_start3A] : memref<2500x128xi32, #tpu.memory_space<hbm>> -> memref<1x128xi32, #tpu.memory_space<hbm>>
        %dma_start3A_540 = tpu.memref_squeeze %dma_start3A_539 : memref<1x128xi32, #tpu.memory_space<hbm>> -> memref<128xi32, #tpu.memory_space<hbm>>
        %dma_start3A_541 = arith.constant 0 : i32
        %dma_start3A_542 = tpu.memref_slice %arg3[%add3A_538, %dma_start3A_541] : memref<2500x128xi32, #tpu.memory_space<hbm>> -> memref<1x128xi32, #tpu.memory_space<hbm>>
        %dma_start3A_543 = tpu.memref_squeeze %dma_start3A_542 : memref<1x128xi32, #tpu.memory_space<hbm>> -> memref<128xi32, #tpu.memory_space<hbm>>
        tpu.enqueue_dma source(%dma_start3A_543 : memref<128xi32, #tpu.memory_space<hbm>>) target(%arg8 : memref<128xi32, #tpu.memory_space<vmem>>) target_semaphore(%arg25 : memref<!tpu.dma_semaphore, #tpu.memory_space<semaphore_mem>>)
        %mul3A_544 = arith.constant 16 : i32
        %mul3A_545 = arith.muli %add3A_248, %mul3A_544 : i32
        %add3A_546 = arith.addi %arg1, %mul3A_545 : i32
        %dma_start3A_547 = arith.constant 0 : i32
        %dma_start3A_548 = tpu.memref_slice %arg4[%add3A_546, %dma_start3A_547] : memref<2500x128xi32, #tpu.memory_space<hbm>> -> memref<1x128xi32, #tpu.memory_space<hbm>>
        %dma_start3A_549 = tpu.memref_squeeze %dma_start3A_548 : memref<1x128xi32, #tpu.memory_space<hbm>> -> memref<128xi32, #tpu.memory_space<hbm>>
        %dma_start3A_550 = arith.constant 0 : i32
        %dma_start3A_551 = tpu.memref_slice %arg4[%add3A_546, %dma_start3A_550] : memref<2500x128xi32, #tpu.memory_space<hbm>> -> memref<1x128xi32, #tpu.memory_space<hbm>>
        %dma_start3A_552 = tpu.memref_squeeze %dma_start3A_551 : memref<1x128xi32, #tpu.memory_space<hbm>> -> memref<128xi32, #tpu.memory_space<hbm>>
        tpu.enqueue_dma source(%dma_start3A_552 : memref<128xi32, #tpu.memory_space<hbm>>) target(%arg13 : memref<128xi32, #tpu.memory_space<vmem>>) target_semaphore(%arg25 : memref<!tpu.dma_semaphore, #tpu.memory_space<semaphore_mem>>)
      } else {
      }
      %ge3A_260 = arith.constant 0 : i32
      %ge3A_261 = arith.cmpi sge, %add3A_233, %ge3A_260 : i32
      %mul3A_262 = arith.constant 16 : i32
      %mul3A_263 = arith.muli %add3A_233, %mul3A_262 : i32
      %add3A_264 = arith.addi %arg1, %mul3A_263 : i32
      %lt3A_265 = arith.constant 2500 : i32
      %lt3A_266 = arith.cmpi slt, %add3A_264, %lt3A_265 : i32
      %and3A_267 = arith.andi %ge3A_261, %lt3A_266 : i1
      %convert_element_type3A_268 = arith.extui %and3A_267 : i1 to i32
      %cond3A_269 = arith.constant 0 : i32
      %cond3A_270 = arith.cmpi ne, %convert_element_type3A_268, %cond3A_269 : i32
      scf.if %cond3A_270 {
        %dma_wait3A = arith.constant 0 : i32
        %dma_wait3A_536 = arith.constant 0 : i32
        %dma_wait3A_537 = tpu.memref_slice %arg3[%dma_wait3A, %dma_wait3A_536] : memref<2500x128xi32, #tpu.memory_space<hbm>> -> memref<1x128xi32, #tpu.memory_space<hbm>>
        %dma_wait3A_538 = tpu.memref_squeeze %dma_wait3A_537 : memref<1x128xi32, #tpu.memory_space<hbm>> -> memref<128xi32, #tpu.memory_space<hbm>>
        %dma_wait3A_539 = arith.constant 0 : i32
        %dma_wait3A_540 = tpu.memref_slice %arg3[%dma_wait3A, %dma_wait3A_539] : memref<2500x128xi32, #tpu.memory_space<hbm>> -> memref<1x128xi32, #tpu.memory_space<hbm>>
        %dma_wait3A_541 = tpu.memref_squeeze %dma_wait3A_540 : memref<1x128xi32, #tpu.memory_space<hbm>> -> memref<128xi32, #tpu.memory_space<hbm>>
        tpu.wait_dma2 semaphore(%arg24 : memref<!tpu.dma_semaphore, #tpu.memory_space<semaphore_mem>>) src(%dma_wait3A_541 : memref<128xi32, #tpu.memory_space<hbm>>) dst(%arg7 : memref<128xi32, #tpu.memory_space<vmem>>)
        %dma_wait3A_542 = arith.constant 0 : i32
        %dma_wait3A_543 = arith.constant 0 : i32
        %dma_wait3A_544 = tpu.memref_slice %arg4[%dma_wait3A_542, %dma_wait3A_543] : memref<2500x128xi32, #tpu.memory_space<hbm>> -> memref<1x128xi32, #tpu.memory_space<hbm>>
        %dma_wait3A_545 = tpu.memref_squeeze %dma_wait3A_544 : memref<1x128xi32, #tpu.memory_space<hbm>> -> memref<128xi32, #tpu.memory_space<hbm>>
        %dma_wait3A_546 = arith.constant 0 : i32
        %dma_wait3A_547 = tpu.memref_slice %arg4[%dma_wait3A_542, %dma_wait3A_546] : memref<2500x128xi32, #tpu.memory_space<hbm>> -> memref<1x128xi32, #tpu.memory_space<hbm>>
        %dma_wait3A_548 = tpu.memref_squeeze %dma_wait3A_547 : memref<1x128xi32, #tpu.memory_space<hbm>> -> memref<128xi32, #tpu.memory_space<hbm>>
        tpu.wait_dma2 semaphore(%arg24 : memref<!tpu.dma_semaphore, #tpu.memory_space<semaphore_mem>>) src(%dma_wait3A_548 : memref<128xi32, #tpu.memory_space<hbm>>) dst(%arg12 : memref<128xi32, #tpu.memory_space<vmem>>)
        %get3A = arith.constant 0 : index
        %get3A_549 = tpu.vector_load %arg12[%get3A] {strides = array<i32>} : memref<128xi32, #tpu.memory_space<vmem>>, vector<16xi32>,
        %get3A_550 = vector.shape_cast %get3A_549 : vector<16xi32> to vector<16xi32>
        %sub3A_551 = vector.broadcast %mul3A_0 : i32 to vector<16xi32>
        %sub3A_552 = arith.subi %get3A_550, %sub3A_551 : vector<16xi32>
        %ge3A_553 = arith.constant 0 : i32
        %ge3A_554 = vector.broadcast %ge3A_553 : i32 to vector<16xi32>
        %ge3A_555 = arith.cmpi sge, %sub3A_552, %ge3A_554 : vector<16xi32>
        %lt3A_556 = arith.constant 5120 : i32
        %lt3A_557 = vector.broadcast %lt3A_556 : i32 to vector<16xi32>
        %lt3A_558 = arith.cmpi slt, %sub3A_552, %lt3A_557 : vector<16xi32>
        %and3A_559 = arith.andi %ge3A_555, %lt3A_558 : vector<16xi1>
        %broadcast_in_dim3A = arith.constant 0 : i32
        %broadcast_in_dim3A_560 = vector.broadcast %broadcast_in_dim3A : i32 to vector<16xi32>
        %mul3A_561 = arith.constant 4 : i32
        %mul3A_562 = arith.muli %arg1, %mul3A_561 : i32
        %add3A_563 = arith.constant 5120 : i32
        %add3A_564 = arith.addi %add3A_563, %mul3A_562 : i32
        %add3A_565 = arith.constant 0 : i32
        %add3A_566 = arith.addi %add3A_564, %add3A_565 : i32
        %add3A_567 = vector.broadcast %add3A_566 : i32 to vector<16xi32>
        %add3A_568 = arith.addi %broadcast_in_dim3A_560, %add3A_567 : vector<16xi32>
        %select_n3A = arith.select %and3A_559, %sub3A_552, %add3A_568 : vector<16xi1>, vector<16xi32>
        %swap3A = arith.constant 0 : index
        %swap3A_569 = tpu.vector_load %arg12[%swap3A] {strides = array<i32>} : memref<128xi32, #tpu.memory_space<vmem>>, vector<16xi32>,
        %swap3A_570 = vector.shape_cast %swap3A_569 : vector<16xi32> to vector<16xi32>
        %swap3A_571 = vector.shape_cast %select_n3A : vector<16xi32> to vector<16xi32>
        tpu.vector_store %arg12[%swap3A], %swap3A_571 {strides = array<i32>} : memref<128xi32, #tpu.memory_space<vmem>>, vector<16xi32>,
        %get3A_572 = arith.constant 16 : index
        %get3A_573 = tpu.vector_load %arg12[%get3A_572] {strides = array<i32>} : memref<128xi32, #tpu.memory_space<vmem>>, vector<16xi32>,
        %get3A_574 = vector.shape_cast %get3A_573 : vector<16xi32> to vector<16xi32>
        %sub3A_575 = vector.broadcast %mul3A_0 : i32 to vector<16xi32>
        %sub3A_576 = arith.subi %get3A_574, %sub3A_575 : vector<16xi32>
        %ge3A_577 = arith.constant 0 : i32
        %ge3A_578 = vector.broadcast %ge3A_577 : i32 to vector<16xi32>
        %ge3A_579 = arith.cmpi sge, %sub3A_576, %ge3A_578 : vector<16xi32>
        %lt3A_580 = arith.constant 5120 : i32
        %lt3A_581 = vector.broadcast %lt3A_580 : i32 to vector<16xi32>
        %lt3A_582 = arith.cmpi slt, %sub3A_576, %lt3A_581 : vector<16xi32>
        %and3A_583 = arith.andi %ge3A_579, %lt3A_582 : vector<16xi1>
        %broadcast_in_dim3A_584 = arith.constant 0 : i32
        %broadcast_in_dim3A_585 = vector.broadcast %broadcast_in_dim3A_584 : i32 to vector<16xi32>
        %mul3A_586 = arith.constant 4 : i32
        %mul3A_587 = arith.muli %arg1, %mul3A_586 : i32
        %add3A_588 = arith.constant 5120 : i32
        %add3A_589 = arith.addi %add3A_588, %mul3A_587 : i32
        %add3A_590 = arith.constant 1 : i32
        %add3A_591 = arith.addi %add3A_589, %add3A_590 : i32
        %add3A_592 = vector.broadcast %add3A_591 : i32 to vector<16xi32>
        %add3A_593 = arith.addi %broadcast_in_dim3A_585, %add3A_592 : vector<16xi32>
        %select_n3A_594 = arith.select %and3A_583, %sub3A_576, %add3A_593 : vector<16xi1>, vector<16xi32>
        %swap3A_595 = arith.constant 16 : index
        %swap3A_596 = tpu.vector_load %arg12[%swap3A_595] {strides = array<i32>} : memref<128xi32, #tpu.memory_space<vmem>>, vector<16xi32>,
        %swap3A_597 = vector.shape_cast %swap3A_596 : vector<16xi32> to vector<16xi32>
        %swap3A_598 = vector.shape_cast %select_n3A_594 : vector<16xi32> to vector<16xi32>
        tpu.vector_store %arg12[%swap3A_595], %swap3A_598 {strides = array<i32>} : memref<128xi32, #tpu.memory_space<vmem>>, vector<16xi32>,
        %get3A_599 = arith.constant 32 : index
        %get3A_600 = tpu.vector_load %arg12[%get3A_599] {strides = array<i32>} : memref<128xi32, #tpu.memory_space<vmem>>, vector<16xi32>,
        %get3A_601 = vector.shape_cast %get3A_600 : vector<16xi32> to vector<16xi32>
        %sub3A_602 = vector.broadcast %mul3A_0 : i32 to vector<16xi32>
        %sub3A_603 = arith.subi %get3A_601, %sub3A_602 : vector<16xi32>
        %ge3A_604 = arith.constant 0 : i32
        %ge3A_605 = vector.broadcast %ge3A_604 : i32 to vector<16xi32>
        %ge3A_606 = arith.cmpi sge, %sub3A_603, %ge3A_605 : vector<16xi32>
        %lt3A_607 = arith.constant 5120 : i32
        %lt3A_608 = vector.broadcast %lt3A_607 : i32 to vector<16xi32>
        %lt3A_609 = arith.cmpi slt, %sub3A_603, %lt3A_608 : vector<16xi32>
        %and3A_610 = arith.andi %ge3A_606, %lt3A_609 : vector<16xi1>
        %broadcast_in_dim3A_611 = arith.constant 0 : i32
        %broadcast_in_dim3A_612 = vector.broadcast %broadcast_in_dim3A_611 : i32 to vector<16xi32>
        %mul3A_613 = arith.constant 4 : i32
        %mul3A_614 = arith.muli %arg1, %mul3A_613 : i32
        %add3A_615 = arith.constant 5120 : i32
        %add3A_616 = arith.addi %add3A_615, %mul3A_614 : i32
        %add3A_617 = arith.constant 2 : i32
        %add3A_618 = arith.addi %add3A_616, %add3A_617 : i32
        %add3A_619 = vector.broadcast %add3A_618 : i32 to vector<16xi32>
        %add3A_620 = arith.addi %broadcast_in_dim3A_612, %add3A_619 : vector<16xi32>
        %select_n3A_621 = arith.select %and3A_610, %sub3A_603, %add3A_620 : vector<16xi1>, vector<16xi32>
        %swap3A_622 = arith.constant 32 : index
        %swap3A_623 = tpu.vector_load %arg12[%swap3A_622] {strides = array<i32>} : memref<128xi32, #tpu.memory_space<vmem>>, vector<16xi32>,
        %swap3A_624 = vector.shape_cast %swap3A_623 : vector<16xi32> to vector<16xi32>
        %swap3A_625 = vector.shape_cast %select_n3A_621 : vector<16xi32> to vector<16xi32>
        tpu.vector_store %arg12[%swap3A_622], %swap3A_625 {strides = array<i32>} : memref<128xi32, #tpu.memory_space<vmem>>, vector<16xi32>,
        %get3A_626 = arith.constant 48 : index
        %get3A_627 = tpu.vector_load %arg12[%get3A_626] {strides = array<i32>} : memref<128xi32, #tpu.memory_space<vmem>>, vector<16xi32>,
        %get3A_628 = vector.shape_cast %get3A_627 : vector<16xi32> to vector<16xi32>
        %sub3A_629 = vector.broadcast %mul3A_0 : i32 to vector<16xi32>
        %sub3A_630 = arith.subi %get3A_628, %sub3A_629 : vector<16xi32>
        %ge3A_631 = arith.constant 0 : i32
        %ge3A_632 = vector.broadcast %ge3A_631 : i32 to vector<16xi32>
        %ge3A_633 = arith.cmpi sge, %sub3A_630, %ge3A_632 : vector<16xi32>
        %lt3A_634 = arith.constant 5120 : i32
        %lt3A_635 = vector.broadcast %lt3A_634 : i32 to vector<16xi32>
        %lt3A_636 = arith.cmpi slt, %sub3A_630, %lt3A_635 : vector<16xi32>
        %and3A_637 = arith.andi %ge3A_633, %lt3A_636 : vector<16xi1>
        %broadcast_in_dim3A_638 = arith.constant 0 : i32
        %broadcast_in_dim3A_639 = vector.broadcast %broadcast_in_dim3A_638 : i32 to vector<16xi32>
        %mul3A_640 = arith.constant 4 : i32
        %mul3A_641 = arith.muli %arg1, %mul3A_640 : i32
        %add3A_642 = arith.constant 5120 : i32
        %add3A_643 = arith.addi %add3A_642, %mul3A_641 : i32
        %add3A_644 = arith.constant 3 : i32
        %add3A_645 = arith.addi %add3A_643, %add3A_644 : i32
        %add3A_646 = vector.broadcast %add3A_645 : i32 to vector<16xi32>
        %add3A_647 = arith.addi %broadcast_in_dim3A_639, %add3A_646 : vector<16xi32>
        %select_n3A_648 = arith.select %and3A_637, %sub3A_630, %add3A_647 : vector<16xi1>, vector<16xi32>
        %swap3A_649 = arith.constant 48 : index
        %swap3A_650 = tpu.vector_load %arg12[%swap3A_649] {strides = array<i32>} : memref<128xi32, #tpu.memory_space<vmem>>, vector<16xi32>,
        %swap3A_651 = vector.shape_cast %swap3A_650 : vector<16xi32> to vector<16xi32>
        %swap3A_652 = vector.shape_cast %select_n3A_648 : vector<16xi32> to vector<16xi32>
        tpu.vector_store %arg12[%swap3A_649], %swap3A_652 {strides = array<i32>} : memref<128xi32, #tpu.memory_space<vmem>>, vector<16xi32>,
        %get3A_653 = arith.constant 64 : index
        %get3A_654 = tpu.vector_load %arg12[%get3A_653] {strides = array<i32>} : memref<128xi32, #tpu.memory_space<vmem>>, vector<16xi32>,
        %get3A_655 = vector.shape_cast %get3A_654 : vector<16xi32> to vector<16xi32>
        %sub3A_656 = vector.broadcast %mul3A_0 : i32 to vector<16xi32>
        %sub3A_657 = arith.subi %get3A_655, %sub3A_656 : vector<16xi32>
        %ge3A_658 = arith.constant 0 : i32
        %ge3A_659 = vector.broadcast %ge3A_658 : i32 to vector<16xi32>
        %ge3A_660 = arith.cmpi sge, %sub3A_657, %ge3A_659 : vector<16xi32>
        %lt3A_661 = arith.constant 5120 : i32
        %lt3A_662 = vector.broadcast %lt3A_661 : i32 to vector<16xi32>
        %lt3A_663 = arith.cmpi slt, %sub3A_657, %lt3A_662 : vector<16xi32>
        %and3A_664 = arith.andi %ge3A_660, %lt3A_663 : vector<16xi1>
        %broadcast_in_dim3A_665 = arith.constant 0 : i32
        %broadcast_in_dim3A_666 = vector.broadcast %broadcast_in_dim3A_665 : i32 to vector<16xi32>
        %mul3A_667 = arith.constant 4 : i32
        %mul3A_668 = arith.muli %arg1, %mul3A_667 : i32
        %add3A_669 = arith.constant 5120 : i32
        %add3A_670 = arith.addi %add3A_669, %mul3A_668 : i32
        %add3A_671 = arith.constant 0 : i32
        %add3A_672 = arith.addi %add3A_670, %add3A_671 : i32
        %add3A_673 = vector.broadcast %add3A_672 : i32 to vector<16xi32>
        %add3A_674 = arith.addi %broadcast_in_dim3A_666, %add3A_673 : vector<16xi32>
        %select_n3A_675 = arith.select %and3A_664, %sub3A_657, %add3A_674 : vector<16xi1>, vector<16xi32>
        %swap3A_676 = arith.constant 64 : index
        %swap3A_677 = tpu.vector_load %arg12[%swap3A_676] {strides = array<i32>} : memref<128xi32, #tpu.memory_space<vmem>>, vector<16xi32>,
        %swap3A_678 = vector.shape_cast %swap3A_677 : vector<16xi32> to vector<16xi32>
        %swap3A_679 = vector.shape_cast %select_n3A_675 : vector<16xi32> to vector<16xi32>
        tpu.vector_store %arg12[%swap3A_676], %swap3A_679 {strides = array<i32>} : memref<128xi32, #tpu.memory_space<vmem>>, vector<16xi32>,
        %get3A_680 = arith.constant 80 : index
        %get3A_681 = tpu.vector_load %arg12[%get3A_680] {strides = array<i32>} : memref<128xi32, #tpu.memory_space<vmem>>, vector<16xi32>,
        %get3A_682 = vector.shape_cast %get3A_681 : vector<16xi32> to vector<16xi32>
        %sub3A_683 = vector.broadcast %mul3A_0 : i32 to vector<16xi32>
        %sub3A_684 = arith.subi %get3A_682, %sub3A_683 : vector<16xi32>
        %ge3A_685 = arith.constant 0 : i32
        %ge3A_686 = vector.broadcast %ge3A_685 : i32 to vector<16xi32>
        %ge3A_687 = arith.cmpi sge, %sub3A_684, %ge3A_686 : vector<16xi32>
        %lt3A_688 = arith.constant 5120 : i32
        %lt3A_689 = vector.broadcast %lt3A_688 : i32 to vector<16xi32>
        %lt3A_690 = arith.cmpi slt, %sub3A_684, %lt3A_689 : vector<16xi32>
        %and3A_691 = arith.andi %ge3A_687, %lt3A_690 : vector<16xi1>
        %broadcast_in_dim3A_692 = arith.constant 0 : i32
        %broadcast_in_dim3A_693 = vector.broadcast %broadcast_in_dim3A_692 : i32 to vector<16xi32>
        %mul3A_694 = arith.constant 4 : i32
        %mul3A_695 = arith.muli %arg1, %mul3A_694 : i32
        %add3A_696 = arith.constant 5120 : i32
        %add3A_697 = arith.addi %add3A_696, %mul3A_695 : i32
        %add3A_698 = arith.constant 1 : i32
        %add3A_699 = arith.addi %add3A_697, %add3A_698 : i32
        %add3A_700 = vector.broadcast %add3A_699 : i32 to vector<16xi32>
        %add3A_701 = arith.addi %broadcast_in_dim3A_693, %add3A_700 : vector<16xi32>
        %select_n3A_702 = arith.select %and3A_691, %sub3A_684, %add3A_701 : vector<16xi1>, vector<16xi32>
        %swap3A_703 = arith.constant 80 : index
        %swap3A_704 = tpu.vector_load %arg12[%swap3A_703] {strides = array<i32>} : memref<128xi32, #tpu.memory_space<vmem>>, vector<16xi32>,
        %swap3A_705 = vector.shape_cast %swap3A_704 : vector<16xi32> to vector<16xi32>
        %swap3A_706 = vector.shape_cast %select_n3A_702 : vector<16xi32> to vector<16xi32>
        tpu.vector_store %arg12[%swap3A_703], %swap3A_706 {strides = array<i32>} : memref<128xi32, #tpu.memory_space<vmem>>, vector<16xi32>,
        %get3A_707 = arith.constant 96 : index
        %get3A_708 = tpu.vector_load %arg12[%get3A_707] {strides = array<i32>} : memref<128xi32, #tpu.memory_space<vmem>>, vector<16xi32>,
        %get3A_709 = vector.shape_cast %get3A_708 : vector<16xi32> to vector<16xi32>
        %sub3A_710 = vector.broadcast %mul3A_0 : i32 to vector<16xi32>
        %sub3A_711 = arith.subi %get3A_709, %sub3A_710 : vector<16xi32>
        %ge3A_712 = arith.constant 0 : i32
        %ge3A_713 = vector.broadcast %ge3A_712 : i32 to vector<16xi32>
        %ge3A_714 = arith.cmpi sge, %sub3A_711, %ge3A_713 : vector<16xi32>
        %lt3A_715 = arith.constant 5120 : i32
        %lt3A_716 = vector.broadcast %lt3A_715 : i32 to vector<16xi32>
        %lt3A_717 = arith.cmpi slt, %sub3A_711, %lt3A_716 : vector<16xi32>
        %and3A_718 = arith.andi %ge3A_714, %lt3A_717 : vector<16xi1>
        %broadcast_in_dim3A_719 = arith.constant 0 : i32
        %broadcast_in_dim3A_720 = vector.broadcast %broadcast_in_dim3A_719 : i32 to vector<16xi32>
        %mul3A_721 = arith.constant 4 : i32
        %mul3A_722 = arith.muli %arg1, %mul3A_721 : i32
        %add3A_723 = arith.constant 5120 : i32
        %add3A_724 = arith.addi %add3A_723, %mul3A_722 : i32
        %add3A_725 = arith.constant 2 : i32
        %add3A_726 = arith.addi %add3A_724, %add3A_725 : i32
        %add3A_727 = vector.broadcast %add3A_726 : i32 to vector<16xi32>
        %add3A_728 = arith.addi %broadcast_in_dim3A_720, %add3A_727 : vector<16xi32>
        %select_n3A_729 = arith.select %and3A_718, %sub3A_711, %add3A_728 : vector<16xi1>, vector<16xi32>
        %swap3A_730 = arith.constant 96 : index
        %swap3A_731 = tpu.vector_load %arg12[%swap3A_730] {strides = array<i32>} : memref<128xi32, #tpu.memory_space<vmem>>, vector<16xi32>,
        %swap3A_732 = vector.shape_cast %swap3A_731 : vector<16xi32> to vector<16xi32>
        %swap3A_733 = vector.shape_cast %select_n3A_729 : vector<16xi32> to vector<16xi32>
        tpu.vector_store %arg12[%swap3A_730], %swap3A_733 {strides = array<i32>} : memref<128xi32, #tpu.memory_space<vmem>>, vector<16xi32>,
        %get3A_734 = arith.constant 112 : index
        %get3A_735 = tpu.vector_load %arg12[%get3A_734] {strides = array<i32>} : memref<128xi32, #tpu.memory_space<vmem>>, vector<16xi32>,
        %get3A_736 = vector.shape_cast %get3A_735 : vector<16xi32> to vector<16xi32>
        %sub3A_737 = vector.broadcast %mul3A_0 : i32 to vector<16xi32>
        %sub3A_738 = arith.subi %get3A_736, %sub3A_737 : vector<16xi32>
        %ge3A_739 = arith.constant 0 : i32
        %ge3A_740 = vector.broadcast %ge3A_739 : i32 to vector<16xi32>
        %ge3A_741 = arith.cmpi sge, %sub3A_738, %ge3A_740 : vector<16xi32>
        %lt3A_742 = arith.constant 5120 : i32
        %lt3A_743 = vector.broadcast %lt3A_742 : i32 to vector<16xi32>
        %lt3A_744 = arith.cmpi slt, %sub3A_738, %lt3A_743 : vector<16xi32>
        %and3A_745 = arith.andi %ge3A_741, %lt3A_744 : vector<16xi1>
        %broadcast_in_dim3A_746 = arith.constant 0 : i32
        %broadcast_in_dim3A_747 = vector.broadcast %broadcast_in_dim3A_746 : i32 to vector<16xi32>
        %mul3A_748 = arith.constant 4 : i32
        %mul3A_749 = arith.muli %arg1, %mul3A_748 : i32
        %add3A_750 = arith.constant 5120 : i32
        %add3A_751 = arith.addi %add3A_750, %mul3A_749 : i32
        %add3A_752 = arith.constant 3 : i32
        %add3A_753 = arith.addi %add3A_751, %add3A_752 : i32
        %add3A_754 = vector.broadcast %add3A_753 : i32 to vector<16xi32>
        %add3A_755 = arith.addi %broadcast_in_dim3A_747, %add3A_754 : vector<16xi32>
        %select_n3A_756 = arith.select %and3A_745, %sub3A_738, %add3A_755 : vector<16xi1>, vector<16xi32>
        %swap3A_757 = arith.constant 112 : index
        %swap3A_758 = tpu.vector_load %arg12[%swap3A_757] {strides = array<i32>} : memref<128xi32, #tpu.memory_space<vmem>>, vector<16xi32>,
        %swap3A_759 = vector.shape_cast %swap3A_758 : vector<16xi32> to vector<16xi32>
        %swap3A_760 = vector.shape_cast %select_n3A_756 : vector<16xi32> to vector<16xi32>
        tpu.vector_store %arg12[%swap3A_757], %swap3A_760 {strides = array<i32>} : memref<128xi32, #tpu.memory_space<vmem>>, vector<16xi32>,
      } else {
      }
      %ge3A_271 = arith.constant 0 : i32
      %ge3A_272 = arith.cmpi sge, %add3A_233, %ge3A_271 : i32
      %mul3A_273 = arith.constant 16 : i32
      %mul3A_274 = arith.muli %add3A_233, %mul3A_273 : i32
      %add3A_275 = arith.addi %arg1, %mul3A_274 : i32
      %lt3A_276 = arith.constant 2500 : i32
      %lt3A_277 = arith.cmpi slt, %add3A_275, %lt3A_276 : i32
      %and3A_278 = arith.andi %ge3A_272, %lt3A_277 : i1
      %convert_element_type3A_279 = arith.extui %and3A_278 : i1 to i32
      %cond3A_280 = arith.constant 0 : i32
      %cond3A_281 = arith.cmpi ne, %convert_element_type3A_279, %cond3A_280 : i32
      scf.if %cond3A_281 {
        %dma_start3A = arith.constant 0 : i32
        %dma_start3A_536 = arith.constant 0 : i32
        %dma_start3A_537 = tpu.memref_slice %arg2[%dma_start3A, %dma_start3A_536] : memref<10000x128xf32, #tpu.memory_space<hbm>> -> memref<10000x128xf32, #tpu.memory_space<hbm>>
        tpu.enqueue_indirect_dma source(%dma_start3A_537 : memref<10000x128xf32, #tpu.memory_space<hbm>>) target(%arg17 : memref<128x128xf32, #tpu.memory_space<vmem>>) offsets(%arg7 : memref<128xi32, #tpu.memory_space<vmem>>) semaphore(%arg29 : memref<!tpu.dma_semaphore, #tpu.memory_space<semaphore_mem>>)
      } else {
      }
      %sub3A_282 = arith.constant 2 : i32
      %sub3A_283 = arith.subi %add3A_233, %sub3A_282 : i32
      %ge3A_284 = arith.constant 0 : i32
      %ge3A_285 = arith.cmpi sge, %sub3A_283, %ge3A_284 : i32
      %mul3A_286 = arith.constant 16 : i32
      %mul3A_287 = arith.muli %sub3A_283, %mul3A_286 : i32
      %add3A_288 = arith.addi %arg1, %mul3A_287 : i32
      %lt3A_289 = arith.constant 2500 : i32
      %lt3A_290 = arith.cmpi slt, %add3A_288, %lt3A_289 : i32
      %and3A_291 = arith.andi %ge3A_285, %lt3A_290 : i1
      %convert_element_type3A_292 = arith.extui %and3A_291 : i1 to i32
      %cond3A_293 = arith.constant 0 : i32
      %cond3A_294 = arith.cmpi ne, %convert_element_type3A_292, %cond3A_293 : i32
      scf.if %cond3A_294 {
        %dma_wait3A = arith.constant 0 : i32
        %dma_wait3A_536 = arith.constant 0 : i32
        %dma_wait3A_537 = tpu.memref_slice %arg2[%dma_wait3A, %dma_wait3A_536] : memref<10000x128xf32, #tpu.memory_space<hbm>> -> memref<10000x128xf32, #tpu.memory_space<hbm>>
        tpu.wait_indirect_dma semaphore(%arg32 : memref<!tpu.dma_semaphore, #tpu.memory_space<semaphore_mem>>) src(%dma_wait3A_537 : memref<10000x128xf32, #tpu.memory_space<hbm>>) dst(%arg20 : memref<128x128xf32, #tpu.memory_space<vmem>>)
      } else {
      }
      %sub3A_295 = arith.constant 2 : i32
      %sub3A_296 = arith.subi %add3A_233, %sub3A_295 : i32
      %ge3A_297 = arith.constant 0 : i32
      %ge3A_298 = arith.cmpi sge, %sub3A_296, %ge3A_297 : i32
      %mul3A_299 = arith.constant 16 : i32
      %mul3A_300 = arith.muli %sub3A_296, %mul3A_299 : i32
      %add3A_301 = arith.addi %arg1, %mul3A_300 : i32
      %lt3A_302 = arith.constant 2500 : i32
      %lt3A_303 = arith.cmpi slt, %add3A_301, %lt3A_302 : i32
      %and3A_304 = arith.andi %ge3A_298, %lt3A_303 : i1
      %convert_element_type3A_305 = arith.extui %and3A_304 : i1 to i32
      %cond3A_306 = arith.constant 0 : i32
      %cond3A_307 = arith.cmpi ne, %convert_element_type3A_305, %cond3A_306 : i32
      scf.if %cond3A_307 {
        %dma_start3A = arith.constant 0 : i32
        %dma_start3A_536 = arith.constant 0 : i32
        %dma_start3A_537 = tpu.memref_slice %arg22[%dma_start3A, %dma_start3A_536] : memref<5184x128xf32, #tpu.memory_space<vmem_shared>> -> memref<5184x128xf32, #tpu.memory_space<vmem_shared>>
        tpu.enqueue_indirect_dma source(%arg20 : memref<128x128xf32, #tpu.memory_space<vmem>>) target(%dma_start3A_537 : memref<5184x128xf32, #tpu.memory_space<vmem_shared>>) offsets(%arg15 : memref<128xi32, #tpu.memory_space<vmem>>) semaphore(%arg37 : memref<!tpu.dma_semaphore, #tpu.memory_space<semaphore_mem>>) {add = true}
      } else {
      }
      %add3A_308 = arith.constant 2 : i32
      %add3A_309 = arith.addi %add3A_156, %add3A_308 : i32
      %sub3A_310 = arith.constant 4 : i32
      %sub3A_311 = arith.subi %add3A_309, %sub3A_310 : i32
      %ge3A_312 = arith.constant 0 : i32
      %ge3A_313 = arith.cmpi sge, %sub3A_311, %ge3A_312 : i32
      %mul3A_314 = arith.constant 16 : i32
      %mul3A_315 = arith.muli %sub3A_311, %mul3A_314 : i32
      %add3A_316 = arith.addi %arg1, %mul3A_315 : i32
      %lt3A_317 = arith.constant 2500 : i32
      %lt3A_318 = arith.cmpi slt, %add3A_316, %lt3A_317 : i32
      %and3A_319 = arith.andi %ge3A_313, %lt3A_318 : i1
      %convert_element_type3A_320 = arith.extui %and3A_319 : i1 to i32
      %cond3A_321 = arith.constant 0 : i32
      %cond3A_322 = arith.cmpi ne, %convert_element_type3A_320, %cond3A_321 : i32
      scf.if %cond3A_322 {
        %dma_wait3A = arith.constant 0 : i32
        %dma_wait3A_536 = arith.constant 0 : i32
        %dma_wait3A_537 = tpu.memref_slice %arg22[%dma_wait3A, %dma_wait3A_536] : memref<5184x128xf32, #tpu.memory_space<vmem_shared>> -> memref<5184x128xf32, #tpu.memory_space<vmem_shared>>
        tpu.wait_indirect_dma semaphore(%arg36 : memref<!tpu.dma_semaphore, #tpu.memory_space<semaphore_mem>>) src(%arg19 : memref<128x128xf32, #tpu.memory_space<vmem>>) dst(%dma_wait3A_537 : memref<5184x128xf32, #tpu.memory_space<vmem_shared>>)
      } else {
      }
      %add3A_323 = arith.constant 1 : i32
      %add3A_324 = arith.addi %add3A_309, %add3A_323 : i32
      %ge3A_325 = arith.constant 0 : i32
      %ge3A_326 = arith.cmpi sge, %add3A_324, %ge3A_325 : i32
      %mul3A_327 = arith.constant 16 : i32
      %mul3A_328 = arith.muli %add3A_324, %mul3A_327 : i32
      %add3A_329 = arith.addi %arg1, %mul3A_328 : i32
      %lt3A_330 = arith.constant 2500 : i32
      %lt3A_331 = arith.cmpi slt, %add3A_329, %lt3A_330 : i32
      %and3A_332 = arith.andi %ge3A_326, %lt3A_331 : i1
      %convert_element_type3A_333 = arith.extui %and3A_332 : i1 to i32
      %cond3A_334 = arith.constant 0 : i32
      %cond3A_335 = arith.cmpi ne, %convert_element_type3A_333, %cond3A_334 : i32
      scf.if %cond3A_335 {
        %mul3A_536 = arith.constant 16 : i32
        %mul3A_537 = arith.muli %add3A_324, %mul3A_536 : i32
        %add3A_538 = arith.addi %arg1, %mul3A_537 : i32
        %dma_start3A = arith.constant 0 : i32
        %dma_start3A_539 = tpu.memref_slice %arg3[%add3A_538, %dma_start3A] : memref<2500x128xi32, #tpu.memory_space<hbm>> -> memref<1x128xi32, #tpu.memory_space<hbm>>
        %dma_start3A_540 = tpu.memref_squeeze %dma_start3A_539 : memref<1x128xi32, #tpu.memory_space<hbm>> -> memref<128xi32, #tpu.memory_space<hbm>>
        %dma_start3A_541 = arith.constant 0 : i32
        %dma_start3A_542 = tpu.memref_slice %arg3[%add3A_538, %dma_start3A_541] : memref<2500x128xi32, #tpu.memory_space<hbm>> -> memref<1x128xi32, #tpu.memory_space<hbm>>
        %dma_start3A_543 = tpu.memref_squeeze %dma_start3A_542 : memref<1x128xi32, #tpu.memory_space<hbm>> -> memref<128xi32, #tpu.memory_space<hbm>>
        tpu.enqueue_dma source(%dma_start3A_543 : memref<128xi32, #tpu.memory_space<hbm>>) target(%arg9 : memref<128xi32, #tpu.memory_space<vmem>>) target_semaphore(%arg26 : memref<!tpu.dma_semaphore, #tpu.memory_space<semaphore_mem>>)
        %mul3A_544 = arith.constant 16 : i32
        %mul3A_545 = arith.muli %add3A_324, %mul3A_544 : i32
        %add3A_546 = arith.addi %arg1, %mul3A_545 : i32
        %dma_start3A_547 = arith.constant 0 : i32
        %dma_start3A_548 = tpu.memref_slice %arg4[%add3A_546, %dma_start3A_547] : memref<2500x128xi32, #tpu.memory_space<hbm>> -> memref<1x128xi32, #tpu.memory_space<hbm>>
        %dma_start3A_549 = tpu.memref_squeeze %dma_start3A_548 : memref<1x128xi32, #tpu.memory_space<hbm>> -> memref<128xi32, #tpu.memory_space<hbm>>
        %dma_start3A_550 = arith.constant 0 : i32
        %dma_start3A_551 = tpu.memref_slice %arg4[%add3A_546, %dma_start3A_550] : memref<2500x128xi32, #tpu.memory_space<hbm>> -> memref<1x128xi32, #tpu.memory_space<hbm>>
        %dma_start3A_552 = tpu.memref_squeeze %dma_start3A_551 : memref<1x128xi32, #tpu.memory_space<hbm>> -> memref<128xi32, #tpu.memory_space<hbm>>
        tpu.enqueue_dma source(%dma_start3A_552 : memref<128xi32, #tpu.memory_space<hbm>>) target(%arg14 : memref<128xi32, #tpu.memory_space<vmem>>) target_semaphore(%arg26 : memref<!tpu.dma_semaphore, #tpu.memory_space<semaphore_mem>>)
      } else {
      }
      %ge3A_336 = arith.constant 0 : i32
      %ge3A_337 = arith.cmpi sge, %add3A_309, %ge3A_336 : i32
      %mul3A_338 = arith.constant 16 : i32
      %mul3A_339 = arith.muli %add3A_309, %mul3A_338 : i32
      %add3A_340 = arith.addi %arg1, %mul3A_339 : i32
      %lt3A_341 = arith.constant 2500 : i32
      %lt3A_342 = arith.cmpi slt, %add3A_340, %lt3A_341 : i32
      %and3A_343 = arith.andi %ge3A_337, %lt3A_342 : i1
      %convert_element_type3A_344 = arith.extui %and3A_343 : i1 to i32
      %cond3A_345 = arith.constant 0 : i32
      %cond3A_346 = arith.cmpi ne, %convert_element_type3A_344, %cond3A_345 : i32
      scf.if %cond3A_346 {
        %dma_wait3A = arith.constant 0 : i32
        %dma_wait3A_536 = arith.constant 0 : i32
        %dma_wait3A_537 = tpu.memref_slice %arg3[%dma_wait3A, %dma_wait3A_536] : memref<2500x128xi32, #tpu.memory_space<hbm>> -> memref<1x128xi32, #tpu.memory_space<hbm>>
        %dma_wait3A_538 = tpu.memref_squeeze %dma_wait3A_537 : memref<1x128xi32, #tpu.memory_space<hbm>> -> memref<128xi32, #tpu.memory_space<hbm>>
        %dma_wait3A_539 = arith.constant 0 : i32
        %dma_wait3A_540 = tpu.memref_slice %arg3[%dma_wait3A, %dma_wait3A_539] : memref<2500x128xi32, #tpu.memory_space<hbm>> -> memref<1x128xi32, #tpu.memory_space<hbm>>
        %dma_wait3A_541 = tpu.memref_squeeze %dma_wait3A_540 : memref<1x128xi32, #tpu.memory_space<hbm>> -> memref<128xi32, #tpu.memory_space<hbm>>
        tpu.wait_dma2 semaphore(%arg25 : memref<!tpu.dma_semaphore, #tpu.memory_space<semaphore_mem>>) src(%dma_wait3A_541 : memref<128xi32, #tpu.memory_space<hbm>>) dst(%arg8 : memref<128xi32, #tpu.memory_space<vmem>>)
        %dma_wait3A_542 = arith.constant 0 : i32
        %dma_wait3A_543 = arith.constant 0 : i32
        %dma_wait3A_544 = tpu.memref_slice %arg4[%dma_wait3A_542, %dma_wait3A_543] : memref<2500x128xi32, #tpu.memory_space<hbm>> -> memref<1x128xi32, #tpu.memory_space<hbm>>
        %dma_wait3A_545 = tpu.memref_squeeze %dma_wait3A_544 : memref<1x128xi32, #tpu.memory_space<hbm>> -> memref<128xi32, #tpu.memory_space<hbm>>
        %dma_wait3A_546 = arith.constant 0 : i32
        %dma_wait3A_547 = tpu.memref_slice %arg4[%dma_wait3A_542, %dma_wait3A_546] : memref<2500x128xi32, #tpu.memory_space<hbm>> -> memref<1x128xi32, #tpu.memory_space<hbm>>
        %dma_wait3A_548 = tpu.memref_squeeze %dma_wait3A_547 : memref<1x128xi32, #tpu.memory_space<hbm>> -> memref<128xi32, #tpu.memory_space<hbm>>
        tpu.wait_dma2 semaphore(%arg25 : memref<!tpu.dma_semaphore, #tpu.memory_space<semaphore_mem>>) src(%dma_wait3A_548 : memref<128xi32, #tpu.memory_space<hbm>>) dst(%arg13 : memref<128xi32, #tpu.memory_space<vmem>>)
        %get3A = arith.constant 0 : index
        %get3A_549 = tpu.vector_load %arg13[%get3A] {strides = array<i32>} : memref<128xi32, #tpu.memory_space<vmem>>, vector<16xi32>,
        %get3A_550 = vector.shape_cast %get3A_549 : vector<16xi32> to vector<16xi32>
        %sub3A_551 = vector.broadcast %mul3A_0 : i32 to vector<16xi32>
        %sub3A_552 = arith.subi %get3A_550, %sub3A_551 : vector<16xi32>
        %ge3A_553 = arith.constant 0 : i32
        %ge3A_554 = vector.broadcast %ge3A_553 : i32 to vector<16xi32>
        %ge3A_555 = arith.cmpi sge, %sub3A_552, %ge3A_554 : vector<16xi32>
        %lt3A_556 = arith.constant 5120 : i32
        %lt3A_557 = vector.broadcast %lt3A_556 : i32 to vector<16xi32>
        %lt3A_558 = arith.cmpi slt, %sub3A_552, %lt3A_557 : vector<16xi32>
        %and3A_559 = arith.andi %ge3A_555, %lt3A_558 : vector<16xi1>
        %broadcast_in_dim3A = arith.constant 0 : i32
        %broadcast_in_dim3A_560 = vector.broadcast %broadcast_in_dim3A : i32 to vector<16xi32>
        %mul3A_561 = arith.constant 4 : i32
        %mul3A_562 = arith.muli %arg1, %mul3A_561 : i32
        %add3A_563 = arith.constant 5120 : i32
        %add3A_564 = arith.addi %add3A_563, %mul3A_562 : i32
        %add3A_565 = arith.constant 0 : i32
        %add3A_566 = arith.addi %add3A_564, %add3A_565 : i32
        %add3A_567 = vector.broadcast %add3A_566 : i32 to vector<16xi32>
        %add3A_568 = arith.addi %broadcast_in_dim3A_560, %add3A_567 : vector<16xi32>
        %select_n3A = arith.select %and3A_559, %sub3A_552, %add3A_568 : vector<16xi1>, vector<16xi32>
        %swap3A = arith.constant 0 : index
        %swap3A_569 = tpu.vector_load %arg13[%swap3A] {strides = array<i32>} : memref<128xi32, #tpu.memory_space<vmem>>, vector<16xi32>,
        %swap3A_570 = vector.shape_cast %swap3A_569 : vector<16xi32> to vector<16xi32>
        %swap3A_571 = vector.shape_cast %select_n3A : vector<16xi32> to vector<16xi32>
        tpu.vector_store %arg13[%swap3A], %swap3A_571 {strides = array<i32>} : memref<128xi32, #tpu.memory_space<vmem>>, vector<16xi32>,
        %get3A_572 = arith.constant 16 : index
        %get3A_573 = tpu.vector_load %arg13[%get3A_572] {strides = array<i32>} : memref<128xi32, #tpu.memory_space<vmem>>, vector<16xi32>,
        %get3A_574 = vector.shape_cast %get3A_573 : vector<16xi32> to vector<16xi32>
        %sub3A_575 = vector.broadcast %mul3A_0 : i32 to vector<16xi32>
        %sub3A_576 = arith.subi %get3A_574, %sub3A_575 : vector<16xi32>
        %ge3A_577 = arith.constant 0 : i32
        %ge3A_578 = vector.broadcast %ge3A_577 : i32 to vector<16xi32>
        %ge3A_579 = arith.cmpi sge, %sub3A_576, %ge3A_578 : vector<16xi32>
        %lt3A_580 = arith.constant 5120 : i32
        %lt3A_581 = vector.broadcast %lt3A_580 : i32 to vector<16xi32>
        %lt3A_582 = arith.cmpi slt, %sub3A_576, %lt3A_581 : vector<16xi32>
        %and3A_583 = arith.andi %ge3A_579, %lt3A_582 : vector<16xi1>
        %broadcast_in_dim3A_584 = arith.constant 0 : i32
        %broadcast_in_dim3A_585 = vector.broadcast %broadcast_in_dim3A_584 : i32 to vector<16xi32>
        %mul3A_586 = arith.constant 4 : i32
        %mul3A_587 = arith.muli %arg1, %mul3A_586 : i32
        %add3A_588 = arith.constant 5120 : i32
        %add3A_589 = arith.addi %add3A_588, %mul3A_587 : i32
        %add3A_590 = arith.constant 1 : i32
        %add3A_591 = arith.addi %add3A_589, %add3A_590 : i32
        %add3A_592 = vector.broadcast %add3A_591 : i32 to vector<16xi32>
        %add3A_593 = arith.addi %broadcast_in_dim3A_585, %add3A_592 : vector<16xi32>
        %select_n3A_594 = arith.select %and3A_583, %sub3A_576, %add3A_593 : vector<16xi1>, vector<16xi32>
        %swap3A_595 = arith.constant 16 : index
        %swap3A_596 = tpu.vector_load %arg13[%swap3A_595] {strides = array<i32>} : memref<128xi32, #tpu.memory_space<vmem>>, vector<16xi32>,
        %swap3A_597 = vector.shape_cast %swap3A_596 : vector<16xi32> to vector<16xi32>
        %swap3A_598 = vector.shape_cast %select_n3A_594 : vector<16xi32> to vector<16xi32>
        tpu.vector_store %arg13[%swap3A_595], %swap3A_598 {strides = array<i32>} : memref<128xi32, #tpu.memory_space<vmem>>, vector<16xi32>,
        %get3A_599 = arith.constant 32 : index
        %get3A_600 = tpu.vector_load %arg13[%get3A_599] {strides = array<i32>} : memref<128xi32, #tpu.memory_space<vmem>>, vector<16xi32>,
        %get3A_601 = vector.shape_cast %get3A_600 : vector<16xi32> to vector<16xi32>
        %sub3A_602 = vector.broadcast %mul3A_0 : i32 to vector<16xi32>
        %sub3A_603 = arith.subi %get3A_601, %sub3A_602 : vector<16xi32>
        %ge3A_604 = arith.constant 0 : i32
        %ge3A_605 = vector.broadcast %ge3A_604 : i32 to vector<16xi32>
        %ge3A_606 = arith.cmpi sge, %sub3A_603, %ge3A_605 : vector<16xi32>
        %lt3A_607 = arith.constant 5120 : i32
        %lt3A_608 = vector.broadcast %lt3A_607 : i32 to vector<16xi32>
        %lt3A_609 = arith.cmpi slt, %sub3A_603, %lt3A_608 : vector<16xi32>
        %and3A_610 = arith.andi %ge3A_606, %lt3A_609 : vector<16xi1>
        %broadcast_in_dim3A_611 = arith.constant 0 : i32
        %broadcast_in_dim3A_612 = vector.broadcast %broadcast_in_dim3A_611 : i32 to vector<16xi32>
        %mul3A_613 = arith.constant 4 : i32
        %mul3A_614 = arith.muli %arg1, %mul3A_613 : i32
        %add3A_615 = arith.constant 5120 : i32
        %add3A_616 = arith.addi %add3A_615, %mul3A_614 : i32
        %add3A_617 = arith.constant 2 : i32
        %add3A_618 = arith.addi %add3A_616, %add3A_617 : i32
        %add3A_619 = vector.broadcast %add3A_618 : i32 to vector<16xi32>
        %add3A_620 = arith.addi %broadcast_in_dim3A_612, %add3A_619 : vector<16xi32>
        %select_n3A_621 = arith.select %and3A_610, %sub3A_603, %add3A_620 : vector<16xi1>, vector<16xi32>
        %swap3A_622 = arith.constant 32 : index
        %swap3A_623 = tpu.vector_load %arg13[%swap3A_622] {strides = array<i32>} : memref<128xi32, #tpu.memory_space<vmem>>, vector<16xi32>,
        %swap3A_624 = vector.shape_cast %swap3A_623 : vector<16xi32> to vector<16xi32>
        %swap3A_625 = vector.shape_cast %select_n3A_621 : vector<16xi32> to vector<16xi32>
        tpu.vector_store %arg13[%swap3A_622], %swap3A_625 {strides = array<i32>} : memref<128xi32, #tpu.memory_space<vmem>>, vector<16xi32>,
        %get3A_626 = arith.constant 48 : index
        %get3A_627 = tpu.vector_load %arg13[%get3A_626] {strides = array<i32>} : memref<128xi32, #tpu.memory_space<vmem>>, vector<16xi32>,
        %get3A_628 = vector.shape_cast %get3A_627 : vector<16xi32> to vector<16xi32>
        %sub3A_629 = vector.broadcast %mul3A_0 : i32 to vector<16xi32>
        %sub3A_630 = arith.subi %get3A_628, %sub3A_629 : vector<16xi32>
        %ge3A_631 = arith.constant 0 : i32
        %ge3A_632 = vector.broadcast %ge3A_631 : i32 to vector<16xi32>
        %ge3A_633 = arith.cmpi sge, %sub3A_630, %ge3A_632 : vector<16xi32>
        %lt3A_634 = arith.constant 5120 : i32
        %lt3A_635 = vector.broadcast %lt3A_634 : i32 to vector<16xi32>
        %lt3A_636 = arith.cmpi slt, %sub3A_630, %lt3A_635 : vector<16xi32>
        %and3A_637 = arith.andi %ge3A_633, %lt3A_636 : vector<16xi1>
        %broadcast_in_dim3A_638 = arith.constant 0 : i32
        %broadcast_in_dim3A_639 = vector.broadcast %broadcast_in_dim3A_638 : i32 to vector<16xi32>
        %mul3A_640 = arith.constant 4 : i32
        %mul3A_641 = arith.muli %arg1, %mul3A_640 : i32
        %add3A_642 = arith.constant 5120 : i32
        %add3A_643 = arith.addi %add3A_642, %mul3A_641 : i32
        %add3A_644 = arith.constant 3 : i32
        %add3A_645 = arith.addi %add3A_643, %add3A_644 : i32
        %add3A_646 = vector.broadcast %add3A_645 : i32 to vector<16xi32>
        %add3A_647 = arith.addi %broadcast_in_dim3A_639, %add3A_646 : vector<16xi32>
        %select_n3A_648 = arith.select %and3A_637, %sub3A_630, %add3A_647 : vector<16xi1>, vector<16xi32>
        %swap3A_649 = arith.constant 48 : index
        %swap3A_650 = tpu.vector_load %arg13[%swap3A_649] {strides = array<i32>} : memref<128xi32, #tpu.memory_space<vmem>>, vector<16xi32>,
        %swap3A_651 = vector.shape_cast %swap3A_650 : vector<16xi32> to vector<16xi32>
        %swap3A_652 = vector.shape_cast %select_n3A_648 : vector<16xi32> to vector<16xi32>
        tpu.vector_store %arg13[%swap3A_649], %swap3A_652 {strides = array<i32>} : memref<128xi32, #tpu.memory_space<vmem>>, vector<16xi32>,
        %get3A_653 = arith.constant 64 : index
        %get3A_654 = tpu.vector_load %arg13[%get3A_653] {strides = array<i32>} : memref<128xi32, #tpu.memory_space<vmem>>, vector<16xi32>,
        %get3A_655 = vector.shape_cast %get3A_654 : vector<16xi32> to vector<16xi32>
        %sub3A_656 = vector.broadcast %mul3A_0 : i32 to vector<16xi32>
        %sub3A_657 = arith.subi %get3A_655, %sub3A_656 : vector<16xi32>
        %ge3A_658 = arith.constant 0 : i32
        %ge3A_659 = vector.broadcast %ge3A_658 : i32 to vector<16xi32>
        %ge3A_660 = arith.cmpi sge, %sub3A_657, %ge3A_659 : vector<16xi32>
        %lt3A_661 = arith.constant 5120 : i32
        %lt3A_662 = vector.broadcast %lt3A_661 : i32 to vector<16xi32>
        %lt3A_663 = arith.cmpi slt, %sub3A_657, %lt3A_662 : vector<16xi32>
        %and3A_664 = arith.andi %ge3A_660, %lt3A_663 : vector<16xi1>
        %broadcast_in_dim3A_665 = arith.constant 0 : i32
        %broadcast_in_dim3A_666 = vector.broadcast %broadcast_in_dim3A_665 : i32 to vector<16xi32>
        %mul3A_667 = arith.constant 4 : i32
        %mul3A_668 = arith.muli %arg1, %mul3A_667 : i32
        %add3A_669 = arith.constant 5120 : i32
        %add3A_670 = arith.addi %add3A_669, %mul3A_668 : i32
        %add3A_671 = arith.constant 0 : i32
        %add3A_672 = arith.addi %add3A_670, %add3A_671 : i32
        %add3A_673 = vector.broadcast %add3A_672 : i32 to vector<16xi32>
        %add3A_674 = arith.addi %broadcast_in_dim3A_666, %add3A_673 : vector<16xi32>
        %select_n3A_675 = arith.select %and3A_664, %sub3A_657, %add3A_674 : vector<16xi1>, vector<16xi32>
        %swap3A_676 = arith.constant 64 : index
        %swap3A_677 = tpu.vector_load %arg13[%swap3A_676] {strides = array<i32>} : memref<128xi32, #tpu.memory_space<vmem>>, vector<16xi32>,
        %swap3A_678 = vector.shape_cast %swap3A_677 : vector<16xi32> to vector<16xi32>
        %swap3A_679 = vector.shape_cast %select_n3A_675 : vector<16xi32> to vector<16xi32>
        tpu.vector_store %arg13[%swap3A_676], %swap3A_679 {strides = array<i32>} : memref<128xi32, #tpu.memory_space<vmem>>, vector<16xi32>,
        %get3A_680 = arith.constant 80 : index
        %get3A_681 = tpu.vector_load %arg13[%get3A_680] {strides = array<i32>} : memref<128xi32, #tpu.memory_space<vmem>>, vector<16xi32>,
        %get3A_682 = vector.shape_cast %get3A_681 : vector<16xi32> to vector<16xi32>
        %sub3A_683 = vector.broadcast %mul3A_0 : i32 to vector<16xi32>
        %sub3A_684 = arith.subi %get3A_682, %sub3A_683 : vector<16xi32>
        %ge3A_685 = arith.constant 0 : i32
        %ge3A_686 = vector.broadcast %ge3A_685 : i32 to vector<16xi32>
        %ge3A_687 = arith.cmpi sge, %sub3A_684, %ge3A_686 : vector<16xi32>
        %lt3A_688 = arith.constant 5120 : i32
        %lt3A_689 = vector.broadcast %lt3A_688 : i32 to vector<16xi32>
        %lt3A_690 = arith.cmpi slt, %sub3A_684, %lt3A_689 : vector<16xi32>
        %and3A_691 = arith.andi %ge3A_687, %lt3A_690 : vector<16xi1>
        %broadcast_in_dim3A_692 = arith.constant 0 : i32
        %broadcast_in_dim3A_693 = vector.broadcast %broadcast_in_dim3A_692 : i32 to vector<16xi32>
        %mul3A_694 = arith.constant 4 : i32
        %mul3A_695 = arith.muli %arg1, %mul3A_694 : i32
        %add3A_696 = arith.constant 5120 : i32
        %add3A_697 = arith.addi %add3A_696, %mul3A_695 : i32
        %add3A_698 = arith.constant 1 : i32
        %add3A_699 = arith.addi %add3A_697, %add3A_698 : i32
        %add3A_700 = vector.broadcast %add3A_699 : i32 to vector<16xi32>
        %add3A_701 = arith.addi %broadcast_in_dim3A_693, %add3A_700 : vector<16xi32>
        %select_n3A_702 = arith.select %and3A_691, %sub3A_684, %add3A_701 : vector<16xi1>, vector<16xi32>
        %swap3A_703 = arith.constant 80 : index
        %swap3A_704 = tpu.vector_load %arg13[%swap3A_703] {strides = array<i32>} : memref<128xi32, #tpu.memory_space<vmem>>, vector<16xi32>,
        %swap3A_705 = vector.shape_cast %swap3A_704 : vector<16xi32> to vector<16xi32>
        %swap3A_706 = vector.shape_cast %select_n3A_702 : vector<16xi32> to vector<16xi32>
        tpu.vector_store %arg13[%swap3A_703], %swap3A_706 {strides = array<i32>} : memref<128xi32, #tpu.memory_space<vmem>>, vector<16xi32>,
        %get3A_707 = arith.constant 96 : index
        %get3A_708 = tpu.vector_load %arg13[%get3A_707] {strides = array<i32>} : memref<128xi32, #tpu.memory_space<vmem>>, vector<16xi32>,
        %get3A_709 = vector.shape_cast %get3A_708 : vector<16xi32> to vector<16xi32>
        %sub3A_710 = vector.broadcast %mul3A_0 : i32 to vector<16xi32>
        %sub3A_711 = arith.subi %get3A_709, %sub3A_710 : vector<16xi32>
        %ge3A_712 = arith.constant 0 : i32
        %ge3A_713 = vector.broadcast %ge3A_712 : i32 to vector<16xi32>
        %ge3A_714 = arith.cmpi sge, %sub3A_711, %ge3A_713 : vector<16xi32>
        %lt3A_715 = arith.constant 5120 : i32
        %lt3A_716 = vector.broadcast %lt3A_715 : i32 to vector<16xi32>
        %lt3A_717 = arith.cmpi slt, %sub3A_711, %lt3A_716 : vector<16xi32>
        %and3A_718 = arith.andi %ge3A_714, %lt3A_717 : vector<16xi1>
        %broadcast_in_dim3A_719 = arith.constant 0 : i32
        %broadcast_in_dim3A_720 = vector.broadcast %broadcast_in_dim3A_719 : i32 to vector<16xi32>
        %mul3A_721 = arith.constant 4 : i32
        %mul3A_722 = arith.muli %arg1, %mul3A_721 : i32
        %add3A_723 = arith.constant 5120 : i32
        %add3A_724 = arith.addi %add3A_723, %mul3A_722 : i32
        %add3A_725 = arith.constant 2 : i32
        %add3A_726 = arith.addi %add3A_724, %add3A_725 : i32
        %add3A_727 = vector.broadcast %add3A_726 : i32 to vector<16xi32>
        %add3A_728 = arith.addi %broadcast_in_dim3A_720, %add3A_727 : vector<16xi32>
        %select_n3A_729 = arith.select %and3A_718, %sub3A_711, %add3A_728 : vector<16xi1>, vector<16xi32>
        %swap3A_730 = arith.constant 96 : index
        %swap3A_731 = tpu.vector_load %arg13[%swap3A_730] {strides = array<i32>} : memref<128xi32, #tpu.memory_space<vmem>>, vector<16xi32>,
        %swap3A_732 = vector.shape_cast %swap3A_731 : vector<16xi32> to vector<16xi32>
        %swap3A_733 = vector.shape_cast %select_n3A_729 : vector<16xi32> to vector<16xi32>
        tpu.vector_store %arg13[%swap3A_730], %swap3A_733 {strides = array<i32>} : memref<128xi32, #tpu.memory_space<vmem>>, vector<16xi32>,
        %get3A_734 = arith.constant 112 : index
        %get3A_735 = tpu.vector_load %arg13[%get3A_734] {strides = array<i32>} : memref<128xi32, #tpu.memory_space<vmem>>, vector<16xi32>,
        %get3A_736 = vector.shape_cast %get3A_735 : vector<16xi32> to vector<16xi32>
        %sub3A_737 = vector.broadcast %mul3A_0 : i32 to vector<16xi32>
        %sub3A_738 = arith.subi %get3A_736, %sub3A_737 : vector<16xi32>
        %ge3A_739 = arith.constant 0 : i32
        %ge3A_740 = vector.broadcast %ge3A_739 : i32 to vector<16xi32>
        %ge3A_741 = arith.cmpi sge, %sub3A_738, %ge3A_740 : vector<16xi32>
        %lt3A_742 = arith.constant 5120 : i32
        %lt3A_743 = vector.broadcast %lt3A_742 : i32 to vector<16xi32>
        %lt3A_744 = arith.cmpi slt, %sub3A_738, %lt3A_743 : vector<16xi32>
        %and3A_745 = arith.andi %ge3A_741, %lt3A_744 : vector<16xi1>
        %broadcast_in_dim3A_746 = arith.constant 0 : i32
        %broadcast_in_dim3A_747 = vector.broadcast %broadcast_in_dim3A_746 : i32 to vector<16xi32>
        %mul3A_748 = arith.constant 4 : i32
        %mul3A_749 = arith.muli %arg1, %mul3A_748 : i32
        %add3A_750 = arith.constant 5120 : i32
        %add3A_751 = arith.addi %add3A_750, %mul3A_749 : i32
        %add3A_752 = arith.constant 3 : i32
        %add3A_753 = arith.addi %add3A_751, %add3A_752 : i32
        %add3A_754 = vector.broadcast %add3A_753 : i32 to vector<16xi32>
        %add3A_755 = arith.addi %broadcast_in_dim3A_747, %add3A_754 : vector<16xi32>
        %select_n3A_756 = arith.select %and3A_745, %sub3A_738, %add3A_755 : vector<16xi1>, vector<16xi32>
        %swap3A_757 = arith.constant 112 : index
        %swap3A_758 = tpu.vector_load %arg13[%swap3A_757] {strides = array<i32>} : memref<128xi32, #tpu.memory_space<vmem>>, vector<16xi32>,
        %swap3A_759 = vector.shape_cast %swap3A_758 : vector<16xi32> to vector<16xi32>
        %swap3A_760 = vector.shape_cast %select_n3A_756 : vector<16xi32> to vector<16xi32>
        tpu.vector_store %arg13[%swap3A_757], %swap3A_760 {strides = array<i32>} : memref<128xi32, #tpu.memory_space<vmem>>, vector<16xi32>,
      } else {
      }
      %ge3A_347 = arith.constant 0 : i32
      %ge3A_348 = arith.cmpi sge, %add3A_309, %ge3A_347 : i32
      %mul3A_349 = arith.constant 16 : i32
      %mul3A_350 = arith.muli %add3A_309, %mul3A_349 : i32
      %add3A_351 = arith.addi %arg1, %mul3A_350 : i32
      %lt3A_352 = arith.constant 2500 : i32
      %lt3A_353 = arith.cmpi slt, %add3A_351, %lt3A_352 : i32
      %and3A_354 = arith.andi %ge3A_348, %lt3A_353 : i1
      %convert_element_type3A_355 = arith.extui %and3A_354 : i1 to i32
      %cond3A_356 = arith.constant 0 : i32
      %cond3A_357 = arith.cmpi ne, %convert_element_type3A_355, %cond3A_356 : i32
      scf.if %cond3A_357 {
        %dma_start3A = arith.constant 0 : i32
        %dma_start3A_536 = arith.constant 0 : i32
        %dma_start3A_537 = tpu.memref_slice %arg2[%dma_start3A, %dma_start3A_536] : memref<10000x128xf32, #tpu.memory_space<hbm>> -> memref<10000x128xf32, #tpu.memory_space<hbm>>
        tpu.enqueue_indirect_dma source(%dma_start3A_537 : memref<10000x128xf32, #tpu.memory_space<hbm>>) target(%arg18 : memref<128x128xf32, #tpu.memory_space<vmem>>) offsets(%arg8 : memref<128xi32, #tpu.memory_space<vmem>>) semaphore(%arg30 : memref<!tpu.dma_semaphore, #tpu.memory_space<semaphore_mem>>)
      } else {
      }
      %sub3A_358 = arith.constant 2 : i32
      %sub3A_359 = arith.subi %add3A_309, %sub3A_358 : i32
      %ge3A_360 = arith.constant 0 : i32
      %ge3A_361 = arith.cmpi sge, %sub3A_359, %ge3A_360 : i32
      %mul3A_362 = arith.constant 16 : i32
      %mul3A_363 = arith.muli %sub3A_359, %mul3A_362 : i32
      %add3A_364 = arith.addi %arg1, %mul3A_363 : i32
      %lt3A_365 = arith.constant 2500 : i32
      %lt3A_366 = arith.cmpi slt, %add3A_364, %lt3A_365 : i32
      %and3A_367 = arith.andi %ge3A_361, %lt3A_366 : i1
      %convert_element_type3A_368 = arith.extui %and3A_367 : i1 to i32
      %cond3A_369 = arith.constant 0 : i32
      %cond3A_370 = arith.cmpi ne, %convert_element_type3A_368, %cond3A_369 : i32
      scf.if %cond3A_370 {
        %dma_wait3A = arith.constant 0 : i32
        %dma_wait3A_536 = arith.constant 0 : i32
        %dma_wait3A_537 = tpu.memref_slice %arg2[%dma_wait3A, %dma_wait3A_536] : memref<10000x128xf32, #tpu.memory_space<hbm>> -> memref<10000x128xf32, #tpu.memory_space<hbm>>
        tpu.wait_indirect_dma semaphore(%arg28 : memref<!tpu.dma_semaphore, #tpu.memory_space<semaphore_mem>>) src(%dma_wait3A_537 : memref<10000x128xf32, #tpu.memory_space<hbm>>) dst(%arg16 : memref<128x128xf32, #tpu.memory_space<vmem>>)
      } else {
      }
      %sub3A_371 = arith.constant 2 : i32
      %sub3A_372 = arith.subi %add3A_309, %sub3A_371 : i32
      %ge3A_373 = arith.constant 0 : i32
      %ge3A_374 = arith.cmpi sge, %sub3A_372, %ge3A_373 : i32
      %mul3A_375 = arith.constant 16 : i32
      %mul3A_376 = arith.muli %sub3A_372, %mul3A_375 : i32
      %add3A_377 = arith.addi %arg1, %mul3A_376 : i32
      %lt3A_378 = arith.constant 2500 : i32
      %lt3A_379 = arith.cmpi slt, %add3A_377, %lt3A_378 : i32
      %and3A_380 = arith.andi %ge3A_374, %lt3A_379 : i1
      %convert_element_type3A_381 = arith.extui %and3A_380 : i1 to i32
      %cond3A_382 = arith.constant 0 : i32
      %cond3A_383 = arith.cmpi ne, %convert_element_type3A_381, %cond3A_382 : i32
      scf.if %cond3A_383 {
        %dma_start3A = arith.constant 0 : i32
        %dma_start3A_536 = arith.constant 0 : i32
        %dma_start3A_537 = tpu.memref_slice %arg22[%dma_start3A, %dma_start3A_536] : memref<5184x128xf32, #tpu.memory_space<vmem_shared>> -> memref<5184x128xf32, #tpu.memory_space<vmem_shared>>
        tpu.enqueue_indirect_dma source(%arg16 : memref<128x128xf32, #tpu.memory_space<vmem>>) target(%dma_start3A_537 : memref<5184x128xf32, #tpu.memory_space<vmem_shared>>) offsets(%arg11 : memref<128xi32, #tpu.memory_space<vmem>>) semaphore(%arg33 : memref<!tpu.dma_semaphore, #tpu.memory_space<semaphore_mem>>) {add = true}
      } else {
      }
      %add3A_384 = arith.constant 3 : i32
      %add3A_385 = arith.addi %add3A_156, %add3A_384 : i32
      %sub3A_386 = arith.constant 4 : i32
      %sub3A_387 = arith.subi %add3A_385, %sub3A_386 : i32
      %ge3A_388 = arith.constant 0 : i32
      %ge3A_389 = arith.cmpi sge, %sub3A_387, %ge3A_388 : i32
      %mul3A_390 = arith.constant 16 : i32
      %mul3A_391 = arith.muli %sub3A_387, %mul3A_390 : i32
      %add3A_392 = arith.addi %arg1, %mul3A_391 : i32
      %lt3A_393 = arith.constant 2500 : i32
      %lt3A_394 = arith.cmpi slt, %add3A_392, %lt3A_393 : i32
      %and3A_395 = arith.andi %ge3A_389, %lt3A_394 : i1
      %convert_element_type3A_396 = arith.extui %and3A_395 : i1 to i32
      %cond3A_397 = arith.constant 0 : i32
      %cond3A_398 = arith.cmpi ne, %convert_element_type3A_396, %cond3A_397 : i32
      scf.if %cond3A_398 {
        %dma_wait3A = arith.constant 0 : i32
        %dma_wait3A_536 = arith.constant 0 : i32
        %dma_wait3A_537 = tpu.memref_slice %arg22[%dma_wait3A, %dma_wait3A_536] : memref<5184x128xf32, #tpu.memory_space<vmem_shared>> -> memref<5184x128xf32, #tpu.memory_space<vmem_shared>>
        tpu.wait_indirect_dma semaphore(%arg37 : memref<!tpu.dma_semaphore, #tpu.memory_space<semaphore_mem>>) src(%arg20 : memref<128x128xf32, #tpu.memory_space<vmem>>) dst(%dma_wait3A_537 : memref<5184x128xf32, #tpu.memory_space<vmem_shared>>)
      } else {
      }
      %add3A_399 = arith.constant 1 : i32
      %add3A_400 = arith.addi %add3A_385, %add3A_399 : i32
      %ge3A_401 = arith.constant 0 : i32
      %ge3A_402 = arith.cmpi sge, %add3A_400, %ge3A_401 : i32
      %mul3A_403 = arith.constant 16 : i32
      %mul3A_404 = arith.muli %add3A_400, %mul3A_403 : i32
      %add3A_405 = arith.addi %arg1, %mul3A_404 : i32
      %lt3A_406 = arith.constant 2500 : i32
      %lt3A_407 = arith.cmpi slt, %add3A_405, %lt3A_406 : i32
      %and3A_408 = arith.andi %ge3A_402, %lt3A_407 : i1
      %convert_element_type3A_409 = arith.extui %and3A_408 : i1 to i32
      %cond3A_410 = arith.constant 0 : i32
      %cond3A_411 = arith.cmpi ne, %convert_element_type3A_409, %cond3A_410 : i32
      scf.if %cond3A_411 {
        %mul3A_536 = arith.constant 16 : i32
        %mul3A_537 = arith.muli %add3A_400, %mul3A_536 : i32
        %add3A_538 = arith.addi %arg1, %mul3A_537 : i32
        %dma_start3A = arith.constant 0 : i32
        %dma_start3A_539 = tpu.memref_slice %arg3[%add3A_538, %dma_start3A] : memref<2500x128xi32, #tpu.memory_space<hbm>> -> memref<1x128xi32, #tpu.memory_space<hbm>>
        %dma_start3A_540 = tpu.memref_squeeze %dma_start3A_539 : memref<1x128xi32, #tpu.memory_space<hbm>> -> memref<128xi32, #tpu.memory_space<hbm>>
        %dma_start3A_541 = arith.constant 0 : i32
        %dma_start3A_542 = tpu.memref_slice %arg3[%add3A_538, %dma_start3A_541] : memref<2500x128xi32, #tpu.memory_space<hbm>> -> memref<1x128xi32, #tpu.memory_space<hbm>>
        %dma_start3A_543 = tpu.memref_squeeze %dma_start3A_542 : memref<1x128xi32, #tpu.memory_space<hbm>> -> memref<128xi32, #tpu.memory_space<hbm>>
        tpu.enqueue_dma source(%dma_start3A_543 : memref<128xi32, #tpu.memory_space<hbm>>) target(%arg10 : memref<128xi32, #tpu.memory_space<vmem>>) target_semaphore(%arg27 : memref<!tpu.dma_semaphore, #tpu.memory_space<semaphore_mem>>)
        %mul3A_544 = arith.constant 16 : i32
        %mul3A_545 = arith.muli %add3A_400, %mul3A_544 : i32
        %add3A_546 = arith.addi %arg1, %mul3A_545 : i32
        %dma_start3A_547 = arith.constant 0 : i32
        %dma_start3A_548 = tpu.memref_slice %arg4[%add3A_546, %dma_start3A_547] : memref<2500x128xi32, #tpu.memory_space<hbm>> -> memref<1x128xi32, #tpu.memory_space<hbm>>
        %dma_start3A_549 = tpu.memref_squeeze %dma_start3A_548 : memref<1x128xi32, #tpu.memory_space<hbm>> -> memref<128xi32, #tpu.memory_space<hbm>>
        %dma_start3A_550 = arith.constant 0 : i32
        %dma_start3A_551 = tpu.memref_slice %arg4[%add3A_546, %dma_start3A_550] : memref<2500x128xi32, #tpu.memory_space<hbm>> -> memref<1x128xi32, #tpu.memory_space<hbm>>
        %dma_start3A_552 = tpu.memref_squeeze %dma_start3A_551 : memref<1x128xi32, #tpu.memory_space<hbm>> -> memref<128xi32, #tpu.memory_space<hbm>>
        tpu.enqueue_dma source(%dma_start3A_552 : memref<128xi32, #tpu.memory_space<hbm>>) target(%arg15 : memref<128xi32, #tpu.memory_space<vmem>>) target_semaphore(%arg27 : memref<!tpu.dma_semaphore, #tpu.memory_space<semaphore_mem>>)
      } else {
      }
      %ge3A_412 = arith.constant 0 : i32
      %ge3A_413 = arith.cmpi sge, %add3A_385, %ge3A_412 : i32
      %mul3A_414 = arith.constant 16 : i32
      %mul3A_415 = arith.muli %add3A_385, %mul3A_414 : i32
      %add3A_416 = arith.addi %arg1, %mul3A_415 : i32
      %lt3A_417 = arith.constant 2500 : i32
      %lt3A_418 = arith.cmpi slt, %add3A_416, %lt3A_417 : i32
      %and3A_419 = arith.andi %ge3A_413, %lt3A_418 : i1
      %convert_element_type3A_420 = arith.extui %and3A_419 : i1 to i32
      %cond3A_421 = arith.constant 0 : i32
      %cond3A_422 = arith.cmpi ne, %convert_element_type3A_420, %cond3A_421 : i32
      scf.if %cond3A_422 {
        %dma_wait3A = arith.constant 0 : i32
        %dma_wait3A_536 = arith.constant 0 : i32
        %dma_wait3A_537 = tpu.memref_slice %arg3[%dma_wait3A, %dma_wait3A_536] : memref<2500x128xi32, #tpu.memory_space<hbm>> -> memref<1x128xi32, #tpu.memory_space<hbm>>
        %dma_wait3A_538 = tpu.memref_squeeze %dma_wait3A_537 : memref<1x128xi32, #tpu.memory_space<hbm>> -> memref<128xi32, #tpu.memory_space<hbm>>
        %dma_wait3A_539 = arith.constant 0 : i32
        %dma_wait3A_540 = tpu.memref_slice %arg3[%dma_wait3A, %dma_wait3A_539] : memref<2500x128xi32, #tpu.memory_space<hbm>> -> memref<1x128xi32, #tpu.memory_space<hbm>>
        %dma_wait3A_541 = tpu.memref_squeeze %dma_wait3A_540 : memref<1x128xi32, #tpu.memory_space<hbm>> -> memref<128xi32, #tpu.memory_space<hbm>>
        tpu.wait_dma2 semaphore(%arg26 : memref<!tpu.dma_semaphore, #tpu.memory_space<semaphore_mem>>) src(%dma_wait3A_541 : memref<128xi32, #tpu.memory_space<hbm>>) dst(%arg9 : memref<128xi32, #tpu.memory_space<vmem>>)
        %dma_wait3A_542 = arith.constant 0 : i32
        %dma_wait3A_543 = arith.constant 0 : i32
        %dma_wait3A_544 = tpu.memref_slice %arg4[%dma_wait3A_542, %dma_wait3A_543] : memref<2500x128xi32, #tpu.memory_space<hbm>> -> memref<1x128xi32, #tpu.memory_space<hbm>>
        %dma_wait3A_545 = tpu.memref_squeeze %dma_wait3A_544 : memref<1x128xi32, #tpu.memory_space<hbm>> -> memref<128xi32, #tpu.memory_space<hbm>>
        %dma_wait3A_546 = arith.constant 0 : i32
        %dma_wait3A_547 = tpu.memref_slice %arg4[%dma_wait3A_542, %dma_wait3A_546] : memref<2500x128xi32, #tpu.memory_space<hbm>> -> memref<1x128xi32, #tpu.memory_space<hbm>>
        %dma_wait3A_548 = tpu.memref_squeeze %dma_wait3A_547 : memref<1x128xi32, #tpu.memory_space<hbm>> -> memref<128xi32, #tpu.memory_space<hbm>>
        tpu.wait_dma2 semaphore(%arg26 : memref<!tpu.dma_semaphore, #tpu.memory_space<semaphore_mem>>) src(%dma_wait3A_548 : memref<128xi32, #tpu.memory_space<hbm>>) dst(%arg14 : memref<128xi32, #tpu.memory_space<vmem>>)
        %get3A = arith.constant 0 : index
        %get3A_549 = tpu.vector_load %arg14[%get3A] {strides = array<i32>} : memref<128xi32, #tpu.memory_space<vmem>>, vector<16xi32>,
        %get3A_550 = vector.shape_cast %get3A_549 : vector<16xi32> to vector<16xi32>
        %sub3A_551 = vector.broadcast %mul3A_0 : i32 to vector<16xi32>
        %sub3A_552 = arith.subi %get3A_550, %sub3A_551 : vector<16xi32>
        %ge3A_553 = arith.constant 0 : i32
        %ge3A_554 = vector.broadcast %ge3A_553 : i32 to vector<16xi32>
        %ge3A_555 = arith.cmpi sge, %sub3A_552, %ge3A_554 : vector<16xi32>
        %lt3A_556 = arith.constant 5120 : i32
        %lt3A_557 = vector.broadcast %lt3A_556 : i32 to vector<16xi32>
        %lt3A_558 = arith.cmpi slt, %sub3A_552, %lt3A_557 : vector<16xi32>
        %and3A_559 = arith.andi %ge3A_555, %lt3A_558 : vector<16xi1>
        %broadcast_in_dim3A = arith.constant 0 : i32
        %broadcast_in_dim3A_560 = vector.broadcast %broadcast_in_dim3A : i32 to vector<16xi32>
        %mul3A_561 = arith.constant 4 : i32
        %mul3A_562 = arith.muli %arg1, %mul3A_561 : i32
        %add3A_563 = arith.constant 5120 : i32
        %add3A_564 = arith.addi %add3A_563, %mul3A_562 : i32
        %add3A_565 = arith.constant 0 : i32
        %add3A_566 = arith.addi %add3A_564, %add3A_565 : i32
        %add3A_567 = vector.broadcast %add3A_566 : i32 to vector<16xi32>
        %add3A_568 = arith.addi %broadcast_in_dim3A_560, %add3A_567 : vector<16xi32>
        %select_n3A = arith.select %and3A_559, %sub3A_552, %add3A_568 : vector<16xi1>, vector<16xi32>
        %swap3A = arith.constant 0 : index
        %swap3A_569 = tpu.vector_load %arg14[%swap3A] {strides = array<i32>} : memref<128xi32, #tpu.memory_space<vmem>>, vector<16xi32>,
        %swap3A_570 = vector.shape_cast %swap3A_569 : vector<16xi32> to vector<16xi32>
        %swap3A_571 = vector.shape_cast %select_n3A : vector<16xi32> to vector<16xi32>
        tpu.vector_store %arg14[%swap3A], %swap3A_571 {strides = array<i32>} : memref<128xi32, #tpu.memory_space<vmem>>, vector<16xi32>,
        %get3A_572 = arith.constant 16 : index
        %get3A_573 = tpu.vector_load %arg14[%get3A_572] {strides = array<i32>} : memref<128xi32, #tpu.memory_space<vmem>>, vector<16xi32>,
        %get3A_574 = vector.shape_cast %get3A_573 : vector<16xi32> to vector<16xi32>
        %sub3A_575 = vector.broadcast %mul3A_0 : i32 to vector<16xi32>
        %sub3A_576 = arith.subi %get3A_574, %sub3A_575 : vector<16xi32>
        %ge3A_577 = arith.constant 0 : i32
        %ge3A_578 = vector.broadcast %ge3A_577 : i32 to vector<16xi32>
        %ge3A_579 = arith.cmpi sge, %sub3A_576, %ge3A_578 : vector<16xi32>
        %lt3A_580 = arith.constant 5120 : i32
        %lt3A_581 = vector.broadcast %lt3A_580 : i32 to vector<16xi32>
        %lt3A_582 = arith.cmpi slt, %sub3A_576, %lt3A_581 : vector<16xi32>
        %and3A_583 = arith.andi %ge3A_579, %lt3A_582 : vector<16xi1>
        %broadcast_in_dim3A_584 = arith.constant 0 : i32
        %broadcast_in_dim3A_585 = vector.broadcast %broadcast_in_dim3A_584 : i32 to vector<16xi32>
        %mul3A_586 = arith.constant 4 : i32
        %mul3A_587 = arith.muli %arg1, %mul3A_586 : i32
        %add3A_588 = arith.constant 5120 : i32
        %add3A_589 = arith.addi %add3A_588, %mul3A_587 : i32
        %add3A_590 = arith.constant 1 : i32
        %add3A_591 = arith.addi %add3A_589, %add3A_590 : i32
        %add3A_592 = vector.broadcast %add3A_591 : i32 to vector<16xi32>
        %add3A_593 = arith.addi %broadcast_in_dim3A_585, %add3A_592 : vector<16xi32>
        %select_n3A_594 = arith.select %and3A_583, %sub3A_576, %add3A_593 : vector<16xi1>, vector<16xi32>
        %swap3A_595 = arith.constant 16 : index
        %swap3A_596 = tpu.vector_load %arg14[%swap3A_595] {strides = array<i32>} : memref<128xi32, #tpu.memory_space<vmem>>, vector<16xi32>,
        %swap3A_597 = vector.shape_cast %swap3A_596 : vector<16xi32> to vector<16xi32>
        %swap3A_598 = vector.shape_cast %select_n3A_594 : vector<16xi32> to vector<16xi32>
        tpu.vector_store %arg14[%swap3A_595], %swap3A_598 {strides = array<i32>} : memref<128xi32, #tpu.memory_space<vmem>>, vector<16xi32>,
        %get3A_599 = arith.constant 32 : index
        %get3A_600 = tpu.vector_load %arg14[%get3A_599] {strides = array<i32>} : memref<128xi32, #tpu.memory_space<vmem>>, vector<16xi32>,
        %get3A_601 = vector.shape_cast %get3A_600 : vector<16xi32> to vector<16xi32>
        %sub3A_602 = vector.broadcast %mul3A_0 : i32 to vector<16xi32>
        %sub3A_603 = arith.subi %get3A_601, %sub3A_602 : vector<16xi32>
        %ge3A_604 = arith.constant 0 : i32
        %ge3A_605 = vector.broadcast %ge3A_604 : i32 to vector<16xi32>
        %ge3A_606 = arith.cmpi sge, %sub3A_603, %ge3A_605 : vector<16xi32>
        %lt3A_607 = arith.constant 5120 : i32
        %lt3A_608 = vector.broadcast %lt3A_607 : i32 to vector<16xi32>
        %lt3A_609 = arith.cmpi slt, %sub3A_603, %lt3A_608 : vector<16xi32>
        %and3A_610 = arith.andi %ge3A_606, %lt3A_609 : vector<16xi1>
        %broadcast_in_dim3A_611 = arith.constant 0 : i32
        %broadcast_in_dim3A_612 = vector.broadcast %broadcast_in_dim3A_611 : i32 to vector<16xi32>
        %mul3A_613 = arith.constant 4 : i32
        %mul3A_614 = arith.muli %arg1, %mul3A_613 : i32
        %add3A_615 = arith.constant 5120 : i32
        %add3A_616 = arith.addi %add3A_615, %mul3A_614 : i32
        %add3A_617 = arith.constant 2 : i32
        %add3A_618 = arith.addi %add3A_616, %add3A_617 : i32
        %add3A_619 = vector.broadcast %add3A_618 : i32 to vector<16xi32>
        %add3A_620 = arith.addi %broadcast_in_dim3A_612, %add3A_619 : vector<16xi32>
        %select_n3A_621 = arith.select %and3A_610, %sub3A_603, %add3A_620 : vector<16xi1>, vector<16xi32>
        %swap3A_622 = arith.constant 32 : index
        %swap3A_623 = tpu.vector_load %arg14[%swap3A_622] {strides = array<i32>} : memref<128xi32, #tpu.memory_space<vmem>>, vector<16xi32>,
        %swap3A_624 = vector.shape_cast %swap3A_623 : vector<16xi32> to vector<16xi32>
        %swap3A_625 = vector.shape_cast %select_n3A_621 : vector<16xi32> to vector<16xi32>
        tpu.vector_store %arg14[%swap3A_622], %swap3A_625 {strides = array<i32>} : memref<128xi32, #tpu.memory_space<vmem>>, vector<16xi32>,
        %get3A_626 = arith.constant 48 : index
        %get3A_627 = tpu.vector_load %arg14[%get3A_626] {strides = array<i32>} : memref<128xi32, #tpu.memory_space<vmem>>, vector<16xi32>,
        %get3A_628 = vector.shape_cast %get3A_627 : vector<16xi32> to vector<16xi32>
        %sub3A_629 = vector.broadcast %mul3A_0 : i32 to vector<16xi32>
        %sub3A_630 = arith.subi %get3A_628, %sub3A_629 : vector<16xi32>
        %ge3A_631 = arith.constant 0 : i32
        %ge3A_632 = vector.broadcast %ge3A_631 : i32 to vector<16xi32>
        %ge3A_633 = arith.cmpi sge, %sub3A_630, %ge3A_632 : vector<16xi32>
        %lt3A_634 = arith.constant 5120 : i32
        %lt3A_635 = vector.broadcast %lt3A_634 : i32 to vector<16xi32>
        %lt3A_636 = arith.cmpi slt, %sub3A_630, %lt3A_635 : vector<16xi32>
        %and3A_637 = arith.andi %ge3A_633, %lt3A_636 : vector<16xi1>
        %broadcast_in_dim3A_638 = arith.constant 0 : i32
        %broadcast_in_dim3A_639 = vector.broadcast %broadcast_in_dim3A_638 : i32 to vector<16xi32>
        %mul3A_640 = arith.constant 4 : i32
        %mul3A_641 = arith.muli %arg1, %mul3A_640 : i32
        %add3A_642 = arith.constant 5120 : i32
        %add3A_643 = arith.addi %add3A_642, %mul3A_641 : i32
        %add3A_644 = arith.constant 3 : i32
        %add3A_645 = arith.addi %add3A_643, %add3A_644 : i32
        %add3A_646 = vector.broadcast %add3A_645 : i32 to vector<16xi32>
        %add3A_647 = arith.addi %broadcast_in_dim3A_639, %add3A_646 : vector<16xi32>
        %select_n3A_648 = arith.select %and3A_637, %sub3A_630, %add3A_647 : vector<16xi1>, vector<16xi32>
        %swap3A_649 = arith.constant 48 : index
        %swap3A_650 = tpu.vector_load %arg14[%swap3A_649] {strides = array<i32>} : memref<128xi32, #tpu.memory_space<vmem>>, vector<16xi32>,
        %swap3A_651 = vector.shape_cast %swap3A_650 : vector<16xi32> to vector<16xi32>
        %swap3A_652 = vector.shape_cast %select_n3A_648 : vector<16xi32> to vector<16xi32>
        tpu.vector_store %arg14[%swap3A_649], %swap3A_652 {strides = array<i32>} : memref<128xi32, #tpu.memory_space<vmem>>, vector<16xi32>,
        %get3A_653 = arith.constant 64 : index
        %get3A_654 = tpu.vector_load %arg14[%get3A_653] {strides = array<i32>} : memref<128xi32, #tpu.memory_space<vmem>>, vector<16xi32>,
        %get3A_655 = vector.shape_cast %get3A_654 : vector<16xi32> to vector<16xi32>
        %sub3A_656 = vector.broadcast %mul3A_0 : i32 to vector<16xi32>
        %sub3A_657 = arith.subi %get3A_655, %sub3A_656 : vector<16xi32>
        %ge3A_658 = arith.constant 0 : i32
        %ge3A_659 = vector.broadcast %ge3A_658 : i32 to vector<16xi32>
        %ge3A_660 = arith.cmpi sge, %sub3A_657, %ge3A_659 : vector<16xi32>
        %lt3A_661 = arith.constant 5120 : i32
        %lt3A_662 = vector.broadcast %lt3A_661 : i32 to vector<16xi32>
        %lt3A_663 = arith.cmpi slt, %sub3A_657, %lt3A_662 : vector<16xi32>
        %and3A_664 = arith.andi %ge3A_660, %lt3A_663 : vector<16xi1>
        %broadcast_in_dim3A_665 = arith.constant 0 : i32
        %broadcast_in_dim3A_666 = vector.broadcast %broadcast_in_dim3A_665 : i32 to vector<16xi32>
        %mul3A_667 = arith.constant 4 : i32
        %mul3A_668 = arith.muli %arg1, %mul3A_667 : i32
        %add3A_669 = arith.constant 5120 : i32
        %add3A_670 = arith.addi %add3A_669, %mul3A_668 : i32
        %add3A_671 = arith.constant 0 : i32
        %add3A_672 = arith.addi %add3A_670, %add3A_671 : i32
        %add3A_673 = vector.broadcast %add3A_672 : i32 to vector<16xi32>
        %add3A_674 = arith.addi %broadcast_in_dim3A_666, %add3A_673 : vector<16xi32>
        %select_n3A_675 = arith.select %and3A_664, %sub3A_657, %add3A_674 : vector<16xi1>, vector<16xi32>
        %swap3A_676 = arith.constant 64 : index
        %swap3A_677 = tpu.vector_load %arg14[%swap3A_676] {strides = array<i32>} : memref<128xi32, #tpu.memory_space<vmem>>, vector<16xi32>,
        %swap3A_678 = vector.shape_cast %swap3A_677 : vector<16xi32> to vector<16xi32>
        %swap3A_679 = vector.shape_cast %select_n3A_675 : vector<16xi32> to vector<16xi32>
        tpu.vector_store %arg14[%swap3A_676], %swap3A_679 {strides = array<i32>} : memref<128xi32, #tpu.memory_space<vmem>>, vector<16xi32>,
        %get3A_680 = arith.constant 80 : index
        %get3A_681 = tpu.vector_load %arg14[%get3A_680] {strides = array<i32>} : memref<128xi32, #tpu.memory_space<vmem>>, vector<16xi32>,
        %get3A_682 = vector.shape_cast %get3A_681 : vector<16xi32> to vector<16xi32>
        %sub3A_683 = vector.broadcast %mul3A_0 : i32 to vector<16xi32>
        %sub3A_684 = arith.subi %get3A_682, %sub3A_683 : vector<16xi32>
        %ge3A_685 = arith.constant 0 : i32
        %ge3A_686 = vector.broadcast %ge3A_685 : i32 to vector<16xi32>
        %ge3A_687 = arith.cmpi sge, %sub3A_684, %ge3A_686 : vector<16xi32>
        %lt3A_688 = arith.constant 5120 : i32
        %lt3A_689 = vector.broadcast %lt3A_688 : i32 to vector<16xi32>
        %lt3A_690 = arith.cmpi slt, %sub3A_684, %lt3A_689 : vector<16xi32>
        %and3A_691 = arith.andi %ge3A_687, %lt3A_690 : vector<16xi1>
        %broadcast_in_dim3A_692 = arith.constant 0 : i32
        %broadcast_in_dim3A_693 = vector.broadcast %broadcast_in_dim3A_692 : i32 to vector<16xi32>
        %mul3A_694 = arith.constant 4 : i32
        %mul3A_695 = arith.muli %arg1, %mul3A_694 : i32
        %add3A_696 = arith.constant 5120 : i32
        %add3A_697 = arith.addi %add3A_696, %mul3A_695 : i32
        %add3A_698 = arith.constant 1 : i32
        %add3A_699 = arith.addi %add3A_697, %add3A_698 : i32
        %add3A_700 = vector.broadcast %add3A_699 : i32 to vector<16xi32>
        %add3A_701 = arith.addi %broadcast_in_dim3A_693, %add3A_700 : vector<16xi32>
        %select_n3A_702 = arith.select %and3A_691, %sub3A_684, %add3A_701 : vector<16xi1>, vector<16xi32>
        %swap3A_703 = arith.constant 80 : index
        %swap3A_704 = tpu.vector_load %arg14[%swap3A_703] {strides = array<i32>} : memref<128xi32, #tpu.memory_space<vmem>>, vector<16xi32>,
        %swap3A_705 = vector.shape_cast %swap3A_704 : vector<16xi32> to vector<16xi32>
        %swap3A_706 = vector.shape_cast %select_n3A_702 : vector<16xi32> to vector<16xi32>
        tpu.vector_store %arg14[%swap3A_703], %swap3A_706 {strides = array<i32>} : memref<128xi32, #tpu.memory_space<vmem>>, vector<16xi32>,
        %get3A_707 = arith.constant 96 : index
        %get3A_708 = tpu.vector_load %arg14[%get3A_707] {strides = array<i32>} : memref<128xi32, #tpu.memory_space<vmem>>, vector<16xi32>,
        %get3A_709 = vector.shape_cast %get3A_708 : vector<16xi32> to vector<16xi32>
        %sub3A_710 = vector.broadcast %mul3A_0 : i32 to vector<16xi32>
        %sub3A_711 = arith.subi %get3A_709, %sub3A_710 : vector<16xi32>
        %ge3A_712 = arith.constant 0 : i32
        %ge3A_713 = vector.broadcast %ge3A_712 : i32 to vector<16xi32>
        %ge3A_714 = arith.cmpi sge, %sub3A_711, %ge3A_713 : vector<16xi32>
        %lt3A_715 = arith.constant 5120 : i32
        %lt3A_716 = vector.broadcast %lt3A_715 : i32 to vector<16xi32>
        %lt3A_717 = arith.cmpi slt, %sub3A_711, %lt3A_716 : vector<16xi32>
        %and3A_718 = arith.andi %ge3A_714, %lt3A_717 : vector<16xi1>
        %broadcast_in_dim3A_719 = arith.constant 0 : i32
        %broadcast_in_dim3A_720 = vector.broadcast %broadcast_in_dim3A_719 : i32 to vector<16xi32>
        %mul3A_721 = arith.constant 4 : i32
        %mul3A_722 = arith.muli %arg1, %mul3A_721 : i32
        %add3A_723 = arith.constant 5120 : i32
        %add3A_724 = arith.addi %add3A_723, %mul3A_722 : i32
        %add3A_725 = arith.constant 2 : i32
        %add3A_726 = arith.addi %add3A_724, %add3A_725 : i32
        %add3A_727 = vector.broadcast %add3A_726 : i32 to vector<16xi32>
        %add3A_728 = arith.addi %broadcast_in_dim3A_720, %add3A_727 : vector<16xi32>
        %select_n3A_729 = arith.select %and3A_718, %sub3A_711, %add3A_728 : vector<16xi1>, vector<16xi32>
        %swap3A_730 = arith.constant 96 : index
        %swap3A_731 = tpu.vector_load %arg14[%swap3A_730] {strides = array<i32>} : memref<128xi32, #tpu.memory_space<vmem>>, vector<16xi32>,
        %swap3A_732 = vector.shape_cast %swap3A_731 : vector<16xi32> to vector<16xi32>
        %swap3A_733 = vector.shape_cast %select_n3A_729 : vector<16xi32> to vector<16xi32>
        tpu.vector_store %arg14[%swap3A_730], %swap3A_733 {strides = array<i32>} : memref<128xi32, #tpu.memory_space<vmem>>, vector<16xi32>,
        %get3A_734 = arith.constant 112 : index
        %get3A_735 = tpu.vector_load %arg14[%get3A_734] {strides = array<i32>} : memref<128xi32, #tpu.memory_space<vmem>>, vector<16xi32>,
        %get3A_736 = vector.shape_cast %get3A_735 : vector<16xi32> to vector<16xi32>
        %sub3A_737 = vector.broadcast %mul3A_0 : i32 to vector<16xi32>
        %sub3A_738 = arith.subi %get3A_736, %sub3A_737 : vector<16xi32>
        %ge3A_739 = arith.constant 0 : i32
        %ge3A_740 = vector.broadcast %ge3A_739 : i32 to vector<16xi32>
        %ge3A_741 = arith.cmpi sge, %sub3A_738, %ge3A_740 : vector<16xi32>
        %lt3A_742 = arith.constant 5120 : i32
        %lt3A_743 = vector.broadcast %lt3A_742 : i32 to vector<16xi32>
        %lt3A_744 = arith.cmpi slt, %sub3A_738, %lt3A_743 : vector<16xi32>
        %and3A_745 = arith.andi %ge3A_741, %lt3A_744 : vector<16xi1>
        %broadcast_in_dim3A_746 = arith.constant 0 : i32
        %broadcast_in_dim3A_747 = vector.broadcast %broadcast_in_dim3A_746 : i32 to vector<16xi32>
        %mul3A_748 = arith.constant 4 : i32
        %mul3A_749 = arith.muli %arg1, %mul3A_748 : i32
        %add3A_750 = arith.constant 5120 : i32
        %add3A_751 = arith.addi %add3A_750, %mul3A_749 : i32
        %add3A_752 = arith.constant 3 : i32
        %add3A_753 = arith.addi %add3A_751, %add3A_752 : i32
        %add3A_754 = vector.broadcast %add3A_753 : i32 to vector<16xi32>
        %add3A_755 = arith.addi %broadcast_in_dim3A_747, %add3A_754 : vector<16xi32>
        %select_n3A_756 = arith.select %and3A_745, %sub3A_738, %add3A_755 : vector<16xi1>, vector<16xi32>
        %swap3A_757 = arith.constant 112 : index
        %swap3A_758 = tpu.vector_load %arg14[%swap3A_757] {strides = array<i32>} : memref<128xi32, #tpu.memory_space<vmem>>, vector<16xi32>,
        %swap3A_759 = vector.shape_cast %swap3A_758 : vector<16xi32> to vector<16xi32>
        %swap3A_760 = vector.shape_cast %select_n3A_756 : vector<16xi32> to vector<16xi32>
        tpu.vector_store %arg14[%swap3A_757], %swap3A_760 {strides = array<i32>} : memref<128xi32, #tpu.memory_space<vmem>>, vector<16xi32>,
      } else {
      }
      %ge3A_423 = arith.constant 0 : i32
      %ge3A_424 = arith.cmpi sge, %add3A_385, %ge3A_423 : i32
      %mul3A_425 = arith.constant 16 : i32
      %mul3A_426 = arith.muli %add3A_385, %mul3A_425 : i32
      %add3A_427 = arith.addi %arg1, %mul3A_426 : i32
      %lt3A_428 = arith.constant 2500 : i32
      %lt3A_429 = arith.cmpi slt, %add3A_427, %lt3A_428 : i32
      %and3A_430 = arith.andi %ge3A_424, %lt3A_429 : i1
      %convert_element_type3A_431 = arith.extui %and3A_430 : i1 to i32
      %cond3A_432 = arith.constant 0 : i32
      %cond3A_433 = arith.cmpi ne, %convert_element_type3A_431, %cond3A_432 : i32
      scf.if %cond3A_433 {
        %dma_start3A = arith.constant 0 : i32
        %dma_start3A_536 = arith.constant 0 : i32
        %dma_start3A_537 = tpu.memref_slice %arg2[%dma_start3A, %dma_start3A_536] : memref<10000x128xf32, #tpu.memory_space<hbm>> -> memref<10000x128xf32, #tpu.memory_space<hbm>>
        tpu.enqueue_indirect_dma source(%dma_start3A_537 : memref<10000x128xf32, #tpu.memory_space<hbm>>) target(%arg19 : memref<128x128xf32, #tpu.memory_space<vmem>>) offsets(%arg9 : memref<128xi32, #tpu.memory_space<vmem>>) semaphore(%arg31 : memref<!tpu.dma_semaphore, #tpu.memory_space<semaphore_mem>>)
      } else {
      }
      %sub3A_434 = arith.constant 2 : i32
      %sub3A_435 = arith.subi %add3A_385, %sub3A_434 : i32
      %ge3A_436 = arith.constant 0 : i32
      %ge3A_437 = arith.cmpi sge, %sub3A_435, %ge3A_436 : i32
      %mul3A_438 = arith.constant 16 : i32
      %mul3A_439 = arith.muli %sub3A_435, %mul3A_438 : i32
      %add3A_440 = arith.addi %arg1, %mul3A_439 : i32
      %lt3A_441 = arith.constant 2500 : i32
      %lt3A_442 = arith.cmpi slt, %add3A_440, %lt3A_441 : i32
      %and3A_443 = arith.andi %ge3A_437, %lt3A_442 : i1
      %convert_element_type3A_444 = arith.extui %and3A_443 : i1 to i32
      %cond3A_445 = arith.constant 0 : i32
      %cond3A_446 = arith.cmpi ne, %convert_element_type3A_444, %cond3A_445 : i32
      scf.if %cond3A_446 {
        %dma_wait3A = arith.constant 0 : i32
        %dma_wait3A_536 = arith.constant 0 : i32
        %dma_wait3A_537 = tpu.memref_slice %arg2[%dma_wait3A, %dma_wait3A_536] : memref<10000x128xf32, #tpu.memory_space<hbm>> -> memref<10000x128xf32, #tpu.memory_space<hbm>>
        tpu.wait_indirect_dma semaphore(%arg29 : memref<!tpu.dma_semaphore, #tpu.memory_space<semaphore_mem>>) src(%dma_wait3A_537 : memref<10000x128xf32, #tpu.memory_space<hbm>>) dst(%arg17 : memref<128x128xf32, #tpu.memory_space<vmem>>)
      } else {
      }
      %sub3A_447 = arith.constant 2 : i32
      %sub3A_448 = arith.subi %add3A_385, %sub3A_447 : i32
      %ge3A_449 = arith.constant 0 : i32
      %ge3A_450 = arith.cmpi sge, %sub3A_448, %ge3A_449 : i32
      %mul3A_451 = arith.constant 16 : i32
      %mul3A_452 = arith.muli %sub3A_448, %mul3A_451 : i32
      %add3A_453 = arith.addi %arg1, %mul3A_452 : i32
      %lt3A_454 = arith.constant 2500 : i32
      %lt3A_455 = arith.cmpi slt, %add3A_453, %lt3A_454 : i32
      %and3A_456 = arith.andi %ge3A_450, %lt3A_455 : i1
      %convert_element_type3A_457 = arith.extui %and3A_456 : i1 to i32
      %cond3A_458 = arith.constant 0 : i32
      %cond3A_459 = arith.cmpi ne, %convert_element_type3A_457, %cond3A_458 : i32
      scf.if %cond3A_459 {
        %dma_start3A = arith.constant 0 : i32
        %dma_start3A_536 = arith.constant 0 : i32
        %dma_start3A_537 = tpu.memref_slice %arg22[%dma_start3A, %dma_start3A_536] : memref<5184x128xf32, #tpu.memory_space<vmem_shared>> -> memref<5184x128xf32, #tpu.memory_space<vmem_shared>>
        tpu.enqueue_indirect_dma source(%arg17 : memref<128x128xf32, #tpu.memory_space<vmem>>) target(%dma_start3A_537 : memref<5184x128xf32, #tpu.memory_space<vmem_shared>>) offsets(%arg12 : memref<128xi32, #tpu.memory_space<vmem>>) semaphore(%arg34 : memref<!tpu.dma_semaphore, #tpu.memory_space<semaphore_mem>>) {add = true}
      } else {
      }
      %add3A_460 = arith.constant 4 : i32
      %add3A_461 = arith.addi %add3A_156, %add3A_460 : i32
      %sub3A_462 = arith.constant 4 : i32
      %sub3A_463 = arith.subi %add3A_461, %sub3A_462 : i32
      %ge3A_464 = arith.constant 0 : i32
      %ge3A_465 = arith.cmpi sge, %sub3A_463, %ge3A_464 : i32
      %mul3A_466 = arith.constant 16 : i32
      %mul3A_467 = arith.muli %sub3A_463, %mul3A_466 : i32
      %add3A_468 = arith.addi %arg1, %mul3A_467 : i32
      %lt3A_469 = arith.constant 2500 : i32
      %lt3A_470 = arith.cmpi slt, %add3A_468, %lt3A_469 : i32
      %and3A_471 = arith.andi %ge3A_465, %lt3A_470 : i1
      %convert_element_type3A_472 = arith.extui %and3A_471 : i1 to i32
      %cond3A_473 = arith.constant 0 : i32
      %cond3A_474 = arith.cmpi ne, %convert_element_type3A_472, %cond3A_473 : i32
      scf.if %cond3A_474 {
        %dma_wait3A = arith.constant 0 : i32
        %dma_wait3A_536 = arith.constant 0 : i32
        %dma_wait3A_537 = tpu.memref_slice %arg22[%dma_wait3A, %dma_wait3A_536] : memref<5184x128xf32, #tpu.memory_space<vmem_shared>> -> memref<5184x128xf32, #tpu.memory_space<vmem_shared>>
        tpu.wait_indirect_dma semaphore(%arg33 : memref<!tpu.dma_semaphore, #tpu.memory_space<semaphore_mem>>) src(%arg16 : memref<128x128xf32, #tpu.memory_space<vmem>>) dst(%dma_wait3A_537 : memref<5184x128xf32, #tpu.memory_space<vmem_shared>>)
      } else {
      }
      %add3A_475 = arith.constant 1 : i32
      %add3A_476 = arith.addi %add3A_461, %add3A_475 : i32
      %ge3A_477 = arith.constant 0 : i32
      %ge3A_478 = arith.cmpi sge, %add3A_476, %ge3A_477 : i32
      %mul3A_479 = arith.constant 16 : i32
      %mul3A_480 = arith.muli %add3A_476, %mul3A_479 : i32
      %add3A_481 = arith.addi %arg1, %mul3A_480 : i32
      %lt3A_482 = arith.constant 2500 : i32
      %lt3A_483 = arith.cmpi slt, %add3A_481, %lt3A_482 : i32
      %and3A_484 = arith.andi %ge3A_478, %lt3A_483 : i1
      %convert_element_type3A_485 = arith.extui %and3A_484 : i1 to i32
      %cond3A_486 = arith.constant 0 : i32
      %cond3A_487 = arith.cmpi ne, %convert_element_type3A_485, %cond3A_486 : i32
      scf.if %cond3A_487 {
        %mul3A_536 = arith.constant 16 : i32
        %mul3A_537 = arith.muli %add3A_476, %mul3A_536 : i32
        %add3A_538 = arith.addi %arg1, %mul3A_537 : i32
        %dma_start3A = arith.constant 0 : i32
        %dma_start3A_539 = tpu.memref_slice %arg3[%add3A_538, %dma_start3A] : memref<2500x128xi32, #tpu.memory_space<hbm>> -> memref<1x128xi32, #tpu.memory_space<hbm>>
        %dma_start3A_540 = tpu.memref_squeeze %dma_start3A_539 : memref<1x128xi32, #tpu.memory_space<hbm>> -> memref<128xi32, #tpu.memory_space<hbm>>
        %dma_start3A_541 = arith.constant 0 : i32
        %dma_start3A_542 = tpu.memref_slice %arg3[%add3A_538, %dma_start3A_541] : memref<2500x128xi32, #tpu.memory_space<hbm>> -> memref<1x128xi32, #tpu.memory_space<hbm>>
        %dma_start3A_543 = tpu.memref_squeeze %dma_start3A_542 : memref<1x128xi32, #tpu.memory_space<hbm>> -> memref<128xi32, #tpu.memory_space<hbm>>
        tpu.enqueue_dma source(%dma_start3A_543 : memref<128xi32, #tpu.memory_space<hbm>>) target(%arg6 : memref<128xi32, #tpu.memory_space<vmem>>) target_semaphore(%arg23 : memref<!tpu.dma_semaphore, #tpu.memory_space<semaphore_mem>>)
        %mul3A_544 = arith.constant 16 : i32
        %mul3A_545 = arith.muli %add3A_476, %mul3A_544 : i32
        %add3A_546 = arith.addi %arg1, %mul3A_545 : i32
        %dma_start3A_547 = arith.constant 0 : i32
        %dma_start3A_548 = tpu.memref_slice %arg4[%add3A_546, %dma_start3A_547] : memref<2500x128xi32, #tpu.memory_space<hbm>> -> memref<1x128xi32, #tpu.memory_space<hbm>>
        %dma_start3A_549 = tpu.memref_squeeze %dma_start3A_548 : memref<1x128xi32, #tpu.memory_space<hbm>> -> memref<128xi32, #tpu.memory_space<hbm>>
        %dma_start3A_550 = arith.constant 0 : i32
        %dma_start3A_551 = tpu.memref_slice %arg4[%add3A_546, %dma_start3A_550] : memref<2500x128xi32, #tpu.memory_space<hbm>> -> memref<1x128xi32, #tpu.memory_space<hbm>>
        %dma_start3A_552 = tpu.memref_squeeze %dma_start3A_551 : memref<1x128xi32, #tpu.memory_space<hbm>> -> memref<128xi32, #tpu.memory_space<hbm>>
        tpu.enqueue_dma source(%dma_start3A_552 : memref<128xi32, #tpu.memory_space<hbm>>) target(%arg11 : memref<128xi32, #tpu.memory_space<vmem>>) target_semaphore(%arg23 : memref<!tpu.dma_semaphore, #tpu.memory_space<semaphore_mem>>)
      } else {
      }
      %ge3A_488 = arith.constant 0 : i32
      %ge3A_489 = arith.cmpi sge, %add3A_461, %ge3A_488 : i32
      %mul3A_490 = arith.constant 16 : i32
      %mul3A_491 = arith.muli %add3A_461, %mul3A_490 : i32
      %add3A_492 = arith.addi %arg1, %mul3A_491 : i32
      %lt3A_493 = arith.constant 2500 : i32
      %lt3A_494 = arith.cmpi slt, %add3A_492, %lt3A_493 : i32
      %and3A_495 = arith.andi %ge3A_489, %lt3A_494 : i1
      %convert_element_type3A_496 = arith.extui %and3A_495 : i1 to i32
      %cond3A_497 = arith.constant 0 : i32
      %cond3A_498 = arith.cmpi ne, %convert_element_type3A_496, %cond3A_497 : i32
      scf.if %cond3A_498 {
        %dma_wait3A = arith.constant 0 : i32
        %dma_wait3A_536 = arith.constant 0 : i32
        %dma_wait3A_537 = tpu.memref_slice %arg3[%dma_wait3A, %dma_wait3A_536] : memref<2500x128xi32, #tpu.memory_space<hbm>> -> memref<1x128xi32, #tpu.memory_space<hbm>>
        %dma_wait3A_538 = tpu.memref_squeeze %dma_wait3A_537 : memref<1x128xi32, #tpu.memory_space<hbm>> -> memref<128xi32, #tpu.memory_space<hbm>>
        %dma_wait3A_539 = arith.constant 0 : i32
        %dma_wait3A_540 = tpu.memref_slice %arg3[%dma_wait3A, %dma_wait3A_539] : memref<2500x128xi32, #tpu.memory_space<hbm>> -> memref<1x128xi32, #tpu.memory_space<hbm>>
        %dma_wait3A_541 = tpu.memref_squeeze %dma_wait3A_540 : memref<1x128xi32, #tpu.memory_space<hbm>> -> memref<128xi32, #tpu.memory_space<hbm>>
        tpu.wait_dma2 semaphore(%arg27 : memref<!tpu.dma_semaphore, #tpu.memory_space<semaphore_mem>>) src(%dma_wait3A_541 : memref<128xi32, #tpu.memory_space<hbm>>) dst(%arg10 : memref<128xi32, #tpu.memory_space<vmem>>)
        %dma_wait3A_542 = arith.constant 0 : i32
        %dma_wait3A_543 = arith.constant 0 : i32
        %dma_wait3A_544 = tpu.memref_slice %arg4[%dma_wait3A_542, %dma_wait3A_543] : memref<2500x128xi32, #tpu.memory_space<hbm>> -> memref<1x128xi32, #tpu.memory_space<hbm>>
        %dma_wait3A_545 = tpu.memref_squeeze %dma_wait3A_544 : memref<1x128xi32, #tpu.memory_space<hbm>> -> memref<128xi32, #tpu.memory_space<hbm>>
        %dma_wait3A_546 = arith.constant 0 : i32
        %dma_wait3A_547 = tpu.memref_slice %arg4[%dma_wait3A_542, %dma_wait3A_546] : memref<2500x128xi32, #tpu.memory_space<hbm>> -> memref<1x128xi32, #tpu.memory_space<hbm>>
        %dma_wait3A_548 = tpu.memref_squeeze %dma_wait3A_547 : memref<1x128xi32, #tpu.memory_space<hbm>> -> memref<128xi32, #tpu.memory_space<hbm>>
        tpu.wait_dma2 semaphore(%arg27 : memref<!tpu.dma_semaphore, #tpu.memory_space<semaphore_mem>>) src(%dma_wait3A_548 : memref<128xi32, #tpu.memory_space<hbm>>) dst(%arg15 : memref<128xi32, #tpu.memory_space<vmem>>)
        %get3A = arith.constant 0 : index
        %get3A_549 = tpu.vector_load %arg15[%get3A] {strides = array<i32>} : memref<128xi32, #tpu.memory_space<vmem>>, vector<16xi32>,
        %get3A_550 = vector.shape_cast %get3A_549 : vector<16xi32> to vector<16xi32>
        %sub3A_551 = vector.broadcast %mul3A_0 : i32 to vector<16xi32>
        %sub3A_552 = arith.subi %get3A_550, %sub3A_551 : vector<16xi32>
        %ge3A_553 = arith.constant 0 : i32
        %ge3A_554 = vector.broadcast %ge3A_553 : i32 to vector<16xi32>
        %ge3A_555 = arith.cmpi sge, %sub3A_552, %ge3A_554 : vector<16xi32>
        %lt3A_556 = arith.constant 5120 : i32
        %lt3A_557 = vector.broadcast %lt3A_556 : i32 to vector<16xi32>
        %lt3A_558 = arith.cmpi slt, %sub3A_552, %lt3A_557 : vector<16xi32>
        %and3A_559 = arith.andi %ge3A_555, %lt3A_558 : vector<16xi1>
        %broadcast_in_dim3A = arith.constant 0 : i32
        %broadcast_in_dim3A_560 = vector.broadcast %broadcast_in_dim3A : i32 to vector<16xi32>
        %mul3A_561 = arith.constant 4 : i32
        %mul3A_562 = arith.muli %arg1, %mul3A_561 : i32
        %add3A_563 = arith.constant 5120 : i32
        %add3A_564 = arith.addi %add3A_563, %mul3A_562 : i32
        %add3A_565 = arith.constant 0 : i32
        %add3A_566 = arith.addi %add3A_564, %add3A_565 : i32
        %add3A_567 = vector.broadcast %add3A_566 : i32 to vector<16xi32>
        %add3A_568 = arith.addi %broadcast_in_dim3A_560, %add3A_567 : vector<16xi32>
        %select_n3A = arith.select %and3A_559, %sub3A_552, %add3A_568 : vector<16xi1>, vector<16xi32>
        %swap3A = arith.constant 0 : index
        %swap3A_569 = tpu.vector_load %arg15[%swap3A] {strides = array<i32>} : memref<128xi32, #tpu.memory_space<vmem>>, vector<16xi32>,
        %swap3A_570 = vector.shape_cast %swap3A_569 : vector<16xi32> to vector<16xi32>
        %swap3A_571 = vector.shape_cast %select_n3A : vector<16xi32> to vector<16xi32>
        tpu.vector_store %arg15[%swap3A], %swap3A_571 {strides = array<i32>} : memref<128xi32, #tpu.memory_space<vmem>>, vector<16xi32>,
        %get3A_572 = arith.constant 16 : index
        %get3A_573 = tpu.vector_load %arg15[%get3A_572] {strides = array<i32>} : memref<128xi32, #tpu.memory_space<vmem>>, vector<16xi32>,
        %get3A_574 = vector.shape_cast %get3A_573 : vector<16xi32> to vector<16xi32>
        %sub3A_575 = vector.broadcast %mul3A_0 : i32 to vector<16xi32>
        %sub3A_576 = arith.subi %get3A_574, %sub3A_575 : vector<16xi32>
        %ge3A_577 = arith.constant 0 : i32
        %ge3A_578 = vector.broadcast %ge3A_577 : i32 to vector<16xi32>
        %ge3A_579 = arith.cmpi sge, %sub3A_576, %ge3A_578 : vector<16xi32>
        %lt3A_580 = arith.constant 5120 : i32
        %lt3A_581 = vector.broadcast %lt3A_580 : i32 to vector<16xi32>
        %lt3A_582 = arith.cmpi slt, %sub3A_576, %lt3A_581 : vector<16xi32>
        %and3A_583 = arith.andi %ge3A_579, %lt3A_582 : vector<16xi1>
        %broadcast_in_dim3A_584 = arith.constant 0 : i32
        %broadcast_in_dim3A_585 = vector.broadcast %broadcast_in_dim3A_584 : i32 to vector<16xi32>
        %mul3A_586 = arith.constant 4 : i32
        %mul3A_587 = arith.muli %arg1, %mul3A_586 : i32
        %add3A_588 = arith.constant 5120 : i32
        %add3A_589 = arith.addi %add3A_588, %mul3A_587 : i32
        %add3A_590 = arith.constant 1 : i32
        %add3A_591 = arith.addi %add3A_589, %add3A_590 : i32
        %add3A_592 = vector.broadcast %add3A_591 : i32 to vector<16xi32>
        %add3A_593 = arith.addi %broadcast_in_dim3A_585, %add3A_592 : vector<16xi32>
        %select_n3A_594 = arith.select %and3A_583, %sub3A_576, %add3A_593 : vector<16xi1>, vector<16xi32>
        %swap3A_595 = arith.constant 16 : index
        %swap3A_596 = tpu.vector_load %arg15[%swap3A_595] {strides = array<i32>} : memref<128xi32, #tpu.memory_space<vmem>>, vector<16xi32>,
        %swap3A_597 = vector.shape_cast %swap3A_596 : vector<16xi32> to vector<16xi32>
        %swap3A_598 = vector.shape_cast %select_n3A_594 : vector<16xi32> to vector<16xi32>
        tpu.vector_store %arg15[%swap3A_595], %swap3A_598 {strides = array<i32>} : memref<128xi32, #tpu.memory_space<vmem>>, vector<16xi32>,
        %get3A_599 = arith.constant 32 : index
        %get3A_600 = tpu.vector_load %arg15[%get3A_599] {strides = array<i32>} : memref<128xi32, #tpu.memory_space<vmem>>, vector<16xi32>,
        %get3A_601 = vector.shape_cast %get3A_600 : vector<16xi32> to vector<16xi32>
        %sub3A_602 = vector.broadcast %mul3A_0 : i32 to vector<16xi32>
        %sub3A_603 = arith.subi %get3A_601, %sub3A_602 : vector<16xi32>
        %ge3A_604 = arith.constant 0 : i32
        %ge3A_605 = vector.broadcast %ge3A_604 : i32 to vector<16xi32>
        %ge3A_606 = arith.cmpi sge, %sub3A_603, %ge3A_605 : vector<16xi32>
        %lt3A_607 = arith.constant 5120 : i32
        %lt3A_608 = vector.broadcast %lt3A_607 : i32 to vector<16xi32>
        %lt3A_609 = arith.cmpi slt, %sub3A_603, %lt3A_608 : vector<16xi32>
        %and3A_610 = arith.andi %ge3A_606, %lt3A_609 : vector<16xi1>
        %broadcast_in_dim3A_611 = arith.constant 0 : i32
        %broadcast_in_dim3A_612 = vector.broadcast %broadcast_in_dim3A_611 : i32 to vector<16xi32>
        %mul3A_613 = arith.constant 4 : i32
        %mul3A_614 = arith.muli %arg1, %mul3A_613 : i32
        %add3A_615 = arith.constant 5120 : i32
        %add3A_616 = arith.addi %add3A_615, %mul3A_614 : i32
        %add3A_617 = arith.constant 2 : i32
        %add3A_618 = arith.addi %add3A_616, %add3A_617 : i32
        %add3A_619 = vector.broadcast %add3A_618 : i32 to vector<16xi32>
        %add3A_620 = arith.addi %broadcast_in_dim3A_612, %add3A_619 : vector<16xi32>
        %select_n3A_621 = arith.select %and3A_610, %sub3A_603, %add3A_620 : vector<16xi1>, vector<16xi32>
        %swap3A_622 = arith.constant 32 : index
        %swap3A_623 = tpu.vector_load %arg15[%swap3A_622] {strides = array<i32>} : memref<128xi32, #tpu.memory_space<vmem>>, vector<16xi32>,
        %swap3A_624 = vector.shape_cast %swap3A_623 : vector<16xi32> to vector<16xi32>
        %swap3A_625 = vector.shape_cast %select_n3A_621 : vector<16xi32> to vector<16xi32>
        tpu.vector_store %arg15[%swap3A_622], %swap3A_625 {strides = array<i32>} : memref<128xi32, #tpu.memory_space<vmem>>, vector<16xi32>,
        %get3A_626 = arith.constant 48 : index
        %get3A_627 = tpu.vector_load %arg15[%get3A_626] {strides = array<i32>} : memref<128xi32, #tpu.memory_space<vmem>>, vector<16xi32>,
        %get3A_628 = vector.shape_cast %get3A_627 : vector<16xi32> to vector<16xi32>
        %sub3A_629 = vector.broadcast %mul3A_0 : i32 to vector<16xi32>
        %sub3A_630 = arith.subi %get3A_628, %sub3A_629 : vector<16xi32>
        %ge3A_631 = arith.constant 0 : i32
        %ge3A_632 = vector.broadcast %ge3A_631 : i32 to vector<16xi32>
        %ge3A_633 = arith.cmpi sge, %sub3A_630, %ge3A_632 : vector<16xi32>
        %lt3A_634 = arith.constant 5120 : i32
        %lt3A_635 = vector.broadcast %lt3A_634 : i32 to vector<16xi32>
        %lt3A_636 = arith.cmpi slt, %sub3A_630, %lt3A_635 : vector<16xi32>
        %and3A_637 = arith.andi %ge3A_633, %lt3A_636 : vector<16xi1>
        %broadcast_in_dim3A_638 = arith.constant 0 : i32
        %broadcast_in_dim3A_639 = vector.broadcast %broadcast_in_dim3A_638 : i32 to vector<16xi32>
        %mul3A_640 = arith.constant 4 : i32
        %mul3A_641 = arith.muli %arg1, %mul3A_640 : i32
        %add3A_642 = arith.constant 5120 : i32
        %add3A_643 = arith.addi %add3A_642, %mul3A_641 : i32
        %add3A_644 = arith.constant 3 : i32
        %add3A_645 = arith.addi %add3A_643, %add3A_644 : i32
        %add3A_646 = vector.broadcast %add3A_645 : i32 to vector<16xi32>
        %add3A_647 = arith.addi %broadcast_in_dim3A_639, %add3A_646 : vector<16xi32>
        %select_n3A_648 = arith.select %and3A_637, %sub3A_630, %add3A_647 : vector<16xi1>, vector<16xi32>
        %swap3A_649 = arith.constant 48 : index
        %swap3A_650 = tpu.vector_load %arg15[%swap3A_649] {strides = array<i32>} : memref<128xi32, #tpu.memory_space<vmem>>, vector<16xi32>,
        %swap3A_651 = vector.shape_cast %swap3A_650 : vector<16xi32> to vector<16xi32>
        %swap3A_652 = vector.shape_cast %select_n3A_648 : vector<16xi32> to vector<16xi32>
        tpu.vector_store %arg15[%swap3A_649], %swap3A_652 {strides = array<i32>} : memref<128xi32, #tpu.memory_space<vmem>>, vector<16xi32>,
        %get3A_653 = arith.constant 64 : index
        %get3A_654 = tpu.vector_load %arg15[%get3A_653] {strides = array<i32>} : memref<128xi32, #tpu.memory_space<vmem>>, vector<16xi32>,
        %get3A_655 = vector.shape_cast %get3A_654 : vector<16xi32> to vector<16xi32>
        %sub3A_656 = vector.broadcast %mul3A_0 : i32 to vector<16xi32>
        %sub3A_657 = arith.subi %get3A_655, %sub3A_656 : vector<16xi32>
        %ge3A_658 = arith.constant 0 : i32
        %ge3A_659 = vector.broadcast %ge3A_658 : i32 to vector<16xi32>
        %ge3A_660 = arith.cmpi sge, %sub3A_657, %ge3A_659 : vector<16xi32>
        %lt3A_661 = arith.constant 5120 : i32
        %lt3A_662 = vector.broadcast %lt3A_661 : i32 to vector<16xi32>
        %lt3A_663 = arith.cmpi slt, %sub3A_657, %lt3A_662 : vector<16xi32>
        %and3A_664 = arith.andi %ge3A_660, %lt3A_663 : vector<16xi1>
        %broadcast_in_dim3A_665 = arith.constant 0 : i32
        %broadcast_in_dim3A_666 = vector.broadcast %broadcast_in_dim3A_665 : i32 to vector<16xi32>
        %mul3A_667 = arith.constant 4 : i32
        %mul3A_668 = arith.muli %arg1, %mul3A_667 : i32
        %add3A_669 = arith.constant 5120 : i32
        %add3A_670 = arith.addi %add3A_669, %mul3A_668 : i32
        %add3A_671 = arith.constant 0 : i32
        %add3A_672 = arith.addi %add3A_670, %add3A_671 : i32
        %add3A_673 = vector.broadcast %add3A_672 : i32 to vector<16xi32>
        %add3A_674 = arith.addi %broadcast_in_dim3A_666, %add3A_673 : vector<16xi32>
        %select_n3A_675 = arith.select %and3A_664, %sub3A_657, %add3A_674 : vector<16xi1>, vector<16xi32>
        %swap3A_676 = arith.constant 64 : index
        %swap3A_677 = tpu.vector_load %arg15[%swap3A_676] {strides = array<i32>} : memref<128xi32, #tpu.memory_space<vmem>>, vector<16xi32>,
        %swap3A_678 = vector.shape_cast %swap3A_677 : vector<16xi32> to vector<16xi32>
        %swap3A_679 = vector.shape_cast %select_n3A_675 : vector<16xi32> to vector<16xi32>
        tpu.vector_store %arg15[%swap3A_676], %swap3A_679 {strides = array<i32>} : memref<128xi32, #tpu.memory_space<vmem>>, vector<16xi32>,
        %get3A_680 = arith.constant 80 : index
        %get3A_681 = tpu.vector_load %arg15[%get3A_680] {strides = array<i32>} : memref<128xi32, #tpu.memory_space<vmem>>, vector<16xi32>,
        %get3A_682 = vector.shape_cast %get3A_681 : vector<16xi32> to vector<16xi32>
        %sub3A_683 = vector.broadcast %mul3A_0 : i32 to vector<16xi32>
        %sub3A_684 = arith.subi %get3A_682, %sub3A_683 : vector<16xi32>
        %ge3A_685 = arith.constant 0 : i32
        %ge3A_686 = vector.broadcast %ge3A_685 : i32 to vector<16xi32>
        %ge3A_687 = arith.cmpi sge, %sub3A_684, %ge3A_686 : vector<16xi32>
        %lt3A_688 = arith.constant 5120 : i32
        %lt3A_689 = vector.broadcast %lt3A_688 : i32 to vector<16xi32>
        %lt3A_690 = arith.cmpi slt, %sub3A_684, %lt3A_689 : vector<16xi32>
        %and3A_691 = arith.andi %ge3A_687, %lt3A_690 : vector<16xi1>
        %broadcast_in_dim3A_692 = arith.constant 0 : i32
        %broadcast_in_dim3A_693 = vector.broadcast %broadcast_in_dim3A_692 : i32 to vector<16xi32>
        %mul3A_694 = arith.constant 4 : i32
        %mul3A_695 = arith.muli %arg1, %mul3A_694 : i32
        %add3A_696 = arith.constant 5120 : i32
        %add3A_697 = arith.addi %add3A_696, %mul3A_695 : i32
        %add3A_698 = arith.constant 1 : i32
        %add3A_699 = arith.addi %add3A_697, %add3A_698 : i32
        %add3A_700 = vector.broadcast %add3A_699 : i32 to vector<16xi32>
        %add3A_701 = arith.addi %broadcast_in_dim3A_693, %add3A_700 : vector<16xi32>
        %select_n3A_702 = arith.select %and3A_691, %sub3A_684, %add3A_701 : vector<16xi1>, vector<16xi32>
        %swap3A_703 = arith.constant 80 : index
        %swap3A_704 = tpu.vector_load %arg15[%swap3A_703] {strides = array<i32>} : memref<128xi32, #tpu.memory_space<vmem>>, vector<16xi32>,
        %swap3A_705 = vector.shape_cast %swap3A_704 : vector<16xi32> to vector<16xi32>
        %swap3A_706 = vector.shape_cast %select_n3A_702 : vector<16xi32> to vector<16xi32>
        tpu.vector_store %arg15[%swap3A_703], %swap3A_706 {strides = array<i32>} : memref<128xi32, #tpu.memory_space<vmem>>, vector<16xi32>,
        %get3A_707 = arith.constant 96 : index
        %get3A_708 = tpu.vector_load %arg15[%get3A_707] {strides = array<i32>} : memref<128xi32, #tpu.memory_space<vmem>>, vector<16xi32>,
        %get3A_709 = vector.shape_cast %get3A_708 : vector<16xi32> to vector<16xi32>
        %sub3A_710 = vector.broadcast %mul3A_0 : i32 to vector<16xi32>
        %sub3A_711 = arith.subi %get3A_709, %sub3A_710 : vector<16xi32>
        %ge3A_712 = arith.constant 0 : i32
        %ge3A_713 = vector.broadcast %ge3A_712 : i32 to vector<16xi32>
        %ge3A_714 = arith.cmpi sge, %sub3A_711, %ge3A_713 : vector<16xi32>
        %lt3A_715 = arith.constant 5120 : i32
        %lt3A_716 = vector.broadcast %lt3A_715 : i32 to vector<16xi32>
        %lt3A_717 = arith.cmpi slt, %sub3A_711, %lt3A_716 : vector<16xi32>
        %and3A_718 = arith.andi %ge3A_714, %lt3A_717 : vector<16xi1>
        %broadcast_in_dim3A_719 = arith.constant 0 : i32
        %broadcast_in_dim3A_720 = vector.broadcast %broadcast_in_dim3A_719 : i32 to vector<16xi32>
        %mul3A_721 = arith.constant 4 : i32
        %mul3A_722 = arith.muli %arg1, %mul3A_721 : i32
        %add3A_723 = arith.constant 5120 : i32
        %add3A_724 = arith.addi %add3A_723, %mul3A_722 : i32
        %add3A_725 = arith.constant 2 : i32
        %add3A_726 = arith.addi %add3A_724, %add3A_725 : i32
        %add3A_727 = vector.broadcast %add3A_726 : i32 to vector<16xi32>
        %add3A_728 = arith.addi %broadcast_in_dim3A_720, %add3A_727 : vector<16xi32>
        %select_n3A_729 = arith.select %and3A_718, %sub3A_711, %add3A_728 : vector<16xi1>, vector<16xi32>
        %swap3A_730 = arith.constant 96 : index
        %swap3A_731 = tpu.vector_load %arg15[%swap3A_730] {strides = array<i32>} : memref<128xi32, #tpu.memory_space<vmem>>, vector<16xi32>,
        %swap3A_732 = vector.shape_cast %swap3A_731 : vector<16xi32> to vector<16xi32>
        %swap3A_733 = vector.shape_cast %select_n3A_729 : vector<16xi32> to vector<16xi32>
        tpu.vector_store %arg15[%swap3A_730], %swap3A_733 {strides = array<i32>} : memref<128xi32, #tpu.memory_space<vmem>>, vector<16xi32>,
        %get3A_734 = arith.constant 112 : index
        %get3A_735 = tpu.vector_load %arg15[%get3A_734] {strides = array<i32>} : memref<128xi32, #tpu.memory_space<vmem>>, vector<16xi32>,
        %get3A_736 = vector.shape_cast %get3A_735 : vector<16xi32> to vector<16xi32>
        %sub3A_737 = vector.broadcast %mul3A_0 : i32 to vector<16xi32>
        %sub3A_738 = arith.subi %get3A_736, %sub3A_737 : vector<16xi32>
        %ge3A_739 = arith.constant 0 : i32
        %ge3A_740 = vector.broadcast %ge3A_739 : i32 to vector<16xi32>
        %ge3A_741 = arith.cmpi sge, %sub3A_738, %ge3A_740 : vector<16xi32>
        %lt3A_742 = arith.constant 5120 : i32
        %lt3A_743 = vector.broadcast %lt3A_742 : i32 to vector<16xi32>
        %lt3A_744 = arith.cmpi slt, %sub3A_738, %lt3A_743 : vector<16xi32>
        %and3A_745 = arith.andi %ge3A_741, %lt3A_744 : vector<16xi1>
        %broadcast_in_dim3A_746 = arith.constant 0 : i32
        %broadcast_in_dim3A_747 = vector.broadcast %broadcast_in_dim3A_746 : i32 to vector<16xi32>
        %mul3A_748 = arith.constant 4 : i32
        %mul3A_749 = arith.muli %arg1, %mul3A_748 : i32
        %add3A_750 = arith.constant 5120 : i32
        %add3A_751 = arith.addi %add3A_750, %mul3A_749 : i32
        %add3A_752 = arith.constant 3 : i32
        %add3A_753 = arith.addi %add3A_751, %add3A_752 : i32
        %add3A_754 = vector.broadcast %add3A_753 : i32 to vector<16xi32>
        %add3A_755 = arith.addi %broadcast_in_dim3A_747, %add3A_754 : vector<16xi32>
        %select_n3A_756 = arith.select %and3A_745, %sub3A_738, %add3A_755 : vector<16xi1>, vector<16xi32>
        %swap3A_757 = arith.constant 112 : index
        %swap3A_758 = tpu.vector_load %arg15[%swap3A_757] {strides = array<i32>} : memref<128xi32, #tpu.memory_space<vmem>>, vector<16xi32>,
        %swap3A_759 = vector.shape_cast %swap3A_758 : vector<16xi32> to vector<16xi32>
        %swap3A_760 = vector.shape_cast %select_n3A_756 : vector<16xi32> to vector<16xi32>
        tpu.vector_store %arg15[%swap3A_757], %swap3A_760 {strides = array<i32>} : memref<128xi32, #tpu.memory_space<vmem>>, vector<16xi32>,
      } else {
      }
      %ge3A_499 = arith.constant 0 : i32
      %ge3A_500 = arith.cmpi sge, %add3A_461, %ge3A_499 : i32
      %mul3A_501 = arith.constant 16 : i32
      %mul3A_502 = arith.muli %add3A_461, %mul3A_501 : i32
      %add3A_503 = arith.addi %arg1, %mul3A_502 : i32
      %lt3A_504 = arith.constant 2500 : i32
      %lt3A_505 = arith.cmpi slt, %add3A_503, %lt3A_504 : i32
      %and3A_506 = arith.andi %ge3A_500, %lt3A_505 : i1
      %convert_element_type3A_507 = arith.extui %and3A_506 : i1 to i32
      %cond3A_508 = arith.constant 0 : i32
      %cond3A_509 = arith.cmpi ne, %convert_element_type3A_507, %cond3A_508 : i32
      scf.if %cond3A_509 {
        %dma_start3A = arith.constant 0 : i32
        %dma_start3A_536 = arith.constant 0 : i32
        %dma_start3A_537 = tpu.memref_slice %arg2[%dma_start3A, %dma_start3A_536] : memref<10000x128xf32, #tpu.memory_space<hbm>> -> memref<10000x128xf32, #tpu.memory_space<hbm>>
        tpu.enqueue_indirect_dma source(%dma_start3A_537 : memref<10000x128xf32, #tpu.memory_space<hbm>>) target(%arg20 : memref<128x128xf32, #tpu.memory_space<vmem>>) offsets(%arg10 : memref<128xi32, #tpu.memory_space<vmem>>) semaphore(%arg32 : memref<!tpu.dma_semaphore, #tpu.memory_space<semaphore_mem>>)
      } else {
      }
      %sub3A_510 = arith.constant 2 : i32
      %sub3A_511 = arith.subi %add3A_461, %sub3A_510 : i32
      %ge3A_512 = arith.constant 0 : i32
      %ge3A_513 = arith.cmpi sge, %sub3A_511, %ge3A_512 : i32
      %mul3A_514 = arith.constant 16 : i32
      %mul3A_515 = arith.muli %sub3A_511, %mul3A_514 : i32
      %add3A_516 = arith.addi %arg1, %mul3A_515 : i32
      %lt3A_517 = arith.constant 2500 : i32
      %lt3A_518 = arith.cmpi slt, %add3A_516, %lt3A_517 : i32
      %and3A_519 = arith.andi %ge3A_513, %lt3A_518 : i1
      %convert_element_type3A_520 = arith.extui %and3A_519 : i1 to i32
      %cond3A_521 = arith.constant 0 : i32
      %cond3A_522 = arith.cmpi ne, %convert_element_type3A_520, %cond3A_521 : i32
      scf.if %cond3A_522 {
        %dma_wait3A = arith.constant 0 : i32
        %dma_wait3A_536 = arith.constant 0 : i32
        %dma_wait3A_537 = tpu.memref_slice %arg2[%dma_wait3A, %dma_wait3A_536] : memref<10000x128xf32, #tpu.memory_space<hbm>> -> memref<10000x128xf32, #tpu.memory_space<hbm>>
        tpu.wait_indirect_dma semaphore(%arg30 : memref<!tpu.dma_semaphore, #tpu.memory_space<semaphore_mem>>) src(%dma_wait3A_537 : memref<10000x128xf32, #tpu.memory_space<hbm>>) dst(%arg18 : memref<128x128xf32, #tpu.memory_space<vmem>>)
      } else {
      }
      %sub3A_523 = arith.constant 2 : i32
      %sub3A_524 = arith.subi %add3A_461, %sub3A_523 : i32
      %ge3A_525 = arith.constant 0 : i32
      %ge3A_526 = arith.cmpi sge, %sub3A_524, %ge3A_525 : i32
      %mul3A_527 = arith.constant 16 : i32
      %mul3A_528 = arith.muli %sub3A_524, %mul3A_527 : i32
      %add3A_529 = arith.addi %arg1, %mul3A_528 : i32
      %lt3A_530 = arith.constant 2500 : i32
      %lt3A_531 = arith.cmpi slt, %add3A_529, %lt3A_530 : i32
      %and3A_532 = arith.andi %ge3A_526, %lt3A_531 : i1
      %convert_element_type3A_533 = arith.extui %and3A_532 : i1 to i32
      %cond3A_534 = arith.constant 0 : i32
      %cond3A_535 = arith.cmpi ne, %convert_element_type3A_533, %cond3A_534 : i32
      scf.if %cond3A_535 {
        %dma_start3A = arith.constant 0 : i32
        %dma_start3A_536 = arith.constant 0 : i32
        %dma_start3A_537 = tpu.memref_slice %arg22[%dma_start3A, %dma_start3A_536] : memref<5184x128xf32, #tpu.memory_space<vmem_shared>> -> memref<5184x128xf32, #tpu.memory_space<vmem_shared>>
        tpu.enqueue_indirect_dma source(%arg18 : memref<128x128xf32, #tpu.memory_space<vmem>>) target(%dma_start3A_537 : memref<5184x128xf32, #tpu.memory_space<vmem_shared>>) offsets(%arg13 : memref<128xi32, #tpu.memory_space<vmem>>) semaphore(%arg35 : memref<!tpu.dma_semaphore, #tpu.memory_space<semaphore_mem>>) {add = true}
      } else {
      }
    }
    %scan3A_43 = arith.constant 32 : i32
    %ge3A_44 = arith.constant 158 : i32
    %ge3A_45 = arith.constant 0 : i32
    %ge3A_46 = arith.cmpi sge, %ge3A_44, %ge3A_45 : i32
    %mul3A_47 = arith.constant 158 : i32
    %mul3A_48 = arith.constant 16 : i32
    %mul3A_49 = arith.muli %mul3A_47, %mul3A_48 : i32
    %add3A_50 = arith.addi %arg1, %mul3A_49 : i32
    %lt3A_51 = arith.constant 2500 : i32
    %lt3A_52 = arith.cmpi slt, %add3A_50, %lt3A_51 : i32
    %and3A_53 = arith.andi %ge3A_46, %lt3A_52 : i1
    %convert_element_type3A_54 = arith.extui %and3A_53 : i1 to i32
    %cond3A_55 = arith.constant 0 : i32
    %cond3A_56 = arith.cmpi ne, %convert_element_type3A_54, %cond3A_55 : i32
    scf.if %cond3A_56 {
      %dma_wait3A = arith.constant 0 : i32
      %dma_wait3A_152 = arith.constant 0 : i32
      %dma_wait3A_153 = tpu.memref_slice %arg2[%dma_wait3A, %dma_wait3A_152] : memref<10000x128xf32, #tpu.memory_space<hbm>> -> memref<10000x128xf32, #tpu.memory_space<hbm>>
      tpu.wait_indirect_dma semaphore(%arg31 : memref<!tpu.dma_semaphore, #tpu.memory_space<semaphore_mem>>) src(%dma_wait3A_153 : memref<10000x128xf32, #tpu.memory_space<hbm>>) dst(%arg19 : memref<128x128xf32, #tpu.memory_space<vmem>>)
    } else {
    }
    %ge3A_57 = arith.constant 158 : i32
    %ge3A_58 = arith.constant 0 : i32
    %ge3A_59 = arith.cmpi sge, %ge3A_57, %ge3A_58 : i32
    %mul3A_60 = arith.constant 158 : i32
    %mul3A_61 = arith.constant 16 : i32
    %mul3A_62 = arith.muli %mul3A_60, %mul3A_61 : i32
    %add3A_63 = arith.addi %arg1, %mul3A_62 : i32
    %lt3A_64 = arith.constant 2500 : i32
    %lt3A_65 = arith.cmpi slt, %add3A_63, %lt3A_64 : i32
    %and3A_66 = arith.andi %ge3A_59, %lt3A_65 : i1
    %convert_element_type3A_67 = arith.extui %and3A_66 : i1 to i32
    %cond3A_68 = arith.constant 0 : i32
    %cond3A_69 = arith.cmpi ne, %convert_element_type3A_67, %cond3A_68 : i32
    scf.if %cond3A_69 {
      %dma_start3A = arith.constant 0 : i32
      %dma_start3A_152 = arith.constant 0 : i32
      %dma_start3A_153 = tpu.memref_slice %arg22[%dma_start3A, %dma_start3A_152] : memref<5184x128xf32, #tpu.memory_space<vmem_shared>> -> memref<5184x128xf32, #tpu.memory_space<vmem_shared>>
      tpu.enqueue_indirect_dma source(%arg19 : memref<128x128xf32, #tpu.memory_space<vmem>>) target(%dma_start3A_153 : memref<5184x128xf32, #tpu.memory_space<vmem_shared>>) offsets(%arg14 : memref<128xi32, #tpu.memory_space<vmem>>) semaphore(%arg36 : memref<!tpu.dma_semaphore, #tpu.memory_space<semaphore_mem>>) {add = true}
    } else {
    }
    %ge3A_70 = arith.constant 159 : i32
    %ge3A_71 = arith.constant 0 : i32
    %ge3A_72 = arith.cmpi sge, %ge3A_70, %ge3A_71 : i32
    %mul3A_73 = arith.constant 159 : i32
    %mul3A_74 = arith.constant 16 : i32
    %mul3A_75 = arith.muli %mul3A_73, %mul3A_74 : i32
    %add3A_76 = arith.addi %arg1, %mul3A_75 : i32
    %lt3A_77 = arith.constant 2500 : i32
    %lt3A_78 = arith.cmpi slt, %add3A_76, %lt3A_77 : i32
    %and3A_79 = arith.andi %ge3A_72, %lt3A_78 : i1
    %convert_element_type3A_80 = arith.extui %and3A_79 : i1 to i32
    %cond3A_81 = arith.constant 0 : i32
    %cond3A_82 = arith.cmpi ne, %convert_element_type3A_80, %cond3A_81 : i32
    scf.if %cond3A_82 {
      %dma_wait3A = arith.constant 0 : i32
      %dma_wait3A_152 = arith.constant 0 : i32
      %dma_wait3A_153 = tpu.memref_slice %arg2[%dma_wait3A, %dma_wait3A_152] : memref<10000x128xf32, #tpu.memory_space<hbm>> -> memref<10000x128xf32, #tpu.memory_space<hbm>>
      tpu.wait_indirect_dma semaphore(%arg32 : memref<!tpu.dma_semaphore, #tpu.memory_space<semaphore_mem>>) src(%dma_wait3A_153 : memref<10000x128xf32, #tpu.memory_space<hbm>>) dst(%arg20 : memref<128x128xf32, #tpu.memory_space<vmem>>)
    } else {
    }
    %ge3A_83 = arith.constant 159 : i32
    %ge3A_84 = arith.constant 0 : i32
    %ge3A_85 = arith.cmpi sge, %ge3A_83, %ge3A_84 : i32
    %mul3A_86 = arith.constant 159 : i32
    %mul3A_87 = arith.constant 16 : i32
    %mul3A_88 = arith.muli %mul3A_86, %mul3A_87 : i32
    %add3A_89 = arith.addi %arg1, %mul3A_88 : i32
    %lt3A_90 = arith.constant 2500 : i32
    %lt3A_91 = arith.cmpi slt, %add3A_89, %lt3A_90 : i32
    %and3A_92 = arith.andi %ge3A_85, %lt3A_91 : i1
    %convert_element_type3A_93 = arith.extui %and3A_92 : i1 to i32
    %cond3A_94 = arith.constant 0 : i32
    %cond3A_95 = arith.cmpi ne, %convert_element_type3A_93, %cond3A_94 : i32
    scf.if %cond3A_95 {
      %dma_start3A = arith.constant 0 : i32
      %dma_start3A_152 = arith.constant 0 : i32
      %dma_start3A_153 = tpu.memref_slice %arg22[%dma_start3A, %dma_start3A_152] : memref<5184x128xf32, #tpu.memory_space<vmem_shared>> -> memref<5184x128xf32, #tpu.memory_space<vmem_shared>>
      tpu.enqueue_indirect_dma source(%arg20 : memref<128x128xf32, #tpu.memory_space<vmem>>) target(%dma_start3A_153 : memref<5184x128xf32, #tpu.memory_space<vmem_shared>>) offsets(%arg15 : memref<128xi32, #tpu.memory_space<vmem>>) semaphore(%arg37 : memref<!tpu.dma_semaphore, #tpu.memory_space<semaphore_mem>>) {add = true}
    } else {
    }
    %ge3A_96 = arith.constant 156 : i32
    %ge3A_97 = arith.constant 0 : i32
    %ge3A_98 = arith.cmpi sge, %ge3A_96, %ge3A_97 : i32
    %mul3A_99 = arith.constant 156 : i32
    %mul3A_100 = arith.constant 16 : i32
    %mul3A_101 = arith.muli %mul3A_99, %mul3A_100 : i32
    %add3A_102 = arith.addi %arg1, %mul3A_101 : i32
    %lt3A_103 = arith.constant 2500 : i32
    %lt3A_104 = arith.cmpi slt, %add3A_102, %lt3A_103 : i32
    %and3A_105 = arith.andi %ge3A_98, %lt3A_104 : i1
    %convert_element_type3A_106 = arith.extui %and3A_105 : i1 to i32
    %cond3A_107 = arith.constant 0 : i32
    %cond3A_108 = arith.cmpi ne, %convert_element_type3A_106, %cond3A_107 : i32
    scf.if %cond3A_108 {
      %dma_wait3A = arith.constant 0 : i32
      %dma_wait3A_152 = arith.constant 0 : i32
      %dma_wait3A_153 = tpu.memref_slice %arg22[%dma_wait3A, %dma_wait3A_152] : memref<5184x128xf32, #tpu.memory_space<vmem_shared>> -> memref<5184x128xf32, #tpu.memory_space<vmem_shared>>
      tpu.wait_indirect_dma semaphore(%arg34 : memref<!tpu.dma_semaphore, #tpu.memory_space<semaphore_mem>>) src(%arg17 : memref<128x128xf32, #tpu.memory_space<vmem>>) dst(%dma_wait3A_153 : memref<5184x128xf32, #tpu.memory_space<vmem_shared>>)
    } else {
    }
    %ge3A_109 = arith.constant 157 : i32
    %ge3A_110 = arith.constant 0 : i32
    %ge3A_111 = arith.cmpi sge, %ge3A_109, %ge3A_110 : i32
    %mul3A_112 = arith.constant 157 : i32
    %mul3A_113 = arith.constant 16 : i32
    %mul3A_114 = arith.muli %mul3A_112, %mul3A_113 : i32
    %add3A_115 = arith.addi %arg1, %mul3A_114 : i32
    %lt3A_116 = arith.constant 2500 : i32
    %lt3A_117 = arith.cmpi slt, %add3A_115, %lt3A_116 : i32
    %and3A_118 = arith.andi %ge3A_111, %lt3A_117 : i1
    %convert_element_type3A_119 = arith.extui %and3A_118 : i1 to i32
    %cond3A_120 = arith.constant 0 : i32
    %cond3A_121 = arith.cmpi ne, %convert_element_type3A_119, %cond3A_120 : i32
    scf.if %cond3A_121 {
      %dma_wait3A = arith.constant 0 : i32
      %dma_wait3A_152 = arith.constant 0 : i32
      %dma_wait3A_153 = tpu.memref_slice %arg22[%dma_wait3A, %dma_wait3A_152] : memref<5184x128xf32, #tpu.memory_space<vmem_shared>> -> memref<5184x128xf32, #tpu.memory_space<vmem_shared>>
      tpu.wait_indirect_dma semaphore(%arg35 : memref<!tpu.dma_semaphore, #tpu.memory_space<semaphore_mem>>) src(%arg18 : memref<128x128xf32, #tpu.memory_space<vmem>>) dst(%dma_wait3A_153 : memref<5184x128xf32, #tpu.memory_space<vmem_shared>>)
    } else {
    }
    %ge3A_122 = arith.constant 158 : i32
    %ge3A_123 = arith.constant 0 : i32
    %ge3A_124 = arith.cmpi sge, %ge3A_122, %ge3A_123 : i32
    %mul3A_125 = arith.constant 158 : i32
    %mul3A_126 = arith.constant 16 : i32
    %mul3A_127 = arith.muli %mul3A_125, %mul3A_126 : i32
    %add3A_128 = arith.addi %arg1, %mul3A_127 : i32
    %lt3A_129 = arith.constant 2500 : i32
    %lt3A_130 = arith.cmpi slt, %add3A_128, %lt3A_129 : i32
    %and3A_131 = arith.andi %ge3A_124, %lt3A_130 : i1
    %convert_element_type3A_132 = arith.extui %and3A_131 : i1 to i32
    %cond3A_133 = arith.constant 0 : i32
    %cond3A_134 = arith.cmpi ne, %convert_element_type3A_132, %cond3A_133 : i32
    scf.if %cond3A_134 {
      %dma_wait3A = arith.constant 0 : i32
      %dma_wait3A_152 = arith.constant 0 : i32
      %dma_wait3A_153 = tpu.memref_slice %arg22[%dma_wait3A, %dma_wait3A_152] : memref<5184x128xf32, #tpu.memory_space<vmem_shared>> -> memref<5184x128xf32, #tpu.memory_space<vmem_shared>>
      tpu.wait_indirect_dma semaphore(%arg36 : memref<!tpu.dma_semaphore, #tpu.memory_space<semaphore_mem>>) src(%arg19 : memref<128x128xf32, #tpu.memory_space<vmem>>) dst(%dma_wait3A_153 : memref<5184x128xf32, #tpu.memory_space<vmem_shared>>)
    } else {
    }
    %ge3A_135 = arith.constant 159 : i32
    %ge3A_136 = arith.constant 0 : i32
    %ge3A_137 = arith.cmpi sge, %ge3A_135, %ge3A_136 : i32
    %mul3A_138 = arith.constant 159 : i32
    %mul3A_139 = arith.constant 16 : i32
    %mul3A_140 = arith.muli %mul3A_138, %mul3A_139 : i32
    %add3A_141 = arith.addi %arg1, %mul3A_140 : i32
    %lt3A_142 = arith.constant 2500 : i32
    %lt3A_143 = arith.cmpi slt, %add3A_141, %lt3A_142 : i32
    %and3A_144 = arith.andi %ge3A_137, %lt3A_143 : i1
    %convert_element_type3A_145 = arith.extui %and3A_144 : i1 to i32
    %cond3A_146 = arith.constant 0 : i32
    %cond3A_147 = arith.cmpi ne, %convert_element_type3A_145, %cond3A_146 : i32
    scf.if %cond3A_147 {
      %dma_wait3A = arith.constant 0 : i32
      %dma_wait3A_152 = arith.constant 0 : i32
      %dma_wait3A_153 = tpu.memref_slice %arg22[%dma_wait3A, %dma_wait3A_152] : memref<5184x128xf32, #tpu.memory_space<vmem_shared>> -> memref<5184x128xf32, #tpu.memory_space<vmem_shared>>
      tpu.wait_indirect_dma semaphore(%arg37 : memref<!tpu.dma_semaphore, #tpu.memory_space<semaphore_mem>>) src(%arg20 : memref<128x128xf32, #tpu.memory_space<vmem>>) dst(%dma_wait3A_153 : memref<5184x128xf32, #tpu.memory_space<vmem_shared>>)
    } else {
    }
    %barrier3A_148 = arith.constant 0 : index
    tpu.barrier barrier_id(%barrier3A_148)
    %mul3A_149 = arith.constant 320 : i32
    %mul3A_150 = arith.muli %arg1, %mul3A_149 : i32
    %add3A_151 = arith.addi %mul3A_0, %mul3A_150 : i32
    "tpu.region"() ({
      %run_scoped3A = tpu.sem_alloc : memref<!tpu.dma_semaphore, #tpu.memory_space<semaphore_mem>>
      %dma_start3A = arith.constant 0 : i32
      %dma_start3A_152 = tpu.memref_slice %arg5[%add3A_151, %dma_start3A] : memref<10240x128xf32, #tpu.memory_space<hbm>> -> memref<320x128xf32, #tpu.memory_space<hbm>>
      %dma_start3A_153 = arith.constant 0 : i32
      %dma_start3A_154 = tpu.memref_slice %arg22[%mul3A_150, %dma_start3A_153] : memref<5184x128xf32, #tpu.memory_space<vmem_shared>> -> memref<320x128xf32, #tpu.memory_space<vmem_shared>>
      tpu.enqueue_dma source(%dma_start3A_154 : memref<320x128xf32, #tpu.memory_space<vmem_shared>>) target(%dma_start3A_152 : memref<320x128xf32, #tpu.memory_space<hbm>>) target_semaphore(%run_scoped3A : memref<!tpu.dma_semaphore, #tpu.memory_space<semaphore_mem>>)
      %dma_wait3A = arith.constant 0 : i32
      %dma_wait3A_155 = tpu.memref_slice %arg5[%add3A_151, %dma_wait3A] : memref<10240x128xf32, #tpu.memory_space<hbm>> -> memref<320x128xf32, #tpu.memory_space<hbm>>
      %dma_wait3A_156 = arith.constant 0 : i32
      %dma_wait3A_157 = tpu.memref_slice %arg22[%mul3A_150, %dma_wait3A_156] : memref<5184x128xf32, #tpu.memory_space<vmem_shared>> -> memref<320x128xf32, #tpu.memory_space<vmem_shared>>
      tpu.wait_dma2 semaphore(%run_scoped3A : memref<!tpu.dma_semaphore, #tpu.memory_space<semaphore_mem>>) src(%dma_wait3A_157 : memref<320x128xf32, #tpu.memory_space<vmem_shared>>) dst(%dma_wait3A_155 : memref<320x128xf32, #tpu.memory_space<hbm>>)
      tpu.yield
    }) : () -> ()
    return
  }
}

module attributes {stable_mosaic.version = 14 : i64} {
  func.func @_mm1_body(%arg0: i32, %arg1: memref<1000x128xf32, #tpu.memory_space<vmem>>, %arg2: memref<128x128xf32, #tpu.memory_space<vmem>>, %arg3: memref<1x128xf32, #tpu.memory_space<vmem>>, %arg4: memref<1000x128xf32, #tpu.memory_space<vmem>>) attributes {dimension_semantics = [#tpu.dimension_semantics<arbitrary>], iteration_bounds = array<i64: 10>, scalar_prefetch = 0 : i64, scratch_operands = 0 : i64, tpu.core_type = #tpu.core_type<tc>, window_params = [{transform_indices = @transform_0, window_bounds = array<i64: 1000, 128>}, {pipeline_mode = #tpu.pipeline_mode<synchronous>, transform_indices = @transform_1, window_bounds = array<i64: 128, 128>}, {pipeline_mode = #tpu.pipeline_mode<synchronous>, transform_indices = @transform_2, window_bounds = array<i64: 1, 128>}, {transform_indices = @transform_3, window_bounds = array<i64: 1000, 128>}]} {
    %get3A = arith.constant 0 : index
    %get3A_0 = arith.constant 0 : index
    %get3A_1 = vector.load %arg1[%get3A, %get3A_0] : memref<1000x128xf32, #tpu.memory_space<vmem>>, vector<1000x128xf32>
    %get3A_2 = arith.constant 0 : index
    %get3A_3 = arith.constant 0 : index
    %get3A_4 = vector.load %arg2[%get3A_2, %get3A_3] : memref<128x128xf32, #tpu.memory_space<vmem>>, vector<128x128xf32>
    %dot_general3A = arith.constant dense<0.000000e+00> : vector<1000x128xf32>
    %dot_general3A_5 = tpu.matmul %get3A_1, %get3A_4, %dot_general3A {dimension_numbers = #tpu.dot_dimension_numbers<[1], [0], [0], [1], [0, 0, 1, 1], [], []>, transpose_lhs_hint = false} : vector<1000x128xf32>, vector<128x128xf32>, vector<1000x128xf32> -> vector<1000x128xf32>
    %get3A_6 = arith.constant 0 : index
    %get3A_7 = arith.constant 0 : index
    %get3A_8 = vector.load %arg3[%get3A_6, %get3A_7] : memref<1x128xf32, #tpu.memory_space<vmem>>, vector<1x128xf32>
    %add3A = vector.broadcast %get3A_8 : vector<1x128xf32> to vector<1000x128xf32>
    %add3A_9 = arith.addf %dot_general3A_5, %add3A : vector<1000x128xf32>
    %swap3A = arith.constant 0 : index
    %swap3A_10 = arith.constant 0 : index
    %swap3A_11 = vector.load %arg4[%swap3A, %swap3A_10] : memref<1000x128xf32, #tpu.memory_space<vmem>>, vector<1000x128xf32>
    tpu.vector_store %arg4[%swap3A, %swap3A_10], %add3A_9 {strides = array<i32>} : memref<1000x128xf32, #tpu.memory_space<vmem>>, vector<1000x128xf32>,
    return
  }
  func.func @transform_0(%arg0: i32) -> (i32, i32) {
    %c0_i32 = arith.constant 0 : i32
    %c0_i32_0 = arith.constant 0 : i32
    return %arg0, %c0_i32 : i32, i32
  }
  func.func @transform_1(%arg0: i32) -> (i32, i32) {
    %c0_i32 = arith.constant 0 : i32
    %c0_i32_0 = arith.constant 0 : i32
    %c0_i32_1 = arith.constant 0 : i32
    return %c0_i32, %c0_i32_0 : i32, i32
  }
  func.func @transform_2(%arg0: i32) -> (i32, i32) {
    %c0_i32 = arith.constant 0 : i32
    %c0_i32_0 = arith.constant 0 : i32
    %c0_i32_1 = arith.constant 0 : i32
    return %c0_i32, %c0_i32_0 : i32, i32
  }
  func.func @transform_3(%arg0: i32) -> (i32, i32) {
    %c0_i32 = arith.constant 0 : i32
    %c0_i32_0 = arith.constant 0 : i32
    return %arg0, %c0_i32 : i32, i32
  }
}

module attributes {stable_mosaic.version = 14 : i64} {
  func.func @_layer2_body(%arg0: i32, %arg1: memref<1000x128xf32, #tpu.memory_space<vmem>>, %arg2: memref<1000x128xf32, #tpu.memory_space<vmem>>, %arg3: memref<1x112xf32, #tpu.memory_space<vmem>>, %arg4: memref<112x128xf32, #tpu.memory_space<vmem>>, %arg5: memref<1000x128xf32, #tpu.memory_space<vmem>>, %arg6: memref<1000x1xf32, #tpu.memory_space<vmem>>) attributes {dimension_semantics = [#tpu.dimension_semantics<arbitrary>], iteration_bounds = array<i64: 10>, scalar_prefetch = 0 : i64, scratch_operands = 0 : i64, tpu.core_type = #tpu.core_type<tc>, window_params = [{transform_indices = @transform_0, window_bounds = array<i64: 1000, 128>}, {transform_indices = @transform_1, window_bounds = array<i64: 1000, 128>}, {pipeline_mode = #tpu.pipeline_mode<synchronous>, transform_indices = @transform_2, window_bounds = array<i64: 1, 112>}, {pipeline_mode = #tpu.pipeline_mode<synchronous>, transform_indices = @transform_3, window_bounds = array<i64: 112, 128>}, {transform_indices = @transform_4, window_bounds = array<i64: 1000, 128>}, {transform_indices = @transform_5, window_bounds = array<i64: 1000, 1>}]} {
    %get3A = arith.constant 0 : index
    %get3A_0 = arith.constant 0 : index
    %get3A_1 = vector.load %arg1[%get3A, %get3A_0] : memref<1000x128xf32, #tpu.memory_space<vmem>>, vector<1000x128xf32>
    %slice3A = vector.extract_strided_slice %get3A_1 {offsets = [0, 100], sizes = [1000, 1], strides = [1, 1]} : vector<1000x128xf32> to vector<1000x1xf32>
    %slice3A_2 = vector.extract_strided_slice %get3A_1 {offsets = [0, 0], sizes = [1000, 112], strides = [1, 1]} : vector<1000x128xf32> to vector<1000x112xf32>
    %get3A_3 = arith.constant 0 : index
    %get3A_4 = arith.constant 0 : index
    %get3A_5 = vector.load %arg2[%get3A_3, %get3A_4] : memref<1000x128xf32, #tpu.memory_space<vmem>>, vector<1000x112xf32>
    %gt3A = arith.constant 0.000000e+00 : f32
    %gt3A_6 = vector.broadcast %gt3A : f32 to vector<1000x1xf32>
    %gt3A_7 = arith.cmpf ogt, %slice3A, %gt3A_6 : vector<1000x1xf32>
    %max3A = arith.constant 1.000000e+00 : f32
    %max3A_8 = vector.broadcast %max3A : f32 to vector<1000x1xf32>
    %max3A_9 = arith.maximumf %slice3A, %max3A_8 : vector<1000x1xf32>
    %div3A = vector.broadcast %max3A_9 : vector<1000x1xf32> to vector<1000x112xf32>
    %div3A_10 = arith.divf %slice3A_2, %div3A : vector<1000x112xf32>
    %broadcast_in_dim3A = vector.shape_cast %gt3A_7 : vector<1000x1xi1> to vector<1000x1xi1>
    %broadcast_in_dim3A_11 = vector.broadcast %broadcast_in_dim3A : vector<1000x1xi1> to vector<1000x112xi1>
    %select_n3A = arith.select %broadcast_in_dim3A_11, %div3A_10, %get3A_5 : vector<1000x112xi1>, vector<1000x112xf32>
    %get3A_12 = arith.constant 0 : index
    %get3A_13 = arith.constant 0 : index
    %get3A_14 = vector.load %arg3[%get3A_12, %get3A_13] : memref<1x112xf32, #tpu.memory_space<vmem>>, vector<1x112xf32>
    %add3A = vector.broadcast %get3A_14 : vector<1x112xf32> to vector<1000x112xf32>
    %add3A_15 = arith.addf %select_n3A, %add3A : vector<1000x112xf32>
    %max3A_16 = arith.constant 0.000000e+00 : f32
    %max3A_17 = vector.broadcast %max3A_16 : f32 to vector<1000x112xf32>
    %max3A_18 = arith.maximumf %add3A_15, %max3A_17 : vector<1000x112xf32>
    %get3A_19 = arith.constant 0 : index
    %get3A_20 = arith.constant 0 : index
    %get3A_21 = vector.load %arg4[%get3A_19, %get3A_20] : memref<112x128xf32, #tpu.memory_space<vmem>>, vector<112x128xf32>
    %dot_general3A = arith.constant dense<0.000000e+00> : vector<1000x128xf32>
    %dot_general3A_22 = tpu.matmul %max3A_18, %get3A_21, %dot_general3A {dimension_numbers = #tpu.dot_dimension_numbers<[1], [0], [0], [1], [0, 0, 1, 1], [], []>, transpose_lhs_hint = false} : vector<1000x112xf32>, vector<112x128xf32>, vector<1000x128xf32> -> vector<1000x128xf32>
    %swap3A = arith.constant 0 : index
    %swap3A_23 = arith.constant 0 : index
    %swap3A_24 = vector.load %arg5[%swap3A, %swap3A_23] : memref<1000x128xf32, #tpu.memory_space<vmem>>, vector<1000x128xf32>
    tpu.vector_store %arg5[%swap3A, %swap3A_23], %dot_general3A_22 {strides = array<i32>} : memref<1000x128xf32, #tpu.memory_space<vmem>>, vector<1000x128xf32>,
    %swap3A_25 = arith.constant 0 : index
    %swap3A_26 = arith.constant 0 : index
    %swap3A_27 = vector.load %arg6[%swap3A_25, %swap3A_26] : memref<1000x1xf32, #tpu.memory_space<vmem>>, vector<1000x1xf32>
    tpu.vector_store %arg6[%swap3A_25, %swap3A_26], %slice3A {strides = array<i32>} : memref<1000x1xf32, #tpu.memory_space<vmem>>, vector<1000x1xf32>,
    return
  }
  func.func @transform_0(%arg0: i32) -> (i32, i32) {
    %c0_i32 = arith.constant 0 : i32
    %c0_i32_0 = arith.constant 0 : i32
    return %arg0, %c0_i32 : i32, i32
  }
  func.func @transform_1(%arg0: i32) -> (i32, i32) {
    %c0_i32 = arith.constant 0 : i32
    %c0_i32_0 = arith.constant 0 : i32
    return %arg0, %c0_i32 : i32, i32
  }
  func.func @transform_2(%arg0: i32) -> (i32, i32) {
    %c0_i32 = arith.constant 0 : i32
    %c0_i32_0 = arith.constant 0 : i32
    %c0_i32_1 = arith.constant 0 : i32
    return %c0_i32, %c0_i32_0 : i32, i32
  }
  func.func @transform_3(%arg0: i32) -> (i32, i32) {
    %c0_i32 = arith.constant 0 : i32
    %c0_i32_0 = arith.constant 0 : i32
    %c0_i32_1 = arith.constant 0 : i32
    return %c0_i32, %c0_i32_0 : i32, i32
  }
  func.func @transform_4(%arg0: i32) -> (i32, i32) {
    %c0_i32 = arith.constant 0 : i32
    %c0_i32_0 = arith.constant 0 : i32
    return %arg0, %c0_i32 : i32, i32
  }
  func.func @transform_5(%arg0: i32) -> (i32, i32) {
    %c0_i32 = arith.constant 0 : i32
    %c0_i32_0 = arith.constant 0 : i32
    return %arg0, %c0_i32 : i32, i32
  }
}

module attributes {stable_mosaic.version = 14 : i64} {
  func.func @_head_body(%arg0: i32, %arg1: memref<1000x128xf32, #tpu.memory_space<vmem>>, %arg2: memref<1000x128xf32, #tpu.memory_space<vmem>>, %arg3: memref<1000x1xf32, #tpu.memory_space<vmem>>, %arg4: memref<1x32xf32, #tpu.memory_space<vmem>>, %arg5: memref<1x16xf32, #tpu.memory_space<vmem>>, %arg6: memref<36x10xf32, #tpu.memory_space<vmem>>, %arg7: memref<1x10xf32, #tpu.memory_space<vmem>>, %arg8: memref<10x8xf32, #tpu.memory_space<vmem>>, %arg9: memref<1x8xf32, #tpu.memory_space<vmem>>, %arg10: memref<1x8xf32, #tpu.memory_space<vmem>>, %arg11: memref<8x128xf32, #tpu.memory_space<vmem>>) attributes {dimension_semantics = [#tpu.dimension_semantics<arbitrary>], iteration_bounds = array<i64: 10>, scalar_prefetch = 0 : i64, scratch_operands = 1 : i64, tpu.core_type = #tpu.core_type<tc>, window_params = [{transform_indices = @transform_0, window_bounds = array<i64: 1000, 128>}, {transform_indices = @transform_1, window_bounds = array<i64: 1000, 128>}, {transform_indices = @transform_2, window_bounds = array<i64: 1000, 1>}, {pipeline_mode = #tpu.pipeline_mode<synchronous>, transform_indices = @transform_3, window_bounds = array<i64: 1, 32>}, {pipeline_mode = #tpu.pipeline_mode<synchronous>, transform_indices = @transform_4, window_bounds = array<i64: 1, 16>}, {pipeline_mode = #tpu.pipeline_mode<synchronous>, transform_indices = @transform_5, window_bounds = array<i64: 36, 10>}, {pipeline_mode = #tpu.pipeline_mode<synchronous>, transform_indices = @transform_6, window_bounds = array<i64: 1, 10>}, {pipeline_mode = #tpu.pipeline_mode<synchronous>, transform_indices = @transform_7, window_bounds = array<i64: 10, 8>}, {pipeline_mode = #tpu.pipeline_mode<synchronous>, transform_indices = @transform_8, window_bounds = array<i64: 1, 8>}, {pipeline_mode = #tpu.pipeline_mode<synchronous>, transform_indices = @transform_9, window_bounds = array<i64: 1, 8>}]} {
    %get3A = arith.constant 0 : index
    %get3A_0 = arith.constant 0 : index
    %get3A_1 = vector.load %arg1[%get3A, %get3A_0] : memref<1000x128xf32, #tpu.memory_space<vmem>>, vector<1000x32xf32>
    %get3A_2 = arith.constant 0 : index
    %get3A_3 = arith.constant 0 : index
    %get3A_4 = vector.load %arg3[%get3A_2, %get3A_3] : memref<1000x1xf32, #tpu.memory_space<vmem>>, vector<1000x1xf32>
    %gt3A = arith.constant 0.000000e+00 : f32
    %gt3A_5 = vector.broadcast %gt3A : f32 to vector<1000x1xf32>
    %gt3A_6 = arith.cmpf ogt, %get3A_4, %gt3A_5 : vector<1000x1xf32>
    %max3A = arith.constant 1.000000e+00 : f32
    %max3A_7 = vector.broadcast %max3A : f32 to vector<1000x1xf32>
    %max3A_8 = arith.maximumf %get3A_4, %max3A_7 : vector<1000x1xf32>
    %div3A = vector.broadcast %max3A_8 : vector<1000x1xf32> to vector<1000x32xf32>
    %div3A_9 = arith.divf %get3A_1, %div3A : vector<1000x32xf32>
    %get3A_10 = arith.constant 0 : index
    %get3A_11 = arith.constant 0 : index
    %get3A_12 = vector.load %arg2[%get3A_10, %get3A_11] : memref<1000x128xf32, #tpu.memory_space<vmem>>, vector<1000x32xf32>
    %broadcast_in_dim3A = vector.shape_cast %gt3A_6 : vector<1000x1xi1> to vector<1000x1xi1>
    %broadcast_in_dim3A_13 = vector.broadcast %broadcast_in_dim3A : vector<1000x1xi1> to vector<1000x32xi1>
    %select_n3A = arith.select %broadcast_in_dim3A_13, %div3A_9, %get3A_12 : vector<1000x32xi1>, vector<1000x32xf32>
    %get3A_14 = arith.constant 0 : index
    %get3A_15 = arith.constant 0 : index
    %get3A_16 = vector.load %arg4[%get3A_14, %get3A_15] : memref<1x32xf32, #tpu.memory_space<vmem>>, vector<1x32xf32>
    %add3A = vector.broadcast %get3A_16 : vector<1x32xf32> to vector<1000x32xf32>
    %add3A_17 = arith.addf %select_n3A, %add3A : vector<1000x32xf32>
    %max3A_18 = arith.constant 0.000000e+00 : f32
    %max3A_19 = vector.broadcast %max3A_18 : f32 to vector<1000x32xf32>
    %max3A_20 = arith.maximumf %add3A_17, %max3A_19 : vector<1000x32xf32>
    %reduce_sum3A = arith.constant dense<0.000000e+00> : vector<32xf32>
    %reduce_sum3A_21 = vector.multi_reduction <add>, %max3A_20, %reduce_sum3A [0] : vector<1000x32xf32> to vector<32xf32>
    %broadcast_in_dim3A_22 = vector.shape_cast %reduce_sum3A_21 : vector<32xf32> to vector<1x32xf32>
    %eq3A = arith.constant 0 : i32
    %eq3A_23 = arith.cmpi eq, %arg0, %eq3A : i32
    %convert_element_type3A = arith.extui %eq3A_23 : i1 to i32
    %cond3A = arith.constant 0 : i32
    %cond3A_24 = arith.cmpi ne, %convert_element_type3A, %cond3A : i32
    scf.if %cond3A_24 {
      %swap3A = arith.constant 0 : index
      %swap3A_35 = arith.constant 0 : index
      %swap3A_36 = vector.load %arg11[%swap3A, %swap3A_35] : memref<8x128xf32, #tpu.memory_space<vmem>>, vector<1x32xf32>
      tpu.vector_store %arg11[%swap3A, %swap3A_35], %broadcast_in_dim3A_22 {strides = array<i32>} : memref<8x128xf32, #tpu.memory_space<vmem>>, vector<1x32xf32>,
    } else {
    }
    %gt3A_25 = arith.constant 0 : i32
    %gt3A_26 = arith.cmpi sgt, %arg0, %gt3A_25 : i32
    %convert_element_type3A_27 = arith.extui %gt3A_26 : i1 to i32
    %cond3A_28 = arith.constant 0 : i32
    %cond3A_29 = arith.cmpi ne, %convert_element_type3A_27, %cond3A_28 : i32
    scf.if %cond3A_29 {
      %get3A_35 = arith.constant 0 : index
      %get3A_36 = arith.constant 0 : index
      %get3A_37 = vector.load %arg11[%get3A_35, %get3A_36] : memref<8x128xf32, #tpu.memory_space<vmem>>, vector<1x32xf32>
      %add3A_38 = arith.addf %get3A_37, %broadcast_in_dim3A_22 : vector<1x32xf32>
      %swap3A = arith.constant 0 : index
      %swap3A_39 = arith.constant 0 : index
      %swap3A_40 = vector.load %arg11[%swap3A, %swap3A_39] : memref<8x128xf32, #tpu.memory_space<vmem>>, vector<1x32xf32>
      tpu.vector_store %arg11[%swap3A, %swap3A_39], %add3A_38 {strides = array<i32>} : memref<8x128xf32, #tpu.memory_space<vmem>>, vector<1x32xf32>,
    } else {
    }
    %eq3A_30 = arith.constant 9 : i32
    %eq3A_31 = arith.cmpi eq, %arg0, %eq3A_30 : i32
    %convert_element_type3A_32 = arith.extui %eq3A_31 : i1 to i32
    %cond3A_33 = arith.constant 0 : i32
    %cond3A_34 = arith.cmpi ne, %convert_element_type3A_32, %cond3A_33 : i32
    scf.if %cond3A_34 {
      %get3A_35 = arith.constant 0 : index
      %get3A_36 = arith.constant 0 : index
      %get3A_37 = vector.load %arg11[%get3A_35, %get3A_36] : memref<8x128xf32, #tpu.memory_space<vmem>>, vector<1x20xf32>
      %mul3A = arith.constant 9.99999974E-5 : f32
      %mul3A_38 = vector.broadcast %mul3A : f32 to vector<1x20xf32>
      %mul3A_39 = arith.mulf %get3A_37, %mul3A_38 : vector<1x20xf32>
      %get3A_40 = arith.constant 0 : index
      %get3A_41 = arith.constant 0 : index
      %get3A_42 = vector.load %arg5[%get3A_40, %get3A_41] : memref<1x16xf32, #tpu.memory_space<vmem>>, vector<1x16xf32>
      %concatenate3A = tpu.concatenate %mul3A_39, %get3A_42 in 1 : vector<1x20xf32>, vector<1x16xf32> -> vector<1x36xf32>
      %get3A_43 = arith.constant 0 : index
      %get3A_44 = arith.constant 0 : index
      %get3A_45 = vector.load %arg6[%get3A_43, %get3A_44] : memref<36x10xf32, #tpu.memory_space<vmem>>, vector<36x10xf32>
      %dot_general3A = arith.constant dense<0.000000e+00> : vector<1x10xf32>
      %dot_general3A_46 = tpu.matmul %concatenate3A, %get3A_45, %dot_general3A {dimension_numbers = #tpu.dot_dimension_numbers<[1], [0], [0], [1], [0, 0, 1, 1], [], []>, transpose_lhs_hint = false} : vector<1x36xf32>, vector<36x10xf32>, vector<1x10xf32> -> vector<1x10xf32>
      %get3A_47 = arith.constant 0 : index
      %get3A_48 = arith.constant 0 : index
      %get3A_49 = vector.load %arg7[%get3A_47, %get3A_48] : memref<1x10xf32, #tpu.memory_space<vmem>>, vector<1x10xf32>
      %add3A_50 = arith.addf %dot_general3A_46, %get3A_49 : vector<1x10xf32>
      %max3A_51 = arith.constant 0.000000e+00 : f32
      %max3A_52 = vector.broadcast %max3A_51 : f32 to vector<1x10xf32>
      %max3A_53 = arith.maximumf %add3A_50, %max3A_52 : vector<1x10xf32>
      %get3A_54 = arith.constant 0 : index
      %get3A_55 = arith.constant 0 : index
      %get3A_56 = vector.load %arg8[%get3A_54, %get3A_55] : memref<10x8xf32, #tpu.memory_space<vmem>>, vector<10x8xf32>
      %dot_general3A_57 = arith.constant dense<0.000000e+00> : vector<1x8xf32>
      %dot_general3A_58 = tpu.matmul %max3A_53, %get3A_56, %dot_general3A_57 {dimension_numbers = #tpu.dot_dimension_numbers<[1], [0], [0], [1], [0, 0, 1, 1], [], []>, transpose_lhs_hint = false} : vector<1x10xf32>, vector<10x8xf32>, vector<1x8xf32> -> vector<1x8xf32>
      %get3A_59 = arith.constant 0 : index
      %get3A_60 = arith.constant 0 : index
      %get3A_61 = vector.load %arg9[%get3A_59, %get3A_60] : memref<1x8xf32, #tpu.memory_space<vmem>>, vector<1x8xf32>
      %add3A_62 = arith.addf %dot_general3A_58, %get3A_61 : vector<1x8xf32>
      %swap3A = arith.constant 0 : index
      %swap3A_63 = arith.constant 0 : index
      %swap3A_64 = vector.load %arg10[%swap3A, %swap3A_63] : memref<1x8xf32, #tpu.memory_space<vmem>>, vector<1x8xf32>
      tpu.vector_store %arg10[%swap3A, %swap3A_63], %add3A_62 {strides = array<i32>} : memref<1x8xf32, #tpu.memory_space<vmem>>, vector<1x8xf32>,
    } else {
    }
    return
  }
  func.func @transform_0(%arg0: i32) -> (i32, i32) {
    %c0_i32 = arith.constant 0 : i32
    %c0_i32_0 = arith.constant 0 : i32
    return %arg0, %c0_i32 : i32, i32
  }
  func.func @transform_1(%arg0: i32) -> (i32, i32) {
    %c0_i32 = arith.constant 0 : i32
    %c0_i32_0 = arith.constant 0 : i32
    return %arg0, %c0_i32 : i32, i32
  }
  func.func @transform_2(%arg0: i32) -> (i32, i32) {
    %c0_i32 = arith.constant 0 : i32
    %c0_i32_0 = arith.constant 0 : i32
    return %arg0, %c0_i32 : i32, i32
  }
  func.func @transform_3(%arg0: i32) -> (i32, i32) {
    %c0_i32 = arith.constant 0 : i32
    %c0_i32_0 = arith.constant 0 : i32
    %c0_i32_1 = arith.constant 0 : i32
    return %c0_i32, %c0_i32_0 : i32, i32
  }
  func.func @transform_4(%arg0: i32) -> (i32, i32) {
    %c0_i32 = arith.constant 0 : i32
    %c0_i32_0 = arith.constant 0 : i32
    %c0_i32_1 = arith.constant 0 : i32
    return %c0_i32, %c0_i32_0 : i32, i32
  }
  func.func @transform_5(%arg0: i32) -> (i32, i32) {
    %c0_i32 = arith.constant 0 : i32
    %c0_i32_0 = arith.constant 0 : i32
    %c0_i32_1 = arith.constant 0 : i32
    return %c0_i32, %c0_i32_0 : i32, i32
  }
  func.func @transform_6(%arg0: i32) -> (i32, i32) {
    %c0_i32 = arith.constant 0 : i32
    %c0_i32_0 = arith.constant 0 : i32
    %c0_i32_1 = arith.constant 0 : i32
    return %c0_i32, %c0_i32_0 : i32, i32
  }
  func.func @transform_7(%arg0: i32) -> (i32, i32) {
    %c0_i32 = arith.constant 0 : i32
    %c0_i32_0 = arith.constant 0 : i32
    %c0_i32_1 = arith.constant 0 : i32
    return %c0_i32, %c0_i32_0 : i32, i32
  }
  func.func @transform_8(%arg0: i32) -> (i32, i32) {
    %c0_i32 = arith.constant 0 : i32
    %c0_i32_0 = arith.constant 0 : i32
    %c0_i32_1 = arith.constant 0 : i32
    return %c0_i32, %c0_i32_0 : i32, i32
  }
  func.func @transform_9(%arg0: i32) -> (i32, i32) {
    %c0_i32 = arith.constant 0 : i32
    %c0_i32_0 = arith.constant 0 : i32
    %c0_i32_1 = arith.constant 0 : i32
    return %c0_i32, %c0_i32_0 : i32, i32
  }
}

</mosaic_0001>

<sc_bundles>
// kernel: kernel.10.cloned.1.call-start
scs
__scs_entry_jumppad:
0x0: {  	(pc) =	sbr.rel $0x88, $3  }
0x1: {  	(tag) =	ssettag $0x0;
	lr =	simm.s32 $0x1  }
0x2: {  	[smem:$0x3F96] =	sst lr;
	_ =	strace $0xD0000000  }
0x3: {  	_ = 	snop  }
0x4: {  	_ = 	snop  }
0x5: {  	_ = 	snop  }
0x6: {  	_ = 	snop  }
0x7: {  	_ = 	snop  }
__scs_overlays_trampoline_lowered:
0x8: {  	[smem:$0x3FA5] =	sst s0  }
0x9: {  	[smem:$0x3FA6] =	sst s1  }
0xa: {  	[smem:$0x3FA7] =	sst s2  }
0xb: {  	[smem:$0x3FA8] =	sst s3  }
0xc: {  	[smem:$0x3FA9] =	sst s4  }
0xd: {  	[smem:$0x3FAA] =	sst s5  }
0xe: {  	[smem:$0x3FAB] =	sst s6  }
0xf: {  	[smem:$0x3FAC] =	sst s7  }
0x10: {  	[smem:$0x3FAD] =	sst s8  }
0x11: {  	[smem:$0x3FAE] =	sst s9;
	s0 =	simm.s32 @!p0 $0x0  }
0x12: {  	s1 =	sld [smem:$0x3F94];
	s0 =	simm.s32 @p0 $0x1  }
0x13: {  	[smem:$0x3FAF] =	sst s0;
	s0 =	simm.s32 @!p1 $0x0  }
0x14: {  	s2 =	sld [smem:$0x3F93];
	s0 =	simm.s32 @p1 $0x1  }
0x15: {  	[smem:$0x3FB0] =	sst s0;
	s0 =	simm.s32 @!p2 $0x0  }
0x16: {  	s3 =	sld [smem:$0x3FDB];
	s0 =	simm.s32 @p2 $0x1  }
0x17: {  	s4 =	simm.s32 $0x1BF5;
	[smem:$0x3FB2] =	sst s0  }
0x18: {  	s0 =	sld [smem:$0x3F95];
	_ =	swait.ge [sflag:s4], $0x0  }
0x19: {  	s7 =	sld [smem:$0x3F96]  }
0x1a: {  	s8 =	sadd.s32 $0xFFFFE003, lr  }
0x1b: {  	s9 =	sadd.s32 $0xFFFFFEF7, lr;
	s5 =	simm.s32 $0xFFFFFFFF;
	p2 =	slt.u32 s8, $0xFFFFF086  }
0x1c: {  	p1 =	slt.u32 s9, $0xF7A;
	s5 =	simm.s32 @!p2 $0x0  }
0x1d: {  	s5 =	simm.s32 @p1 $0x1;
	p0 =	seq.s32 s7, s2  }
0x1e: {  	s7 =	smul.u32 @!p0 $0xF7A, s2;
	p2 =	seq.s32 @!p0 s5, $0x0  }
0x1f: {  	s9 =	smul.u32 $0xF7A, s1;
	s8 =	simm.s32 @!p0 $0x1BF5;
	p2 =	por !p2, p0  }
0x20: {  	[sflag:s8] =	ssyncset.s32 @!p0 $0xFFFFF086;
	s6 =	sadd.s32 @!p0 s3, s7;
	s7 =	simm.s32 @!p0 $0x108  }
0x21: {  	s3 =	sadd.s32 s3, s9;
	s6 =	sadd.s32 @!p0 $0x88, s6;
	s7 =	simm.s32 @p2 $0x1082  }
0x22: {  	[simem:s7], [sflag:s8] =	dma.local @!p0 [hbm:s6], $0xF7A  }
0x23: {  	s9 =	sor.u32 $0xD0000000, s2;
	s6 =	simm.s32 $0x108;
	_ =	swait.ge @!p0 [sflag:s8], $0x0  }
0x24: {  	s3 =	sadd.s32 $0x88, s3;
	s6 =	simm.s32 @!p1 $0x1082;
	[sflag:s4] =	ssyncset.s32 $0xFFFFF086  }
0x25: {  	[simem:s6], [sflag:s4] =	dma.local [hbm:s3], $0xF7A  }
0x26: {  	[smem:$0x3F96] =	sst s1;
	(tag) =	ssettag s2;
	_ =	strace s9  }
0x27: {  	s1 =	sld [smem:$0x3FA6]  }
0x28: {  	s2 =	sld [smem:$0x3FA7]  }
0x29: {  	s4 =	sld [smem:$0x3FA9]  }
0x2a: {  	p0 =	seq.s32 s5, $0x0;
	s5 =	sld [smem:$0x3FAA]  }
0x2b: {  	s6 =	sld [smem:$0x3FAB]  }
0x2c: {  	s7 =	sld [smem:$0x3FAC]  }
0x2d: {  	s3 =	simm.s32 $0x108;
	s8 =	sld [smem:$0x3FAD]  }
0x2e: {  	s3 =	simm.s32 @!p0 $0x1082;
	s9 =	sld [smem:$0x3FAE]  }
0x2f: {  	lr =	sadd.s32 s0, s3;
	s0 =	sld [smem:$0x3FA5]  }
0x30: {  	s3 =	sld [smem:$0x3FA8]  }
0x31: {  	[smem:$0x3FB1] =	sst s10  }
0x32: {  	s10 =	sld [smem:$0x3FAF];
	_ =	sdelay $0x3  }
0x33: {  	p0 =	seq.s32 s10, $0x1;
	s10 =	sld [smem:$0x3FB1];
	_ =	sdelay $0x3  }
0x34: {  	[smem:$0x3FB1] =	sst s10  }
0x35: {  	s10 =	sld [smem:$0x3FB0];
	_ =	sdelay $0x3  }
0x36: {  	p1 =	seq.s32 s10, $0x1;
	s10 =	sld [smem:$0x3FB1];
	_ =	sdelay $0x3  }
0x37: {  	[smem:$0x3FB1] =	sst s10  }
0x38: {  	s10 =	sld [smem:$0x3FB2]  }
0x39: {  	_ = 	snop;
	(pc) =	sbr.ind lr, $3  }
0x3a: {  	_ = 	snop  }
0x3b: {  	_ = 	snop  }
0x3c: {  	p2 =	seq.s32 s10, $0x1;
	s10 =	sld [smem:$0x3FB1]  }
0x3d: {  	_ =	shalt  }
0x3e: {  	_ =	shalt  }
0x3f: {  	_ =	shalt  }
0x40: {  	_ =	shalt  }
0x41: {  	_ =	shalt  }
0x42: {  	_ =	shalt  }
0x43: {  	_ =	shalt  }
0x44: {  	_ =	shalt  }
0x45: {  	_ =	shalt  }
0x46: {  	_ =	shalt  }
0x47: {  	_ =	shalt  }
0x48: {  	_ =	shalt  }
0x49: {  	_ =	shalt  }
0x4a: {  	_ =	shalt  }
0x4b: {  	_ =	shalt  }
0x4c: {  	_ =	shalt  }
0x4d: {  	_ =	shalt  }
0x4e: {  	_ =	shalt  }
0x4f: {  	_ =	shalt  }
0x50: {  	_ =	shalt  }
0x51: {  	_ =	shalt  }
0x52: {  	_ =	shalt  }
0x53: {  	_ =	shalt  }
0x54: {  	_ =	shalt  }
0x55: {  	_ =	shalt  }
0x56: {  	_ =	shalt  }
0x57: {  	_ =	shalt  }
0x58: {  	_ =	shalt  }
0x59: {  	_ =	shalt  }
0x5a: {  	_ =	shalt  }
0x5b: {  	_ =	shalt  }
0x5c: {  	_ =	shalt  }
0x5d: {  	_ =	shalt  }
0x5e: {  	_ =	shalt  }
0x5f: {  	_ =	shalt  }
0x60: {  	_ =	shalt  }
0x61: {  	_ =	shalt  }
0x62: {  	_ =	shalt  }
0x63: {  	_ =	shalt  }
0x64: {  	_ =	shalt  }
0x65: {  	_ =	shalt  }
0x66: {  	_ =	shalt  }
0x67: {  	_ =	shalt  }
0x68: {  	_ =	shalt  }
0x69: {  	_ =	shalt  }
0x6a: {  	_ =	shalt  }
0x6b: {  	_ =	shalt  }
0x6c: {  	_ =	shalt  }
0x6d: {  	_ =	shalt  }
0x6e: {  	_ =	shalt  }
0x6f: {  	_ =	shalt  }
0x70: {  	_ =	shalt  }
0x71: {  	_ =	shalt  }
0x72: {  	_ =	shalt  }
0x73: {  	_ =	shalt  }
0x74: {  	_ =	shalt  }
0x75: {  	_ =	shalt  }
0x76: {  	_ =	shalt  }
0x77: {  	_ =	shalt  }
0x78: {  	_ =	shalt  }
0x79: {  	_ =	shalt  }
0x7a: {  	_ =	shalt  }
0x7b: {  	_ =	shalt  }
0x7c: {  	_ =	shalt  }
0x7d: {  	_ =	shalt  }
0x7e: {  	_ =	shalt  }
0x7f: {  	_ =	shalt  }
0x80: {  	_ =	shalt  }
0x81: {  	_ =	shalt  }
0x82: {  	_ =	shalt  }
0x83: {  	_ =	shalt  }
0x84: {  	_ =	shalt  }
0x85: {  	_ =	shalt  }
0x86: {  	_ =	shalt  }
0x87: {  	_ =	shalt  }
.Lfunc_end0:
.L_simem_size_0:
called_computation.1_lowered:
.L_overlay_start_0:
0x88: {  	s2 =	sld [smem:$0x3FD9]  }
0x89: {  	s3 =	sld [smem:$0x3FFE];
	_ =	sdelay $0x1  }
0x8a: {  	s1 =	srdreg.scid  }
0x8b: {  	s0 =	sand.u32 $0x1, s1  }
0x8c: {  	s16 =	sshll.u32 s0, $0xA;
	s2 =	sadd.s32 s3, s2  }
0x8d: {  	s2 =	sadd.s32 s2, s16  }
0x8e: {  	[smem:$0x3FBD] =	sst s2  }
0x8f: {  	_ = 	snop  }
0x90: {  	(tm) =	ssettm $0x1  }
0x91: {  	s17 =	sld [smem:$0x3FFB];
	_ =	sdelay $0x3  }
0x92: {  	_ =	strace s17  }
0x93: {  	s2 =	sld [smem:$0x3FFC];
	_ =	sdelay $0x3  }
0x94: {  	_ =	strace s2  }
0x95: {  	s2 =	sld [smem:$0x3FFD];
	_ =	sdelay $0x3  }
0x96: {  	_ =	strace s2  }
0x97: {  	_ =	strace $0x8FFFFFFF  }
0x98: {  	s18 =	sld [smem:$0x3FDB];
	_ =	sdelay $0x1  }
0x99: {  	s19 =	simm.s32 $_scs_section_size  }
0x9a: {  	s4 =	simm.s32 $_size__tile_overlayer_lowered;
	s5 =	simm.s32 $_tile_overlayer_lowered  }
0x9b: {  	s22 =	simm.s32 $0x1BFF;
	s21 =	sshll.u32 s5, $0x1;
	s2 =	sadd.s32 s19, s18  }
0x9c: {  	s6 =	simm.s32 $0x0;
	s20 =	sshll.u32 s4, $0x1;
	s4 =	sadd.s32 s21, s2  }
0x9d: {  	[timem:s6], [sflag:s22] =	dma.local [hbm:s4], s20  }
0x9e: {  	_ =	swait.ge [sflag:s22], s20  }
0x9f: {  	s3 =	ssub.s32 $0x0, s20;
	[sflag:s22] =	ssyncset.done $0x0  }
0xa0: {  	[sflag:s22] =	ssyncadd.s32 s3;
	_ =	sdelay $0x1  }
0xa1: {  	s23 =	simm.s32 $0x1B8B  }
0xa2: {  	_ =	swait.ge [sflag:s23], $0x1  }
0xa3: {  	[sflag:s23] =	ssyncset.done $0x0  }
0xa4: {  	s25 =	simm.s32 $0x1B8E;
	s24 =	sld [smem:$0x3FFE];
	[sflag:s23] =	ssyncadd.s32 $0xFFFFFFFF  }
0xa5: {  	s26 =	simm.s32 $execute0_lowered;
	[smem:$0x3FD2] =	sst s25  }
0xa6: {  	s4 =	sshll.u32 s26, $0x1;
	_ =	strace $0x80000049;
	[dreg:$0x1] =	wrdreg $0xFFFFFFFF  }
0xa7: {  	s28 =	simm.s32 $_size_execute0_lowered;
	s2 =	sadd.s32 s2, s4;
	[dreg:$0x0] =	wrdreg $0x0  }
0xa8: {  	s4 =	sshll.u32 s28, $0x1;
	[dreg:$0x2] =	wrdreg s2  }
0xa9: {  	[dreg:$0x3] =	wrdreg s4  }
0xaa: {  	[dreg:$0x4] =	wrdreg $0xC0  }
0xab: {  	_ =	task [dreg:s6], $0x5FFFF  }
0xac: {  	[dreg:$0x1] =	wrdreg $0xFFFFFFFF  }
0xad: {  	[dreg:$0x0] =	wrdreg $0x60  }
0xae: {  	[dreg:$0x2] =	wrdreg s24  }
0xaf: {  	[dreg:$0x3] =	wrdreg $0x155000  }
0xb0: {  	[dreg:$0x4] =	wrdreg $0x9  }
0xb1: {  	_ =	task.clear_ibuf [dreg:s6], $0x5FFFF;
	_ =	strace $0x90000049  }
0xb2: {  	s29 =	simm.s32 $0x9;
	_ =	strace $0x8000004B  }
0xb3: {  	_ =	swait.ge [sflag:s29], $0x1  }
0xb4: {  	[sflag:s29] =	ssyncadd.s32 $0xFFFFFFFF  }
0xb5: {  	_ =	strace $0x9000004B  }
0xb6: {  	_ =	sfence  }
0xb7: {  	s30 =	sld [smem:$0x0];
	_ =	sdelay $0x2  }
0xb8: {  	s31 =	sshll.u32 s1, $0xD;
	s1 =	sshrl.u32 s1, $0x2  }
0xb9: {  	s3 =	sand.u32 $0x4000, s31;
	s1 =	sadd.s32 s1, s30  }
0xba: {  	s0 =	sor.u32 s3, s0;
	s1 =	sshll.u32 s1, $0x11  }
0xbb: {  	s0 =	sor.u32 s1, s0  }
0xbc: {  	s0 =	sadd.s32 $0x8F2B, s0  }
0xbd: {  	[sflag:s0] =	ssyncadd.remote.s32 $0x1  }
0xbe: {  	_ =	sfence.sel $0xFFFF  }
0xbf: {  	[dreg:$0x0] =	wrdreg $0xFFFFFFFF;
	(pc) =	sbr.abs _section_cstart, $3  }
0xc0: {  	[dreg:$0x1] =	wrdreg $0xFFFFFFFF  }
0xc1: {  	_ =	task.clear_ibuf [dreg:s6], $0x2FFFF;
	_ =	strace $0x9FFFFFFF  }
0xc2: {  	(tm) =	ssettm $0x7FFFFFFF  }
0xc3: {  	_ =	shalt  }
tec
execute0_lowered:
.L_overlay_start_1:
0x0: {  	(tag) =	ssettag $0x1  }
0x1: {  	s2 =	rddreg [dreg:$0x0]  }
0x2: {  	s1 =	rddreg [dreg:$0x1];
	s0 =	srdreg.scid  }
0x3: {  	s3 =	simm.s32 $0x0;
	s14 =	stileid.u32;
	s28 =	simm.s32 $0x80  }
0x4: {  	s29 =	simm.s32 $0x500;
	s30 =	simm.s32 $0x6;
	s31 =	simm.s32 $0xB  }
0x5: {  	s5 =	sand.u32 $0x1, s0;
	[smem:$0x7FF] =	sst s3;
	s7 =	smul.u32 $0x28800, s14  }
0x6: {  	s6 =	smul.u32 $0x140, s14;
	s4 =	sadd.s32 $0x15800, s2;
	s8 =	sadd.s32 $0xBA00, s2  }
0x7: {  	s9 =	sadd.s32 $0x1C00, s2;
	p0 =	sgt.u32 s14, $0x3;
	s13 =	sshrl.u32 s7, $0x2  }
0x8: {  	s0 =	smul.u32 $0x1400, s5;
	s10 =	ssub.s32 $0x2, s5;
	s5 =	sadd.s32 s13, s1  }
0x9: {  	_ =	strace $0x8000004A;
	s15 =	sshrl.u32 s10, $0x1;
	s16 =	sadd.s32 $0xD80, s5  }
0xa: {  	s7 =	sshll.u32 s14, $0x4;
	s17 =	sadd.s32 $0x1B00, s5;
	[dreg:$0xd] =	wrdreg s16  }
0xb: {  	s6 =	sadd.s32 s6, s0;
	s18 =	sadd.s32 $0x2880, s5;
	[dreg:$0xe] =	wrdreg s17  }
0xc: {  	s22 =	sor.u32 $0x500, s7;
	s19 =	sadd.s32 $0x3600, s5;
	[dreg:$0xf] =	wrdreg s18  }
0xd: {  	s13 =	sor.u32 $0x400, s7;
	s20 =	sadd.s32 $0x4380, s5;
	[dreg:$0x10] =	wrdreg s19  }
0xe: {  	v0 =	vmov s0;
	s0 =	simm.s32 $0x0;
	s21 =	sadd.s32 $0x5100, s5;
	[dreg:$0x11] =	wrdreg s20  }
0xf: {  	s6 =	sshll.u32 s6, $0x4;
	s11 =	sadd.s32 $0x5E80, s5;
	[dreg:$0x12] =	wrdreg s21  }
0x10: {  	s23 =	sadd.s32 $0x6C00, s5;
	s24 =	sadd.s32 $0x7980, s5;
	[dreg:$0x13] =	wrdreg s11  }
0x11: {  	s25 =	sand.u32 $0x480, s13;
	s26 =	sadd.s32 $0x8700, s5;
	[dreg:$0x14] =	wrdreg s23  }
0x12: {  	s2 =	sadd.s32 s6, s2;
	s6 =	ssub.s32 s10, s15;
	[dreg:$0x15] =	wrdreg s24  }
0x13: {  	s10 =	sand.u32 $0x580, s22;
	s11 =	sand.u32 $0x70, s7;
	[dreg:$0x16] =	wrdreg s26  }
0x14: {  	s15 =	sadd.s32 s25, s8;
	s16 =	sor.u32 $0x300, s7;
	s20 =	sor.u32 $0x200, s7  }
0x15: {  	s23 =	sadd.s32 s8, s7;
	s26 =	sor.u32 $0x100, s7;
	s7 =	sadd.s32 s9, s7  }
0x16: {  	s12 =	sadd.s32 s10, s8;
	s10 =	sadd.s32 s10, s9;
	[dreg:$0x17] =	wrdreg s23  }
0x17: {  	s18 =	sand.u32 $0x380, s16;
	s13 =	sand.u32 $0x280, s20;
	[dreg:$0x18] =	wrdreg s7  }
0x18: {  	s23 =	simm.s32 $0x14500;
	s12 =	sadd.s32 s11, s12;
	s10 =	sadd.s32 s11, s10  }
0x19: {  	s19 =	sadd.s32 s18, s8;
	s22 =	sadd.s32 s13, s8;
	[dreg:$0x3] =	wrdreg s12  }
0x1a: {  	[dreg:$0x4] =	wrdreg s10;
	s10 =	sadd.s32 s11, s15;
	s12 =	sadd.s32 s25, s9  }
0x1b: {  	s24 =	sadd.s32 s11, s22;
	s25 =	sadd.s32 s13, s9;
	s13 =	sshll.u32 s14, $0x2  }
0x1c: {  	s15 =	smul.u32 $0x28000, s14;
	[dreg:$0x5] =	wrdreg s10;
	s17 =	sadd.s32 s11, s12  }
0x1d: {  	s10 =	sadd.s32 s11, s19;
	s12 =	sadd.s32 s18, s9;
	[dreg:$0x9] =	wrdreg s24  }
0x1e: {  	s16 =	sor.u32 $0x1400, s13;
	s22 =	sor.u32 $0x1402, s13;
	s7 =	sor.u32 $0x1403, s13  }
0x1f: {  	s18 =	sadd.s32 $0x3CA00, s2;
	s19 =	smax.u32 s6, $0x1;
	[dreg:$0x6] =	wrdreg s17  }
0x20: {  	s6 =	sor.u32 $0x50, s14;
	s24 =	simm.s32 $0x10;
	[dreg:$0x7] =	wrdreg s10  }
0x21: {  	s21 =	sadd.s32 s11, s12;
	s10 =	sadd.s32 s11, s25;
	s12 =	sand.u32 $0x180, s26  }
0x22: {  	s17 =	sor.u32 $0x1401, s13;
	s25 =	simm.s32 $0x280;
	[dreg:$0x8] =	wrdreg s21  }
0x23: {  	s26 =	simm.s32 $0x1;
	[dreg:$0xa] =	wrdreg s10;
	s8 =	sadd.s32 s12, s8  }
0x24: {  	s9 =	sadd.s32 s12, s9;
	s10 =	sshrl.u32 s15, $0x2;
	s8 =	sadd.s32 s11, s8  }
0x25: {  	v5 =	vimm.f32 $0.0e+00;
	v1 =	vmov s16;
	s9 =	sadd.s32 s11, s9;
	s10 =	sadd.s32 s10, s1;
	[dreg:$0xb] =	wrdreg s8  }
0x26: {  	v3 =	vmov s22;
	v4 =	vmov s7;
	s21 =	sadd.s32 $0x9480, s5;
	v2 =	vmov s17;
	[dreg:$0xc] =	wrdreg s9;
	s20 =	sshrl.u32 s10, $0x3  }
.LBB2_1:
0x27: {  	s2 =	simm.s32 $0x0;
	s7 =	simm.s32 $0x200  }
.LBB2_2:
0x28: {  	p1 =	sne.s32 s7, $0x3400;
	[tilespmem:s2+$0x14570] =	vst v5  }
0x29: {  	[tilespmem:s2+$0x14500] =	vst v5  }
0x2a: {  	[tilespmem:s2+$0x14510] =	vst v5  }
.Ltmp0:
0x2b: {  	[tilespmem:s2+$0x14520] =	vst v5;
	(pc) =	sbr.rel @p1 .LBB2_2-.Ltmp0, $4  }
0x2c: {  	[tilespmem:s2+$0x14530] =	vst v5  }
0x2d: {  	[tilespmem:s2+$0x14540] =	vst v5  }
0x2e: {  	[tilespmem:s2+$0x14550] =	vst v5  }
0x2f: {  	[tilespmem:s2+$0x14560] =	vst v5;
	s2 =	sshra.s32 s7, $0x2;
	s7 =	sadd.s32 $0x200, s7  }
0x30: {  	[tilespmem:s2+$0x14570] =	vst v5  }
0x31: {  	[tilespmem:s2+$0x14500] =	vst v5  }
0x32: {  	[tilespmem:s2+$0x14510] =	vst v5  }
0x33: {  	[tilespmem:s2+$0x14520] =	vst v5  }
0x34: {  	[tilespmem:s2+$0x14530] =	vst v5  }
0x35: {  	[tilespmem:s2+$0x14540] =	vst v5  }
0x36: {  	[tilespmem:s2+$0x14550] =	vst v5  }
0x37: {  	[tilespmem:s2+$0x14560] =	vst v5  }
0x38: {  	[spmem:s5] =	stream.linear.scatter [tilespmem:s23], [sflag:$0x10], $0xD80, $0x38;
	[tilespmem:$0x1F700] =	vst v63  }
0x39: {  	_ =	swait.ge [sflag:s24], $0xD80  }
0x3a: {  	[sflag:s24] =	ssyncset.done $0x0  }
0x3b: {  	s8 =	rddreg [dreg:$0xd];
	[sflag:s24] =	ssyncadd.s32 $0xFFFFF280  }
0x3c: {  	[spmem:s8] =	stream.linear.scatter [tilespmem:s23], [sflag:$0x10], $0xD80, $0x38;
	[tilespmem:$0x1F700] =	vst v63  }
0x3d: {  	_ =	swait.ge [sflag:s24], $0xD80  }
0x3e: {  	[sflag:s24] =	ssyncset.done $0x0  }
0x3f: {  	s9 =	rddreg [dreg:$0xe];
	[sflag:s24] =	ssyncadd.s32 $0xFFFFF280  }
0x40: {  	[spmem:s9] =	stream.linear.scatter [tilespmem:s23], [sflag:$0x10], $0xD80, $0x38;
	[tilespmem:$0x1F700] =	vst v63  }
0x41: {  	_ =	swait.ge [sflag:s24], $0xD80  }
0x42: {  	[sflag:s24] =	ssyncset.done $0x0  }
0x43: {  	s10 =	rddreg [dreg:$0xf];
	[sflag:s24] =	ssyncadd.s32 $0xFFFFF280  }
0x44: {  	[spmem:s10] =	stream.linear.scatter [tilespmem:s23], [sflag:$0x10], $0xD80, $0x38;
	[tilespmem:$0x1F700] =	vst v63  }
0x45: {  	_ =	swait.ge [sflag:s24], $0xD80  }
0x46: {  	[sflag:s24] =	ssyncset.done $0x0  }
0x47: {  	s11 =	rddreg [dreg:$0x10];
	[sflag:s24] =	ssyncadd.s32 $0xFFFFF280  }
0x48: {  	[spmem:s11] =	stream.linear.scatter [tilespmem:s23], [sflag:$0x10], $0xD80, $0x38;
	[tilespmem:$0x1F700] =	vst v63  }
0x49: {  	_ =	swait.ge [sflag:s24], $0xD80  }
0x4a: {  	[sflag:s24] =	ssyncset.done $0x0  }
0x4b: {  	s12 =	rddreg [dreg:$0x11];
	[sflag:s24] =	ssyncadd.s32 $0xFFFFF280  }
0x4c: {  	[spmem:s12] =	stream.linear.scatter [tilespmem:s23], [sflag:$0x10], $0xD80, $0x38;
	[tilespmem:$0x1F700] =	vst v63  }
0x4d: {  	_ =	swait.ge [sflag:s24], $0xD80  }
0x4e: {  	[sflag:s24] =	ssyncset.done $0x0  }
0x4f: {  	s13 =	rddreg [dreg:$0x12];
	[sflag:s24] =	ssyncadd.s32 $0xFFFFF280  }
0x50: {  	[spmem:s13] =	stream.linear.scatter [tilespmem:s23], [sflag:$0x10], $0xD80, $0x38;
	[tilespmem:$0x1F700] =	vst v63  }
0x51: {  	_ =	swait.ge [sflag:s24], $0xD80  }
0x52: {  	[sflag:s24] =	ssyncset.done $0x0  }
0x53: {  	s14 =	rddreg [dreg:$0x13];
	[sflag:s24] =	ssyncadd.s32 $0xFFFFF280  }
0x54: {  	[spmem:s14] =	stream.linear.scatter [tilespmem:s23], [sflag:$0x10], $0xD80, $0x38;
	[tilespmem:$0x1F700] =	vst v63  }
0x55: {  	_ =	swait.ge [sflag:s24], $0xD80  }
0x56: {  	[sflag:s24] =	ssyncset.done $0x0  }
0x57: {  	s15 =	rddreg [dreg:$0x14];
	[sflag:s24] =	ssyncadd.s32 $0xFFFFF280  }
0x58: {  	[spmem:s15] =	stream.linear.scatter [tilespmem:s23], [sflag:$0x10], $0xD80, $0x38;
	[tilespmem:$0x1F700] =	vst v63  }
0x59: {  	_ =	swait.ge [sflag:s24], $0xD80  }
0x5a: {  	[sflag:s24] =	ssyncset.done $0x0  }
0x5b: {  	s16 =	rddreg [dreg:$0x15];
	[sflag:s24] =	ssyncadd.s32 $0xFFFFF280  }
0x5c: {  	[spmem:s16] =	stream.linear.scatter [tilespmem:s23], [sflag:$0x10], $0xD80, $0x38;
	[tilespmem:$0x1F700] =	vst v63  }
0x5d: {  	_ =	swait.ge [sflag:s24], $0xD80  }
0x5e: {  	[sflag:s24] =	ssyncset.done $0x0  }
0x5f: {  	s17 =	rddreg [dreg:$0x16];
	[sflag:s24] =	ssyncadd.s32 $0xFFFFF280  }
0x60: {  	[spmem:s17] =	stream.linear.scatter [tilespmem:s23], [sflag:$0x10], $0xD80, $0x38;
	[tilespmem:$0x1F700] =	vst v63  }
0x61: {  	_ =	swait.ge [sflag:s24], $0xD80  }
0x62: {  	[sflag:s24] =	ssyncset.done $0x0  }
0x63: {  	[sflag:s24] =	ssyncadd.s32 $0xFFFFF280  }
0x64: {  	[spmem:s21] =	stream.linear.scatter [tilespmem:s23], [sflag:$0x10], $0xD80, $0x38;
	[tilespmem:$0x1F700] =	vst v63  }
0x65: {  	_ =	swait.ge [sflag:s24], $0xD80  }
0x66: {  	[sflag:s24] =	ssyncset.done $0x0  }
0x67: {  	[sflag:s24] =	ssyncadd.s32 $0xFFFFF280  }
0x68: {  	[bflag:$0x0] =	sbarrier.arrive $0xFFFF  }
0x69: {  	s2 =	simm.s32 $0x0;
	s7 =	rddreg [dreg:$0x17]  }
0x6a: {  	[tilespmem:s2], [sflag:$0x1] =	stream.linear.gather [hbm4b:s7+s2], $0x80, $0x38;
	[tilespmem:$0x1F700] =	vst v63  }
0x6b: {  	s22 =	rddreg [dreg:$0x18]  }
0x6c: {  	[tilespmem:s25], [sflag:$0x1] =	stream.linear.gather [hbm4b:s22+s2], $0x80, $0x38;
	[tilespmem:$0x1F700] =	vst v63  }
0x6d: {  	s22 =	smov.u32 s6  }
.LBB2_4:
0x6e: {  	p3 =	seq.s32 s2, $0x0  }
0x6f: {  	s7 =	simm.s32 @!p3 $0xC  }
0x70: {  	s9 =	sadd.s32 $0xFFFFFFC0, s22;
	_ =	swait.ge @!p3 [sflag:s7], $0x4000  }
0x71: {  	p1 =	sgt.u32 s9, $0x9C3;
	s8 =	rddreg [dreg:$0xb]  }
0x72: {  	s10 =	simm.s32 @!p1 $0x0;
	[sflag:s7] =	ssyncset.done @!p3 $0x0;
	s9 =	rddreg [dreg:$0xc]  }
0x73: {  	[sflag:s7] =	ssyncadd.s32 @!p3 $0xFFFFC000;
	s8 =	sadd.s32 @!p1 s2, s8;
	s7 =	simm.s32 @!p1 $0x80  }
0x74: {  	[tilespmem:s7], [sflag:$0x2] =	stream.linear.gather @!p1 [hbm4b:s8+s10], $0x80, $0x38;
	[tilespmem:$0x1F700] =	vst v63  }
0x75: {  	s9 =	sadd.s32 @!p1 s2, s9;
	s8 =	simm.s32 @!p1 $0x300  }
0x76: {  	[tilespmem:s8], [sflag:$0x2] =	stream.linear.gather @!p1 [hbm4b:s9+s10], $0x80, $0x38;
	[tilespmem:$0x1F700] =	vst v63  }
0x77: {  	_ =	swait.ge [sflag:s26], $0x80  }
0x78: {  	[sflag:s26] =	ssyncset.done $0x0  }
0x79: {  	[sflag:s26] =	ssyncadd.s32 $0xFFFFFF80  }
0x7a: {  	_ =	swait.ge [sflag:s26], $0x80  }
0x7b: {  	[sflag:s26] =	ssyncset.done $0x0  }
0x7c: {  	[sflag:s26] =	ssyncadd.s32 $0xFFFFFF80  }
0x7d: {  	v6 =	vld [tilespmem:$0x280]  }
0x7e: {  	v7 =	vld [tilespmem:$0x290]  }
0x7f: {  	v8 =	vld [tilespmem:$0x2A0]  }
0x80: {  	v9 =	vld [tilespmem:$0x2B0]  }
0x81: {  	v10 =	vld [tilespmem:$0x2C0]  }
0x82: {  	v11 =	vld [tilespmem:$0x2D0];
	v6 =	vsub.s32 v6, v0  }
0x83: {  	v12 =	vld [tilespmem:$0x2E0];
	v7 =	vsub.s32 v7, v0;
	vm0 =	vlt.u32 v6, $0x1400  }
0x84: {  	v13 =	vld [tilespmem:$0x2F0];
	v8 =	vsub.s32 v8, v0;
	vm9 =	vlt.u32 v7, $0x1400;
	v6 =	vsel vm0, v6, v1  }
0x85: {  	vm10 =	vlt.u32 v8, $0x1400;
	[tilespmem:$0x280] =	vst v6;
	v6 =	vsel vm9, v7, v2;
	v7 =	vsub.s32 v9, v0  }
0x86: {  	v62 =	vsub.s32 v10, v0;
	[tilespmem:$0x290] =	vst v6;
	v6 =	vsel vm10, v8, v3;
	vm11 =	vlt.u32 v7, $0x1400  }
0x87: {  	vm12 =	vlt.u32 v62, $0x1400;
	[tilespmem:$0x2A0] =	vst v6;
	v6 =	vsel vm11, v7, v4;
	v7 =	vsub.s32 v11, v0  }
0x88: {  	v63 =	vsub.s32 v12, v0;
	[tilespmem:$0x2B0] =	vst v6;
	v6 =	vsel vm12, v62, v1;
	vm13 =	vlt.u32 v7, $0x1400  }
0x89: {  	vm14 =	vlt.u32 v63, $0x1400;
	[tilespmem:$0x2C0] =	vst v6;
	v6 =	vsel vm13, v7, v2;
	v7 =	vsub.s32 v13, v0  }
0x8a: {  	[tilespmem:$0x2D0] =	vst v6;
	v6 =	vsel vm14, v63, v3;
	vm15 =	vlt.u32 v7, $0x1400  }
0x8b: {  	[tilespmem:$0x2E0] =	vst v6;
	v6 =	vsel vm15, v7, v4  }
0x8c: {  	s9 =	simm.s32 @!p3 $0x9;
	[tilespmem:$0x2F0] =	vst v6  }
0x8d: {  	[tilespmem:s29], [sflag:$0x6] =	stream.indirect.gather [hbm4b:s4+s28], $0x80, s3, s28, $0xb8;
	[tilespmem:$0x1F700] =	vst v63  }
0x8e: {  	_ =	swait.ge @!p3 [sflag:s9], $0x4000  }
0x8f: {  	s12 =	sadd.s32 $0xFFFFFFD0, s22;
	s11 =	simm.s32 @!p3 $0x80;
	[sflag:s9] =	ssyncset.done @!p3 $0x0  }
0x90: {  	s10 =	simm.s32 @!p3 $0xC500;
	[sflag:s9] =	ssyncadd.s32 @!p3 $0xFFFFC000;
	s9 =	simm.s32 @!p3 $0x400  }
0x91: {  	[spmem:s1] =	stream.indirect.scatter.add.f32 @!p3 [tilespmem:s10], [sflag:$0xE], $0x80, s9, s11, $0xb8;
	[tilespmem:$0x1F700] =	vst v63  }
0x92: {  	p2 =	sgt.u32 s12, $0x9C3;
	s9 =	simm.s32 @!p3 $0xD  }
0x93: {  	s12 =	simm.s32 @!p2 $0x0;
	_ =	swait.ge @!p3 [sflag:s9], $0x4000  }
0x94: {  	s13 =	simm.s32 @!p2 $0x100;
	s10 =	rddreg [dreg:$0x9];
	[sflag:s9] =	ssyncset.done @!p3 $0x0  }
0x95: {  	[sflag:s9] =	ssyncadd.s32 @!p3 $0xFFFFC000;
	s9 =	rddreg [dreg:$0xa];
	s10 =	sadd.s32 @!p2 s2, s10  }
0x96: {  	[tilespmem:s13], [sflag:$0x3] =	stream.linear.gather @!p2 [hbm4b:s10+s12], $0x80, $0x38;
	[tilespmem:$0x1F700] =	vst v63  }
0x97: {  	s10 =	sadd.s32 @!p2 s2, s9;
	s9 =	simm.s32 @!p2 $0x380  }
0x98: {  	[tilespmem:s9], [sflag:$0x3] =	stream.linear.gather @!p2 [hbm4b:s10+s12], $0x80, $0x38;
	[tilespmem:$0x1F700] =	vst v63  }
0x99: {  	s10 =	simm.s32 @!p1 $0x2  }
0x9a: {  	_ =	swait.ge @!p1 [sflag:s10], $0x80  }
0x9b: {  	[sflag:s10] =	ssyncset.done @!p1 $0x0  }
0x9c: {  	[sflag:s10] =	ssyncadd.s32 @!p1 $0xFFFFFF80  }
0x9d: {  	_ =	swait.ge @!p1 [sflag:s10], $0x80  }
0x9e: {  	[sflag:s10] =	ssyncset.done @!p1 $0x0  }
0x9f: {  	[sflag:s10] =	ssyncadd.s32 @!p1 $0xFFFFFF80  }
0xa0: {  	v6 =	vld @!p1 [tilespmem:$0x300]  }
0xa1: {  	v7 =	vld @!p1 [tilespmem:$0x310]  }
0xa2: {  	v8 =	vld @!p1 [tilespmem:$0x320]  }
0xa3: {  	v9 =	vld @!p1 [tilespmem:$0x330]  }
0xa4: {  	v10 =	vld @!p1 [tilespmem:$0x340]  }
0xa5: {  	v11 =	vld @!p1 [tilespmem:$0x350];
	v6 =	vsub.s32 @!p1 v6, v0  }
0xa6: {  	v12 =	vld @!p1 [tilespmem:$0x360];
	v7 =	vsub.s32 @!p1 v7, v0;
	vm0 =	vlt.u32 @!p1 v6, $0x1400  }
0xa7: {  	v13 =	vld @!p1 [tilespmem:$0x370];
	v8 =	vsub.s32 @!p1 v8, v0;
	v6 =	vsel @!p1 vm0, v6, v1;
	vm0 =	vlt.u32 @!p1 v7, $0x1400  }
0xa8: {  	[tilespmem:$0x300] =	vst @!p1 v6;
	v6 =	vsel @!p1 vm0, v7, v2;
	vm0 =	vlt.u32 @!p1 v8, $0x1400;
	v7 =	vsub.s32 @!p1 v9, v0  }
0xa9: {  	[tilespmem:$0x310] =	vst @!p1 v6;
	v6 =	vsel @!p1 vm0, v8, v3;
	vm0 =	vlt.u32 @!p1 v7, $0x1400;
	v8 =	vsub.s32 @!p1 v10, v0  }
0xaa: {  	[tilespmem:$0x320] =	vst @!p1 v6;
	v6 =	vsel @!p1 vm0, v7, v4;
	vm0 =	vlt.u32 @!p1 v8, $0x1400;
	v7 =	vsub.s32 @!p1 v11, v0  }
0xab: {  	[tilespmem:$0x330] =	vst @!p1 v6;
	v6 =	vsel @!p1 vm0, v8, v1;
	vm0 =	vlt.u32 @!p1 v7, $0x1400;
	v8 =	vsub.s32 @!p1 v12, v0  }
0xac: {  	[tilespmem:$0x340] =	vst @!p1 v6;
	v6 =	vsel @!p1 vm0, v7, v2;
	vm0 =	vlt.u32 @!p1 v8, $0x1400;
	v7 =	vsub.s32 @!p1 v13, v0  }
0xad: {  	[tilespmem:$0x350] =	vst @!p1 v6;
	v6 =	vsel @!p1 vm0, v8, v3;
	vm0 =	vlt.u32 @!p1 v7, $0x1400  }
0xae: {  	[tilespmem:$0x360] =	vst @!p1 v6;
	v6 =	vsel @!p1 vm0, v7, v4  }
0xaf: {  	s12 =	simm.s32 @!p3 $0xA;
	s10 =	simm.s32 @!p1 $0x4500;
	[tilespmem:$0x370] =	vst @!p1 v6  }
0xb0: {  	[tilespmem:s10], [sflag:$0x7] =	stream.indirect.gather @!p1 [hbm4b:s4+s7], $0x80, s7, s7, $0xb8;
	[tilespmem:$0x1F700] =	vst v63  }
0xb1: {  	_ =	swait.ge @!p3 [sflag:s12], $0x4000  }
0xb2: {  	s17 =	sadd.s32 $0xFFFFFFE0, s22;
	[sflag:s12] =	ssyncset.done @!p3 $0x0  }
0xb3: {  	s14 =	simm.s32 @!p3 $0x10500;
	[sflag:s12] =	ssyncadd.s32 @!p3 $0xFFFFC000;
	s12 =	simm.s32 @!p3 $0x480  }
0xb4: {  	[spmem:s1] =	stream.indirect.scatter.add.f32 @!p3 [tilespmem:s14], [sflag:$0xF], $0x80, s12, s11, $0xb8;
	[tilespmem:$0x1F700] =	vst v63  }
0xb5: {  	p4 =	sgt.u32 s17, $0x9C3;
	s11 =	simm.s32 @!p3 $0xE  }
0xb6: {  	s15 =	simm.s32 @!p4 $0x0;
	_ =	swait.ge @!p3 [sflag:s11], $0x4000  }
0xb7: {  	s14 =	simm.s32 @!p4 $0x180;
	s12 =	rddreg [dreg:$0x7];
	[sflag:s11] =	ssyncset.done @!p3 $0x0  }
0xb8: {  	[sflag:s11] =	ssyncadd.s32 @!p3 $0xFFFFC000;
	s11 =	rddreg [dreg:$0x8];
	s12 =	sadd.s32 @!p4 s2, s12  }
0xb9: {  	[tilespmem:s14], [sflag:$0x4] =	stream.linear.gather @!p4 [hbm4b:s12+s15], $0x80, $0x38;
	[tilespmem:$0x1F700] =	vst v63  }
0xba: {  	s11 =	sadd.s32 @!p4 s2, s11;
	s12 =	simm.s32 @!p4 $0x400  }
0xbb: {  	[tilespmem:s12], [sflag:$0x4] =	stream.linear.gather @!p4 [hbm4b:s11+s15], $0x80, $0x38;
	[tilespmem:$0x1F700] =	vst v63  }
0xbc: {  	s11 =	simm.s32 @!p2 $0x3  }
0xbd: {  	_ =	swait.ge @!p2 [sflag:s11], $0x80  }
0xbe: {  	[sflag:s11] =	ssyncset.done @!p2 $0x0  }
0xbf: {  	[sflag:s11] =	ssyncadd.s32 @!p2 $0xFFFFFF80  }
0xc0: {  	_ =	swait.ge @!p2 [sflag:s11], $0x80  }
0xc1: {  	[sflag:s11] =	ssyncset.done @!p2 $0x0  }
0xc2: {  	[sflag:s11] =	ssyncadd.s32 @!p2 $0xFFFFFF80  }
0xc3: {  	v6 =	vld @!p2 [tilespmem:$0x380]  }
0xc4: {  	v7 =	vld @!p2 [tilespmem:$0x390]  }
0xc5: {  	v8 =	vld @!p2 [tilespmem:$0x3A0]  }
0xc6: {  	v9 =	vld @!p2 [tilespmem:$0x3B0]  }
0xc7: {  	v10 =	vld @!p2 [tilespmem:$0x3C0]  }
0xc8: {  	v11 =	vld @!p2 [tilespmem:$0x3D0];
	v6 =	vsub.s32 @!p2 v6, v0  }
0xc9: {  	v12 =	vld @!p2 [tilespmem:$0x3E0];
	v7 =	vsub.s32 @!p2 v7, v0;
	vm0 =	vlt.u32 @!p2 v6, $0x1400  }
0xca: {  	v13 =	vld @!p2 [tilespmem:$0x3F0];
	v8 =	vsub.s32 @!p2 v8, v0;
	v6 =	vsel @!p2 vm0, v6, v1;
	vm0 =	vlt.u32 @!p2 v7, $0x1400  }
0xcb: {  	[tilespmem:$0x380] =	vst @!p2 v6;
	v6 =	vsel @!p2 vm0, v7, v2;
	vm0 =	vlt.u32 @!p2 v8, $0x1400;
	v7 =	vsub.s32 @!p2 v9, v0  }
0xcc: {  	[tilespmem:$0x390] =	vst @!p2 v6;
	v6 =	vsel @!p2 vm0, v8, v3;
	vm0 =	vlt.u32 @!p2 v7, $0x1400;
	v8 =	vsub.s32 @!p2 v10, v0  }
0xcd: {  	[tilespmem:$0x3A0] =	vst @!p2 v6;
	v6 =	vsel @!p2 vm0, v7, v4;
	vm0 =	vlt.u32 @!p2 v8, $0x1400;
	v7 =	vsub.s32 @!p2 v11, v0  }
0xce: {  	[tilespmem:$0x3B0] =	vst @!p2 v6;
	v6 =	vsel @!p2 vm0, v8, v1;
	vm0 =	vlt.u32 @!p2 v7, $0x1400;
	v8 =	vsub.s32 @!p2 v12, v0  }
0xcf: {  	[tilespmem:$0x3C0] =	vst @!p2 v6;
	v6 =	vsel @!p2 vm0, v7, v2;
	vm0 =	vlt.u32 @!p2 v8, $0x1400;
	v7 =	vsub.s32 @!p2 v13, v0  }
0xd0: {  	[tilespmem:$0x3D0] =	vst @!p2 v6;
	v6 =	vsel @!p2 vm0, v8, v3;
	vm0 =	vlt.u32 @!p2 v7, $0x1400  }
0xd1: {  	[tilespmem:$0x3E0] =	vst @!p2 v6;
	v6 =	vsel @!p2 vm0, v7, v4  }
0xd2: {  	s12 =	simm.s32 @!p2 $0x8500;
	s11 =	simm.s32 @!p2 $0x80;
	[tilespmem:$0x3F0] =	vst @!p2 v6  }
0xd3: {  	[tilespmem:s12], [sflag:$0x8] =	stream.indirect.gather @!p2 [hbm4b:s4+s11], $0x80, s13, s11, $0xb8;
	[tilespmem:$0x1F700] =	vst v63  }
0xd4: {  	_ =	swait.ge [sflag:s30], $0x4000  }
0xd5: {  	[sflag:s30] =	ssyncset.done $0x0  }
0xd6: {  	s13 =	simm.s32 @!p3 $0xF;
	[sflag:s30] =	ssyncadd.s32 $0xFFFFC000  }
0xd7: {  	[spmem:s1] =	stream.indirect.scatter.add.f32 [tilespmem:s29], [sflag:$0xB], $0x80, s25, s28, $0xb8;
	[tilespmem:$0x1F700] =	vst v63  }
0xd8: {  	_ =	swait.ge @!p3 [sflag:s13], $0x4000  }
0xd9: {  	s16 =	sadd.s32 $0xFFFFFFF0, s22;
	s15 =	rddreg [dreg:$0x5];
	[sflag:s13] =	ssyncset.done @!p3 $0x0  }
0xda: {  	[sflag:s13] =	ssyncadd.s32 @!p3 $0xFFFFC000;
	p3 =	sgt.u32 s16, $0x9C3;
	s16 =	rddreg [dreg:$0x6]  }
0xdb: {  	s15 =	sadd.s32 @!p3 s2, s15;
	s17 =	simm.s32 @!p3 $0x0;
	s13 =	simm.s32 @!p3 $0x200  }
0xdc: {  	[tilespmem:s13], [sflag:$0x5] =	stream.linear.gather @!p3 [hbm4b:s15+s17], $0x80, $0x38;
	[tilespmem:$0x1F700] =	vst v63  }
0xdd: {  	s15 =	sadd.s32 @!p3 s2, s16;
	s16 =	simm.s32 @!p3 $0x480  }
0xde: {  	[tilespmem:s16], [sflag:$0x5] =	stream.linear.gather @!p3 [hbm4b:s15+s17], $0x80, $0x38;
	[tilespmem:$0x1F700] =	vst v63  }
0xdf: {  	s15 =	simm.s32 @!p4 $0x4  }
0xe0: {  	_ =	swait.ge @!p4 [sflag:s15], $0x80  }
0xe1: {  	[sflag:s15] =	ssyncset.done @!p4 $0x0  }
0xe2: {  	[sflag:s15] =	ssyncadd.s32 @!p4 $0xFFFFFF80  }
0xe3: {  	_ =	swait.ge @!p4 [sflag:s15], $0x80  }
0xe4: {  	[sflag:s15] =	ssyncset.done @!p4 $0x0  }
0xe5: {  	[sflag:s15] =	ssyncadd.s32 @!p4 $0xFFFFFF80  }
0xe6: {  	v6 =	vld @!p4 [tilespmem:$0x400]  }
0xe7: {  	v7 =	vld @!p4 [tilespmem:$0x410]  }
0xe8: {  	v8 =	vld @!p4 [tilespmem:$0x420]  }
0xe9: {  	v9 =	vld @!p4 [tilespmem:$0x430]  }
0xea: {  	v10 =	vld @!p4 [tilespmem:$0x440]  }
0xeb: {  	v11 =	vld @!p4 [tilespmem:$0x450];
	v6 =	vsub.s32 @!p4 v6, v0  }
0xec: {  	v12 =	vld @!p4 [tilespmem:$0x460];
	v7 =	vsub.s32 @!p4 v7, v0;
	vm0 =	vlt.u32 @!p4 v6, $0x1400  }
0xed: {  	v13 =	vld @!p4 [tilespmem:$0x470];
	v8 =	vsub.s32 @!p4 v8, v0;
	v6 =	vsel @!p4 vm0, v6, v1;
	vm0 =	vlt.u32 @!p4 v7, $0x1400  }
0xee: {  	[tilespmem:$0x400] =	vst @!p4 v6;
	v6 =	vsel @!p4 vm0, v7, v2;
	vm0 =	vlt.u32 @!p4 v8, $0x1400;
	v7 =	vsub.s32 @!p4 v9, v0  }
0xef: {  	[tilespmem:$0x410] =	vst @!p4 v6;
	v6 =	vsel @!p4 vm0, v8, v3;
	vm0 =	vlt.u32 @!p4 v7, $0x1400;
	v8 =	vsub.s32 @!p4 v10, v0  }
0xf0: {  	[tilespmem:$0x420] =	vst @!p4 v6;
	v6 =	vsel @!p4 vm0, v7, v4;
	vm0 =	vlt.u32 @!p4 v8, $0x1400;
	v7 =	vsub.s32 @!p4 v11, v0  }
0xf1: {  	[tilespmem:$0x430] =	vst @!p4 v6;
	v6 =	vsel @!p4 vm0, v8, v1;
	vm0 =	vlt.u32 @!p4 v7, $0x1400;
	v8 =	vsub.s32 @!p4 v12, v0  }
0xf2: {  	[tilespmem:$0x440] =	vst @!p4 v6;
	v6 =	vsel @!p4 vm0, v7, v2;
	vm0 =	vlt.u32 @!p4 v8, $0x1400;
	v7 =	vsub.s32 @!p4 v13, v0  }
0xf3: {  	[tilespmem:$0x450] =	vst @!p4 v6;
	v6 =	vsel @!p4 vm0, v8, v3;
	vm0 =	vlt.u32 @!p4 v7, $0x1400  }
0xf4: {  	[tilespmem:$0x460] =	vst @!p4 v6;
	v6 =	vsel @!p4 vm0, v7, v4  }
0xf5: {  	s16 =	simm.s32 @!p4 $0xC500;
	s15 =	simm.s32 @!p4 $0x80;
	[tilespmem:$0x470] =	vst @!p4 v6  }
0xf6: {  	[tilespmem:s16], [sflag:$0x9] =	stream.indirect.gather @!p4 [hbm4b:s4+s15], $0x80, s14, s15, $0xb8;
	[tilespmem:$0x1F700] =	vst v63  }
0xf7: {  	s14 =	simm.s32 @!p1 $0x7  }
0xf8: {  	_ =	swait.ge @!p1 [sflag:s14], $0x4000  }
0xf9: {  	[sflag:s14] =	ssyncset.done @!p1 $0x0  }
0xfa: {  	[sflag:s14] =	ssyncadd.s32 @!p1 $0xFFFFC000  }
0xfb: {  	[spmem:s1] =	stream.indirect.scatter.add.f32 @!p1 [tilespmem:s10], [sflag:$0xC], $0x80, s8, s7, $0xb8;
	[tilespmem:$0x1F700] =	vst v63  }
0xfc: {  	p1 =	sgt.u32 s22, $0x9C3;
	_ =	swait.ge [sflag:s31], $0x4000  }
0xfd: {  	s10 =	simm.s32 @!p1 $0x0;
	s7 =	rddreg [dreg:$0x3];
	[sflag:s31] =	ssyncset.done $0x0  }
0xfe: {  	s8 =	rddreg [dreg:$0x4];
	[sflag:s31] =	ssyncadd.s32 $0xFFFFC000;
	s7 =	sadd.s32 @!p1 s2, s7  }
0xff: {  	[tilespmem:s10], [sflag:$0x1] =	stream.linear.gather @!p1 [hbm4b:s7+s10], $0x80, $0x38;
	[tilespmem:$0x1F700] =	vst v63  }
0x100: {  	s7 =	sadd.s32 @!p1 s2, s8;
	s8 =	simm.s32 @!p1 $0x280  }
0x101: {  	[tilespmem:s8], [sflag:$0x1] =	stream.linear.gather @!p1 [hbm4b:s7+s10], $0x80, $0x38;
	[tilespmem:$0x1F700] =	vst v63  }
0x102: {  	s7 =	simm.s32 @!p3 $0x5  }
0x103: {  	_ =	swait.ge @!p3 [sflag:s7], $0x80  }
0x104: {  	[sflag:s7] =	ssyncset.done @!p3 $0x0  }
0x105: {  	[sflag:s7] =	ssyncadd.s32 @!p3 $0xFFFFFF80  }
0x106: {  	_ =	swait.ge @!p3 [sflag:s7], $0x80  }
0x107: {  	[sflag:s7] =	ssyncset.done @!p3 $0x0  }
0x108: {  	[sflag:s7] =	ssyncadd.s32 @!p3 $0xFFFFFF80  }
0x109: {  	v6 =	vld @!p3 [tilespmem:$0x480]  }
0x10a: {  	v7 =	vld @!p3 [tilespmem:$0x490]  }
0x10b: {  	v8 =	vld @!p3 [tilespmem:$0x4A0]  }
0x10c: {  	v9 =	vld @!p3 [tilespmem:$0x4B0]  }
0x10d: {  	v10 =	vld @!p3 [tilespmem:$0x4C0]  }
0x10e: {  	v11 =	vld @!p3 [tilespmem:$0x4D0];
	v6 =	vsub.s32 @!p3 v6, v0  }
0x10f: {  	v12 =	vld @!p3 [tilespmem:$0x4E0];
	v7 =	vsub.s32 @!p3 v7, v0;
	vm0 =	vlt.u32 @!p3 v6, $0x1400  }
0x110: {  	v13 =	vld @!p3 [tilespmem:$0x4F0];
	v8 =	vsub.s32 @!p3 v8, v0;
	v6 =	vsel @!p3 vm0, v6, v1;
	vm0 =	vlt.u32 @!p3 v7, $0x1400  }
0x111: {  	[tilespmem:$0x480] =	vst @!p3 v6;
	v6 =	vsel @!p3 vm0, v7, v2;
	vm0 =	vlt.u32 @!p3 v8, $0x1400;
	v7 =	vsub.s32 @!p3 v9, v0  }
0x112: {  	[tilespmem:$0x490] =	vst @!p3 v6;
	v6 =	vsel @!p3 vm0, v8, v3;
	vm0 =	vlt.u32 @!p3 v7, $0x1400;
	v8 =	vsub.s32 @!p3 v10, v0  }
0x113: {  	[tilespmem:$0x4A0] =	vst @!p3 v6;
	v6 =	vsel @!p3 vm0, v7, v4;
	vm0 =	vlt.u32 @!p3 v8, $0x1400;
	v7 =	vsub.s32 @!p3 v11, v0  }
0x114: {  	[tilespmem:$0x4B0] =	vst @!p3 v6;
	v6 =	vsel @!p3 vm0, v8, v1;
	vm0 =	vlt.u32 @!p3 v7, $0x1400;
	v8 =	vsub.s32 @!p3 v12, v0  }
0x115: {  	[tilespmem:$0x4C0] =	vst @!p3 v6;
	v6 =	vsel @!p3 vm0, v7, v2;
	vm0 =	vlt.u32 @!p3 v8, $0x1400;
	v7 =	vsub.s32 @!p3 v13, v0  }
0x116: {  	[tilespmem:$0x4D0] =	vst @!p3 v6;
	v6 =	vsel @!p3 vm0, v8, v3;
	vm0 =	vlt.u32 @!p3 v7, $0x1400  }
0x117: {  	s2 =	sadd.s32 $0x500, s2;
	[tilespmem:$0x4E0] =	vst @!p3 v6;
	v6 =	vsel @!p3 vm0, v7, v4  }
0x118: {  	s8 =	simm.s32 @!p3 $0x10500;
	p1 =	sne.s32 s2, $0xA000;
	s7 =	simm.s32 @!p3 $0x80;
	[tilespmem:$0x4F0] =	vst @!p3 v6  }
0x119: {  	[tilespmem:s8], [sflag:$0xA] =	stream.indirect.gather @!p3 [hbm4b:s4+s7], $0x80, s13, s7, $0xb8;
	[tilespmem:$0x1F700] =	vst v63  }
.Ltmp1:
0x11a: {  	s7 =	simm.s32 @!p2 $0x8;
	(pc) =	sbr.rel @p1 .LBB2_4-.Ltmp1, $4  }
0x11b: {  	_ =	swait.ge @!p2 [sflag:s7], $0x4000  }
0x11c: {  	[sflag:s7] =	ssyncset.done @!p2 $0x0  }
0x11d: {  	s22 =	sadd.s32 $0x50, s22;
	[sflag:s7] =	ssyncadd.s32 @!p2 $0xFFFFC000  }
0x11e: {  	[spmem:s1] =	stream.indirect.scatter.add.f32 @!p2 [tilespmem:s12], [sflag:$0xD], $0x80, s9, s11, $0xb8;
	[tilespmem:$0x1F700] =	vst v63  }
0x11f: {  	s2 =	simm.s32 @!p0 $0xC  }
0x120: {  	_ =	swait.ge @!p0 [sflag:s2], $0x4000  }
0x121: {  	s22 =	stileid.u32;
	s0 =	sadd.s32 $0x1, s0;
	[sflag:s2] =	ssyncset.done @!p0 $0x0  }
0x122: {  	p1 =	sne.s32 s0, s19;
	[sflag:s2] =	ssyncadd.s32 @!p0 $0xFFFFC000;
	s2 =	sshll.u32 s22, $0x6  }
.Ltmp2:
0x123: {  	[bflag:$0x0] =	sbarrier.arrive $0xFFFF;
	s2 =	sor.u32 $0x1C10, s2;
	(pc) =	sbr.rel @p1 .LBB2_1-.Ltmp2, $4  }
0x124: {  	[hbm:s18], [sflag:s2] =	dma.local [spmem:s20], $0x1400  }
0x125: {  	_ =	swait.ge [sflag:s24], $0x1400  }
0x126: {  	[sflag:s24] =	ssyncset.done $0x0  }
0x127: {  	[sflag:s24] =	ssyncadd.s32 $0xFFFFEC00  }
0x128: {  	_ =	sfence.sel $0x180000  }
0x129: {  	[bflag:$0x0] =	sbarrier.arrive $0xFFFF  }
0x12a: {  	_ =	strace $0x9000004A  }
0x12b: {  	s0 =	stileid.u32;
	[bflag:$0x2] =	sbarrier.arrive $0xFFFF  }
0x12c: {  	p0 =	sne.s32 s0, $0x0;
	s0 =	rddreg [dreg:$0x2]  }
0x12d: {  	s0 =	sadd.s32 @!p0 $0x100000, s0  }
0x12e: {  	[sflag:s0] =	ssyncadd.tile.s32 @!p0 $0x1;
	_ =	shalt  }
.Lfunc_end2:
_tile_overlayer_lowered:
.L_overlay_start_2:
0x12f: {  	(tag) =	ssettag $0x2  }
0x130: {  	s0 =	rddreg [dreg:$0x0];
	s2 =	stileid.u32  }
0x131: {  	s1 =	rddreg [dreg:$0x1];
	p0 =	sne.s32 s2, $0x0  }
0x132: {  	s3 =	rddreg [dreg:$0x2];
	[bflag:$0x3] =	sbarrier.arrive $0xFFFF;
	s2 =	simm.s32 @!p0 $0x1C10  }
0x133: {  	[timem:s3], [sflag:s2] =	dma.local @!p0 [hbm:s0], s1  }
0x134: {  	s0 =	simm.s32 @!p0 $0x10  }
0x135: {  	_ =	swait.ge @!p0 [sflag:s0], s1  }
0x136: {  	s1 =	ssub.s32 @!p0 $0x0, s1;
	[sflag:s0] =	ssyncset.done @!p0 $0x0  }
0x137: {  	[sflag:s0] =	ssyncadd.s32 @!p0 s1  }
0x138: {  	[bflag:$0x3] =	sbarrier.arrive $0xFFFF  }
0x139: {  	_ =	shalt  }

// kernel: kernel.7.cloned.1.call-start
scs
__scs_entry_jumppad:
0x0: {  	(pc) =	sbr.rel $0x88, $3  }
0x1: {  	(tag) =	ssettag $0x0;
	lr =	simm.s32 $0x1  }
0x2: {  	[smem:$0x3F96] =	sst lr;
	_ =	strace $0xD0000000  }
0x3: {  	_ = 	snop  }
0x4: {  	_ = 	snop  }
0x5: {  	_ = 	snop  }
0x6: {  	_ = 	snop  }
0x7: {  	_ = 	snop  }
__scs_overlays_trampoline_lowered:
0x8: {  	[smem:$0x3FA5] =	sst s0  }
0x9: {  	[smem:$0x3FA6] =	sst s1  }
0xa: {  	[smem:$0x3FA7] =	sst s2  }
0xb: {  	[smem:$0x3FA8] =	sst s3  }
0xc: {  	[smem:$0x3FA9] =	sst s4  }
0xd: {  	[smem:$0x3FAA] =	sst s5  }
0xe: {  	[smem:$0x3FAB] =	sst s6  }
0xf: {  	[smem:$0x3FAC] =	sst s7  }
0x10: {  	[smem:$0x3FAD] =	sst s8  }
0x11: {  	[smem:$0x3FAE] =	sst s9;
	s0 =	simm.s32 @!p0 $0x0  }
0x12: {  	s1 =	sld [smem:$0x3F94];
	s0 =	simm.s32 @p0 $0x1  }
0x13: {  	[smem:$0x3FAF] =	sst s0;
	s0 =	simm.s32 @!p1 $0x0  }
0x14: {  	s2 =	sld [smem:$0x3F93];
	s0 =	simm.s32 @p1 $0x1  }
0x15: {  	[smem:$0x3FB0] =	sst s0;
	s0 =	simm.s32 @!p2 $0x0  }
0x16: {  	s3 =	sld [smem:$0x3FDB];
	s0 =	simm.s32 @p2 $0x1  }
0x17: {  	s4 =	simm.s32 $0x1BF5;
	[smem:$0x3FB2] =	sst s0  }
0x18: {  	s0 =	sld [smem:$0x3F95];
	_ =	swait.ge [sflag:s4], $0x0  }
0x19: {  	s7 =	sld [smem:$0x3F96]  }
0x1a: {  	s8 =	sadd.s32 $0xFFFFE003, lr  }
0x1b: {  	s9 =	sadd.s32 $0xFFFFFEF7, lr;
	s5 =	simm.s32 $0xFFFFFFFF;
	p2 =	slt.u32 s8, $0xFFFFF086  }
0x1c: {  	p1 =	slt.u32 s9, $0xF7A;
	s5 =	simm.s32 @!p2 $0x0  }
0x1d: {  	s5 =	simm.s32 @p1 $0x1;
	p0 =	seq.s32 s7, s2  }
0x1e: {  	s7 =	smul.u32 @!p0 $0xF7A, s2;
	p2 =	seq.s32 @!p0 s5, $0x0  }
0x1f: {  	s9 =	smul.u32 $0xF7A, s1;
	s8 =	simm.s32 @!p0 $0x1BF5;
	p2 =	por !p2, p0  }
0x20: {  	[sflag:s8] =	ssyncset.s32 @!p0 $0xFFFFF086;
	s6 =	sadd.s32 @!p0 s3, s7;
	s7 =	simm.s32 @!p0 $0x108  }
0x21: {  	s3 =	sadd.s32 s3, s9;
	s6 =	sadd.s32 @!p0 $0x88, s6;
	s7 =	simm.s32 @p2 $0x1082  }
0x22: {  	[simem:s7], [sflag:s8] =	dma.local @!p0 [hbm:s6], $0xF7A  }
0x23: {  	s9 =	sor.u32 $0xD0000000, s2;
	s6 =	simm.s32 $0x108;
	_ =	swait.ge @!p0 [sflag:s8], $0x0  }
0x24: {  	s3 =	sadd.s32 $0x88, s3;
	s6 =	simm.s32 @!p1 $0x1082;
	[sflag:s4] =	ssyncset.s32 $0xFFFFF086  }
0x25: {  	[simem:s6], [sflag:s4] =	dma.local [hbm:s3], $0xF7A  }
0x26: {  	[smem:$0x3F96] =	sst s1;
	(tag) =	ssettag s2;
	_ =	strace s9  }
0x27: {  	s1 =	sld [smem:$0x3FA6]  }
0x28: {  	s2 =	sld [smem:$0x3FA7]  }
0x29: {  	s4 =	sld [smem:$0x3FA9]  }
0x2a: {  	p0 =	seq.s32 s5, $0x0;
	s5 =	sld [smem:$0x3FAA]  }
0x2b: {  	s6 =	sld [smem:$0x3FAB]  }
0x2c: {  	s7 =	sld [smem:$0x3FAC]  }
0x2d: {  	s3 =	simm.s32 $0x108;
	s8 =	sld [smem:$0x3FAD]  }
0x2e: {  	s3 =	simm.s32 @!p0 $0x1082;
	s9 =	sld [smem:$0x3FAE]  }
0x2f: {  	lr =	sadd.s32 s0, s3;
	s0 =	sld [smem:$0x3FA5]  }
0x30: {  	s3 =	sld [smem:$0x3FA8]  }
0x31: {  	[smem:$0x3FB1] =	sst s10  }
0x32: {  	s10 =	sld [smem:$0x3FAF];
	_ =	sdelay $0x3  }
0x33: {  	p0 =	seq.s32 s10, $0x1;
	s10 =	sld [smem:$0x3FB1];
	_ =	sdelay $0x3  }
0x34: {  	[smem:$0x3FB1] =	sst s10  }
0x35: {  	s10 =	sld [smem:$0x3FB0];
	_ =	sdelay $0x3  }
0x36: {  	p1 =	seq.s32 s10, $0x1;
	s10 =	sld [smem:$0x3FB1];
	_ =	sdelay $0x3  }
0x37: {  	[smem:$0x3FB1] =	sst s10  }
0x38: {  	s10 =	sld [smem:$0x3FB2]  }
0x39: {  	_ = 	snop;
	(pc) =	sbr.ind lr, $3  }
0x3a: {  	_ = 	snop  }
0x3b: {  	_ = 	snop  }
0x3c: {  	p2 =	seq.s32 s10, $0x1;
	s10 =	sld [smem:$0x3FB1]  }
0x3d: {  	_ =	shalt  }
0x3e: {  	_ =	shalt  }
0x3f: {  	_ =	shalt  }
0x40: {  	_ =	shalt  }
0x41: {  	_ =	shalt  }
0x42: {  	_ =	shalt  }
0x43: {  	_ =	shalt  }
0x44: {  	_ =	shalt  }
0x45: {  	_ =	shalt  }
0x46: {  	_ =	shalt  }
0x47: {  	_ =	shalt  }
0x48: {  	_ =	shalt  }
0x49: {  	_ =	shalt  }
0x4a: {  	_ =	shalt  }
0x4b: {  	_ =	shalt  }
0x4c: {  	_ =	shalt  }
0x4d: {  	_ =	shalt  }
0x4e: {  	_ =	shalt  }
0x4f: {  	_ =	shalt  }
0x50: {  	_ =	shalt  }
0x51: {  	_ =	shalt  }
0x52: {  	_ =	shalt  }
0x53: {  	_ =	shalt  }
0x54: {  	_ =	shalt  }
0x55: {  	_ =	shalt  }
0x56: {  	_ =	shalt  }
0x57: {  	_ =	shalt  }
0x58: {  	_ =	shalt  }
0x59: {  	_ =	shalt  }
0x5a: {  	_ =	shalt  }
0x5b: {  	_ =	shalt  }
0x5c: {  	_ =	shalt  }
0x5d: {  	_ =	shalt  }
0x5e: {  	_ =	shalt  }
0x5f: {  	_ =	shalt  }
0x60: {  	_ =	shalt  }
0x61: {  	_ =	shalt  }
0x62: {  	_ =	shalt  }
0x63: {  	_ =	shalt  }
0x64: {  	_ =	shalt  }
0x65: {  	_ =	shalt  }
0x66: {  	_ =	shalt  }
0x67: {  	_ =	shalt  }
0x68: {  	_ =	shalt  }
0x69: {  	_ =	shalt  }
0x6a: {  	_ =	shalt  }
0x6b: {  	_ =	shalt  }
0x6c: {  	_ =	shalt  }
0x6d: {  	_ =	shalt  }
0x6e: {  	_ =	shalt  }
0x6f: {  	_ =	shalt  }
0x70: {  	_ =	shalt  }
0x71: {  	_ =	shalt  }
0x72: {  	_ =	shalt  }
0x73: {  	_ =	shalt  }
0x74: {  	_ =	shalt  }
0x75: {  	_ =	shalt  }
0x76: {  	_ =	shalt  }
0x77: {  	_ =	shalt  }
0x78: {  	_ =	shalt  }
0x79: {  	_ =	shalt  }
0x7a: {  	_ =	shalt  }
0x7b: {  	_ =	shalt  }
0x7c: {  	_ =	shalt  }
0x7d: {  	_ =	shalt  }
0x7e: {  	_ =	shalt  }
0x7f: {  	_ =	shalt  }
0x80: {  	_ =	shalt  }
0x81: {  	_ =	shalt  }
0x82: {  	_ =	shalt  }
0x83: {  	_ =	shalt  }
0x84: {  	_ =	shalt  }
0x85: {  	_ =	shalt  }
0x86: {  	_ =	shalt  }
0x87: {  	_ =	shalt  }
.Lfunc_end0:
.L_simem_size_0:
called_computation_lowered:
.L_overlay_start_0:
0x88: {  	s2 =	sld [smem:$0x3FD9]  }
0x89: {  	s3 =	sld [smem:$0x3FFE];
	_ =	sdelay $0x1  }
0x8a: {  	s1 =	srdreg.scid  }
0x8b: {  	s0 =	sand.u32 $0x1, s1  }
0x8c: {  	s16 =	sshll.u32 s0, $0xA;
	s2 =	sadd.s32 s3, s2  }
0x8d: {  	s2 =	sadd.s32 s2, s16  }
0x8e: {  	[smem:$0x3FBD] =	sst s2  }
0x8f: {  	_ = 	snop  }
0x90: {  	(tm) =	ssettm $0x1  }
0x91: {  	s17 =	sld [smem:$0x3FFB];
	_ =	sdelay $0x3  }
0x92: {  	_ =	strace s17  }
0x93: {  	s2 =	sld [smem:$0x3FFC];
	_ =	sdelay $0x3  }
0x94: {  	_ =	strace s2  }
0x95: {  	s2 =	sld [smem:$0x3FFD];
	_ =	sdelay $0x3  }
0x96: {  	_ =	strace s2  }
0x97: {  	_ =	strace $0x8FFFFFFF  }
0x98: {  	s18 =	sld [smem:$0x3FDB];
	_ =	sdelay $0x1  }
0x99: {  	s19 =	simm.s32 $_scs_section_size  }
0x9a: {  	s4 =	simm.s32 $_size__tile_overlayer_lowered;
	s5 =	simm.s32 $_tile_overlayer_lowered  }
0x9b: {  	s22 =	simm.s32 $0x1BFF;
	s21 =	sshll.u32 s5, $0x1;
	s2 =	sadd.s32 s19, s18  }
0x9c: {  	s6 =	simm.s32 $0x0;
	s20 =	sshll.u32 s4, $0x1;
	s4 =	sadd.s32 s21, s2  }
0x9d: {  	[timem:s6], [sflag:s22] =	dma.local [hbm:s4], s20  }
0x9e: {  	_ =	swait.ge [sflag:s22], s20  }
0x9f: {  	s3 =	ssub.s32 $0x0, s20;
	[sflag:s22] =	ssyncset.done $0x0  }
0xa0: {  	[sflag:s22] =	ssyncadd.s32 s3;
	_ =	sdelay $0x1  }
0xa1: {  	s23 =	simm.s32 $0x1B8B  }
0xa2: {  	_ =	swait.ge [sflag:s23], $0x1  }
0xa3: {  	[sflag:s23] =	ssyncset.done $0x0  }
0xa4: {  	s25 =	simm.s32 $0x1B8E;
	s24 =	sld [smem:$0x3FFE];
	[sflag:s23] =	ssyncadd.s32 $0xFFFFFFFF  }
0xa5: {  	s26 =	simm.s32 $execute0_lowered;
	[smem:$0x3FD2] =	sst s25  }
0xa6: {  	s4 =	sshll.u32 s26, $0x1;
	_ =	strace $0x80000046;
	[dreg:$0x1] =	wrdreg $0xFFFFFFFF  }
0xa7: {  	s28 =	simm.s32 $_size_execute0_lowered;
	s2 =	sadd.s32 s2, s4;
	[dreg:$0x0] =	wrdreg $0x0  }
0xa8: {  	s4 =	sshll.u32 s28, $0x1;
	[dreg:$0x2] =	wrdreg s2  }
0xa9: {  	[dreg:$0x3] =	wrdreg s4  }
0xaa: {  	[dreg:$0x4] =	wrdreg $0xC0  }
0xab: {  	_ =	task [dreg:s6], $0x5FFFF  }
0xac: {  	[dreg:$0x1] =	wrdreg $0xFFFFFFFF  }
0xad: {  	[dreg:$0x0] =	wrdreg $0x60  }
0xae: {  	[dreg:$0x2] =	wrdreg s24  }
0xaf: {  	[dreg:$0x3] =	wrdreg $0x155000  }
0xb0: {  	[dreg:$0x4] =	wrdreg $0x9  }
0xb1: {  	_ =	task.clear_ibuf [dreg:s6], $0x5FFFF;
	_ =	strace $0x90000046  }
0xb2: {  	s29 =	simm.s32 $0x9;
	_ =	strace $0x80000048  }
0xb3: {  	_ =	swait.ge [sflag:s29], $0x1  }
0xb4: {  	[sflag:s29] =	ssyncadd.s32 $0xFFFFFFFF  }
0xb5: {  	_ =	strace $0x90000048  }
0xb6: {  	_ =	sfence  }
0xb7: {  	s30 =	sld [smem:$0x0];
	_ =	sdelay $0x2  }
0xb8: {  	s31 =	sshll.u32 s1, $0xD;
	s1 =	sshrl.u32 s1, $0x2  }
0xb9: {  	s3 =	sand.u32 $0x4000, s31;
	s1 =	sadd.s32 s1, s30  }
0xba: {  	s0 =	sor.u32 s3, s0;
	s1 =	sshll.u32 s1, $0x11  }
0xbb: {  	s0 =	sor.u32 s1, s0  }
0xbc: {  	s0 =	sadd.s32 $0x8F2B, s0  }
0xbd: {  	[sflag:s0] =	ssyncadd.remote.s32 $0x1  }
0xbe: {  	_ =	sfence.sel $0xFFFF  }
0xbf: {  	[dreg:$0x0] =	wrdreg $0xFFFFFFFF;
	(pc) =	sbr.abs _section_cstart, $3  }
0xc0: {  	[dreg:$0x1] =	wrdreg $0xFFFFFFFF  }
0xc1: {  	_ =	task.clear_ibuf [dreg:s6], $0x2FFFF;
	_ =	strace $0x9FFFFFFF  }
0xc2: {  	(tm) =	ssettm $0x7FFFFFFF  }
0xc3: {  	_ =	shalt  }
tec
execute0_lowered:
.L_overlay_start_1:
0x0: {  	(tag) =	ssettag $0x1  }
0x1: {  	s2 =	rddreg [dreg:$0x0]  }
0x2: {  	s1 =	rddreg [dreg:$0x1];
	s0 =	srdreg.scid  }
0x3: {  	s3 =	simm.s32 $0x0;
	s14 =	stileid.u32;
	s28 =	simm.s32 $0x80  }
0x4: {  	s29 =	simm.s32 $0x500;
	s30 =	simm.s32 $0x6;
	s31 =	simm.s32 $0xB  }
0x5: {  	s5 =	sand.u32 $0x1, s0;
	[smem:$0x7FF] =	sst s3;
	s7 =	smul.u32 $0x28800, s14  }
0x6: {  	s6 =	smul.u32 $0x140, s14;
	s4 =	sadd.s32 $0x15800, s2;
	s8 =	sadd.s32 $0xBA00, s2  }
0x7: {  	s9 =	sadd.s32 $0x1C00, s2;
	p0 =	sgt.u32 s14, $0x3;
	s13 =	sshrl.u32 s7, $0x2  }
0x8: {  	s0 =	smul.u32 $0x1400, s5;
	s10 =	ssub.s32 $0x2, s5;
	s5 =	sadd.s32 s13, s1  }
0x9: {  	_ =	strace $0x80000047;
	s15 =	sshrl.u32 s10, $0x1;
	s16 =	sadd.s32 $0xD80, s5  }
0xa: {  	s7 =	sshll.u32 s14, $0x4;
	s17 =	sadd.s32 $0x1B00, s5;
	[dreg:$0xd] =	wrdreg s16  }
0xb: {  	s6 =	sadd.s32 s6, s0;
	s18 =	sadd.s32 $0x2880, s5;
	[dreg:$0xe] =	wrdreg s17  }
0xc: {  	s22 =	sor.u32 $0x500, s7;
	s19 =	sadd.s32 $0x3600, s5;
	[dreg:$0xf] =	wrdreg s18  }
0xd: {  	s13 =	sor.u32 $0x400, s7;
	s20 =	sadd.s32 $0x4380, s5;
	[dreg:$0x10] =	wrdreg s19  }
0xe: {  	v0 =	vmov s0;
	s0 =	simm.s32 $0x0;
	s21 =	sadd.s32 $0x5100, s5;
	[dreg:$0x11] =	wrdreg s20  }
0xf: {  	s6 =	sshll.u32 s6, $0x4;
	s11 =	sadd.s32 $0x5E80, s5;
	[dreg:$0x12] =	wrdreg s21  }
0x10: {  	s23 =	sadd.s32 $0x6C00, s5;
	s24 =	sadd.s32 $0x7980, s5;
	[dreg:$0x13] =	wrdreg s11  }
0x11: {  	s25 =	sand.u32 $0x480, s13;
	s26 =	sadd.s32 $0x8700, s5;
	[dreg:$0x14] =	wrdreg s23  }
0x12: {  	s2 =	sadd.s32 s6, s2;
	s6 =	ssub.s32 s10, s15;
	[dreg:$0x15] =	wrdreg s24  }
0x13: {  	s10 =	sand.u32 $0x580, s22;
	s11 =	sand.u32 $0x70, s7;
	[dreg:$0x16] =	wrdreg s26  }
0x14: {  	s15 =	sadd.s32 s25, s8;
	s16 =	sor.u32 $0x300, s7;
	s20 =	sor.u32 $0x200, s7  }
0x15: {  	s23 =	sadd.s32 s8, s7;
	s26 =	sor.u32 $0x100, s7;
	s7 =	sadd.s32 s9, s7  }
0x16: {  	s12 =	sadd.s32 s10, s8;
	s10 =	sadd.s32 s10, s9;
	[dreg:$0x17] =	wrdreg s23  }
0x17: {  	s18 =	sand.u32 $0x380, s16;
	s13 =	sand.u32 $0x280, s20;
	[dreg:$0x18] =	wrdreg s7  }
0x18: {  	s23 =	simm.s32 $0x14500;
	s12 =	sadd.s32 s11, s12;
	s10 =	sadd.s32 s11, s10  }
0x19: {  	s19 =	sadd.s32 s18, s8;
	s22 =	sadd.s32 s13, s8;
	[dreg:$0x3] =	wrdreg s12  }
0x1a: {  	[dreg:$0x4] =	wrdreg s10;
	s10 =	sadd.s32 s11, s15;
	s12 =	sadd.s32 s25, s9  }
0x1b: {  	s24 =	sadd.s32 s11, s22;
	s25 =	sadd.s32 s13, s9;
	s13 =	sshll.u32 s14, $0x2  }
0x1c: {  	s15 =	smul.u32 $0x28000, s14;
	[dreg:$0x5] =	wrdreg s10;
	s17 =	sadd.s32 s11, s12  }
0x1d: {  	s10 =	sadd.s32 s11, s19;
	s12 =	sadd.s32 s18, s9;
	[dreg:$0x9] =	wrdreg s24  }
0x1e: {  	s16 =	sor.u32 $0x1400, s13;
	s22 =	sor.u32 $0x1402, s13;
	s7 =	sor.u32 $0x1403, s13  }
0x1f: {  	s18 =	sadd.s32 $0x3CA00, s2;
	s19 =	smax.u32 s6, $0x1;
	[dreg:$0x6] =	wrdreg s17  }
0x20: {  	s6 =	sor.u32 $0x50, s14;
	s24 =	simm.s32 $0x10;
	[dreg:$0x7] =	wrdreg s10  }
0x21: {  	s21 =	sadd.s32 s11, s12;
	s10 =	sadd.s32 s11, s25;
	s12 =	sand.u32 $0x180, s26  }
0x22: {  	s17 =	sor.u32 $0x1401, s13;
	s25 =	simm.s32 $0x280;
	[dreg:$0x8] =	wrdreg s21  }
0x23: {  	s26 =	simm.s32 $0x1;
	[dreg:$0xa] =	wrdreg s10;
	s8 =	sadd.s32 s12, s8  }
0x24: {  	s9 =	sadd.s32 s12, s9;
	s10 =	sshrl.u32 s15, $0x2;
	s8 =	sadd.s32 s11, s8  }
0x25: {  	v5 =	vimm.f32 $0.0e+00;
	v1 =	vmov s16;
	s9 =	sadd.s32 s11, s9;
	s10 =	sadd.s32 s10, s1;
	[dreg:$0xb] =	wrdreg s8  }
0x26: {  	v3 =	vmov s22;
	v4 =	vmov s7;
	s21 =	sadd.s32 $0x9480, s5;
	v2 =	vmov s17;
	[dreg:$0xc] =	wrdreg s9;
	s20 =	sshrl.u32 s10, $0x3  }
.LBB2_1:
0x27: {  	s2 =	simm.s32 $0x0;
	s7 =	simm.s32 $0x200  }
.LBB2_2:
0x28: {  	p1 =	sne.s32 s7, $0x3400;
	[tilespmem:s2+$0x14570] =	vst v5  }
0x29: {  	[tilespmem:s2+$0x14500] =	vst v5  }
0x2a: {  	[tilespmem:s2+$0x14510] =	vst v5  }
.Ltmp0:
0x2b: {  	[tilespmem:s2+$0x14520] =	vst v5;
	(pc) =	sbr.rel @p1 .LBB2_2-.Ltmp0, $4  }
0x2c: {  	[tilespmem:s2+$0x14530] =	vst v5  }
0x2d: {  	[tilespmem:s2+$0x14540] =	vst v5  }
0x2e: {  	[tilespmem:s2+$0x14550] =	vst v5  }
0x2f: {  	[tilespmem:s2+$0x14560] =	vst v5;
	s2 =	sshra.s32 s7, $0x2;
	s7 =	sadd.s32 $0x200, s7  }
0x30: {  	[tilespmem:s2+$0x14570] =	vst v5  }
0x31: {  	[tilespmem:s2+$0x14500] =	vst v5  }
0x32: {  	[tilespmem:s2+$0x14510] =	vst v5  }
0x33: {  	[tilespmem:s2+$0x14520] =	vst v5  }
0x34: {  	[tilespmem:s2+$0x14530] =	vst v5  }
0x35: {  	[tilespmem:s2+$0x14540] =	vst v5  }
0x36: {  	[tilespmem:s2+$0x14550] =	vst v5  }
0x37: {  	[tilespmem:s2+$0x14560] =	vst v5  }
0x38: {  	[spmem:s5] =	stream.linear.scatter [tilespmem:s23], [sflag:$0x10], $0xD80, $0x38;
	[tilespmem:$0x1F700] =	vst v63  }
0x39: {  	_ =	swait.ge [sflag:s24], $0xD80  }
0x3a: {  	[sflag:s24] =	ssyncset.done $0x0  }
0x3b: {  	s8 =	rddreg [dreg:$0xd];
	[sflag:s24] =	ssyncadd.s32 $0xFFFFF280  }
0x3c: {  	[spmem:s8] =	stream.linear.scatter [tilespmem:s23], [sflag:$0x10], $0xD80, $0x38;
	[tilespmem:$0x1F700] =	vst v63  }
0x3d: {  	_ =	swait.ge [sflag:s24], $0xD80  }
0x3e: {  	[sflag:s24] =	ssyncset.done $0x0  }
0x3f: {  	s9 =	rddreg [dreg:$0xe];
	[sflag:s24] =	ssyncadd.s32 $0xFFFFF280  }
0x40: {  	[spmem:s9] =	stream.linear.scatter [tilespmem:s23], [sflag:$0x10], $0xD80, $0x38;
	[tilespmem:$0x1F700] =	vst v63  }
0x41: {  	_ =	swait.ge [sflag:s24], $0xD80  }
0x42: {  	[sflag:s24] =	ssyncset.done $0x0  }
0x43: {  	s10 =	rddreg [dreg:$0xf];
	[sflag:s24] =	ssyncadd.s32 $0xFFFFF280  }
0x44: {  	[spmem:s10] =	stream.linear.scatter [tilespmem:s23], [sflag:$0x10], $0xD80, $0x38;
	[tilespmem:$0x1F700] =	vst v63  }
0x45: {  	_ =	swait.ge [sflag:s24], $0xD80  }
0x46: {  	[sflag:s24] =	ssyncset.done $0x0  }
0x47: {  	s11 =	rddreg [dreg:$0x10];
	[sflag:s24] =	ssyncadd.s32 $0xFFFFF280  }
0x48: {  	[spmem:s11] =	stream.linear.scatter [tilespmem:s23], [sflag:$0x10], $0xD80, $0x38;
	[tilespmem:$0x1F700] =	vst v63  }
0x49: {  	_ =	swait.ge [sflag:s24], $0xD80  }
0x4a: {  	[sflag:s24] =	ssyncset.done $0x0  }
0x4b: {  	s12 =	rddreg [dreg:$0x11];
	[sflag:s24] =	ssyncadd.s32 $0xFFFFF280  }
0x4c: {  	[spmem:s12] =	stream.linear.scatter [tilespmem:s23], [sflag:$0x10], $0xD80, $0x38;
	[tilespmem:$0x1F700] =	vst v63  }
0x4d: {  	_ =	swait.ge [sflag:s24], $0xD80  }
0x4e: {  	[sflag:s24] =	ssyncset.done $0x0  }
0x4f: {  	s13 =	rddreg [dreg:$0x12];
	[sflag:s24] =	ssyncadd.s32 $0xFFFFF280  }
0x50: {  	[spmem:s13] =	stream.linear.scatter [tilespmem:s23], [sflag:$0x10], $0xD80, $0x38;
	[tilespmem:$0x1F700] =	vst v63  }
0x51: {  	_ =	swait.ge [sflag:s24], $0xD80  }
0x52: {  	[sflag:s24] =	ssyncset.done $0x0  }
0x53: {  	s14 =	rddreg [dreg:$0x13];
	[sflag:s24] =	ssyncadd.s32 $0xFFFFF280  }
0x54: {  	[spmem:s14] =	stream.linear.scatter [tilespmem:s23], [sflag:$0x10], $0xD80, $0x38;
	[tilespmem:$0x1F700] =	vst v63  }
0x55: {  	_ =	swait.ge [sflag:s24], $0xD80  }
0x56: {  	[sflag:s24] =	ssyncset.done $0x0  }
0x57: {  	s15 =	rddreg [dreg:$0x14];
	[sflag:s24] =	ssyncadd.s32 $0xFFFFF280  }
0x58: {  	[spmem:s15] =	stream.linear.scatter [tilespmem:s23], [sflag:$0x10], $0xD80, $0x38;
	[tilespmem:$0x1F700] =	vst v63  }
0x59: {  	_ =	swait.ge [sflag:s24], $0xD80  }
0x5a: {  	[sflag:s24] =	ssyncset.done $0x0  }
0x5b: {  	s16 =	rddreg [dreg:$0x15];
	[sflag:s24] =	ssyncadd.s32 $0xFFFFF280  }
0x5c: {  	[spmem:s16] =	stream.linear.scatter [tilespmem:s23], [sflag:$0x10], $0xD80, $0x38;
	[tilespmem:$0x1F700] =	vst v63  }
0x5d: {  	_ =	swait.ge [sflag:s24], $0xD80  }
0x5e: {  	[sflag:s24] =	ssyncset.done $0x0  }
0x5f: {  	s17 =	rddreg [dreg:$0x16];
	[sflag:s24] =	ssyncadd.s32 $0xFFFFF280  }
0x60: {  	[spmem:s17] =	stream.linear.scatter [tilespmem:s23], [sflag:$0x10], $0xD80, $0x38;
	[tilespmem:$0x1F700] =	vst v63  }
0x61: {  	_ =	swait.ge [sflag:s24], $0xD80  }
0x62: {  	[sflag:s24] =	ssyncset.done $0x0  }
0x63: {  	[sflag:s24] =	ssyncadd.s32 $0xFFFFF280  }
0x64: {  	[spmem:s21] =	stream.linear.scatter [tilespmem:s23], [sflag:$0x10], $0xD80, $0x38;
	[tilespmem:$0x1F700] =	vst v63  }
0x65: {  	_ =	swait.ge [sflag:s24], $0xD80  }
0x66: {  	[sflag:s24] =	ssyncset.done $0x0  }
0x67: {  	[sflag:s24] =	ssyncadd.s32 $0xFFFFF280  }
0x68: {  	[bflag:$0x0] =	sbarrier.arrive $0xFFFF  }
0x69: {  	s2 =	simm.s32 $0x0;
	s7 =	rddreg [dreg:$0x17]  }
0x6a: {  	[tilespmem:s2], [sflag:$0x1] =	stream.linear.gather [hbm4b:s7+s2], $0x80, $0x38;
	[tilespmem:$0x1F700] =	vst v63  }
0x6b: {  	s22 =	rddreg [dreg:$0x18]  }
0x6c: {  	[tilespmem:s25], [sflag:$0x1] =	stream.linear.gather [hbm4b:s22+s2], $0x80, $0x38;
	[tilespmem:$0x1F700] =	vst v63  }
0x6d: {  	s22 =	smov.u32 s6  }
.LBB2_4:
0x6e: {  	p3 =	seq.s32 s2, $0x0  }
0x6f: {  	s7 =	simm.s32 @!p3 $0xC  }
0x70: {  	s9 =	sadd.s32 $0xFFFFFFC0, s22;
	_ =	swait.ge @!p3 [sflag:s7], $0x4000  }
0x71: {  	p1 =	sgt.u32 s9, $0x9C3;
	s8 =	rddreg [dreg:$0xb]  }
0x72: {  	s10 =	simm.s32 @!p1 $0x0;
	[sflag:s7] =	ssyncset.done @!p3 $0x0;
	s9 =	rddreg [dreg:$0xc]  }
0x73: {  	[sflag:s7] =	ssyncadd.s32 @!p3 $0xFFFFC000;
	s8 =	sadd.s32 @!p1 s2, s8;
	s7 =	simm.s32 @!p1 $0x80  }
0x74: {  	[tilespmem:s7], [sflag:$0x2] =	stream.linear.gather @!p1 [hbm4b:s8+s10], $0x80, $0x38;
	[tilespmem:$0x1F700] =	vst v63  }
0x75: {  	s9 =	sadd.s32 @!p1 s2, s9;
	s8 =	simm.s32 @!p1 $0x300  }
0x76: {  	[tilespmem:s8], [sflag:$0x2] =	stream.linear.gather @!p1 [hbm4b:s9+s10], $0x80, $0x38;
	[tilespmem:$0x1F700] =	vst v63  }
0x77: {  	_ =	swait.ge [sflag:s26], $0x80  }
0x78: {  	[sflag:s26] =	ssyncset.done $0x0  }
0x79: {  	[sflag:s26] =	ssyncadd.s32 $0xFFFFFF80  }
0x7a: {  	_ =	swait.ge [sflag:s26], $0x80  }
0x7b: {  	[sflag:s26] =	ssyncset.done $0x0  }
0x7c: {  	[sflag:s26] =	ssyncadd.s32 $0xFFFFFF80  }
0x7d: {  	v6 =	vld [tilespmem:$0x280]  }
0x7e: {  	v7 =	vld [tilespmem:$0x290]  }
0x7f: {  	v8 =	vld [tilespmem:$0x2A0]  }
0x80: {  	v9 =	vld [tilespmem:$0x2B0]  }
0x81: {  	v10 =	vld [tilespmem:$0x2C0]  }
0x82: {  	v11 =	vld [tilespmem:$0x2D0];
	v6 =	vsub.s32 v6, v0  }
0x83: {  	v12 =	vld [tilespmem:$0x2E0];
	v7 =	vsub.s32 v7, v0;
	vm0 =	vlt.u32 v6, $0x1400  }
0x84: {  	v13 =	vld [tilespmem:$0x2F0];
	v8 =	vsub.s32 v8, v0;
	vm9 =	vlt.u32 v7, $0x1400;
	v6 =	vsel vm0, v6, v1  }
0x85: {  	vm10 =	vlt.u32 v8, $0x1400;
	[tilespmem:$0x280] =	vst v6;
	v6 =	vsel vm9, v7, v2;
	v7 =	vsub.s32 v9, v0  }
0x86: {  	v62 =	vsub.s32 v10, v0;
	[tilespmem:$0x290] =	vst v6;
	v6 =	vsel vm10, v8, v3;
	vm11 =	vlt.u32 v7, $0x1400  }
0x87: {  	vm12 =	vlt.u32 v62, $0x1400;
	[tilespmem:$0x2A0] =	vst v6;
	v6 =	vsel vm11, v7, v4;
	v7 =	vsub.s32 v11, v0  }
0x88: {  	v63 =	vsub.s32 v12, v0;
	[tilespmem:$0x2B0] =	vst v6;
	v6 =	vsel vm12, v62, v1;
	vm13 =	vlt.u32 v7, $0x1400  }
0x89: {  	vm14 =	vlt.u32 v63, $0x1400;
	[tilespmem:$0x2C0] =	vst v6;
	v6 =	vsel vm13, v7, v2;
	v7 =	vsub.s32 v13, v0  }
0x8a: {  	[tilespmem:$0x2D0] =	vst v6;
	v6 =	vsel vm14, v63, v3;
	vm15 =	vlt.u32 v7, $0x1400  }
0x8b: {  	[tilespmem:$0x2E0] =	vst v6;
	v6 =	vsel vm15, v7, v4  }
0x8c: {  	s9 =	simm.s32 @!p3 $0x9;
	[tilespmem:$0x2F0] =	vst v6  }
0x8d: {  	[tilespmem:s29], [sflag:$0x6] =	stream.indirect.gather [hbm4b:s4+s28], $0x80, s3, s28, $0xb8;
	[tilespmem:$0x1F700] =	vst v63  }
0x8e: {  	_ =	swait.ge @!p3 [sflag:s9], $0x4000  }
0x8f: {  	s12 =	sadd.s32 $0xFFFFFFD0, s22;
	s11 =	simm.s32 @!p3 $0x80;
	[sflag:s9] =	ssyncset.done @!p3 $0x0  }
0x90: {  	s10 =	simm.s32 @!p3 $0xC500;
	[sflag:s9] =	ssyncadd.s32 @!p3 $0xFFFFC000;
	s9 =	simm.s32 @!p3 $0x400  }
0x91: {  	[spmem:s1] =	stream.indirect.scatter.add.f32 @!p3 [tilespmem:s10], [sflag:$0xE], $0x80, s9, s11, $0xb8;
	[tilespmem:$0x1F700] =	vst v63  }
0x92: {  	p2 =	sgt.u32 s12, $0x9C3;
	s9 =	simm.s32 @!p3 $0xD  }
0x93: {  	s12 =	simm.s32 @!p2 $0x0;
	_ =	swait.ge @!p3 [sflag:s9], $0x4000  }
0x94: {  	s13 =	simm.s32 @!p2 $0x100;
	s10 =	rddreg [dreg:$0x9];
	[sflag:s9] =	ssyncset.done @!p3 $0x0  }
0x95: {  	[sflag:s9] =	ssyncadd.s32 @!p3 $0xFFFFC000;
	s9 =	rddreg [dreg:$0xa];
	s10 =	sadd.s32 @!p2 s2, s10  }
0x96: {  	[tilespmem:s13], [sflag:$0x3] =	stream.linear.gather @!p2 [hbm4b:s10+s12], $0x80, $0x38;
	[tilespmem:$0x1F700] =	vst v63  }
0x97: {  	s10 =	sadd.s32 @!p2 s2, s9;
	s9 =	simm.s32 @!p2 $0x380  }
0x98: {  	[tilespmem:s9], [sflag:$0x3] =	stream.linear.gather @!p2 [hbm4b:s10+s12], $0x80, $0x38;
	[tilespmem:$0x1F700] =	vst v63  }
0x99: {  	s10 =	simm.s32 @!p1 $0x2  }
0x9a: {  	_ =	swait.ge @!p1 [sflag:s10], $0x80  }
0x9b: {  	[sflag:s10] =	ssyncset.done @!p1 $0x0  }
0x9c: {  	[sflag:s10] =	ssyncadd.s32 @!p1 $0xFFFFFF80  }
0x9d: {  	_ =	swait.ge @!p1 [sflag:s10], $0x80  }
0x9e: {  	[sflag:s10] =	ssyncset.done @!p1 $0x0  }
0x9f: {  	[sflag:s10] =	ssyncadd.s32 @!p1 $0xFFFFFF80  }
0xa0: {  	v6 =	vld @!p1 [tilespmem:$0x300]  }
0xa1: {  	v7 =	vld @!p1 [tilespmem:$0x310]  }
0xa2: {  	v8 =	vld @!p1 [tilespmem:$0x320]  }
0xa3: {  	v9 =	vld @!p1 [tilespmem:$0x330]  }
0xa4: {  	v10 =	vld @!p1 [tilespmem:$0x340]  }
0xa5: {  	v11 =	vld @!p1 [tilespmem:$0x350];
	v6 =	vsub.s32 @!p1 v6, v0  }
0xa6: {  	v12 =	vld @!p1 [tilespmem:$0x360];
	v7 =	vsub.s32 @!p1 v7, v0;
	vm0 =	vlt.u32 @!p1 v6, $0x1400  }
0xa7: {  	v13 =	vld @!p1 [tilespmem:$0x370];
	v8 =	vsub.s32 @!p1 v8, v0;
	v6 =	vsel @!p1 vm0, v6, v1;
	vm0 =	vlt.u32 @!p1 v7, $0x1400  }
0xa8: {  	[tilespmem:$0x300] =	vst @!p1 v6;
	v6 =	vsel @!p1 vm0, v7, v2;
	vm0 =	vlt.u32 @!p1 v8, $0x1400;
	v7 =	vsub.s32 @!p1 v9, v0  }
0xa9: {  	[tilespmem:$0x310] =	vst @!p1 v6;
	v6 =	vsel @!p1 vm0, v8, v3;
	vm0 =	vlt.u32 @!p1 v7, $0x1400;
	v8 =	vsub.s32 @!p1 v10, v0  }
0xaa: {  	[tilespmem:$0x320] =	vst @!p1 v6;
	v6 =	vsel @!p1 vm0, v7, v4;
	vm0 =	vlt.u32 @!p1 v8, $0x1400;
	v7 =	vsub.s32 @!p1 v11, v0  }
0xab: {  	[tilespmem:$0x330] =	vst @!p1 v6;
	v6 =	vsel @!p1 vm0, v8, v1;
	vm0 =	vlt.u32 @!p1 v7, $0x1400;
	v8 =	vsub.s32 @!p1 v12, v0  }
0xac: {  	[tilespmem:$0x340] =	vst @!p1 v6;
	v6 =	vsel @!p1 vm0, v7, v2;
	vm0 =	vlt.u32 @!p1 v8, $0x1400;
	v7 =	vsub.s32 @!p1 v13, v0  }
0xad: {  	[tilespmem:$0x350] =	vst @!p1 v6;
	v6 =	vsel @!p1 vm0, v8, v3;
	vm0 =	vlt.u32 @!p1 v7, $0x1400  }
0xae: {  	[tilespmem:$0x360] =	vst @!p1 v6;
	v6 =	vsel @!p1 vm0, v7, v4  }
0xaf: {  	s12 =	simm.s32 @!p3 $0xA;
	s10 =	simm.s32 @!p1 $0x4500;
	[tilespmem:$0x370] =	vst @!p1 v6  }
0xb0: {  	[tilespmem:s10], [sflag:$0x7] =	stream.indirect.gather @!p1 [hbm4b:s4+s7], $0x80, s7, s7, $0xb8;
	[tilespmem:$0x1F700] =	vst v63  }
0xb1: {  	_ =	swait.ge @!p3 [sflag:s12], $0x4000  }
0xb2: {  	s17 =	sadd.s32 $0xFFFFFFE0, s22;
	[sflag:s12] =	ssyncset.done @!p3 $0x0  }
0xb3: {  	s14 =	simm.s32 @!p3 $0x10500;
	[sflag:s12] =	ssyncadd.s32 @!p3 $0xFFFFC000;
	s12 =	simm.s32 @!p3 $0x480  }
0xb4: {  	[spmem:s1] =	stream.indirect.scatter.add.f32 @!p3 [tilespmem:s14], [sflag:$0xF], $0x80, s12, s11, $0xb8;
	[tilespmem:$0x1F700] =	vst v63  }
0xb5: {  	p4 =	sgt.u32 s17, $0x9C3;
	s11 =	simm.s32 @!p3 $0xE  }
0xb6: {  	s15 =	simm.s32 @!p4 $0x0;
	_ =	swait.ge @!p3 [sflag:s11], $0x4000  }
0xb7: {  	s14 =	simm.s32 @!p4 $0x180;
	s12 =	rddreg [dreg:$0x7];
	[sflag:s11] =	ssyncset.done @!p3 $0x0  }
0xb8: {  	[sflag:s11] =	ssyncadd.s32 @!p3 $0xFFFFC000;
	s11 =	rddreg [dreg:$0x8];
	s12 =	sadd.s32 @!p4 s2, s12  }
0xb9: {  	[tilespmem:s14], [sflag:$0x4] =	stream.linear.gather @!p4 [hbm4b:s12+s15], $0x80, $0x38;
	[tilespmem:$0x1F700] =	vst v63  }
0xba: {  	s11 =	sadd.s32 @!p4 s2, s11;
	s12 =	simm.s32 @!p4 $0x400  }
0xbb: {  	[tilespmem:s12], [sflag:$0x4] =	stream.linear.gather @!p4 [hbm4b:s11+s15], $0x80, $0x38;
	[tilespmem:$0x1F700] =	vst v63  }
0xbc: {  	s11 =	simm.s32 @!p2 $0x3  }
0xbd: {  	_ =	swait.ge @!p2 [sflag:s11], $0x80  }
0xbe: {  	[sflag:s11] =	ssyncset.done @!p2 $0x0  }
0xbf: {  	[sflag:s11] =	ssyncadd.s32 @!p2 $0xFFFFFF80  }
0xc0: {  	_ =	swait.ge @!p2 [sflag:s11], $0x80  }
0xc1: {  	[sflag:s11] =	ssyncset.done @!p2 $0x0  }
0xc2: {  	[sflag:s11] =	ssyncadd.s32 @!p2 $0xFFFFFF80  }
0xc3: {  	v6 =	vld @!p2 [tilespmem:$0x380]  }
0xc4: {  	v7 =	vld @!p2 [tilespmem:$0x390]  }
0xc5: {  	v8 =	vld @!p2 [tilespmem:$0x3A0]  }
0xc6: {  	v9 =	vld @!p2 [tilespmem:$0x3B0]  }
0xc7: {  	v10 =	vld @!p2 [tilespmem:$0x3C0]  }
0xc8: {  	v11 =	vld @!p2 [tilespmem:$0x3D0];
	v6 =	vsub.s32 @!p2 v6, v0  }
0xc9: {  	v12 =	vld @!p2 [tilespmem:$0x3E0];
	v7 =	vsub.s32 @!p2 v7, v0;
	vm0 =	vlt.u32 @!p2 v6, $0x1400  }
0xca: {  	v13 =	vld @!p2 [tilespmem:$0x3F0];
	v8 =	vsub.s32 @!p2 v8, v0;
	v6 =	vsel @!p2 vm0, v6, v1;
	vm0 =	vlt.u32 @!p2 v7, $0x1400  }
0xcb: {  	[tilespmem:$0x380] =	vst @!p2 v6;
	v6 =	vsel @!p2 vm0, v7, v2;
	vm0 =	vlt.u32 @!p2 v8, $0x1400;
	v7 =	vsub.s32 @!p2 v9, v0  }
0xcc: {  	[tilespmem:$0x390] =	vst @!p2 v6;
	v6 =	vsel @!p2 vm0, v8, v3;
	vm0 =	vlt.u32 @!p2 v7, $0x1400;
	v8 =	vsub.s32 @!p2 v10, v0  }
0xcd: {  	[tilespmem:$0x3A0] =	vst @!p2 v6;
	v6 =	vsel @!p2 vm0, v7, v4;
	vm0 =	vlt.u32 @!p2 v8, $0x1400;
	v7 =	vsub.s32 @!p2 v11, v0  }
0xce: {  	[tilespmem:$0x3B0] =	vst @!p2 v6;
	v6 =	vsel @!p2 vm0, v8, v1;
	vm0 =	vlt.u32 @!p2 v7, $0x1400;
	v8 =	vsub.s32 @!p2 v12, v0  }
0xcf: {  	[tilespmem:$0x3C0] =	vst @!p2 v6;
	v6 =	vsel @!p2 vm0, v7, v2;
	vm0 =	vlt.u32 @!p2 v8, $0x1400;
	v7 =	vsub.s32 @!p2 v13, v0  }
0xd0: {  	[tilespmem:$0x3D0] =	vst @!p2 v6;
	v6 =	vsel @!p2 vm0, v8, v3;
	vm0 =	vlt.u32 @!p2 v7, $0x1400  }
0xd1: {  	[tilespmem:$0x3E0] =	vst @!p2 v6;
	v6 =	vsel @!p2 vm0, v7, v4  }
0xd2: {  	s12 =	simm.s32 @!p2 $0x8500;
	s11 =	simm.s32 @!p2 $0x80;
	[tilespmem:$0x3F0] =	vst @!p2 v6  }
0xd3: {  	[tilespmem:s12], [sflag:$0x8] =	stream.indirect.gather @!p2 [hbm4b:s4+s11], $0x80, s13, s11, $0xb8;
	[tilespmem:$0x1F700] =	vst v63  }
0xd4: {  	_ =	swait.ge [sflag:s30], $0x4000  }
0xd5: {  	[sflag:s30] =	ssyncset.done $0x0  }
0xd6: {  	s13 =	simm.s32 @!p3 $0xF;
	[sflag:s30] =	ssyncadd.s32 $0xFFFFC000  }
0xd7: {  	[spmem:s1] =	stream.indirect.scatter.add.f32 [tilespmem:s29], [sflag:$0xB], $0x80, s25, s28, $0xb8;
	[tilespmem:$0x1F700] =	vst v63  }
0xd8: {  	_ =	swait.ge @!p3 [sflag:s13], $0x4000  }
0xd9: {  	s16 =	sadd.s32 $0xFFFFFFF0, s22;
	s15 =	rddreg [dreg:$0x5];
	[sflag:s13] =	ssyncset.done @!p3 $0x0  }
0xda: {  	[sflag:s13] =	ssyncadd.s32 @!p3 $0xFFFFC000;
	p3 =	sgt.u32 s16, $0x9C3;
	s16 =	rddreg [dreg:$0x6]  }
0xdb: {  	s15 =	sadd.s32 @!p3 s2, s15;
	s17 =	simm.s32 @!p3 $0x0;
	s13 =	simm.s32 @!p3 $0x200  }
0xdc: {  	[tilespmem:s13], [sflag:$0x5] =	stream.linear.gather @!p3 [hbm4b:s15+s17], $0x80, $0x38;
	[tilespmem:$0x1F700] =	vst v63  }
0xdd: {  	s15 =	sadd.s32 @!p3 s2, s16;
	s16 =	simm.s32 @!p3 $0x480  }
0xde: {  	[tilespmem:s16], [sflag:$0x5] =	stream.linear.gather @!p3 [hbm4b:s15+s17], $0x80, $0x38;
	[tilespmem:$0x1F700] =	vst v63  }
0xdf: {  	s15 =	simm.s32 @!p4 $0x4  }
0xe0: {  	_ =	swait.ge @!p4 [sflag:s15], $0x80  }
0xe1: {  	[sflag:s15] =	ssyncset.done @!p4 $0x0  }
0xe2: {  	[sflag:s15] =	ssyncadd.s32 @!p4 $0xFFFFFF80  }
0xe3: {  	_ =	swait.ge @!p4 [sflag:s15], $0x80  }
0xe4: {  	[sflag:s15] =	ssyncset.done @!p4 $0x0  }
0xe5: {  	[sflag:s15] =	ssyncadd.s32 @!p4 $0xFFFFFF80  }
0xe6: {  	v6 =	vld @!p4 [tilespmem:$0x400]  }
0xe7: {  	v7 =	vld @!p4 [tilespmem:$0x410]  }
0xe8: {  	v8 =	vld @!p4 [tilespmem:$0x420]  }
0xe9: {  	v9 =	vld @!p4 [tilespmem:$0x430]  }
0xea: {  	v10 =	vld @!p4 [tilespmem:$0x440]  }
0xeb: {  	v11 =	vld @!p4 [tilespmem:$0x450];
	v6 =	vsub.s32 @!p4 v6, v0  }
0xec: {  	v12 =	vld @!p4 [tilespmem:$0x460];
	v7 =	vsub.s32 @!p4 v7, v0;
	vm0 =	vlt.u32 @!p4 v6, $0x1400  }
0xed: {  	v13 =	vld @!p4 [tilespmem:$0x470];
	v8 =	vsub.s32 @!p4 v8, v0;
	v6 =	vsel @!p4 vm0, v6, v1;
	vm0 =	vlt.u32 @!p4 v7, $0x1400  }
0xee: {  	[tilespmem:$0x400] =	vst @!p4 v6;
	v6 =	vsel @!p4 vm0, v7, v2;
	vm0 =	vlt.u32 @!p4 v8, $0x1400;
	v7 =	vsub.s32 @!p4 v9, v0  }
0xef: {  	[tilespmem:$0x410] =	vst @!p4 v6;
	v6 =	vsel @!p4 vm0, v8, v3;
	vm0 =	vlt.u32 @!p4 v7, $0x1400;
	v8 =	vsub.s32 @!p4 v10, v0  }
0xf0: {  	[tilespmem:$0x420] =	vst @!p4 v6;
	v6 =	vsel @!p4 vm0, v7, v4;
	vm0 =	vlt.u32 @!p4 v8, $0x1400;
	v7 =	vsub.s32 @!p4 v11, v0  }
0xf1: {  	[tilespmem:$0x430] =	vst @!p4 v6;
	v6 =	vsel @!p4 vm0, v8, v1;
	vm0 =	vlt.u32 @!p4 v7, $0x1400;
	v8 =	vsub.s32 @!p4 v12, v0  }
0xf2: {  	[tilespmem:$0x440] =	vst @!p4 v6;
	v6 =	vsel @!p4 vm0, v7, v2;
	vm0 =	vlt.u32 @!p4 v8, $0x1400;
	v7 =	vsub.s32 @!p4 v13, v0  }
0xf3: {  	[tilespmem:$0x450] =	vst @!p4 v6;
	v6 =	vsel @!p4 vm0, v8, v3;
	vm0 =	vlt.u32 @!p4 v7, $0x1400  }
0xf4: {  	[tilespmem:$0x460] =	vst @!p4 v6;
	v6 =	vsel @!p4 vm0, v7, v4  }
0xf5: {  	s16 =	simm.s32 @!p4 $0xC500;
	s15 =	simm.s32 @!p4 $0x80;
	[tilespmem:$0x470] =	vst @!p4 v6  }
0xf6: {  	[tilespmem:s16], [sflag:$0x9] =	stream.indirect.gather @!p4 [hbm4b:s4+s15], $0x80, s14, s15, $0xb8;
	[tilespmem:$0x1F700] =	vst v63  }
0xf7: {  	s14 =	simm.s32 @!p1 $0x7  }
0xf8: {  	_ =	swait.ge @!p1 [sflag:s14], $0x4000  }
0xf9: {  	[sflag:s14] =	ssyncset.done @!p1 $0x0  }
0xfa: {  	[sflag:s14] =	ssyncadd.s32 @!p1 $0xFFFFC000  }
0xfb: {  	[spmem:s1] =	stream.indirect.scatter.add.f32 @!p1 [tilespmem:s10], [sflag:$0xC], $0x80, s8, s7, $0xb8;
	[tilespmem:$0x1F700] =	vst v63  }
0xfc: {  	p1 =	sgt.u32 s22, $0x9C3;
	_ =	swait.ge [sflag:s31], $0x4000  }
0xfd: {  	s10 =	simm.s32 @!p1 $0x0;
	s7 =	rddreg [dreg:$0x3];
	[sflag:s31] =	ssyncset.done $0x0  }
0xfe: {  	s8 =	rddreg [dreg:$0x4];
	[sflag:s31] =	ssyncadd.s32 $0xFFFFC000;
	s7 =	sadd.s32 @!p1 s2, s7  }
0xff: {  	[tilespmem:s10], [sflag:$0x1] =	stream.linear.gather @!p1 [hbm4b:s7+s10], $0x80, $0x38;
	[tilespmem:$0x1F700] =	vst v63  }
0x100: {  	s7 =	sadd.s32 @!p1 s2, s8;
	s8 =	simm.s32 @!p1 $0x280  }
0x101: {  	[tilespmem:s8], [sflag:$0x1] =	stream.linear.gather @!p1 [hbm4b:s7+s10], $0x80, $0x38;
	[tilespmem:$0x1F700] =	vst v63  }
0x102: {  	s7 =	simm.s32 @!p3 $0x5  }
0x103: {  	_ =	swait.ge @!p3 [sflag:s7], $0x80  }
0x104: {  	[sflag:s7] =	ssyncset.done @!p3 $0x0  }
0x105: {  	[sflag:s7] =	ssyncadd.s32 @!p3 $0xFFFFFF80  }
0x106: {  	_ =	swait.ge @!p3 [sflag:s7], $0x80  }
0x107: {  	[sflag:s7] =	ssyncset.done @!p3 $0x0  }
0x108: {  	[sflag:s7] =	ssyncadd.s32 @!p3 $0xFFFFFF80  }
0x109: {  	v6 =	vld @!p3 [tilespmem:$0x480]  }
0x10a: {  	v7 =	vld @!p3 [tilespmem:$0x490]  }
0x10b: {  	v8 =	vld @!p3 [tilespmem:$0x4A0]  }
0x10c: {  	v9 =	vld @!p3 [tilespmem:$0x4B0]  }
0x10d: {  	v10 =	vld @!p3 [tilespmem:$0x4C0]  }
0x10e: {  	v11 =	vld @!p3 [tilespmem:$0x4D0];
	v6 =	vsub.s32 @!p3 v6, v0  }
0x10f: {  	v12 =	vld @!p3 [tilespmem:$0x4E0];
	v7 =	vsub.s32 @!p3 v7, v0;
	vm0 =	vlt.u32 @!p3 v6, $0x1400  }
0x110: {  	v13 =	vld @!p3 [tilespmem:$0x4F0];
	v8 =	vsub.s32 @!p3 v8, v0;
	v6 =	vsel @!p3 vm0, v6, v1;
	vm0 =	vlt.u32 @!p3 v7, $0x1400  }
0x111: {  	[tilespmem:$0x480] =	vst @!p3 v6;
	v6 =	vsel @!p3 vm0, v7, v2;
	vm0 =	vlt.u32 @!p3 v8, $0x1400;
	v7 =	vsub.s32 @!p3 v9, v0  }
0x112: {  	[tilespmem:$0x490] =	vst @!p3 v6;
	v6 =	vsel @!p3 vm0, v8, v3;
	vm0 =	vlt.u32 @!p3 v7, $0x1400;
	v8 =	vsub.s32 @!p3 v10, v0  }
0x113: {  	[tilespmem:$0x4A0] =	vst @!p3 v6;
	v6 =	vsel @!p3 vm0, v7, v4;
	vm0 =	vlt.u32 @!p3 v8, $0x1400;
	v7 =	vsub.s32 @!p3 v11, v0  }
0x114: {  	[tilespmem:$0x4B0] =	vst @!p3 v6;
	v6 =	vsel @!p3 vm0, v8, v1;
	vm0 =	vlt.u32 @!p3 v7, $0x1400;
	v8 =	vsub.s32 @!p3 v12, v0  }
0x115: {  	[tilespmem:$0x4C0] =	vst @!p3 v6;
	v6 =	vsel @!p3 vm0, v7, v2;
	vm0 =	vlt.u32 @!p3 v8, $0x1400;
	v7 =	vsub.s32 @!p3 v13, v0  }
0x116: {  	[tilespmem:$0x4D0] =	vst @!p3 v6;
	v6 =	vsel @!p3 vm0, v8, v3;
	vm0 =	vlt.u32 @!p3 v7, $0x1400  }
0x117: {  	s2 =	sadd.s32 $0x500, s2;
	[tilespmem:$0x4E0] =	vst @!p3 v6;
	v6 =	vsel @!p3 vm0, v7, v4  }
0x118: {  	s8 =	simm.s32 @!p3 $0x10500;
	p1 =	sne.s32 s2, $0xA000;
	s7 =	simm.s32 @!p3 $0x80;
	[tilespmem:$0x4F0] =	vst @!p3 v6  }
0x119: {  	[tilespmem:s8], [sflag:$0xA] =	stream.indirect.gather @!p3 [hbm4b:s4+s7], $0x80, s13, s7, $0xb8;
	[tilespmem:$0x1F700] =	vst v63  }
.Ltmp1:
0x11a: {  	s7 =	simm.s32 @!p2 $0x8;
	(pc) =	sbr.rel @p1 .LBB2_4-.Ltmp1, $4  }
0x11b: {  	_ =	swait.ge @!p2 [sflag:s7], $0x4000  }
0x11c: {  	[sflag:s7] =	ssyncset.done @!p2 $0x0  }
0x11d: {  	s22 =	sadd.s32 $0x50, s22;
	[sflag:s7] =	ssyncadd.s32 @!p2 $0xFFFFC000  }
0x11e: {  	[spmem:s1] =	stream.indirect.scatter.add.f32 @!p2 [tilespmem:s12], [sflag:$0xD], $0x80, s9, s11, $0xb8;
	[tilespmem:$0x1F700] =	vst v63  }
0x11f: {  	s2 =	simm.s32 @!p0 $0xC  }
0x120: {  	_ =	swait.ge @!p0 [sflag:s2], $0x4000  }
0x121: {  	s22 =	stileid.u32;
	s0 =	sadd.s32 $0x1, s0;
	[sflag:s2] =	ssyncset.done @!p0 $0x0  }
0x122: {  	p1 =	sne.s32 s0, s19;
	[sflag:s2] =	ssyncadd.s32 @!p0 $0xFFFFC000;
	s2 =	sshll.u32 s22, $0x6  }
.Ltmp2:
0x123: {  	[bflag:$0x0] =	sbarrier.arrive $0xFFFF;
	s2 =	sor.u32 $0x1C10, s2;
	(pc) =	sbr.rel @p1 .LBB2_1-.Ltmp2, $4  }
0x124: {  	[hbm:s18], [sflag:s2] =	dma.local [spmem:s20], $0x1400  }
0x125: {  	_ =	swait.ge [sflag:s24], $0x1400  }
0x126: {  	[sflag:s24] =	ssyncset.done $0x0  }
0x127: {  	[sflag:s24] =	ssyncadd.s32 $0xFFFFEC00  }
0x128: {  	_ =	sfence.sel $0x180000  }
0x129: {  	[bflag:$0x0] =	sbarrier.arrive $0xFFFF  }
0x12a: {  	_ =	strace $0x90000047  }
0x12b: {  	s0 =	stileid.u32;
	[bflag:$0x2] =	sbarrier.arrive $0xFFFF  }
0x12c: {  	p0 =	sne.s32 s0, $0x0;
	s0 =	rddreg [dreg:$0x2]  }
0x12d: {  	s0 =	sadd.s32 @!p0 $0x100000, s0  }
0x12e: {  	[sflag:s0] =	ssyncadd.tile.s32 @!p0 $0x1;
	_ =	shalt  }
.Lfunc_end2:
_tile_overlayer_lowered:
.L_overlay_start_2:
0x12f: {  	(tag) =	ssettag $0x2  }
0x130: {  	s0 =	rddreg [dreg:$0x0];
	s2 =	stileid.u32  }
0x131: {  	s1 =	rddreg [dreg:$0x1];
	p0 =	sne.s32 s2, $0x0  }
0x132: {  	s3 =	rddreg [dreg:$0x2];
	[bflag:$0x3] =	sbarrier.arrive $0xFFFF;
	s2 =	simm.s32 @!p0 $0x1C10  }
0x133: {  	[timem:s3], [sflag:s2] =	dma.local @!p0 [hbm:s0], s1  }
0x134: {  	s0 =	simm.s32 @!p0 $0x10  }
0x135: {  	_ =	swait.ge @!p0 [sflag:s0], s1  }
0x136: {  	s1 =	ssub.s32 @!p0 $0x0, s1;
	[sflag:s0] =	ssyncset.done @!p0 $0x0  }
0x137: {  	[sflag:s0] =	ssyncadd.s32 @!p0 s1  }
0x138: {  	[bflag:$0x3] =	sbarrier.arrive $0xFFFF  }
0x139: {  	_ =	shalt  }

</sc_bundles>
